<compile_context>
chip_gen: v7x
topology: tpu7x:2x2x1
jax: 0.10.2.dev20260603
libtpu: 0.0.44.dev20260713+nightly
codegen_flags: <defaults>
</compile_context>

<pallas_src>
import functools

import jax
import jax.numpy as jnp
from jax import lax
from jax.experimental import pallas as pl
from jax.experimental.pallas import tpu as pltpu
from jax.experimental.pallas import tpu_sc as plsc

T = 4096
D = 1024
E = 8
NRE = 7
H = 4096
ALPHA = 2.0

BT = 128
BTLOG = 7
NBR = 38
TP = NBR * BT
BH = 1024
NH = H // BH

NC, NS = 2, 16
NW = NC * NS
TW = T // NW
NBID = 48
SG = 128


RBT = 512
NTB = T // RBT


def _router_body(x_ref, w_ref, eid_ref, scale_ref, cnt_ref):
    lg = jnp.dot(x_ref[...], w_ref[...], preferred_element_type=jnp.float32)
    m = jnp.max(lg, axis=1, keepdims=True)
    col = lax.broadcasted_iota(jnp.int32, lg.shape, 1)
    amax = jnp.min(jnp.where(lg == m, col, E), axis=1)
    p = 1.0 / jnp.sum(jnp.exp(lg - m), axis=1)
    routed = amax < NRE
    eid = jnp.where(routed, amax, 0)
    eid_ref[0, 0, :] = eid
    scale_ref[0, 0, :] = jnp.where(routed, ALPHA * p, 0.0)
    cols16 = lax.broadcasted_iota(jnp.int32, (RBT, 16), 1)
    oh = (eid[:, None] == cols16).astype(jnp.int32)
    for c2 in range(RBT // TW):
        cnt_ref[0, c2, :] = jnp.sum(oh[c2 * TW:(c2 + 1) * TW], axis=0)


def _router(x, router_w):
    eid, scale, cnt = pl.pallas_call(
        _router_body,
        grid=(NTB,),
        in_specs=[
            pl.BlockSpec((RBT, D), lambda i: (i, 0)),
            pl.BlockSpec((D, E), lambda i: (0, 0)),
        ],
        out_specs=[
            pl.BlockSpec((1, 1, RBT), lambda i: (i, 0, 0)),
            pl.BlockSpec((1, 1, RBT), lambda i: (i, 0, 0)),
            pl.BlockSpec((1, RBT // TW, 16), lambda i: (i, 0, 0)),
        ],
        out_shape=[
            jax.ShapeDtypeStruct((NTB, 1, RBT), jnp.int32),
            jax.ShapeDtypeStruct((NTB, 1, RBT), jnp.float32),
            jax.ShapeDtypeStruct((NTB, RBT // TW, 16), jnp.int32),
        ],
    )(x, router_w)
    return eid.reshape(T), scale.reshape(T), cnt.reshape(NW * 16)


def _sort_scatter(eid, scale, cnt, x):
    mesh = plsc.VectorSubcoreMesh(core_axis_name="c", subcore_axis_name="s",
                                  num_cores=NC, num_subcores=NS)

    @functools.partial(
        pl.kernel,
        mesh=mesh,
        compiler_params=pltpu.CompilerParams(needs_layout_passes=False),
        out_type=(
            jax.ShapeDtypeStruct((T,), jnp.int32),
            jax.ShapeDtypeStruct((NBID,), jnp.int32),
            jax.ShapeDtypeStruct((NBID + 16,), jnp.int32),
            jax.ShapeDtypeStruct((TP, D), jnp.float32),
            jax.ShapeDtypeStruct((TP, SG), jnp.float32),
        ),
        scratch_types=[
            pltpu.VMEM((NW * 16,), jnp.int32),
            pltpu.VMEM((TW,), jnp.int32),
            pltpu.VMEM((TW,), jnp.float32),
            pltpu.VMEM((NBID,), jnp.int32),
            pltpu.VMEM((NBID + 16,), jnp.int32),
            pltpu.VMEM((TW,), jnp.int32),
            pltpu.VMEM((64,), jnp.int32),
            pltpu.VMEM((64,), jnp.int32),
            pltpu.VMEM((64, D), jnp.float32),
            pltpu.VMEM((64, SG), jnp.float32),
            pltpu.SemaphoreType.DMA,
        ],
    )
    def k(eid_hbm, scale_hbm, cnt_hbm, x_hbm,
          dest_hbm, beid_hbm, rmeta_hbm, xs_hbm, ss_hbm,
          cntv, eidv, scalev, beidv, rmetav, destv, idxA, idxB, xbuf, sbuf,
          sem):
        wid = lax.axis_index("s") * NC + lax.axis_index("c")
        base = wid * TW
        lanes = lax.iota(jnp.int32, 16)

        pltpu.sync_copy(cnt_hbm, cntv)
        pltpu.sync_copy(eid_hbm.at[pl.ds(base, TW)], eidv)
        pltpu.sync_copy(scale_hbm.at[pl.ds(base, TW)], scalev)

        tot = jnp.zeros((16,), jnp.int32)
        pref = jnp.zeros((16,), jnp.int32)
        for w in range(NW):
            row = cntv[pl.ds(w * 16, 16)]
            tot = tot + row
            pref = pref + jnp.where(w < wid, row, jnp.zeros((16,), jnp.int32))
        nblk = (tot + (BT - 1)) >> BTLOG
        blk_incl = plsc.cumsum(nblk)
        blk_excl = blk_incl - nblk
        wbase = blk_excl * BT + pref

        bused = blk_incl[NRE - 1]
        present = jnp.where(nblk > 0, 1, 0)
        rank_incl = plsc.cumsum(present)
        rank = rank_incl - present
        nruns = rank_incl[15]
        for c2 in range(NBID // 16):
            bv = lax.iota(jnp.int32, 16) + c2 * 16
            acc = jnp.zeros((16,), jnp.int32)
            rob = jnp.zeros((16,), jnp.int32)
            for e in range(NRE):
                s = blk_excl[e]
                n = nblk[e]
                inr = (bv >= s) & (bv < s + n)
                acc = jnp.where(inr, e, acc)
                rob = jnp.where(inr, rank[e], rob)
            acc = jnp.where(bv < bused, acc, -1)
            rob = jnp.where(bv < bused, rob, nruns)
            beidv[pl.ds(c2 * 16, 16)] = acc
            rmetav[pl.ds(c2 * 16, 16)] = rob
        reid = jnp.zeros((16,), jnp.int32)
        for e in range(NRE):
            reid = jnp.where((present[e] > 0) & (lanes == rank[e]), e, reid)
        reid = jnp.where(lanes == 15, nruns, reid)
        rmetav[pl.ds(NBID, 16)] = reid

        @pl.when(wid == 0)
        def _():
            pltpu.sync_copy(beidv, beid_hbm)
            pltpu.sync_copy(rmetav, rmeta_hbm)

        run = wbase
        for j in range(TW // 16):
            v = eidv[pl.ds(j * 16, 16)]
            dest16 = jnp.zeros((16,), jnp.int32)
            for e in range(NRE):
                m = v == e
                csum = plsc.cumsum(jnp.where(m, 1, 0))
                r_es = run[e]
                dest16 = jnp.where(m, r_es + csum - 1, dest16)
                run = run + jnp.where(lanes == e, csum[15], 0)
            destv[pl.ds(j * 16, 16)] = dest16
            half = idxA if j < 4 else idxB
            half[pl.ds((j % 4) * 16, 16)] = dest16
        pltpu.sync_copy(destv, dest_hbm.at[pl.ds(base, TW)])

        for half, idx in ((0, idxA), (1, idxB)):
            hb = base + half * 64
            for q in range(4):
                s16 = scalev[pl.ds(half * 64 + q * 16, 16)]
                for r in range(16):
                    sbuf[q * 16 + r, pl.ds(0, 16)] = jnp.full(
                        (16,), s16[r], jnp.float32)
            pltpu.sync_copy(x_hbm.at[pl.ds(hb, 64)], xbuf)
            pltpu.async_copy(xbuf, xs_hbm.at[idx], sem).wait()
            pltpu.async_copy(sbuf, ss_hbm.at[idx], sem).wait()

    return k(eid, scale, cnt, x)


def _fetch_run(eu, eg, ed, wup, wgt, wdn, sem, e_f, h_f, slot):
    hs = pl.ds(h_f * BH, BH)
    pltpu.make_async_copy(eu.at[e_f, :, hs], wup.at[slot], sem.at[slot]).start()
    pltpu.make_async_copy(eg.at[e_f, :, hs], wgt.at[slot], sem.at[slot]).start()
    pltpu.make_async_copy(ed.at[e_f, hs, :], wdn.at[slot], sem.at[slot]).start()


def _wait_run(eu, eg, ed, wup, wgt, wdn, sem, slot):
    hs = pl.ds(0, BH)
    pltpu.make_async_copy(eu.at[0, :, hs], wup.at[slot], sem.at[slot]).wait()
    pltpu.make_async_copy(eg.at[0, :, hs], wgt.at[slot], sem.at[slot]).wait()
    pltpu.make_async_copy(ed.at[0, hs, :], wdn.at[slot], sem.at[slot]).wait()


def _mlp_body(beid_s, rmeta_s, xs_ref, ss_ref, eu, eg, ed, su, sg, sd,
              out_ref, wup, wgt, wdn, acc_ref, sem):
    h = pl.program_id(0)
    b = pl.program_id(1)
    e = beid_s[b]
    r = rmeta_s[b]
    R = rmeta_s[NBID + 15]
    slot = lax.rem(h * R + r, 2)
    prev_r = rmeta_s[jnp.maximum(b - 1, 0)]
    first_of_run = (e >= 0) & ((b == 0) | (prev_r != r))

    @pl.when(first_of_run & (h == 0) & (b == 0))
    def _():
        _fetch_run(eu, eg, ed, wup, wgt, wdn, sem,
                   rmeta_s[NBID], 0, slot)

    @pl.when(first_of_run)
    def _():
        _wait_run(eu, eg, ed, wup, wgt, wdn, sem, slot)
        last_run = r == R - 1
        have_next = jnp.logical_not(last_run & (h == NH - 1))
        r_n = jnp.where(last_run, 0, r + 1)
        e_n = rmeta_s[NBID + r_n]
        h_n = jnp.where(last_run, h + 1, h)

        @pl.when(have_next)
        def _():
            _fetch_run(eu, eg, ed, wup, wgt, wdn, sem, e_n, h_n,
                       lax.rem(slot + 1, 2))

    @pl.when(e >= 0)
    def _():
        xb = xs_ref[...]
        up = jnp.dot(xb, wup[slot], preferred_element_type=jnp.float32)
        gt = jnp.dot(xb, wgt[slot], preferred_element_type=jnp.float32)
        a = up * (gt * jax.nn.sigmoid(gt))
        part_r = jnp.dot(a, wdn[slot], preferred_element_type=jnp.float32)
        ups = jnp.dot(xb, su[...], preferred_element_type=jnp.float32)
        gts = jnp.dot(xb, sg[...], preferred_element_type=jnp.float32)
        a_s = ups * (gts * jax.nn.sigmoid(gts))
        part_s = jnp.dot(a_s, sd[...], preferred_element_type=jnp.float32)
        sc = ss_ref[:, 0:1]
        part = sc * part_r + part_s
        sl = pl.ds(b * BT, BT)

        @pl.when(h == 0)
        def _():
            acc_ref[sl, :] = part.astype(jnp.bfloat16)

        @pl.when((h > 0) & (h < NH - 1))
        def _():
            acc_ref[sl, :] = (acc_ref[sl, :].astype(jnp.float32)
                              + part).astype(jnp.bfloat16)

        @pl.when(h == NH - 1)
        def _():
            out_ref[...] = acc_ref[sl, :].astype(jnp.float32) + part


def _grouped_mlp(beid, rmeta, xs, ss, eu, eg, ed, su, sg, sd):
    grid_spec = pltpu.PrefetchScalarGridSpec(
        num_scalar_prefetch=2,
        grid=(NH, NBR),
        in_specs=[
            pl.BlockSpec((BT, D), lambda h, b, *_: (b, 0)),
            pl.BlockSpec((BT, SG), lambda h, b, *_: (b, 0)),
            pl.BlockSpec(memory_space=pltpu.HBM),
            pl.BlockSpec(memory_space=pltpu.HBM),
            pl.BlockSpec(memory_space=pltpu.HBM),
            pl.BlockSpec((D, BH), lambda h, b, *_: (0, h)),
            pl.BlockSpec((D, BH), lambda h, b, *_: (0, h)),
            pl.BlockSpec((BH, D), lambda h, b, *_: (h, 0)),
        ],
        out_specs=pl.BlockSpec((BT, D), lambda h, b, *_: (b, 0)),
        scratch_shapes=[
            pltpu.VMEM((2, D, BH), jnp.float32),
            pltpu.VMEM((2, D, BH), jnp.float32),
            pltpu.VMEM((2, BH, D), jnp.float32),
            pltpu.VMEM((TP, D), jnp.bfloat16),
            pltpu.SemaphoreType.DMA((2,)),
        ],
    )
    return pl.pallas_call(
        _mlp_body,
        grid_spec=grid_spec,
        out_shape=jax.ShapeDtypeStruct((TP, D), jnp.float32),
        compiler_params=pltpu.CompilerParams(
            dimension_semantics=("arbitrary", "arbitrary"),
            vmem_limit_bytes=64 * 1024 * 1024),
    )(beid, rmeta, xs, ss, eu, eg, ed, su, sg, sd)


def _gather_out(rows, dest):
    mesh = plsc.VectorSubcoreMesh(core_axis_name="c", subcore_axis_name="s",
                                  num_cores=NC, num_subcores=NS)

    @functools.partial(
        pl.kernel,
        mesh=mesh,
        compiler_params=pltpu.CompilerParams(needs_layout_passes=False),
        out_type=jax.ShapeDtypeStruct((T, D), jnp.float32),
        scratch_types=[
            pltpu.VMEM((TW,), jnp.int32),
            pltpu.VMEM((64,), jnp.int32),
            pltpu.VMEM((64, D), jnp.float32),
            pltpu.SemaphoreType.DMA,
        ],
    )
    def k(rows_hbm, dest_hbm, out_hbm, destv, idx, buf, sem):
        wid = lax.axis_index("s") * NC + lax.axis_index("c")
        base = wid * TW
        pltpu.sync_copy(dest_hbm.at[pl.ds(base, TW)], destv)
        for half in range(2):
            for q in range(4):
                idx[pl.ds(q * 16, 16)] = destv[pl.ds(half * 64 + q * 16, 16)]
            pltpu.async_copy(rows_hbm.at[idx], buf, sem).wait()
            pltpu.sync_copy(buf, out_hbm.at[pl.ds(base + half * 64, 64)])

    return k(rows, dest)


def kernel(x, router_w, expert_up, expert_gate, expert_down,
           shared_up, shared_gate, shared_down):
    eid, scale, cnt = _router(x, router_w)
    dest, beid, rmeta, xs, ss = _sort_scatter(eid, scale, cnt, x)
    rows = _grouped_mlp(beid, rmeta, xs, ss, expert_up, expert_gate,
                        expert_down, shared_up, shared_gate, shared_down)
    return _gather_out(rows, dest)

# --- scband reference (transcript-rebuilt; emitter-appended) ---
"""Pipeline reference for scband-sparse-pertoken-mo-e-5772436046048 (READ-ONLY COPY).

The authoritative reference and input builder live on the scoring server;
editing this copy changes nothing except your own understanding.
"""

import jax, jax.numpy as jnp
import numpy as np

DIM = 1024
NUM_EXPERTS = 8
TOP_K = 2
HIDDEN_MULT = 4
ALPHA = 2.0
TOKENS = 4096
HIDDEN = DIM * HIDDEN_MULT


def setup_inputs(seed: int = 0) -> dict:
    key = jax.random.key(seed)
    keys = jax.random.split(key, 64)
    ki = 0
    def nk():
        nonlocal ki
        k = keys[ki]
        ki += 1
        return k
    inp = {}
    inp['x'] = jax.random.normal(nk(), (TOKENS, DIM), dtype=jnp.float32)
    # router weights
    inp['router_w'] = jax.random.normal(nk(), (DIM, NUM_EXPERTS), dtype=jnp.float32) * (1.0 / np.sqrt(DIM))
    # experts: num_experts - 1 routed experts
    up_list, gate_list, down_list = [], [], []
    for _ in range(NUM_EXPERTS - 1):
        up_list.append(jax.random.normal(nk(), (DIM, HIDDEN), dtype=jnp.float32) * (1.0 / np.sqrt(DIM)))
        gate_list.append(jax.random.normal(nk(), (DIM, HIDDEN), dtype=jnp.float32) * (1.0 / np.sqrt(DIM)))
        down_list.append(jax.random.uniform(nk(), (HIDDEN, DIM), dtype=jnp.float32, minval=-1.0, maxval=1.0) * np.sqrt(3.0 * 0.01 / ((HIDDEN + DIM) / 2.0)))
    inp['expert_up'] = jnp.stack(up_list)    # [E-1, DIM, HIDDEN]
    inp['expert_gate'] = jnp.stack(gate_list)
    inp['expert_down'] = jnp.stack(down_list)  # [E-1, HIDDEN, DIM]
    # shared expert
    inp['shared_up'] = jax.random.normal(nk(), (DIM, HIDDEN), dtype=jnp.float32) * (1.0 / np.sqrt(DIM))
    inp['shared_gate'] = jax.random.normal(nk(), (DIM, HIDDEN), dtype=jnp.float32) * (1.0 / np.sqrt(DIM))
    inp['shared_down'] = jax.random.uniform(nk(), (HIDDEN, DIM), dtype=jnp.float32, minval=-1.0, maxval=1.0) * np.sqrt(3.0 * 0.01 / ((HIDDEN + DIM) / 2.0))
    return inp


def _swiglu(x, w_up, w_gate, w_down):
    up = x @ w_up
    gate_logits = x @ w_gate
    gate = jax.nn.sigmoid(gate_logits) * gate_logits  # SiLU written as in source
    return (up * gate) @ w_down


def reference(x, router_w, expert_up, expert_gate, expert_down, shared_up, shared_gate, shared_down):
    logits = x @ router_w                     # [T, E]
    probs = jax.nn.softmax(logits, axis=-1)
    topk_vals, topk_idx = jax.lax.top_k(probs, TOP_K)  # [T, top_k]
    output = jnp.zeros_like(x)
    for i in range(TOP_K - 1):
        expert_prob = topk_vals[..., i][..., None]   # [T, 1]
        indices = topk_idx[..., i]                   # [T]
        expert_outputs_sum = jnp.zeros_like(x)
        for j in range(NUM_EXPERTS - 1):
            mask = (indices == j).astype(x.dtype)[..., None]  # [T, 1]
            exp_out = _swiglu(x, expert_up[j], expert_gate[j], expert_down[j])
            expert_outputs_sum = expert_outputs_sum + exp_out * mask
        output = output + ALPHA * expert_prob * expert_outputs_sum
    output = output + _swiglu(x, shared_up, shared_gate, shared_down)
    return output

if __name__ == "__main__":
    import jax
    _d = setup_inputs()
    print(jax.jit(kernel)(*tuple(_d.values())))

</pallas_src>

<mosaic_0001>
#map = affine_map<(d0, d1) -> (0)>
#map1 = affine_map<(d0, d1) -> (0, 0)>
module attributes {stable_mosaic.version = 14 : i64} {
  func.func @k(%arg0: i32, %arg1: i32, %arg2: memref<4096xi32, #tpu.memory_space<hbm>>, %arg3: memref<4096xf32, #tpu.memory_space<hbm>>, %arg4: memref<512xi32, #tpu.memory_space<hbm>>, %arg5: memref<4096x1024xf32, #tpu.memory_space<hbm>>, %arg6: memref<4096xi32, #tpu.memory_space<hbm>>, %arg7: memref<48xi32, #tpu.memory_space<hbm>>, %arg8: memref<64xi32, #tpu.memory_space<hbm>>, %arg9: memref<4864x1024xf32, #tpu.memory_space<hbm>>, %arg10: memref<4864x128xf32, #tpu.memory_space<hbm>>, %arg11: memref<512xi32, #tpu.memory_space<vmem>>, %arg12: memref<128xi32, #tpu.memory_space<vmem>>, %arg13: memref<128xf32, #tpu.memory_space<vmem>>, %arg14: memref<48xi32, #tpu.memory_space<vmem>>, %arg15: memref<64xi32, #tpu.memory_space<vmem>>, %arg16: memref<128xi32, #tpu.memory_space<vmem>>, %arg17: memref<64xi32, #tpu.memory_space<vmem>>, %arg18: memref<64xi32, #tpu.memory_space<vmem>>, %arg19: memref<64x1024xf32, #tpu.memory_space<vmem>>, %arg20: memref<64x128xf32, #tpu.memory_space<vmem>>, %arg21: memref<!tpu.dma_semaphore, #tpu.memory_space<semaphore_mem>>) attributes {dimension_semantics = [#tpu.dimension_semantics<core_parallel>, #tpu.dimension_semantics<subcore_parallel>], iteration_bounds = array<i64: 2, 16>, scalar_prefetch = 0 : i64, scratch_operands = 11 : i64, tpu.core_type = #tpu.core_type<sc_vector_subcore>, window_params = [{transform_indices = #map}, {transform_indices = #map}, {transform_indices = #map}, {transform_indices = #map1}, {transform_indices = #map}, {transform_indices = #map}, {transform_indices = #map}, {transform_indices = #map1}, {transform_indices = #map1}]} {
    %mul3A = arith.constant 2 : i32
    %mul3A_0 = arith.muli %arg1, %mul3A : i32
    %add3A = arith.addi %mul3A_0, %arg0 : i32
    %mul3A_1 = arith.constant 128 : i32
    %mul3A_2 = arith.muli %add3A, %mul3A_1 : i32
    %iota3A = tpu.iota {dimensions = array<i32: 0>} : vector<16xi32>
    "tpu.region"() ({
      %run_scoped3A = tpu.sem_alloc : memref<!tpu.dma_semaphore, #tpu.memory_space<semaphore_mem>>
      tpu.enqueue_dma source(%arg4 : memref<512xi32, #tpu.memory_space<hbm>>) target(%arg11 : memref<512xi32, #tpu.memory_space<vmem>>) target_semaphore(%run_scoped3A : memref<!tpu.dma_semaphore, #tpu.memory_space<semaphore_mem>>)
      tpu.wait_dma2 semaphore(%run_scoped3A : memref<!tpu.dma_semaphore, #tpu.memory_space<semaphore_mem>>) src(%arg4 : memref<512xi32, #tpu.memory_space<hbm>>) dst(%arg11 : memref<512xi32, #tpu.memory_space<vmem>>)
      tpu.yield
    }) : () -> ()
    "tpu.region"() ({
      %run_scoped3A = tpu.sem_alloc : memref<!tpu.dma_semaphore, #tpu.memory_space<semaphore_mem>>
      %dma_start3A_3459 = tpu.memref_slice %arg2[%mul3A_2] : memref<4096xi32, #tpu.memory_space<hbm>> -> memref<128xi32, #tpu.memory_space<hbm>>
      %dma_start3A_3460 = tpu.memref_slice %arg2[%mul3A_2] : memref<4096xi32, #tpu.memory_space<hbm>> -> memref<128xi32, #tpu.memory_space<hbm>>
      tpu.enqueue_dma source(%dma_start3A_3460 : memref<128xi32, #tpu.memory_space<hbm>>) target(%arg12 : memref<128xi32, #tpu.memory_space<vmem>>) target_semaphore(%run_scoped3A : memref<!tpu.dma_semaphore, #tpu.memory_space<semaphore_mem>>)
      %dma_wait3A_3461 = tpu.memref_slice %arg2[%mul3A_2] : memref<4096xi32, #tpu.memory_space<hbm>> -> memref<128xi32, #tpu.memory_space<hbm>>
      %dma_wait3A_3462 = tpu.memref_slice %arg2[%mul3A_2] : memref<4096xi32, #tpu.memory_space<hbm>> -> memref<128xi32, #tpu.memory_space<hbm>>
      tpu.wait_dma2 semaphore(%run_scoped3A : memref<!tpu.dma_semaphore, #tpu.memory_space<semaphore_mem>>) src(%dma_wait3A_3462 : memref<128xi32, #tpu.memory_space<hbm>>) dst(%arg12 : memref<128xi32, #tpu.memory_space<vmem>>)
      tpu.yield
    }) : () -> ()
    "tpu.region"() ({
      %run_scoped3A = tpu.sem_alloc : memref<!tpu.dma_semaphore, #tpu.memory_space<semaphore_mem>>
      %dma_start3A_3459 = tpu.memref_slice %arg3[%mul3A_2] : memref<4096xf32, #tpu.memory_space<hbm>> -> memref<128xf32, #tpu.memory_space<hbm>>
      %dma_start3A_3460 = tpu.memref_slice %arg3[%mul3A_2] : memref<4096xf32, #tpu.memory_space<hbm>> -> memref<128xf32, #tpu.memory_space<hbm>>
      tpu.enqueue_dma source(%dma_start3A_3460 : memref<128xf32, #tpu.memory_space<hbm>>) target(%arg13 : memref<128xf32, #tpu.memory_space<vmem>>) target_semaphore(%run_scoped3A : memref<!tpu.dma_semaphore, #tpu.memory_space<semaphore_mem>>)
      %dma_wait3A_3461 = tpu.memref_slice %arg3[%mul3A_2] : memref<4096xf32, #tpu.memory_space<hbm>> -> memref<128xf32, #tpu.memory_space<hbm>>
      %dma_wait3A_3462 = tpu.memref_slice %arg3[%mul3A_2] : memref<4096xf32, #tpu.memory_space<hbm>> -> memref<128xf32, #tpu.memory_space<hbm>>
      tpu.wait_dma2 semaphore(%run_scoped3A : memref<!tpu.dma_semaphore, #tpu.memory_space<semaphore_mem>>) src(%dma_wait3A_3462 : memref<128xf32, #tpu.memory_space<hbm>>) dst(%arg13 : memref<128xf32, #tpu.memory_space<vmem>>)
      tpu.yield
    }) : () -> ()
    %broadcast_in_dim3A = arith.constant 0 : i32
    %broadcast_in_dim3A_3 = vector.broadcast %broadcast_in_dim3A : i32 to vector<16xi32>
    %broadcast_in_dim3A_4 = arith.constant 0 : i32
    %broadcast_in_dim3A_5 = vector.broadcast %broadcast_in_dim3A_4 : i32 to vector<16xi32>
    %get3A = arith.constant 0 : index
    %get3A_6 = tpu.vector_load %arg11[%get3A] {strides = array<i32>} : memref<512xi32, #tpu.memory_space<vmem>>, vector<16xi32>,
    %add3A_7 = arith.addi %broadcast_in_dim3A_3, %get3A_6 : vector<16xi32>
    %gt3A = arith.constant 0 : i32
    %gt3A_8 = arith.cmpi sgt, %add3A, %gt3A : i32
    %broadcast_in_dim3A_9 = arith.constant 0 : i32
    %broadcast_in_dim3A_10 = vector.broadcast %broadcast_in_dim3A_9 : i32 to vector<16xi32>
    %select_n3A = arith.select %gt3A_8, %get3A_6, %broadcast_in_dim3A_10 : vector<16xi32>
    %add3A_11 = arith.addi %broadcast_in_dim3A_5, %select_n3A : vector<16xi32>
    %get3A_12 = arith.constant 16 : index
    %get3A_13 = tpu.vector_load %arg11[%get3A_12] {strides = array<i32>} : memref<512xi32, #tpu.memory_space<vmem>>, vector<16xi32>,
    %add3A_14 = arith.addi %add3A_7, %get3A_13 : vector<16xi32>
    %gt3A_15 = arith.constant 1 : i32
    %gt3A_16 = arith.cmpi sgt, %add3A, %gt3A_15 : i32
    %broadcast_in_dim3A_17 = arith.constant 0 : i32
    %broadcast_in_dim3A_18 = vector.broadcast %broadcast_in_dim3A_17 : i32 to vector<16xi32>
    %select_n3A_19 = arith.select %gt3A_16, %get3A_13, %broadcast_in_dim3A_18 : vector<16xi32>
    %add3A_20 = arith.addi %add3A_11, %select_n3A_19 : vector<16xi32>
    %get3A_21 = arith.constant 32 : index
    %get3A_22 = tpu.vector_load %arg11[%get3A_21] {strides = array<i32>} : memref<512xi32, #tpu.memory_space<vmem>>, vector<16xi32>,
    %add3A_23 = arith.addi %add3A_14, %get3A_22 : vector<16xi32>
    %gt3A_24 = arith.constant 2 : i32
    %gt3A_25 = arith.cmpi sgt, %add3A, %gt3A_24 : i32
    %broadcast_in_dim3A_26 = arith.constant 0 : i32
    %broadcast_in_dim3A_27 = vector.broadcast %broadcast_in_dim3A_26 : i32 to vector<16xi32>
    %select_n3A_28 = arith.select %gt3A_25, %get3A_22, %broadcast_in_dim3A_27 : vector<16xi32>
    %add3A_29 = arith.addi %add3A_20, %select_n3A_28 : vector<16xi32>
    %get3A_30 = arith.constant 48 : index
    %get3A_31 = tpu.vector_load %arg11[%get3A_30] {strides = array<i32>} : memref<512xi32, #tpu.memory_space<vmem>>, vector<16xi32>,
    %add3A_32 = arith.addi %add3A_23, %get3A_31 : vector<16xi32>
    %gt3A_33 = arith.constant 3 : i32
    %gt3A_34 = arith.cmpi sgt, %add3A, %gt3A_33 : i32
    %broadcast_in_dim3A_35 = arith.constant 0 : i32
    %broadcast_in_dim3A_36 = vector.broadcast %broadcast_in_dim3A_35 : i32 to vector<16xi32>
    %select_n3A_37 = arith.select %gt3A_34, %get3A_31, %broadcast_in_dim3A_36 : vector<16xi32>
    %add3A_38 = arith.addi %add3A_29, %select_n3A_37 : vector<16xi32>
    %get3A_39 = arith.constant 64 : index
    %get3A_40 = tpu.vector_load %arg11[%get3A_39] {strides = array<i32>} : memref<512xi32, #tpu.memory_space<vmem>>, vector<16xi32>,
    %add3A_41 = arith.addi %add3A_32, %get3A_40 : vector<16xi32>
    %gt3A_42 = arith.constant 4 : i32
    %gt3A_43 = arith.cmpi sgt, %add3A, %gt3A_42 : i32
    %broadcast_in_dim3A_44 = arith.constant 0 : i32
    %broadcast_in_dim3A_45 = vector.broadcast %broadcast_in_dim3A_44 : i32 to vector<16xi32>
    %select_n3A_46 = arith.select %gt3A_43, %get3A_40, %broadcast_in_dim3A_45 : vector<16xi32>
    %add3A_47 = arith.addi %add3A_38, %select_n3A_46 : vector<16xi32>
    %get3A_48 = arith.constant 80 : index
    %get3A_49 = tpu.vector_load %arg11[%get3A_48] {strides = array<i32>} : memref<512xi32, #tpu.memory_space<vmem>>, vector<16xi32>,
    %add3A_50 = arith.addi %add3A_41, %get3A_49 : vector<16xi32>
    %gt3A_51 = arith.constant 5 : i32
    %gt3A_52 = arith.cmpi sgt, %add3A, %gt3A_51 : i32
    %broadcast_in_dim3A_53 = arith.constant 0 : i32
    %broadcast_in_dim3A_54 = vector.broadcast %broadcast_in_dim3A_53 : i32 to vector<16xi32>
    %select_n3A_55 = arith.select %gt3A_52, %get3A_49, %broadcast_in_dim3A_54 : vector<16xi32>
    %add3A_56 = arith.addi %add3A_47, %select_n3A_55 : vector<16xi32>
    %get3A_57 = arith.constant 96 : index
    %get3A_58 = tpu.vector_load %arg11[%get3A_57] {strides = array<i32>} : memref<512xi32, #tpu.memory_space<vmem>>, vector<16xi32>,
    %add3A_59 = arith.addi %add3A_50, %get3A_58 : vector<16xi32>
    %gt3A_60 = arith.constant 6 : i32
    %gt3A_61 = arith.cmpi sgt, %add3A, %gt3A_60 : i32
    %broadcast_in_dim3A_62 = arith.constant 0 : i32
    %broadcast_in_dim3A_63 = vector.broadcast %broadcast_in_dim3A_62 : i32 to vector<16xi32>
    %select_n3A_64 = arith.select %gt3A_61, %get3A_58, %broadcast_in_dim3A_63 : vector<16xi32>
    %add3A_65 = arith.addi %add3A_56, %select_n3A_64 : vector<16xi32>
    %get3A_66 = arith.constant 112 : index
    %get3A_67 = tpu.vector_load %arg11[%get3A_66] {strides = array<i32>} : memref<512xi32, #tpu.memory_space<vmem>>, vector<16xi32>,
    %add3A_68 = arith.addi %add3A_59, %get3A_67 : vector<16xi32>
    %gt3A_69 = arith.constant 7 : i32
    %gt3A_70 = arith.cmpi sgt, %add3A, %gt3A_69 : i32
    %broadcast_in_dim3A_71 = arith.constant 0 : i32
    %broadcast_in_dim3A_72 = vector.broadcast %broadcast_in_dim3A_71 : i32 to vector<16xi32>
    %select_n3A_73 = arith.select %gt3A_70, %get3A_67, %broadcast_in_dim3A_72 : vector<16xi32>
    %add3A_74 = arith.addi %add3A_65, %select_n3A_73 : vector<16xi32>
    %get3A_75 = arith.constant 128 : index
    %get3A_76 = tpu.vector_load %arg11[%get3A_75] {strides = array<i32>} : memref<512xi32, #tpu.memory_space<vmem>>, vector<16xi32>,
    %add3A_77 = arith.addi %add3A_68, %get3A_76 : vector<16xi32>
    %gt3A_78 = arith.constant 8 : i32
    %gt3A_79 = arith.cmpi sgt, %add3A, %gt3A_78 : i32
    %broadcast_in_dim3A_80 = arith.constant 0 : i32
    %broadcast_in_dim3A_81 = vector.broadcast %broadcast_in_dim3A_80 : i32 to vector<16xi32>
    %select_n3A_82 = arith.select %gt3A_79, %get3A_76, %broadcast_in_dim3A_81 : vector<16xi32>
    %add3A_83 = arith.addi %add3A_74, %select_n3A_82 : vector<16xi32>
    %get3A_84 = arith.constant 144 : index
    %get3A_85 = tpu.vector_load %arg11[%get3A_84] {strides = array<i32>} : memref<512xi32, #tpu.memory_space<vmem>>, vector<16xi32>,
    %add3A_86 = arith.addi %add3A_77, %get3A_85 : vector<16xi32>
    %gt3A_87 = arith.constant 9 : i32
    %gt3A_88 = arith.cmpi sgt, %add3A, %gt3A_87 : i32
    %broadcast_in_dim3A_89 = arith.constant 0 : i32
    %broadcast_in_dim3A_90 = vector.broadcast %broadcast_in_dim3A_89 : i32 to vector<16xi32>
    %select_n3A_91 = arith.select %gt3A_88, %get3A_85, %broadcast_in_dim3A_90 : vector<16xi32>
    %add3A_92 = arith.addi %add3A_83, %select_n3A_91 : vector<16xi32>
    %get3A_93 = arith.constant 160 : index
    %get3A_94 = tpu.vector_load %arg11[%get3A_93] {strides = array<i32>} : memref<512xi32, #tpu.memory_space<vmem>>, vector<16xi32>,
    %add3A_95 = arith.addi %add3A_86, %get3A_94 : vector<16xi32>
    %gt3A_96 = arith.constant 10 : i32
    %gt3A_97 = arith.cmpi sgt, %add3A, %gt3A_96 : i32
    %broadcast_in_dim3A_98 = arith.constant 0 : i32
    %broadcast_in_dim3A_99 = vector.broadcast %broadcast_in_dim3A_98 : i32 to vector<16xi32>
    %select_n3A_100 = arith.select %gt3A_97, %get3A_94, %broadcast_in_dim3A_99 : vector<16xi32>
    %add3A_101 = arith.addi %add3A_92, %select_n3A_100 : vector<16xi32>
    %get3A_102 = arith.constant 176 : index
    %get3A_103 = tpu.vector_load %arg11[%get3A_102] {strides = array<i32>} : memref<512xi32, #tpu.memory_space<vmem>>, vector<16xi32>,
    %add3A_104 = arith.addi %add3A_95, %get3A_103 : vector<16xi32>
    %gt3A_105 = arith.constant 11 : i32
    %gt3A_106 = arith.cmpi sgt, %add3A, %gt3A_105 : i32
    %broadcast_in_dim3A_107 = arith.constant 0 : i32
    %broadcast_in_dim3A_108 = vector.broadcast %broadcast_in_dim3A_107 : i32 to vector<16xi32>
    %select_n3A_109 = arith.select %gt3A_106, %get3A_103, %broadcast_in_dim3A_108 : vector<16xi32>
    %add3A_110 = arith.addi %add3A_101, %select_n3A_109 : vector<16xi32>
    %get3A_111 = arith.constant 192 : index
    %get3A_112 = tpu.vector_load %arg11[%get3A_111] {strides = array<i32>} : memref<512xi32, #tpu.memory_space<vmem>>, vector<16xi32>,
    %add3A_113 = arith.addi %add3A_104, %get3A_112 : vector<16xi32>
    %gt3A_114 = arith.constant 12 : i32
    %gt3A_115 = arith.cmpi sgt, %add3A, %gt3A_114 : i32
    %broadcast_in_dim3A_116 = arith.constant 0 : i32
    %broadcast_in_dim3A_117 = vector.broadcast %broadcast_in_dim3A_116 : i32 to vector<16xi32>
    %select_n3A_118 = arith.select %gt3A_115, %get3A_112, %broadcast_in_dim3A_117 : vector<16xi32>
    %add3A_119 = arith.addi %add3A_110, %select_n3A_118 : vector<16xi32>
    %get3A_120 = arith.constant 208 : index
    %get3A_121 = tpu.vector_load %arg11[%get3A_120] {strides = array<i32>} : memref<512xi32, #tpu.memory_space<vmem>>, vector<16xi32>,
    %add3A_122 = arith.addi %add3A_113, %get3A_121 : vector<16xi32>
    %gt3A_123 = arith.constant 13 : i32
    %gt3A_124 = arith.cmpi sgt, %add3A, %gt3A_123 : i32
    %broadcast_in_dim3A_125 = arith.constant 0 : i32
    %broadcast_in_dim3A_126 = vector.broadcast %broadcast_in_dim3A_125 : i32 to vector<16xi32>
    %select_n3A_127 = arith.select %gt3A_124, %get3A_121, %broadcast_in_dim3A_126 : vector<16xi32>
    %add3A_128 = arith.addi %add3A_119, %select_n3A_127 : vector<16xi32>
    %get3A_129 = arith.constant 224 : index
    %get3A_130 = tpu.vector_load %arg11[%get3A_129] {strides = array<i32>} : memref<512xi32, #tpu.memory_space<vmem>>, vector<16xi32>,
    %add3A_131 = arith.addi %add3A_122, %get3A_130 : vector<16xi32>
    %gt3A_132 = arith.constant 14 : i32
    %gt3A_133 = arith.cmpi sgt, %add3A, %gt3A_132 : i32
    %broadcast_in_dim3A_134 = arith.constant 0 : i32
    %broadcast_in_dim3A_135 = vector.broadcast %broadcast_in_dim3A_134 : i32 to vector<16xi32>
    %select_n3A_136 = arith.select %gt3A_133, %get3A_130, %broadcast_in_dim3A_135 : vector<16xi32>
    %add3A_137 = arith.addi %add3A_128, %select_n3A_136 : vector<16xi32>
    %get3A_138 = arith.constant 240 : index
    %get3A_139 = tpu.vector_load %arg11[%get3A_138] {strides = array<i32>} : memref<512xi32, #tpu.memory_space<vmem>>, vector<16xi32>,
    %add3A_140 = arith.addi %add3A_131, %get3A_139 : vector<16xi32>
    %gt3A_141 = arith.constant 15 : i32
    %gt3A_142 = arith.cmpi sgt, %add3A, %gt3A_141 : i32
    %broadcast_in_dim3A_143 = arith.constant 0 : i32
    %broadcast_in_dim3A_144 = vector.broadcast %broadcast_in_dim3A_143 : i32 to vector<16xi32>
    %select_n3A_145 = arith.select %gt3A_142, %get3A_139, %broadcast_in_dim3A_144 : vector<16xi32>
    %add3A_146 = arith.addi %add3A_137, %select_n3A_145 : vector<16xi32>
    %get3A_147 = arith.constant 256 : index
    %get3A_148 = tpu.vector_load %arg11[%get3A_147] {strides = array<i32>} : memref<512xi32, #tpu.memory_space<vmem>>, vector<16xi32>,
    %add3A_149 = arith.addi %add3A_140, %get3A_148 : vector<16xi32>
    %gt3A_150 = arith.constant 16 : i32
    %gt3A_151 = arith.cmpi sgt, %add3A, %gt3A_150 : i32
    %broadcast_in_dim3A_152 = arith.constant 0 : i32
    %broadcast_in_dim3A_153 = vector.broadcast %broadcast_in_dim3A_152 : i32 to vector<16xi32>
    %select_n3A_154 = arith.select %gt3A_151, %get3A_148, %broadcast_in_dim3A_153 : vector<16xi32>
    %add3A_155 = arith.addi %add3A_146, %select_n3A_154 : vector<16xi32>
    %get3A_156 = arith.constant 272 : index
    %get3A_157 = tpu.vector_load %arg11[%get3A_156] {strides = array<i32>} : memref<512xi32, #tpu.memory_space<vmem>>, vector<16xi32>,
    %add3A_158 = arith.addi %add3A_149, %get3A_157 : vector<16xi32>
    %gt3A_159 = arith.constant 17 : i32
    %gt3A_160 = arith.cmpi sgt, %add3A, %gt3A_159 : i32
    %broadcast_in_dim3A_161 = arith.constant 0 : i32
    %broadcast_in_dim3A_162 = vector.broadcast %broadcast_in_dim3A_161 : i32 to vector<16xi32>
    %select_n3A_163 = arith.select %gt3A_160, %get3A_157, %broadcast_in_dim3A_162 : vector<16xi32>
    %add3A_164 = arith.addi %add3A_155, %select_n3A_163 : vector<16xi32>
    %get3A_165 = arith.constant 288 : index
    %get3A_166 = tpu.vector_load %arg11[%get3A_165] {strides = array<i32>} : memref<512xi32, #tpu.memory_space<vmem>>, vector<16xi32>,
    %add3A_167 = arith.addi %add3A_158, %get3A_166 : vector<16xi32>
    %gt3A_168 = arith.constant 18 : i32
    %gt3A_169 = arith.cmpi sgt, %add3A, %gt3A_168 : i32
    %broadcast_in_dim3A_170 = arith.constant 0 : i32
    %broadcast_in_dim3A_171 = vector.broadcast %broadcast_in_dim3A_170 : i32 to vector<16xi32>
    %select_n3A_172 = arith.select %gt3A_169, %get3A_166, %broadcast_in_dim3A_171 : vector<16xi32>
    %add3A_173 = arith.addi %add3A_164, %select_n3A_172 : vector<16xi32>
    %get3A_174 = arith.constant 304 : index
    %get3A_175 = tpu.vector_load %arg11[%get3A_174] {strides = array<i32>} : memref<512xi32, #tpu.memory_space<vmem>>, vector<16xi32>,
    %add3A_176 = arith.addi %add3A_167, %get3A_175 : vector<16xi32>
    %gt3A_177 = arith.constant 19 : i32
    %gt3A_178 = arith.cmpi sgt, %add3A, %gt3A_177 : i32
    %broadcast_in_dim3A_179 = arith.constant 0 : i32
    %broadcast_in_dim3A_180 = vector.broadcast %broadcast_in_dim3A_179 : i32 to vector<16xi32>
    %select_n3A_181 = arith.select %gt3A_178, %get3A_175, %broadcast_in_dim3A_180 : vector<16xi32>
    %add3A_182 = arith.addi %add3A_173, %select_n3A_181 : vector<16xi32>
    %get3A_183 = arith.constant 320 : index
    %get3A_184 = tpu.vector_load %arg11[%get3A_183] {strides = array<i32>} : memref<512xi32, #tpu.memory_space<vmem>>, vector<16xi32>,
    %add3A_185 = arith.addi %add3A_176, %get3A_184 : vector<16xi32>
    %gt3A_186 = arith.constant 20 : i32
    %gt3A_187 = arith.cmpi sgt, %add3A, %gt3A_186 : i32
    %broadcast_in_dim3A_188 = arith.constant 0 : i32
    %broadcast_in_dim3A_189 = vector.broadcast %broadcast_in_dim3A_188 : i32 to vector<16xi32>
    %select_n3A_190 = arith.select %gt3A_187, %get3A_184, %broadcast_in_dim3A_189 : vector<16xi32>
    %add3A_191 = arith.addi %add3A_182, %select_n3A_190 : vector<16xi32>
    %get3A_192 = arith.constant 336 : index
    %get3A_193 = tpu.vector_load %arg11[%get3A_192] {strides = array<i32>} : memref<512xi32, #tpu.memory_space<vmem>>, vector<16xi32>,
    %add3A_194 = arith.addi %add3A_185, %get3A_193 : vector<16xi32>
    %gt3A_195 = arith.constant 21 : i32
    %gt3A_196 = arith.cmpi sgt, %add3A, %gt3A_195 : i32
    %broadcast_in_dim3A_197 = arith.constant 0 : i32
    %broadcast_in_dim3A_198 = vector.broadcast %broadcast_in_dim3A_197 : i32 to vector<16xi32>
    %select_n3A_199 = arith.select %gt3A_196, %get3A_193, %broadcast_in_dim3A_198 : vector<16xi32>
    %add3A_200 = arith.addi %add3A_191, %select_n3A_199 : vector<16xi32>
    %get3A_201 = arith.constant 352 : index
    %get3A_202 = tpu.vector_load %arg11[%get3A_201] {strides = array<i32>} : memref<512xi32, #tpu.memory_space<vmem>>, vector<16xi32>,
    %add3A_203 = arith.addi %add3A_194, %get3A_202 : vector<16xi32>
    %gt3A_204 = arith.constant 22 : i32
    %gt3A_205 = arith.cmpi sgt, %add3A, %gt3A_204 : i32
    %broadcast_in_dim3A_206 = arith.constant 0 : i32
    %broadcast_in_dim3A_207 = vector.broadcast %broadcast_in_dim3A_206 : i32 to vector<16xi32>
    %select_n3A_208 = arith.select %gt3A_205, %get3A_202, %broadcast_in_dim3A_207 : vector<16xi32>
    %add3A_209 = arith.addi %add3A_200, %select_n3A_208 : vector<16xi32>
    %get3A_210 = arith.constant 368 : index
    %get3A_211 = tpu.vector_load %arg11[%get3A_210] {strides = array<i32>} : memref<512xi32, #tpu.memory_space<vmem>>, vector<16xi32>,
    %add3A_212 = arith.addi %add3A_203, %get3A_211 : vector<16xi32>
    %gt3A_213 = arith.constant 23 : i32
    %gt3A_214 = arith.cmpi sgt, %add3A, %gt3A_213 : i32
    %broadcast_in_dim3A_215 = arith.constant 0 : i32
    %broadcast_in_dim3A_216 = vector.broadcast %broadcast_in_dim3A_215 : i32 to vector<16xi32>
    %select_n3A_217 = arith.select %gt3A_214, %get3A_211, %broadcast_in_dim3A_216 : vector<16xi32>
    %add3A_218 = arith.addi %add3A_209, %select_n3A_217 : vector<16xi32>
    %get3A_219 = arith.constant 384 : index
    %get3A_220 = tpu.vector_load %arg11[%get3A_219] {strides = array<i32>} : memref<512xi32, #tpu.memory_space<vmem>>, vector<16xi32>,
    %add3A_221 = arith.addi %add3A_212, %get3A_220 : vector<16xi32>
    %gt3A_222 = arith.constant 24 : i32
    %gt3A_223 = arith.cmpi sgt, %add3A, %gt3A_222 : i32
    %broadcast_in_dim3A_224 = arith.constant 0 : i32
    %broadcast_in_dim3A_225 = vector.broadcast %broadcast_in_dim3A_224 : i32 to vector<16xi32>
    %select_n3A_226 = arith.select %gt3A_223, %get3A_220, %broadcast_in_dim3A_225 : vector<16xi32>
    %add3A_227 = arith.addi %add3A_218, %select_n3A_226 : vector<16xi32>
    %get3A_228 = arith.constant 400 : index
    %get3A_229 = tpu.vector_load %arg11[%get3A_228] {strides = array<i32>} : memref<512xi32, #tpu.memory_space<vmem>>, vector<16xi32>,
    %add3A_230 = arith.addi %add3A_221, %get3A_229 : vector<16xi32>
    %gt3A_231 = arith.constant 25 : i32
    %gt3A_232 = arith.cmpi sgt, %add3A, %gt3A_231 : i32
    %broadcast_in_dim3A_233 = arith.constant 0 : i32
    %broadcast_in_dim3A_234 = vector.broadcast %broadcast_in_dim3A_233 : i32 to vector<16xi32>
    %select_n3A_235 = arith.select %gt3A_232, %get3A_229, %broadcast_in_dim3A_234 : vector<16xi32>
    %add3A_236 = arith.addi %add3A_227, %select_n3A_235 : vector<16xi32>
    %get3A_237 = arith.constant 416 : index
    %get3A_238 = tpu.vector_load %arg11[%get3A_237] {strides = array<i32>} : memref<512xi32, #tpu.memory_space<vmem>>, vector<16xi32>,
    %add3A_239 = arith.addi %add3A_230, %get3A_238 : vector<16xi32>
    %gt3A_240 = arith.constant 26 : i32
    %gt3A_241 = arith.cmpi sgt, %add3A, %gt3A_240 : i32
    %broadcast_in_dim3A_242 = arith.constant 0 : i32
    %broadcast_in_dim3A_243 = vector.broadcast %broadcast_in_dim3A_242 : i32 to vector<16xi32>
    %select_n3A_244 = arith.select %gt3A_241, %get3A_238, %broadcast_in_dim3A_243 : vector<16xi32>
    %add3A_245 = arith.addi %add3A_236, %select_n3A_244 : vector<16xi32>
    %get3A_246 = arith.constant 432 : index
    %get3A_247 = tpu.vector_load %arg11[%get3A_246] {strides = array<i32>} : memref<512xi32, #tpu.memory_space<vmem>>, vector<16xi32>,
    %add3A_248 = arith.addi %add3A_239, %get3A_247 : vector<16xi32>
    %gt3A_249 = arith.constant 27 : i32
    %gt3A_250 = arith.cmpi sgt, %add3A, %gt3A_249 : i32
    %broadcast_in_dim3A_251 = arith.constant 0 : i32
    %broadcast_in_dim3A_252 = vector.broadcast %broadcast_in_dim3A_251 : i32 to vector<16xi32>
    %select_n3A_253 = arith.select %gt3A_250, %get3A_247, %broadcast_in_dim3A_252 : vector<16xi32>
    %add3A_254 = arith.addi %add3A_245, %select_n3A_253 : vector<16xi32>
    %get3A_255 = arith.constant 448 : index
    %get3A_256 = tpu.vector_load %arg11[%get3A_255] {strides = array<i32>} : memref<512xi32, #tpu.memory_space<vmem>>, vector<16xi32>,
    %add3A_257 = arith.addi %add3A_248, %get3A_256 : vector<16xi32>
    %gt3A_258 = arith.constant 28 : i32
    %gt3A_259 = arith.cmpi sgt, %add3A, %gt3A_258 : i32
    %broadcast_in_dim3A_260 = arith.constant 0 : i32
    %broadcast_in_dim3A_261 = vector.broadcast %broadcast_in_dim3A_260 : i32 to vector<16xi32>
    %select_n3A_262 = arith.select %gt3A_259, %get3A_256, %broadcast_in_dim3A_261 : vector<16xi32>
    %add3A_263 = arith.addi %add3A_254, %select_n3A_262 : vector<16xi32>
    %get3A_264 = arith.constant 464 : index
    %get3A_265 = tpu.vector_load %arg11[%get3A_264] {strides = array<i32>} : memref<512xi32, #tpu.memory_space<vmem>>, vector<16xi32>,
    %add3A_266 = arith.addi %add3A_257, %get3A_265 : vector<16xi32>
    %gt3A_267 = arith.constant 29 : i32
    %gt3A_268 = arith.cmpi sgt, %add3A, %gt3A_267 : i32
    %broadcast_in_dim3A_269 = arith.constant 0 : i32
    %broadcast_in_dim3A_270 = vector.broadcast %broadcast_in_dim3A_269 : i32 to vector<16xi32>
    %select_n3A_271 = arith.select %gt3A_268, %get3A_265, %broadcast_in_dim3A_270 : vector<16xi32>
    %add3A_272 = arith.addi %add3A_263, %select_n3A_271 : vector<16xi32>
    %get3A_273 = arith.constant 480 : index
    %get3A_274 = tpu.vector_load %arg11[%get3A_273] {strides = array<i32>} : memref<512xi32, #tpu.memory_space<vmem>>, vector<16xi32>,
    %add3A_275 = arith.addi %add3A_266, %get3A_274 : vector<16xi32>
    %gt3A_276 = arith.constant 30 : i32
    %gt3A_277 = arith.cmpi sgt, %add3A, %gt3A_276 : i32
    %broadcast_in_dim3A_278 = arith.constant 0 : i32
    %broadcast_in_dim3A_279 = vector.broadcast %broadcast_in_dim3A_278 : i32 to vector<16xi32>
    %select_n3A_280 = arith.select %gt3A_277, %get3A_274, %broadcast_in_dim3A_279 : vector<16xi32>
    %add3A_281 = arith.addi %add3A_272, %select_n3A_280 : vector<16xi32>
    %get3A_282 = arith.constant 496 : index
    %get3A_283 = tpu.vector_load %arg11[%get3A_282] {strides = array<i32>} : memref<512xi32, #tpu.memory_space<vmem>>, vector<16xi32>,
    %add3A_284 = arith.addi %add3A_275, %get3A_283 : vector<16xi32>
    %gt3A_285 = arith.constant 31 : i32
    %gt3A_286 = arith.cmpi sgt, %add3A, %gt3A_285 : i32
    %broadcast_in_dim3A_287 = arith.constant 0 : i32
    %broadcast_in_dim3A_288 = vector.broadcast %broadcast_in_dim3A_287 : i32 to vector<16xi32>
    %select_n3A_289 = arith.select %gt3A_286, %get3A_283, %broadcast_in_dim3A_288 : vector<16xi32>
    %add3A_290 = arith.addi %add3A_281, %select_n3A_289 : vector<16xi32>
    %add3A_291 = arith.constant 127 : i32
    %add3A_292 = vector.broadcast %add3A_291 : i32 to vector<16xi32>
    %add3A_293 = arith.addi %add3A_284, %add3A_292 : vector<16xi32>
    %shift_right_arithmetic3A = arith.constant 7 : i32
    %shift_right_arithmetic3A_294 = vector.broadcast %shift_right_arithmetic3A : i32 to vector<16xi32>
    %shift_right_arithmetic3A_295 = arith.shrsi %add3A_293, %shift_right_arithmetic3A_294 : vector<16xi32>
    %broadcast_in_dim3A_296 = arith.constant true
    %broadcast_in_dim3A_297 = vector.broadcast %broadcast_in_dim3A_296 : i1 to vector<16xi1>
    %masked_cumsum3A = tpu.scan <sum>, %shift_right_arithmetic3A_295 masked %broadcast_in_dim3A_297 : vector<16xi32>, vector<16xi1> -> vector<16xi32>
    %sub3A = arith.subi %masked_cumsum3A, %shift_right_arithmetic3A_295 : vector<16xi32>
    %mul3A_298 = arith.constant 128 : i32
    %mul3A_299 = vector.broadcast %mul3A_298 : i32 to vector<16xi32>
    %mul3A_300 = arith.muli %sub3A, %mul3A_299 : vector<16xi32>
    %add3A_301 = arith.addi %mul3A_300, %add3A_290 : vector<16xi32>
    %slice3A = vector.extract_strided_slice %masked_cumsum3A {offsets = [6], sizes = [1], strides = [1]} : vector<16xi32> to vector<1xi32>
    %squeeze3A = vector.extract %slice3A[0] : i32 from vector<1xi32>
    %gt3A_302 = arith.constant 0 : i32
    %gt3A_303 = vector.broadcast %gt3A_302 : i32 to vector<16xi32>
    %gt3A_304 = arith.cmpi sgt, %shift_right_arithmetic3A_295, %gt3A_303 : vector<16xi32>
    %jit3A = arith.constant 1 : i32
    %jit3A_305 = arith.constant 0 : i32
    %broadcast_in_dim3A_306 = vector.broadcast %jit3A : i32 to vector<16xi32>
    %broadcast_in_dim3A_307 = vector.broadcast %jit3A_305 : i32 to vector<16xi32>
    %select_n3A_308 = arith.select %gt3A_304, %broadcast_in_dim3A_306, %broadcast_in_dim3A_307 : vector<16xi1>, vector<16xi32>
    %broadcast_in_dim3A_309 = arith.constant true
    %broadcast_in_dim3A_310 = vector.broadcast %broadcast_in_dim3A_309 : i1 to vector<16xi1>
    %masked_cumsum3A_311 = tpu.scan <sum>, %select_n3A_308 masked %broadcast_in_dim3A_310 : vector<16xi32>, vector<16xi1> -> vector<16xi32>
    %sub3A_312 = arith.subi %masked_cumsum3A_311, %select_n3A_308 : vector<16xi32>
    %slice3A_313 = vector.extract_strided_slice %masked_cumsum3A_311 {offsets = [15], sizes = [1], strides = [1]} : vector<16xi32> to vector<1xi32>
    %squeeze3A_314 = vector.extract %slice3A_313[0] : i32 from vector<1xi32>
    %iota3A_315 = tpu.iota {dimensions = array<i32: 0>} : vector<16xi32>
    %add3A_316 = arith.constant 0 : i32
    %add3A_317 = vector.broadcast %add3A_316 : i32 to vector<16xi32>
    %add3A_318 = arith.addi %iota3A_315, %add3A_317 : vector<16xi32>
    %broadcast_in_dim3A_319 = arith.constant 0 : i32
    %broadcast_in_dim3A_320 = vector.broadcast %broadcast_in_dim3A_319 : i32 to vector<16xi32>
    %broadcast_in_dim3A_321 = arith.constant 0 : i32
    %broadcast_in_dim3A_322 = vector.broadcast %broadcast_in_dim3A_321 : i32 to vector<16xi32>
    %slice3A_323 = vector.extract_strided_slice %sub3A {offsets = [0], sizes = [1], strides = [1]} : vector<16xi32> to vector<1xi32>
    %squeeze3A_324 = vector.extract %slice3A_323[0] : i32 from vector<1xi32>
    %slice3A_325 = vector.extract_strided_slice %shift_right_arithmetic3A_295 {offsets = [0], sizes = [1], strides = [1]} : vector<16xi32> to vector<1xi32>
    %squeeze3A_326 = vector.extract %slice3A_325[0] : i32 from vector<1xi32>
    %ge3A = vector.broadcast %squeeze3A_324 : i32 to vector<16xi32>
    %ge3A_327 = arith.cmpi sge, %add3A_318, %ge3A : vector<16xi32>
    %add3A_328 = arith.addi %squeeze3A_324, %squeeze3A_326 : i32
    %lt3A = vector.broadcast %add3A_328 : i32 to vector<16xi32>
    %lt3A_329 = arith.cmpi slt, %add3A_318, %lt3A : vector<16xi32>
    %and3A = arith.andi %ge3A_327, %lt3A_329 : vector<16xi1>
    %jit3A_330 = arith.constant 0 : i32
    %broadcast_in_dim3A_331 = vector.broadcast %jit3A_330 : i32 to vector<16xi32>
    %select_n3A_332 = arith.select %and3A, %broadcast_in_dim3A_331, %broadcast_in_dim3A_320 : vector<16xi1>, vector<16xi32>
    %slice3A_333 = vector.extract_strided_slice %sub3A_312 {offsets = [0], sizes = [1], strides = [1]} : vector<16xi32> to vector<1xi32>
    %squeeze3A_334 = vector.extract %slice3A_333[0] : i32 from vector<1xi32>
    %broadcast_in_dim3A_335 = vector.broadcast %squeeze3A_334 : i32 to vector<16xi32>
    %select_n3A_336 = arith.select %and3A, %broadcast_in_dim3A_335, %broadcast_in_dim3A_322 : vector<16xi1>, vector<16xi32>
    %slice3A_337 = vector.extract_strided_slice %sub3A {offsets = [1], sizes = [1], strides = [1]} : vector<16xi32> to vector<1xi32>
    %squeeze3A_338 = vector.extract %slice3A_337[0] : i32 from vector<1xi32>
    %slice3A_339 = vector.extract_strided_slice %shift_right_arithmetic3A_295 {offsets = [1], sizes = [1], strides = [1]} : vector<16xi32> to vector<1xi32>
    %squeeze3A_340 = vector.extract %slice3A_339[0] : i32 from vector<1xi32>
    %ge3A_341 = vector.broadcast %squeeze3A_338 : i32 to vector<16xi32>
    %ge3A_342 = arith.cmpi sge, %add3A_318, %ge3A_341 : vector<16xi32>
    %add3A_343 = arith.addi %squeeze3A_338, %squeeze3A_340 : i32
    %lt3A_344 = vector.broadcast %add3A_343 : i32 to vector<16xi32>
    %lt3A_345 = arith.cmpi slt, %add3A_318, %lt3A_344 : vector<16xi32>
    %and3A_346 = arith.andi %ge3A_342, %lt3A_345 : vector<16xi1>
    %jit3A_347 = arith.constant 1 : i32
    %broadcast_in_dim3A_348 = vector.broadcast %jit3A_347 : i32 to vector<16xi32>
    %select_n3A_349 = arith.select %and3A_346, %broadcast_in_dim3A_348, %select_n3A_332 : vector<16xi1>, vector<16xi32>
    %slice3A_350 = vector.extract_strided_slice %sub3A_312 {offsets = [1], sizes = [1], strides = [1]} : vector<16xi32> to vector<1xi32>
    %squeeze3A_351 = vector.extract %slice3A_350[0] : i32 from vector<1xi32>
    %broadcast_in_dim3A_352 = vector.broadcast %squeeze3A_351 : i32 to vector<16xi32>
    %select_n3A_353 = arith.select %and3A_346, %broadcast_in_dim3A_352, %select_n3A_336 : vector<16xi1>, vector<16xi32>
    %slice3A_354 = vector.extract_strided_slice %sub3A {offsets = [2], sizes = [1], strides = [1]} : vector<16xi32> to vector<1xi32>
    %squeeze3A_355 = vector.extract %slice3A_354[0] : i32 from vector<1xi32>
    %slice3A_356 = vector.extract_strided_slice %shift_right_arithmetic3A_295 {offsets = [2], sizes = [1], strides = [1]} : vector<16xi32> to vector<1xi32>
    %squeeze3A_357 = vector.extract %slice3A_356[0] : i32 from vector<1xi32>
    %ge3A_358 = vector.broadcast %squeeze3A_355 : i32 to vector<16xi32>
    %ge3A_359 = arith.cmpi sge, %add3A_318, %ge3A_358 : vector<16xi32>
    %add3A_360 = arith.addi %squeeze3A_355, %squeeze3A_357 : i32
    %lt3A_361 = vector.broadcast %add3A_360 : i32 to vector<16xi32>
    %lt3A_362 = arith.cmpi slt, %add3A_318, %lt3A_361 : vector<16xi32>
    %and3A_363 = arith.andi %ge3A_359, %lt3A_362 : vector<16xi1>
    %jit3A_364 = arith.constant 2 : i32
    %broadcast_in_dim3A_365 = vector.broadcast %jit3A_364 : i32 to vector<16xi32>
    %select_n3A_366 = arith.select %and3A_363, %broadcast_in_dim3A_365, %select_n3A_349 : vector<16xi1>, vector<16xi32>
    %slice3A_367 = vector.extract_strided_slice %sub3A_312 {offsets = [2], sizes = [1], strides = [1]} : vector<16xi32> to vector<1xi32>
    %squeeze3A_368 = vector.extract %slice3A_367[0] : i32 from vector<1xi32>
    %broadcast_in_dim3A_369 = vector.broadcast %squeeze3A_368 : i32 to vector<16xi32>
    %select_n3A_370 = arith.select %and3A_363, %broadcast_in_dim3A_369, %select_n3A_353 : vector<16xi1>, vector<16xi32>
    %slice3A_371 = vector.extract_strided_slice %sub3A {offsets = [3], sizes = [1], strides = [1]} : vector<16xi32> to vector<1xi32>
    %squeeze3A_372 = vector.extract %slice3A_371[0] : i32 from vector<1xi32>
    %slice3A_373 = vector.extract_strided_slice %shift_right_arithmetic3A_295 {offsets = [3], sizes = [1], strides = [1]} : vector<16xi32> to vector<1xi32>
    %squeeze3A_374 = vector.extract %slice3A_373[0] : i32 from vector<1xi32>
    %ge3A_375 = vector.broadcast %squeeze3A_372 : i32 to vector<16xi32>
    %ge3A_376 = arith.cmpi sge, %add3A_318, %ge3A_375 : vector<16xi32>
    %add3A_377 = arith.addi %squeeze3A_372, %squeeze3A_374 : i32
    %lt3A_378 = vector.broadcast %add3A_377 : i32 to vector<16xi32>
    %lt3A_379 = arith.cmpi slt, %add3A_318, %lt3A_378 : vector<16xi32>
    %and3A_380 = arith.andi %ge3A_376, %lt3A_379 : vector<16xi1>
    %jit3A_381 = arith.constant 3 : i32
    %broadcast_in_dim3A_382 = vector.broadcast %jit3A_381 : i32 to vector<16xi32>
    %select_n3A_383 = arith.select %and3A_380, %broadcast_in_dim3A_382, %select_n3A_366 : vector<16xi1>, vector<16xi32>
    %slice3A_384 = vector.extract_strided_slice %sub3A_312 {offsets = [3], sizes = [1], strides = [1]} : vector<16xi32> to vector<1xi32>
    %squeeze3A_385 = vector.extract %slice3A_384[0] : i32 from vector<1xi32>
    %broadcast_in_dim3A_386 = vector.broadcast %squeeze3A_385 : i32 to vector<16xi32>
    %select_n3A_387 = arith.select %and3A_380, %broadcast_in_dim3A_386, %select_n3A_370 : vector<16xi1>, vector<16xi32>
    %slice3A_388 = vector.extract_strided_slice %sub3A {offsets = [4], sizes = [1], strides = [1]} : vector<16xi32> to vector<1xi32>
    %squeeze3A_389 = vector.extract %slice3A_388[0] : i32 from vector<1xi32>
    %slice3A_390 = vector.extract_strided_slice %shift_right_arithmetic3A_295 {offsets = [4], sizes = [1], strides = [1]} : vector<16xi32> to vector<1xi32>
    %squeeze3A_391 = vector.extract %slice3A_390[0] : i32 from vector<1xi32>
    %ge3A_392 = vector.broadcast %squeeze3A_389 : i32 to vector<16xi32>
    %ge3A_393 = arith.cmpi sge, %add3A_318, %ge3A_392 : vector<16xi32>
    %add3A_394 = arith.addi %squeeze3A_389, %squeeze3A_391 : i32
    %lt3A_395 = vector.broadcast %add3A_394 : i32 to vector<16xi32>
    %lt3A_396 = arith.cmpi slt, %add3A_318, %lt3A_395 : vector<16xi32>
    %and3A_397 = arith.andi %ge3A_393, %lt3A_396 : vector<16xi1>
    %jit3A_398 = arith.constant 4 : i32
    %broadcast_in_dim3A_399 = vector.broadcast %jit3A_398 : i32 to vector<16xi32>
    %select_n3A_400 = arith.select %and3A_397, %broadcast_in_dim3A_399, %select_n3A_383 : vector<16xi1>, vector<16xi32>
    %slice3A_401 = vector.extract_strided_slice %sub3A_312 {offsets = [4], sizes = [1], strides = [1]} : vector<16xi32> to vector<1xi32>
    %squeeze3A_402 = vector.extract %slice3A_401[0] : i32 from vector<1xi32>
    %broadcast_in_dim3A_403 = vector.broadcast %squeeze3A_402 : i32 to vector<16xi32>
    %select_n3A_404 = arith.select %and3A_397, %broadcast_in_dim3A_403, %select_n3A_387 : vector<16xi1>, vector<16xi32>
    %slice3A_405 = vector.extract_strided_slice %sub3A {offsets = [5], sizes = [1], strides = [1]} : vector<16xi32> to vector<1xi32>
    %squeeze3A_406 = vector.extract %slice3A_405[0] : i32 from vector<1xi32>
    %slice3A_407 = vector.extract_strided_slice %shift_right_arithmetic3A_295 {offsets = [5], sizes = [1], strides = [1]} : vector<16xi32> to vector<1xi32>
    %squeeze3A_408 = vector.extract %slice3A_407[0] : i32 from vector<1xi32>
    %ge3A_409 = vector.broadcast %squeeze3A_406 : i32 to vector<16xi32>
    %ge3A_410 = arith.cmpi sge, %add3A_318, %ge3A_409 : vector<16xi32>
    %add3A_411 = arith.addi %squeeze3A_406, %squeeze3A_408 : i32
    %lt3A_412 = vector.broadcast %add3A_411 : i32 to vector<16xi32>
    %lt3A_413 = arith.cmpi slt, %add3A_318, %lt3A_412 : vector<16xi32>
    %and3A_414 = arith.andi %ge3A_410, %lt3A_413 : vector<16xi1>
    %jit3A_415 = arith.constant 5 : i32
    %broadcast_in_dim3A_416 = vector.broadcast %jit3A_415 : i32 to vector<16xi32>
    %select_n3A_417 = arith.select %and3A_414, %broadcast_in_dim3A_416, %select_n3A_400 : vector<16xi1>, vector<16xi32>
    %slice3A_418 = vector.extract_strided_slice %sub3A_312 {offsets = [5], sizes = [1], strides = [1]} : vector<16xi32> to vector<1xi32>
    %squeeze3A_419 = vector.extract %slice3A_418[0] : i32 from vector<1xi32>
    %broadcast_in_dim3A_420 = vector.broadcast %squeeze3A_419 : i32 to vector<16xi32>
    %select_n3A_421 = arith.select %and3A_414, %broadcast_in_dim3A_420, %select_n3A_404 : vector<16xi1>, vector<16xi32>
    %slice3A_422 = vector.extract_strided_slice %sub3A {offsets = [6], sizes = [1], strides = [1]} : vector<16xi32> to vector<1xi32>
    %squeeze3A_423 = vector.extract %slice3A_422[0] : i32 from vector<1xi32>
    %slice3A_424 = vector.extract_strided_slice %shift_right_arithmetic3A_295 {offsets = [6], sizes = [1], strides = [1]} : vector<16xi32> to vector<1xi32>
    %squeeze3A_425 = vector.extract %slice3A_424[0] : i32 from vector<1xi32>
    %ge3A_426 = vector.broadcast %squeeze3A_423 : i32 to vector<16xi32>
    %ge3A_427 = arith.cmpi sge, %add3A_318, %ge3A_426 : vector<16xi32>
    %add3A_428 = arith.addi %squeeze3A_423, %squeeze3A_425 : i32
    %lt3A_429 = vector.broadcast %add3A_428 : i32 to vector<16xi32>
    %lt3A_430 = arith.cmpi slt, %add3A_318, %lt3A_429 : vector<16xi32>
    %and3A_431 = arith.andi %ge3A_427, %lt3A_430 : vector<16xi1>
    %jit3A_432 = arith.constant 6 : i32
    %broadcast_in_dim3A_433 = vector.broadcast %jit3A_432 : i32 to vector<16xi32>
    %select_n3A_434 = arith.select %and3A_431, %broadcast_in_dim3A_433, %select_n3A_417 : vector<16xi1>, vector<16xi32>
    %slice3A_435 = vector.extract_strided_slice %sub3A_312 {offsets = [6], sizes = [1], strides = [1]} : vector<16xi32> to vector<1xi32>
    %squeeze3A_436 = vector.extract %slice3A_435[0] : i32 from vector<1xi32>
    %broadcast_in_dim3A_437 = vector.broadcast %squeeze3A_436 : i32 to vector<16xi32>
    %select_n3A_438 = arith.select %and3A_431, %broadcast_in_dim3A_437, %select_n3A_421 : vector<16xi1>, vector<16xi32>
    %lt3A_439 = vector.broadcast %squeeze3A : i32 to vector<16xi32>
    %lt3A_440 = arith.cmpi slt, %add3A_318, %lt3A_439 : vector<16xi32>
    %jit3A_441 = arith.constant -1 : i32
    %broadcast_in_dim3A_442 = vector.broadcast %jit3A_441 : i32 to vector<16xi32>
    %select_n3A_443 = arith.select %lt3A_440, %select_n3A_434, %broadcast_in_dim3A_442 : vector<16xi1>, vector<16xi32>
    %lt3A_444 = vector.broadcast %squeeze3A : i32 to vector<16xi32>
    %lt3A_445 = arith.cmpi slt, %add3A_318, %lt3A_444 : vector<16xi32>
    %broadcast_in_dim3A_446 = vector.broadcast %squeeze3A_314 : i32 to vector<16xi32>
    %select_n3A_447 = arith.select %lt3A_445, %select_n3A_438, %broadcast_in_dim3A_446 : vector<16xi1>, vector<16xi32>
    %swap3A = arith.constant 0 : index
    %swap3A_448 = tpu.vector_load %arg14[%swap3A] {strides = array<i32>} : memref<48xi32, #tpu.memory_space<vmem>>, vector<16xi32>,
    tpu.vector_store %arg14[%swap3A], %select_n3A_443 {strides = array<i32>} : memref<48xi32, #tpu.memory_space<vmem>>, vector<16xi32>,
    %swap3A_449 = arith.constant 0 : index
    %swap3A_450 = tpu.vector_load %arg15[%swap3A_449] {strides = array<i32>} : memref<64xi32, #tpu.memory_space<vmem>>, vector<16xi32>,
    tpu.vector_store %arg15[%swap3A_449], %select_n3A_447 {strides = array<i32>} : memref<64xi32, #tpu.memory_space<vmem>>, vector<16xi32>,
    %iota3A_451 = tpu.iota {dimensions = array<i32: 0>} : vector<16xi32>
    %add3A_452 = arith.constant 16 : i32
    %add3A_453 = vector.broadcast %add3A_452 : i32 to vector<16xi32>
    %add3A_454 = arith.addi %iota3A_451, %add3A_453 : vector<16xi32>
    %broadcast_in_dim3A_455 = arith.constant 0 : i32
    %broadcast_in_dim3A_456 = vector.broadcast %broadcast_in_dim3A_455 : i32 to vector<16xi32>
    %broadcast_in_dim3A_457 = arith.constant 0 : i32
    %broadcast_in_dim3A_458 = vector.broadcast %broadcast_in_dim3A_457 : i32 to vector<16xi32>
    %slice3A_459 = vector.extract_strided_slice %sub3A {offsets = [0], sizes = [1], strides = [1]} : vector<16xi32> to vector<1xi32>
    %squeeze3A_460 = vector.extract %slice3A_459[0] : i32 from vector<1xi32>
    %slice3A_461 = vector.extract_strided_slice %shift_right_arithmetic3A_295 {offsets = [0], sizes = [1], strides = [1]} : vector<16xi32> to vector<1xi32>
    %squeeze3A_462 = vector.extract %slice3A_461[0] : i32 from vector<1xi32>
    %ge3A_463 = vector.broadcast %squeeze3A_460 : i32 to vector<16xi32>
    %ge3A_464 = arith.cmpi sge, %add3A_454, %ge3A_463 : vector<16xi32>
    %add3A_465 = arith.addi %squeeze3A_460, %squeeze3A_462 : i32
    %lt3A_466 = vector.broadcast %add3A_465 : i32 to vector<16xi32>
    %lt3A_467 = arith.cmpi slt, %add3A_454, %lt3A_466 : vector<16xi32>
    %and3A_468 = arith.andi %ge3A_464, %lt3A_467 : vector<16xi1>
    %jit3A_469 = arith.constant 0 : i32
    %broadcast_in_dim3A_470 = vector.broadcast %jit3A_469 : i32 to vector<16xi32>
    %select_n3A_471 = arith.select %and3A_468, %broadcast_in_dim3A_470, %broadcast_in_dim3A_456 : vector<16xi1>, vector<16xi32>
    %slice3A_472 = vector.extract_strided_slice %sub3A_312 {offsets = [0], sizes = [1], strides = [1]} : vector<16xi32> to vector<1xi32>
    %squeeze3A_473 = vector.extract %slice3A_472[0] : i32 from vector<1xi32>
    %broadcast_in_dim3A_474 = vector.broadcast %squeeze3A_473 : i32 to vector<16xi32>
    %select_n3A_475 = arith.select %and3A_468, %broadcast_in_dim3A_474, %broadcast_in_dim3A_458 : vector<16xi1>, vector<16xi32>
    %slice3A_476 = vector.extract_strided_slice %sub3A {offsets = [1], sizes = [1], strides = [1]} : vector<16xi32> to vector<1xi32>
    %squeeze3A_477 = vector.extract %slice3A_476[0] : i32 from vector<1xi32>
    %slice3A_478 = vector.extract_strided_slice %shift_right_arithmetic3A_295 {offsets = [1], sizes = [1], strides = [1]} : vector<16xi32> to vector<1xi32>
    %squeeze3A_479 = vector.extract %slice3A_478[0] : i32 from vector<1xi32>
    %ge3A_480 = vector.broadcast %squeeze3A_477 : i32 to vector<16xi32>
    %ge3A_481 = arith.cmpi sge, %add3A_454, %ge3A_480 : vector<16xi32>
    %add3A_482 = arith.addi %squeeze3A_477, %squeeze3A_479 : i32
    %lt3A_483 = vector.broadcast %add3A_482 : i32 to vector<16xi32>
    %lt3A_484 = arith.cmpi slt, %add3A_454, %lt3A_483 : vector<16xi32>
    %and3A_485 = arith.andi %ge3A_481, %lt3A_484 : vector<16xi1>
    %jit3A_486 = arith.constant 1 : i32
    %broadcast_in_dim3A_487 = vector.broadcast %jit3A_486 : i32 to vector<16xi32>
    %select_n3A_488 = arith.select %and3A_485, %broadcast_in_dim3A_487, %select_n3A_471 : vector<16xi1>, vector<16xi32>
    %slice3A_489 = vector.extract_strided_slice %sub3A_312 {offsets = [1], sizes = [1], strides = [1]} : vector<16xi32> to vector<1xi32>
    %squeeze3A_490 = vector.extract %slice3A_489[0] : i32 from vector<1xi32>
    %broadcast_in_dim3A_491 = vector.broadcast %squeeze3A_490 : i32 to vector<16xi32>
    %select_n3A_492 = arith.select %and3A_485, %broadcast_in_dim3A_491, %select_n3A_475 : vector<16xi1>, vector<16xi32>
    %slice3A_493 = vector.extract_strided_slice %sub3A {offsets = [2], sizes = [1], strides = [1]} : vector<16xi32> to vector<1xi32>
    %squeeze3A_494 = vector.extract %slice3A_493[0] : i32 from vector<1xi32>
    %slice3A_495 = vector.extract_strided_slice %shift_right_arithmetic3A_295 {offsets = [2], sizes = [1], strides = [1]} : vector<16xi32> to vector<1xi32>
    %squeeze3A_496 = vector.extract %slice3A_495[0] : i32 from vector<1xi32>
    %ge3A_497 = vector.broadcast %squeeze3A_494 : i32 to vector<16xi32>
    %ge3A_498 = arith.cmpi sge, %add3A_454, %ge3A_497 : vector<16xi32>
    %add3A_499 = arith.addi %squeeze3A_494, %squeeze3A_496 : i32
    %lt3A_500 = vector.broadcast %add3A_499 : i32 to vector<16xi32>
    %lt3A_501 = arith.cmpi slt, %add3A_454, %lt3A_500 : vector<16xi32>
    %and3A_502 = arith.andi %ge3A_498, %lt3A_501 : vector<16xi1>
    %jit3A_503 = arith.constant 2 : i32
    %broadcast_in_dim3A_504 = vector.broadcast %jit3A_503 : i32 to vector<16xi32>
    %select_n3A_505 = arith.select %and3A_502, %broadcast_in_dim3A_504, %select_n3A_488 : vector<16xi1>, vector<16xi32>
    %slice3A_506 = vector.extract_strided_slice %sub3A_312 {offsets = [2], sizes = [1], strides = [1]} : vector<16xi32> to vector<1xi32>
    %squeeze3A_507 = vector.extract %slice3A_506[0] : i32 from vector<1xi32>
    %broadcast_in_dim3A_508 = vector.broadcast %squeeze3A_507 : i32 to vector<16xi32>
    %select_n3A_509 = arith.select %and3A_502, %broadcast_in_dim3A_508, %select_n3A_492 : vector<16xi1>, vector<16xi32>
    %slice3A_510 = vector.extract_strided_slice %sub3A {offsets = [3], sizes = [1], strides = [1]} : vector<16xi32> to vector<1xi32>
    %squeeze3A_511 = vector.extract %slice3A_510[0] : i32 from vector<1xi32>
    %slice3A_512 = vector.extract_strided_slice %shift_right_arithmetic3A_295 {offsets = [3], sizes = [1], strides = [1]} : vector<16xi32> to vector<1xi32>
    %squeeze3A_513 = vector.extract %slice3A_512[0] : i32 from vector<1xi32>
    %ge3A_514 = vector.broadcast %squeeze3A_511 : i32 to vector<16xi32>
    %ge3A_515 = arith.cmpi sge, %add3A_454, %ge3A_514 : vector<16xi32>
    %add3A_516 = arith.addi %squeeze3A_511, %squeeze3A_513 : i32
    %lt3A_517 = vector.broadcast %add3A_516 : i32 to vector<16xi32>
    %lt3A_518 = arith.cmpi slt, %add3A_454, %lt3A_517 : vector<16xi32>
    %and3A_519 = arith.andi %ge3A_515, %lt3A_518 : vector<16xi1>
    %jit3A_520 = arith.constant 3 : i32
    %broadcast_in_dim3A_521 = vector.broadcast %jit3A_520 : i32 to vector<16xi32>
    %select_n3A_522 = arith.select %and3A_519, %broadcast_in_dim3A_521, %select_n3A_505 : vector<16xi1>, vector<16xi32>
    %slice3A_523 = vector.extract_strided_slice %sub3A_312 {offsets = [3], sizes = [1], strides = [1]} : vector<16xi32> to vector<1xi32>
    %squeeze3A_524 = vector.extract %slice3A_523[0] : i32 from vector<1xi32>
    %broadcast_in_dim3A_525 = vector.broadcast %squeeze3A_524 : i32 to vector<16xi32>
    %select_n3A_526 = arith.select %and3A_519, %broadcast_in_dim3A_525, %select_n3A_509 : vector<16xi1>, vector<16xi32>
    %slice3A_527 = vector.extract_strided_slice %sub3A {offsets = [4], sizes = [1], strides = [1]} : vector<16xi32> to vector<1xi32>
    %squeeze3A_528 = vector.extract %slice3A_527[0] : i32 from vector<1xi32>
    %slice3A_529 = vector.extract_strided_slice %shift_right_arithmetic3A_295 {offsets = [4], sizes = [1], strides = [1]} : vector<16xi32> to vector<1xi32>
    %squeeze3A_530 = vector.extract %slice3A_529[0] : i32 from vector<1xi32>
    %ge3A_531 = vector.broadcast %squeeze3A_528 : i32 to vector<16xi32>
    %ge3A_532 = arith.cmpi sge, %add3A_454, %ge3A_531 : vector<16xi32>
    %add3A_533 = arith.addi %squeeze3A_528, %squeeze3A_530 : i32
    %lt3A_534 = vector.broadcast %add3A_533 : i32 to vector<16xi32>
    %lt3A_535 = arith.cmpi slt, %add3A_454, %lt3A_534 : vector<16xi32>
    %and3A_536 = arith.andi %ge3A_532, %lt3A_535 : vector<16xi1>
    %jit3A_537 = arith.constant 4 : i32
    %broadcast_in_dim3A_538 = vector.broadcast %jit3A_537 : i32 to vector<16xi32>
    %select_n3A_539 = arith.select %and3A_536, %broadcast_in_dim3A_538, %select_n3A_522 : vector<16xi1>, vector<16xi32>
    %slice3A_540 = vector.extract_strided_slice %sub3A_312 {offsets = [4], sizes = [1], strides = [1]} : vector<16xi32> to vector<1xi32>
    %squeeze3A_541 = vector.extract %slice3A_540[0] : i32 from vector<1xi32>
    %broadcast_in_dim3A_542 = vector.broadcast %squeeze3A_541 : i32 to vector<16xi32>
    %select_n3A_543 = arith.select %and3A_536, %broadcast_in_dim3A_542, %select_n3A_526 : vector<16xi1>, vector<16xi32>
    %slice3A_544 = vector.extract_strided_slice %sub3A {offsets = [5], sizes = [1], strides = [1]} : vector<16xi32> to vector<1xi32>
    %squeeze3A_545 = vector.extract %slice3A_544[0] : i32 from vector<1xi32>
    %slice3A_546 = vector.extract_strided_slice %shift_right_arithmetic3A_295 {offsets = [5], sizes = [1], strides = [1]} : vector<16xi32> to vector<1xi32>
    %squeeze3A_547 = vector.extract %slice3A_546[0] : i32 from vector<1xi32>
    %ge3A_548 = vector.broadcast %squeeze3A_545 : i32 to vector<16xi32>
    %ge3A_549 = arith.cmpi sge, %add3A_454, %ge3A_548 : vector<16xi32>
    %add3A_550 = arith.addi %squeeze3A_545, %squeeze3A_547 : i32
    %lt3A_551 = vector.broadcast %add3A_550 : i32 to vector<16xi32>
    %lt3A_552 = arith.cmpi slt, %add3A_454, %lt3A_551 : vector<16xi32>
    %and3A_553 = arith.andi %ge3A_549, %lt3A_552 : vector<16xi1>
    %jit3A_554 = arith.constant 5 : i32
    %broadcast_in_dim3A_555 = vector.broadcast %jit3A_554 : i32 to vector<16xi32>
    %select_n3A_556 = arith.select %and3A_553, %broadcast_in_dim3A_555, %select_n3A_539 : vector<16xi1>, vector<16xi32>
    %slice3A_557 = vector.extract_strided_slice %sub3A_312 {offsets = [5], sizes = [1], strides = [1]} : vector<16xi32> to vector<1xi32>
    %squeeze3A_558 = vector.extract %slice3A_557[0] : i32 from vector<1xi32>
    %broadcast_in_dim3A_559 = vector.broadcast %squeeze3A_558 : i32 to vector<16xi32>
    %select_n3A_560 = arith.select %and3A_553, %broadcast_in_dim3A_559, %select_n3A_543 : vector<16xi1>, vector<16xi32>
    %slice3A_561 = vector.extract_strided_slice %sub3A {offsets = [6], sizes = [1], strides = [1]} : vector<16xi32> to vector<1xi32>
    %squeeze3A_562 = vector.extract %slice3A_561[0] : i32 from vector<1xi32>
    %slice3A_563 = vector.extract_strided_slice %shift_right_arithmetic3A_295 {offsets = [6], sizes = [1], strides = [1]} : vector<16xi32> to vector<1xi32>
    %squeeze3A_564 = vector.extract %slice3A_563[0] : i32 from vector<1xi32>
    %ge3A_565 = vector.broadcast %squeeze3A_562 : i32 to vector<16xi32>
    %ge3A_566 = arith.cmpi sge, %add3A_454, %ge3A_565 : vector<16xi32>
    %add3A_567 = arith.addi %squeeze3A_562, %squeeze3A_564 : i32
    %lt3A_568 = vector.broadcast %add3A_567 : i32 to vector<16xi32>
    %lt3A_569 = arith.cmpi slt, %add3A_454, %lt3A_568 : vector<16xi32>
    %and3A_570 = arith.andi %ge3A_566, %lt3A_569 : vector<16xi1>
    %jit3A_571 = arith.constant 6 : i32
    %broadcast_in_dim3A_572 = vector.broadcast %jit3A_571 : i32 to vector<16xi32>
    %select_n3A_573 = arith.select %and3A_570, %broadcast_in_dim3A_572, %select_n3A_556 : vector<16xi1>, vector<16xi32>
    %slice3A_574 = vector.extract_strided_slice %sub3A_312 {offsets = [6], sizes = [1], strides = [1]} : vector<16xi32> to vector<1xi32>
    %squeeze3A_575 = vector.extract %slice3A_574[0] : i32 from vector<1xi32>
    %broadcast_in_dim3A_576 = vector.broadcast %squeeze3A_575 : i32 to vector<16xi32>
    %select_n3A_577 = arith.select %and3A_570, %broadcast_in_dim3A_576, %select_n3A_560 : vector<16xi1>, vector<16xi32>
    %lt3A_578 = vector.broadcast %squeeze3A : i32 to vector<16xi32>
    %lt3A_579 = arith.cmpi slt, %add3A_454, %lt3A_578 : vector<16xi32>
    %jit3A_580 = arith.constant -1 : i32
    %broadcast_in_dim3A_581 = vector.broadcast %jit3A_580 : i32 to vector<16xi32>
    %select_n3A_582 = arith.select %lt3A_579, %select_n3A_573, %broadcast_in_dim3A_581 : vector<16xi1>, vector<16xi32>
    %lt3A_583 = vector.broadcast %squeeze3A : i32 to vector<16xi32>
    %lt3A_584 = arith.cmpi slt, %add3A_454, %lt3A_583 : vector<16xi32>
    %broadcast_in_dim3A_585 = vector.broadcast %squeeze3A_314 : i32 to vector<16xi32>
    %select_n3A_586 = arith.select %lt3A_584, %select_n3A_577, %broadcast_in_dim3A_585 : vector<16xi1>, vector<16xi32>
    %swap3A_587 = arith.constant 16 : index
    %swap3A_588 = tpu.vector_load %arg14[%swap3A_587] {strides = array<i32>} : memref<48xi32, #tpu.memory_space<vmem>>, vector<16xi32>,
    tpu.vector_store %arg14[%swap3A_587], %select_n3A_582 {strides = array<i32>} : memref<48xi32, #tpu.memory_space<vmem>>, vector<16xi32>,
    %swap3A_589 = arith.constant 16 : index
    %swap3A_590 = tpu.vector_load %arg15[%swap3A_589] {strides = array<i32>} : memref<64xi32, #tpu.memory_space<vmem>>, vector<16xi32>,
    tpu.vector_store %arg15[%swap3A_589], %select_n3A_586 {strides = array<i32>} : memref<64xi32, #tpu.memory_space<vmem>>, vector<16xi32>,
    %iota3A_591 = tpu.iota {dimensions = array<i32: 0>} : vector<16xi32>
    %add3A_592 = arith.constant 32 : i32
    %add3A_593 = vector.broadcast %add3A_592 : i32 to vector<16xi32>
    %add3A_594 = arith.addi %iota3A_591, %add3A_593 : vector<16xi32>
    %broadcast_in_dim3A_595 = arith.constant 0 : i32
    %broadcast_in_dim3A_596 = vector.broadcast %broadcast_in_dim3A_595 : i32 to vector<16xi32>
    %broadcast_in_dim3A_597 = arith.constant 0 : i32
    %broadcast_in_dim3A_598 = vector.broadcast %broadcast_in_dim3A_597 : i32 to vector<16xi32>
    %slice3A_599 = vector.extract_strided_slice %sub3A {offsets = [0], sizes = [1], strides = [1]} : vector<16xi32> to vector<1xi32>
    %squeeze3A_600 = vector.extract %slice3A_599[0] : i32 from vector<1xi32>
    %slice3A_601 = vector.extract_strided_slice %shift_right_arithmetic3A_295 {offsets = [0], sizes = [1], strides = [1]} : vector<16xi32> to vector<1xi32>
    %squeeze3A_602 = vector.extract %slice3A_601[0] : i32 from vector<1xi32>
    %ge3A_603 = vector.broadcast %squeeze3A_600 : i32 to vector<16xi32>
    %ge3A_604 = arith.cmpi sge, %add3A_594, %ge3A_603 : vector<16xi32>
    %add3A_605 = arith.addi %squeeze3A_600, %squeeze3A_602 : i32
    %lt3A_606 = vector.broadcast %add3A_605 : i32 to vector<16xi32>
    %lt3A_607 = arith.cmpi slt, %add3A_594, %lt3A_606 : vector<16xi32>
    %and3A_608 = arith.andi %ge3A_604, %lt3A_607 : vector<16xi1>
    %jit3A_609 = arith.constant 0 : i32
    %broadcast_in_dim3A_610 = vector.broadcast %jit3A_609 : i32 to vector<16xi32>
    %select_n3A_611 = arith.select %and3A_608, %broadcast_in_dim3A_610, %broadcast_in_dim3A_596 : vector<16xi1>, vector<16xi32>
    %slice3A_612 = vector.extract_strided_slice %sub3A_312 {offsets = [0], sizes = [1], strides = [1]} : vector<16xi32> to vector<1xi32>
    %squeeze3A_613 = vector.extract %slice3A_612[0] : i32 from vector<1xi32>
    %broadcast_in_dim3A_614 = vector.broadcast %squeeze3A_613 : i32 to vector<16xi32>
    %select_n3A_615 = arith.select %and3A_608, %broadcast_in_dim3A_614, %broadcast_in_dim3A_598 : vector<16xi1>, vector<16xi32>
    %slice3A_616 = vector.extract_strided_slice %sub3A {offsets = [1], sizes = [1], strides = [1]} : vector<16xi32> to vector<1xi32>
    %squeeze3A_617 = vector.extract %slice3A_616[0] : i32 from vector<1xi32>
    %slice3A_618 = vector.extract_strided_slice %shift_right_arithmetic3A_295 {offsets = [1], sizes = [1], strides = [1]} : vector<16xi32> to vector<1xi32>
    %squeeze3A_619 = vector.extract %slice3A_618[0] : i32 from vector<1xi32>
    %ge3A_620 = vector.broadcast %squeeze3A_617 : i32 to vector<16xi32>
    %ge3A_621 = arith.cmpi sge, %add3A_594, %ge3A_620 : vector<16xi32>
    %add3A_622 = arith.addi %squeeze3A_617, %squeeze3A_619 : i32
    %lt3A_623 = vector.broadcast %add3A_622 : i32 to vector<16xi32>
    %lt3A_624 = arith.cmpi slt, %add3A_594, %lt3A_623 : vector<16xi32>
    %and3A_625 = arith.andi %ge3A_621, %lt3A_624 : vector<16xi1>
    %jit3A_626 = arith.constant 1 : i32
    %broadcast_in_dim3A_627 = vector.broadcast %jit3A_626 : i32 to vector<16xi32>
    %select_n3A_628 = arith.select %and3A_625, %broadcast_in_dim3A_627, %select_n3A_611 : vector<16xi1>, vector<16xi32>
    %slice3A_629 = vector.extract_strided_slice %sub3A_312 {offsets = [1], sizes = [1], strides = [1]} : vector<16xi32> to vector<1xi32>
    %squeeze3A_630 = vector.extract %slice3A_629[0] : i32 from vector<1xi32>
    %broadcast_in_dim3A_631 = vector.broadcast %squeeze3A_630 : i32 to vector<16xi32>
    %select_n3A_632 = arith.select %and3A_625, %broadcast_in_dim3A_631, %select_n3A_615 : vector<16xi1>, vector<16xi32>
    %slice3A_633 = vector.extract_strided_slice %sub3A {offsets = [2], sizes = [1], strides = [1]} : vector<16xi32> to vector<1xi32>
    %squeeze3A_634 = vector.extract %slice3A_633[0] : i32 from vector<1xi32>
    %slice3A_635 = vector.extract_strided_slice %shift_right_arithmetic3A_295 {offsets = [2], sizes = [1], strides = [1]} : vector<16xi32> to vector<1xi32>
    %squeeze3A_636 = vector.extract %slice3A_635[0] : i32 from vector<1xi32>
    %ge3A_637 = vector.broadcast %squeeze3A_634 : i32 to vector<16xi32>
    %ge3A_638 = arith.cmpi sge, %add3A_594, %ge3A_637 : vector<16xi32>
    %add3A_639 = arith.addi %squeeze3A_634, %squeeze3A_636 : i32
    %lt3A_640 = vector.broadcast %add3A_639 : i32 to vector<16xi32>
    %lt3A_641 = arith.cmpi slt, %add3A_594, %lt3A_640 : vector<16xi32>
    %and3A_642 = arith.andi %ge3A_638, %lt3A_641 : vector<16xi1>
    %jit3A_643 = arith.constant 2 : i32
    %broadcast_in_dim3A_644 = vector.broadcast %jit3A_643 : i32 to vector<16xi32>
    %select_n3A_645 = arith.select %and3A_642, %broadcast_in_dim3A_644, %select_n3A_628 : vector<16xi1>, vector<16xi32>
    %slice3A_646 = vector.extract_strided_slice %sub3A_312 {offsets = [2], sizes = [1], strides = [1]} : vector<16xi32> to vector<1xi32>
    %squeeze3A_647 = vector.extract %slice3A_646[0] : i32 from vector<1xi32>
    %broadcast_in_dim3A_648 = vector.broadcast %squeeze3A_647 : i32 to vector<16xi32>
    %select_n3A_649 = arith.select %and3A_642, %broadcast_in_dim3A_648, %select_n3A_632 : vector<16xi1>, vector<16xi32>
    %slice3A_650 = vector.extract_strided_slice %sub3A {offsets = [3], sizes = [1], strides = [1]} : vector<16xi32> to vector<1xi32>
    %squeeze3A_651 = vector.extract %slice3A_650[0] : i32 from vector<1xi32>
    %slice3A_652 = vector.extract_strided_slice %shift_right_arithmetic3A_295 {offsets = [3], sizes = [1], strides = [1]} : vector<16xi32> to vector<1xi32>
    %squeeze3A_653 = vector.extract %slice3A_652[0] : i32 from vector<1xi32>
    %ge3A_654 = vector.broadcast %squeeze3A_651 : i32 to vector<16xi32>
    %ge3A_655 = arith.cmpi sge, %add3A_594, %ge3A_654 : vector<16xi32>
    %add3A_656 = arith.addi %squeeze3A_651, %squeeze3A_653 : i32
    %lt3A_657 = vector.broadcast %add3A_656 : i32 to vector<16xi32>
    %lt3A_658 = arith.cmpi slt, %add3A_594, %lt3A_657 : vector<16xi32>
    %and3A_659 = arith.andi %ge3A_655, %lt3A_658 : vector<16xi1>
    %jit3A_660 = arith.constant 3 : i32
    %broadcast_in_dim3A_661 = vector.broadcast %jit3A_660 : i32 to vector<16xi32>
    %select_n3A_662 = arith.select %and3A_659, %broadcast_in_dim3A_661, %select_n3A_645 : vector<16xi1>, vector<16xi32>
    %slice3A_663 = vector.extract_strided_slice %sub3A_312 {offsets = [3], sizes = [1], strides = [1]} : vector<16xi32> to vector<1xi32>
    %squeeze3A_664 = vector.extract %slice3A_663[0] : i32 from vector<1xi32>
    %broadcast_in_dim3A_665 = vector.broadcast %squeeze3A_664 : i32 to vector<16xi32>
    %select_n3A_666 = arith.select %and3A_659, %broadcast_in_dim3A_665, %select_n3A_649 : vector<16xi1>, vector<16xi32>
    %slice3A_667 = vector.extract_strided_slice %sub3A {offsets = [4], sizes = [1], strides = [1]} : vector<16xi32> to vector<1xi32>
    %squeeze3A_668 = vector.extract %slice3A_667[0] : i32 from vector<1xi32>
    %slice3A_669 = vector.extract_strided_slice %shift_right_arithmetic3A_295 {offsets = [4], sizes = [1], strides = [1]} : vector<16xi32> to vector<1xi32>
    %squeeze3A_670 = vector.extract %slice3A_669[0] : i32 from vector<1xi32>
    %ge3A_671 = vector.broadcast %squeeze3A_668 : i32 to vector<16xi32>
    %ge3A_672 = arith.cmpi sge, %add3A_594, %ge3A_671 : vector<16xi32>
    %add3A_673 = arith.addi %squeeze3A_668, %squeeze3A_670 : i32
    %lt3A_674 = vector.broadcast %add3A_673 : i32 to vector<16xi32>
    %lt3A_675 = arith.cmpi slt, %add3A_594, %lt3A_674 : vector<16xi32>
    %and3A_676 = arith.andi %ge3A_672, %lt3A_675 : vector<16xi1>
    %jit3A_677 = arith.constant 4 : i32
    %broadcast_in_dim3A_678 = vector.broadcast %jit3A_677 : i32 to vector<16xi32>
    %select_n3A_679 = arith.select %and3A_676, %broadcast_in_dim3A_678, %select_n3A_662 : vector<16xi1>, vector<16xi32>
    %slice3A_680 = vector.extract_strided_slice %sub3A_312 {offsets = [4], sizes = [1], strides = [1]} : vector<16xi32> to vector<1xi32>
    %squeeze3A_681 = vector.extract %slice3A_680[0] : i32 from vector<1xi32>
    %broadcast_in_dim3A_682 = vector.broadcast %squeeze3A_681 : i32 to vector<16xi32>
    %select_n3A_683 = arith.select %and3A_676, %broadcast_in_dim3A_682, %select_n3A_666 : vector<16xi1>, vector<16xi32>
    %slice3A_684 = vector.extract_strided_slice %sub3A {offsets = [5], sizes = [1], strides = [1]} : vector<16xi32> to vector<1xi32>
    %squeeze3A_685 = vector.extract %slice3A_684[0] : i32 from vector<1xi32>
    %slice3A_686 = vector.extract_strided_slice %shift_right_arithmetic3A_295 {offsets = [5], sizes = [1], strides = [1]} : vector<16xi32> to vector<1xi32>
    %squeeze3A_687 = vector.extract %slice3A_686[0] : i32 from vector<1xi32>
    %ge3A_688 = vector.broadcast %squeeze3A_685 : i32 to vector<16xi32>
    %ge3A_689 = arith.cmpi sge, %add3A_594, %ge3A_688 : vector<16xi32>
    %add3A_690 = arith.addi %squeeze3A_685, %squeeze3A_687 : i32
    %lt3A_691 = vector.broadcast %add3A_690 : i32 to vector<16xi32>
    %lt3A_692 = arith.cmpi slt, %add3A_594, %lt3A_691 : vector<16xi32>
    %and3A_693 = arith.andi %ge3A_689, %lt3A_692 : vector<16xi1>
    %jit3A_694 = arith.constant 5 : i32
    %broadcast_in_dim3A_695 = vector.broadcast %jit3A_694 : i32 to vector<16xi32>
    %select_n3A_696 = arith.select %and3A_693, %broadcast_in_dim3A_695, %select_n3A_679 : vector<16xi1>, vector<16xi32>
    %slice3A_697 = vector.extract_strided_slice %sub3A_312 {offsets = [5], sizes = [1], strides = [1]} : vector<16xi32> to vector<1xi32>
    %squeeze3A_698 = vector.extract %slice3A_697[0] : i32 from vector<1xi32>
    %broadcast_in_dim3A_699 = vector.broadcast %squeeze3A_698 : i32 to vector<16xi32>
    %select_n3A_700 = arith.select %and3A_693, %broadcast_in_dim3A_699, %select_n3A_683 : vector<16xi1>, vector<16xi32>
    %slice3A_701 = vector.extract_strided_slice %sub3A {offsets = [6], sizes = [1], strides = [1]} : vector<16xi32> to vector<1xi32>
    %squeeze3A_702 = vector.extract %slice3A_701[0] : i32 from vector<1xi32>
    %slice3A_703 = vector.extract_strided_slice %shift_right_arithmetic3A_295 {offsets = [6], sizes = [1], strides = [1]} : vector<16xi32> to vector<1xi32>
    %squeeze3A_704 = vector.extract %slice3A_703[0] : i32 from vector<1xi32>
    %ge3A_705 = vector.broadcast %squeeze3A_702 : i32 to vector<16xi32>
    %ge3A_706 = arith.cmpi sge, %add3A_594, %ge3A_705 : vector<16xi32>
    %add3A_707 = arith.addi %squeeze3A_702, %squeeze3A_704 : i32
    %lt3A_708 = vector.broadcast %add3A_707 : i32 to vector<16xi32>
    %lt3A_709 = arith.cmpi slt, %add3A_594, %lt3A_708 : vector<16xi32>
    %and3A_710 = arith.andi %ge3A_706, %lt3A_709 : vector<16xi1>
    %jit3A_711 = arith.constant 6 : i32
    %broadcast_in_dim3A_712 = vector.broadcast %jit3A_711 : i32 to vector<16xi32>
    %select_n3A_713 = arith.select %and3A_710, %broadcast_in_dim3A_712, %select_n3A_696 : vector<16xi1>, vector<16xi32>
    %slice3A_714 = vector.extract_strided_slice %sub3A_312 {offsets = [6], sizes = [1], strides = [1]} : vector<16xi32> to vector<1xi32>
    %squeeze3A_715 = vector.extract %slice3A_714[0] : i32 from vector<1xi32>
    %broadcast_in_dim3A_716 = vector.broadcast %squeeze3A_715 : i32 to vector<16xi32>
    %select_n3A_717 = arith.select %and3A_710, %broadcast_in_dim3A_716, %select_n3A_700 : vector<16xi1>, vector<16xi32>
    %lt3A_718 = vector.broadcast %squeeze3A : i32 to vector<16xi32>
    %lt3A_719 = arith.cmpi slt, %add3A_594, %lt3A_718 : vector<16xi32>
    %jit3A_720 = arith.constant -1 : i32
    %broadcast_in_dim3A_721 = vector.broadcast %jit3A_720 : i32 to vector<16xi32>
    %select_n3A_722 = arith.select %lt3A_719, %select_n3A_713, %broadcast_in_dim3A_721 : vector<16xi1>, vector<16xi32>
    %lt3A_723 = vector.broadcast %squeeze3A : i32 to vector<16xi32>
    %lt3A_724 = arith.cmpi slt, %add3A_594, %lt3A_723 : vector<16xi32>
    %broadcast_in_dim3A_725 = vector.broadcast %squeeze3A_314 : i32 to vector<16xi32>
    %select_n3A_726 = arith.select %lt3A_724, %select_n3A_717, %broadcast_in_dim3A_725 : vector<16xi1>, vector<16xi32>
    %swap3A_727 = arith.constant 32 : index
    %swap3A_728 = tpu.vector_load %arg14[%swap3A_727] {strides = array<i32>} : memref<48xi32, #tpu.memory_space<vmem>>, vector<16xi32>,
    tpu.vector_store %arg14[%swap3A_727], %select_n3A_722 {strides = array<i32>} : memref<48xi32, #tpu.memory_space<vmem>>, vector<16xi32>,
    %swap3A_729 = arith.constant 32 : index
    %swap3A_730 = tpu.vector_load %arg15[%swap3A_729] {strides = array<i32>} : memref<64xi32, #tpu.memory_space<vmem>>, vector<16xi32>,
    tpu.vector_store %arg15[%swap3A_729], %select_n3A_726 {strides = array<i32>} : memref<64xi32, #tpu.memory_space<vmem>>, vector<16xi32>,
    %broadcast_in_dim3A_731 = arith.constant 0 : i32
    %broadcast_in_dim3A_732 = vector.broadcast %broadcast_in_dim3A_731 : i32 to vector<16xi32>
    %slice3A_733 = vector.extract_strided_slice %select_n3A_308 {offsets = [0], sizes = [1], strides = [1]} : vector<16xi32> to vector<1xi32>
    %squeeze3A_734 = vector.extract %slice3A_733[0] : i32 from vector<1xi32>
    %gt3A_735 = arith.constant 0 : i32
    %gt3A_736 = arith.cmpi sgt, %squeeze3A_734, %gt3A_735 : i32
    %slice3A_737 = vector.extract_strided_slice %sub3A_312 {offsets = [0], sizes = [1], strides = [1]} : vector<16xi32> to vector<1xi32>
    %squeeze3A_738 = vector.extract %slice3A_737[0] : i32 from vector<1xi32>
    %eq3A = vector.broadcast %squeeze3A_738 : i32 to vector<16xi32>
    %eq3A_739 = arith.cmpi eq, %iota3A, %eq3A : vector<16xi32>
    %and3A_740 = vector.broadcast %gt3A_736 : i1 to vector<16xi1>
    %and3A_741 = arith.andi %and3A_740, %eq3A_739 : vector<16xi1>
    %jit3A_742 = arith.constant 0 : i32
    %broadcast_in_dim3A_743 = vector.broadcast %jit3A_742 : i32 to vector<16xi32>
    %select_n3A_744 = arith.select %and3A_741, %broadcast_in_dim3A_743, %broadcast_in_dim3A_732 : vector<16xi1>, vector<16xi32>
    %slice3A_745 = vector.extract_strided_slice %select_n3A_308 {offsets = [1], sizes = [1], strides = [1]} : vector<16xi32> to vector<1xi32>
    %squeeze3A_746 = vector.extract %slice3A_745[0] : i32 from vector<1xi32>
    %gt3A_747 = arith.constant 0 : i32
    %gt3A_748 = arith.cmpi sgt, %squeeze3A_746, %gt3A_747 : i32
    %slice3A_749 = vector.extract_strided_slice %sub3A_312 {offsets = [1], sizes = [1], strides = [1]} : vector<16xi32> to vector<1xi32>
    %squeeze3A_750 = vector.extract %slice3A_749[0] : i32 from vector<1xi32>
    %eq3A_751 = vector.broadcast %squeeze3A_750 : i32 to vector<16xi32>
    %eq3A_752 = arith.cmpi eq, %iota3A, %eq3A_751 : vector<16xi32>
    %and3A_753 = vector.broadcast %gt3A_748 : i1 to vector<16xi1>
    %and3A_754 = arith.andi %and3A_753, %eq3A_752 : vector<16xi1>
    %jit3A_755 = arith.constant 1 : i32
    %broadcast_in_dim3A_756 = vector.broadcast %jit3A_755 : i32 to vector<16xi32>
    %select_n3A_757 = arith.select %and3A_754, %broadcast_in_dim3A_756, %select_n3A_744 : vector<16xi1>, vector<16xi32>
    %slice3A_758 = vector.extract_strided_slice %select_n3A_308 {offsets = [2], sizes = [1], strides = [1]} : vector<16xi32> to vector<1xi32>
    %squeeze3A_759 = vector.extract %slice3A_758[0] : i32 from vector<1xi32>
    %gt3A_760 = arith.constant 0 : i32
    %gt3A_761 = arith.cmpi sgt, %squeeze3A_759, %gt3A_760 : i32
    %slice3A_762 = vector.extract_strided_slice %sub3A_312 {offsets = [2], sizes = [1], strides = [1]} : vector<16xi32> to vector<1xi32>
    %squeeze3A_763 = vector.extract %slice3A_762[0] : i32 from vector<1xi32>
    %eq3A_764 = vector.broadcast %squeeze3A_763 : i32 to vector<16xi32>
    %eq3A_765 = arith.cmpi eq, %iota3A, %eq3A_764 : vector<16xi32>
    %and3A_766 = vector.broadcast %gt3A_761 : i1 to vector<16xi1>
    %and3A_767 = arith.andi %and3A_766, %eq3A_765 : vector<16xi1>
    %jit3A_768 = arith.constant 2 : i32
    %broadcast_in_dim3A_769 = vector.broadcast %jit3A_768 : i32 to vector<16xi32>
    %select_n3A_770 = arith.select %and3A_767, %broadcast_in_dim3A_769, %select_n3A_757 : vector<16xi1>, vector<16xi32>
    %slice3A_771 = vector.extract_strided_slice %select_n3A_308 {offsets = [3], sizes = [1], strides = [1]} : vector<16xi32> to vector<1xi32>
    %squeeze3A_772 = vector.extract %slice3A_771[0] : i32 from vector<1xi32>
    %gt3A_773 = arith.constant 0 : i32
    %gt3A_774 = arith.cmpi sgt, %squeeze3A_772, %gt3A_773 : i32
    %slice3A_775 = vector.extract_strided_slice %sub3A_312 {offsets = [3], sizes = [1], strides = [1]} : vector<16xi32> to vector<1xi32>
    %squeeze3A_776 = vector.extract %slice3A_775[0] : i32 from vector<1xi32>
    %eq3A_777 = vector.broadcast %squeeze3A_776 : i32 to vector<16xi32>
    %eq3A_778 = arith.cmpi eq, %iota3A, %eq3A_777 : vector<16xi32>
    %and3A_779 = vector.broadcast %gt3A_774 : i1 to vector<16xi1>
    %and3A_780 = arith.andi %and3A_779, %eq3A_778 : vector<16xi1>
    %jit3A_781 = arith.constant 3 : i32
    %broadcast_in_dim3A_782 = vector.broadcast %jit3A_781 : i32 to vector<16xi32>
    %select_n3A_783 = arith.select %and3A_780, %broadcast_in_dim3A_782, %select_n3A_770 : vector<16xi1>, vector<16xi32>
    %slice3A_784 = vector.extract_strided_slice %select_n3A_308 {offsets = [4], sizes = [1], strides = [1]} : vector<16xi32> to vector<1xi32>
    %squeeze3A_785 = vector.extract %slice3A_784[0] : i32 from vector<1xi32>
    %gt3A_786 = arith.constant 0 : i32
    %gt3A_787 = arith.cmpi sgt, %squeeze3A_785, %gt3A_786 : i32
    %slice3A_788 = vector.extract_strided_slice %sub3A_312 {offsets = [4], sizes = [1], strides = [1]} : vector<16xi32> to vector<1xi32>
    %squeeze3A_789 = vector.extract %slice3A_788[0] : i32 from vector<1xi32>
    %eq3A_790 = vector.broadcast %squeeze3A_789 : i32 to vector<16xi32>
    %eq3A_791 = arith.cmpi eq, %iota3A, %eq3A_790 : vector<16xi32>
    %and3A_792 = vector.broadcast %gt3A_787 : i1 to vector<16xi1>
    %and3A_793 = arith.andi %and3A_792, %eq3A_791 : vector<16xi1>
    %jit3A_794 = arith.constant 4 : i32
    %broadcast_in_dim3A_795 = vector.broadcast %jit3A_794 : i32 to vector<16xi32>
    %select_n3A_796 = arith.select %and3A_793, %broadcast_in_dim3A_795, %select_n3A_783 : vector<16xi1>, vector<16xi32>
    %slice3A_797 = vector.extract_strided_slice %select_n3A_308 {offsets = [5], sizes = [1], strides = [1]} : vector<16xi32> to vector<1xi32>
    %squeeze3A_798 = vector.extract %slice3A_797[0] : i32 from vector<1xi32>
    %gt3A_799 = arith.constant 0 : i32
    %gt3A_800 = arith.cmpi sgt, %squeeze3A_798, %gt3A_799 : i32
    %slice3A_801 = vector.extract_strided_slice %sub3A_312 {offsets = [5], sizes = [1], strides = [1]} : vector<16xi32> to vector<1xi32>
    %squeeze3A_802 = vector.extract %slice3A_801[0] : i32 from vector<1xi32>
    %eq3A_803 = vector.broadcast %squeeze3A_802 : i32 to vector<16xi32>
    %eq3A_804 = arith.cmpi eq, %iota3A, %eq3A_803 : vector<16xi32>
    %and3A_805 = vector.broadcast %gt3A_800 : i1 to vector<16xi1>
    %and3A_806 = arith.andi %and3A_805, %eq3A_804 : vector<16xi1>
    %jit3A_807 = arith.constant 5 : i32
    %broadcast_in_dim3A_808 = vector.broadcast %jit3A_807 : i32 to vector<16xi32>
    %select_n3A_809 = arith.select %and3A_806, %broadcast_in_dim3A_808, %select_n3A_796 : vector<16xi1>, vector<16xi32>
    %slice3A_810 = vector.extract_strided_slice %select_n3A_308 {offsets = [6], sizes = [1], strides = [1]} : vector<16xi32> to vector<1xi32>
    %squeeze3A_811 = vector.extract %slice3A_810[0] : i32 from vector<1xi32>
    %gt3A_812 = arith.constant 0 : i32
    %gt3A_813 = arith.cmpi sgt, %squeeze3A_811, %gt3A_812 : i32
    %slice3A_814 = vector.extract_strided_slice %sub3A_312 {offsets = [6], sizes = [1], strides = [1]} : vector<16xi32> to vector<1xi32>
    %squeeze3A_815 = vector.extract %slice3A_814[0] : i32 from vector<1xi32>
    %eq3A_816 = vector.broadcast %squeeze3A_815 : i32 to vector<16xi32>
    %eq3A_817 = arith.cmpi eq, %iota3A, %eq3A_816 : vector<16xi32>
    %and3A_818 = vector.broadcast %gt3A_813 : i1 to vector<16xi1>
    %and3A_819 = arith.andi %and3A_818, %eq3A_817 : vector<16xi1>
    %jit3A_820 = arith.constant 6 : i32
    %broadcast_in_dim3A_821 = vector.broadcast %jit3A_820 : i32 to vector<16xi32>
    %select_n3A_822 = arith.select %and3A_819, %broadcast_in_dim3A_821, %select_n3A_809 : vector<16xi1>, vector<16xi32>
    %eq3A_823 = arith.constant 15 : i32
    %eq3A_824 = vector.broadcast %eq3A_823 : i32 to vector<16xi32>
    %eq3A_825 = arith.cmpi eq, %iota3A, %eq3A_824 : vector<16xi32>
    %broadcast_in_dim3A_826 = vector.broadcast %squeeze3A_314 : i32 to vector<16xi32>
    %select_n3A_827 = arith.select %eq3A_825, %broadcast_in_dim3A_826, %select_n3A_822 : vector<16xi1>, vector<16xi32>
    %swap3A_828 = arith.constant 48 : index
    %swap3A_829 = tpu.vector_load %arg15[%swap3A_828] {strides = array<i32>} : memref<64xi32, #tpu.memory_space<vmem>>, vector<16xi32>,
    tpu.vector_store %arg15[%swap3A_828], %select_n3A_827 {strides = array<i32>} : memref<64xi32, #tpu.memory_space<vmem>>, vector<16xi32>,
    %eq3A_830 = arith.constant 0 : i32
    %eq3A_831 = arith.cmpi eq, %add3A, %eq3A_830 : i32
    %convert_element_type3A = arith.extui %eq3A_831 : i1 to i32
    %cond3A = arith.constant 0 : i32
    %cond3A_832 = arith.cmpi ne, %convert_element_type3A, %cond3A : i32
    scf.if %cond3A_832 {
      "tpu.region"() ({
        %run_scoped3A = tpu.sem_alloc : memref<!tpu.dma_semaphore, #tpu.memory_space<semaphore_mem>>
        tpu.enqueue_dma source(%arg14 : memref<48xi32, #tpu.memory_space<vmem>>) target(%arg7 : memref<48xi32, #tpu.memory_space<hbm>>) target_semaphore(%run_scoped3A : memref<!tpu.dma_semaphore, #tpu.memory_space<semaphore_mem>>)
        tpu.wait_dma2 semaphore(%run_scoped3A : memref<!tpu.dma_semaphore, #tpu.memory_space<semaphore_mem>>) src(%arg14 : memref<48xi32, #tpu.memory_space<vmem>>) dst(%arg7 : memref<48xi32, #tpu.memory_space<hbm>>)
        tpu.yield
      }) : () -> ()
      "tpu.region"() ({
        %run_scoped3A = tpu.sem_alloc : memref<!tpu.dma_semaphore, #tpu.memory_space<semaphore_mem>>
        tpu.enqueue_dma source(%arg15 : memref<64xi32, #tpu.memory_space<vmem>>) target(%arg8 : memref<64xi32, #tpu.memory_space<hbm>>) target_semaphore(%run_scoped3A : memref<!tpu.dma_semaphore, #tpu.memory_space<semaphore_mem>>)
        tpu.wait_dma2 semaphore(%run_scoped3A : memref<!tpu.dma_semaphore, #tpu.memory_space<semaphore_mem>>) src(%arg15 : memref<64xi32, #tpu.memory_space<vmem>>) dst(%arg8 : memref<64xi32, #tpu.memory_space<hbm>>)
        tpu.yield
      }) : () -> ()
    } else {
    }
    %get3A_833 = arith.constant 0 : index
    %get3A_834 = tpu.vector_load %arg12[%get3A_833] {strides = array<i32>} : memref<128xi32, #tpu.memory_space<vmem>>, vector<16xi32>,
    %broadcast_in_dim3A_835 = arith.constant 0 : i32
    %broadcast_in_dim3A_836 = vector.broadcast %broadcast_in_dim3A_835 : i32 to vector<16xi32>
    %eq3A_837 = arith.constant 0 : i32
    %eq3A_838 = vector.broadcast %eq3A_837 : i32 to vector<16xi32>
    %eq3A_839 = arith.cmpi eq, %get3A_834, %eq3A_838 : vector<16xi32>
    %jit3A_840 = arith.constant 1 : i32
    %jit3A_841 = arith.constant 0 : i32
    %broadcast_in_dim3A_842 = vector.broadcast %jit3A_840 : i32 to vector<16xi32>
    %broadcast_in_dim3A_843 = vector.broadcast %jit3A_841 : i32 to vector<16xi32>
    %select_n3A_844 = arith.select %eq3A_839, %broadcast_in_dim3A_842, %broadcast_in_dim3A_843 : vector<16xi1>, vector<16xi32>
    %broadcast_in_dim3A_845 = arith.constant true
    %broadcast_in_dim3A_846 = vector.broadcast %broadcast_in_dim3A_845 : i1 to vector<16xi1>
    %masked_cumsum3A_847 = tpu.scan <sum>, %select_n3A_844 masked %broadcast_in_dim3A_846 : vector<16xi32>, vector<16xi1> -> vector<16xi32>
    %slice3A_848 = vector.extract_strided_slice %add3A_301 {offsets = [0], sizes = [1], strides = [1]} : vector<16xi32> to vector<1xi32>
    %squeeze3A_849 = vector.extract %slice3A_848[0] : i32 from vector<1xi32>
    %add3A_850 = vector.broadcast %squeeze3A_849 : i32 to vector<16xi32>
    %add3A_851 = arith.addi %add3A_850, %masked_cumsum3A_847 : vector<16xi32>
    %sub3A_852 = arith.constant 1 : i32
    %sub3A_853 = vector.broadcast %sub3A_852 : i32 to vector<16xi32>
    %sub3A_854 = arith.subi %add3A_851, %sub3A_853 : vector<16xi32>
    %select_n3A_855 = arith.select %eq3A_839, %sub3A_854, %broadcast_in_dim3A_836 : vector<16xi1>, vector<16xi32>
    %eq3A_856 = arith.constant 0 : i32
    %eq3A_857 = vector.broadcast %eq3A_856 : i32 to vector<16xi32>
    %eq3A_858 = arith.cmpi eq, %iota3A, %eq3A_857 : vector<16xi32>
    %slice3A_859 = vector.extract_strided_slice %masked_cumsum3A_847 {offsets = [15], sizes = [1], strides = [1]} : vector<16xi32> to vector<1xi32>
    %squeeze3A_860 = vector.extract %slice3A_859[0] : i32 from vector<1xi32>
    %jit3A_861 = arith.constant 0 : i32
    %broadcast_in_dim3A_862 = vector.broadcast %squeeze3A_860 : i32 to vector<16xi32>
    %broadcast_in_dim3A_863 = vector.broadcast %jit3A_861 : i32 to vector<16xi32>
    %select_n3A_864 = arith.select %eq3A_858, %broadcast_in_dim3A_862, %broadcast_in_dim3A_863 : vector<16xi1>, vector<16xi32>
    %add3A_865 = arith.addi %add3A_301, %select_n3A_864 : vector<16xi32>
    %eq3A_866 = arith.constant 1 : i32
    %eq3A_867 = vector.broadcast %eq3A_866 : i32 to vector<16xi32>
    %eq3A_868 = arith.cmpi eq, %get3A_834, %eq3A_867 : vector<16xi32>
    %jit3A_869 = arith.constant 1 : i32
    %jit3A_870 = arith.constant 0 : i32
    %broadcast_in_dim3A_871 = vector.broadcast %jit3A_869 : i32 to vector<16xi32>
    %broadcast_in_dim3A_872 = vector.broadcast %jit3A_870 : i32 to vector<16xi32>
    %select_n3A_873 = arith.select %eq3A_868, %broadcast_in_dim3A_871, %broadcast_in_dim3A_872 : vector<16xi1>, vector<16xi32>
    %broadcast_in_dim3A_874 = arith.constant true
    %broadcast_in_dim3A_875 = vector.broadcast %broadcast_in_dim3A_874 : i1 to vector<16xi1>
    %masked_cumsum3A_876 = tpu.scan <sum>, %select_n3A_873 masked %broadcast_in_dim3A_875 : vector<16xi32>, vector<16xi1> -> vector<16xi32>
    %slice3A_877 = vector.extract_strided_slice %add3A_865 {offsets = [1], sizes = [1], strides = [1]} : vector<16xi32> to vector<1xi32>
    %squeeze3A_878 = vector.extract %slice3A_877[0] : i32 from vector<1xi32>
    %add3A_879 = vector.broadcast %squeeze3A_878 : i32 to vector<16xi32>
    %add3A_880 = arith.addi %add3A_879, %masked_cumsum3A_876 : vector<16xi32>
    %sub3A_881 = arith.constant 1 : i32
    %sub3A_882 = vector.broadcast %sub3A_881 : i32 to vector<16xi32>
    %sub3A_883 = arith.subi %add3A_880, %sub3A_882 : vector<16xi32>
    %select_n3A_884 = arith.select %eq3A_868, %sub3A_883, %select_n3A_855 : vector<16xi1>, vector<16xi32>
    %eq3A_885 = arith.constant 1 : i32
    %eq3A_886 = vector.broadcast %eq3A_885 : i32 to vector<16xi32>
    %eq3A_887 = arith.cmpi eq, %iota3A, %eq3A_886 : vector<16xi32>
    %slice3A_888 = vector.extract_strided_slice %masked_cumsum3A_876 {offsets = [15], sizes = [1], strides = [1]} : vector<16xi32> to vector<1xi32>
    %squeeze3A_889 = vector.extract %slice3A_888[0] : i32 from vector<1xi32>
    %jit3A_890 = arith.constant 0 : i32
    %broadcast_in_dim3A_891 = vector.broadcast %squeeze3A_889 : i32 to vector<16xi32>
    %broadcast_in_dim3A_892 = vector.broadcast %jit3A_890 : i32 to vector<16xi32>
    %select_n3A_893 = arith.select %eq3A_887, %broadcast_in_dim3A_891, %broadcast_in_dim3A_892 : vector<16xi1>, vector<16xi32>
    %add3A_894 = arith.addi %add3A_865, %select_n3A_893 : vector<16xi32>
    %eq3A_895 = arith.constant 2 : i32
    %eq3A_896 = vector.broadcast %eq3A_895 : i32 to vector<16xi32>
    %eq3A_897 = arith.cmpi eq, %get3A_834, %eq3A_896 : vector<16xi32>
    %jit3A_898 = arith.constant 1 : i32
    %jit3A_899 = arith.constant 0 : i32
    %broadcast_in_dim3A_900 = vector.broadcast %jit3A_898 : i32 to vector<16xi32>
    %broadcast_in_dim3A_901 = vector.broadcast %jit3A_899 : i32 to vector<16xi32>
    %select_n3A_902 = arith.select %eq3A_897, %broadcast_in_dim3A_900, %broadcast_in_dim3A_901 : vector<16xi1>, vector<16xi32>
    %broadcast_in_dim3A_903 = arith.constant true
    %broadcast_in_dim3A_904 = vector.broadcast %broadcast_in_dim3A_903 : i1 to vector<16xi1>
    %masked_cumsum3A_905 = tpu.scan <sum>, %select_n3A_902 masked %broadcast_in_dim3A_904 : vector<16xi32>, vector<16xi1> -> vector<16xi32>
    %slice3A_906 = vector.extract_strided_slice %add3A_894 {offsets = [2], sizes = [1], strides = [1]} : vector<16xi32> to vector<1xi32>
    %squeeze3A_907 = vector.extract %slice3A_906[0] : i32 from vector<1xi32>
    %add3A_908 = vector.broadcast %squeeze3A_907 : i32 to vector<16xi32>
    %add3A_909 = arith.addi %add3A_908, %masked_cumsum3A_905 : vector<16xi32>
    %sub3A_910 = arith.constant 1 : i32
    %sub3A_911 = vector.broadcast %sub3A_910 : i32 to vector<16xi32>
    %sub3A_912 = arith.subi %add3A_909, %sub3A_911 : vector<16xi32>
    %select_n3A_913 = arith.select %eq3A_897, %sub3A_912, %select_n3A_884 : vector<16xi1>, vector<16xi32>
    %eq3A_914 = arith.constant 2 : i32
    %eq3A_915 = vector.broadcast %eq3A_914 : i32 to vector<16xi32>
    %eq3A_916 = arith.cmpi eq, %iota3A, %eq3A_915 : vector<16xi32>
    %slice3A_917 = vector.extract_strided_slice %masked_cumsum3A_905 {offsets = [15], sizes = [1], strides = [1]} : vector<16xi32> to vector<1xi32>
    %squeeze3A_918 = vector.extract %slice3A_917[0] : i32 from vector<1xi32>
    %jit3A_919 = arith.constant 0 : i32
    %broadcast_in_dim3A_920 = vector.broadcast %squeeze3A_918 : i32 to vector<16xi32>
    %broadcast_in_dim3A_921 = vector.broadcast %jit3A_919 : i32 to vector<16xi32>
    %select_n3A_922 = arith.select %eq3A_916, %broadcast_in_dim3A_920, %broadcast_in_dim3A_921 : vector<16xi1>, vector<16xi32>
    %add3A_923 = arith.addi %add3A_894, %select_n3A_922 : vector<16xi32>
    %eq3A_924 = arith.constant 3 : i32
    %eq3A_925 = vector.broadcast %eq3A_924 : i32 to vector<16xi32>
    %eq3A_926 = arith.cmpi eq, %get3A_834, %eq3A_925 : vector<16xi32>
    %jit3A_927 = arith.constant 1 : i32
    %jit3A_928 = arith.constant 0 : i32
    %broadcast_in_dim3A_929 = vector.broadcast %jit3A_927 : i32 to vector<16xi32>
    %broadcast_in_dim3A_930 = vector.broadcast %jit3A_928 : i32 to vector<16xi32>
    %select_n3A_931 = arith.select %eq3A_926, %broadcast_in_dim3A_929, %broadcast_in_dim3A_930 : vector<16xi1>, vector<16xi32>
    %broadcast_in_dim3A_932 = arith.constant true
    %broadcast_in_dim3A_933 = vector.broadcast %broadcast_in_dim3A_932 : i1 to vector<16xi1>
    %masked_cumsum3A_934 = tpu.scan <sum>, %select_n3A_931 masked %broadcast_in_dim3A_933 : vector<16xi32>, vector<16xi1> -> vector<16xi32>
    %slice3A_935 = vector.extract_strided_slice %add3A_923 {offsets = [3], sizes = [1], strides = [1]} : vector<16xi32> to vector<1xi32>
    %squeeze3A_936 = vector.extract %slice3A_935[0] : i32 from vector<1xi32>
    %add3A_937 = vector.broadcast %squeeze3A_936 : i32 to vector<16xi32>
    %add3A_938 = arith.addi %add3A_937, %masked_cumsum3A_934 : vector<16xi32>
    %sub3A_939 = arith.constant 1 : i32
    %sub3A_940 = vector.broadcast %sub3A_939 : i32 to vector<16xi32>
    %sub3A_941 = arith.subi %add3A_938, %sub3A_940 : vector<16xi32>
    %select_n3A_942 = arith.select %eq3A_926, %sub3A_941, %select_n3A_913 : vector<16xi1>, vector<16xi32>
    %eq3A_943 = arith.constant 3 : i32
    %eq3A_944 = vector.broadcast %eq3A_943 : i32 to vector<16xi32>
    %eq3A_945 = arith.cmpi eq, %iota3A, %eq3A_944 : vector<16xi32>
    %slice3A_946 = vector.extract_strided_slice %masked_cumsum3A_934 {offsets = [15], sizes = [1], strides = [1]} : vector<16xi32> to vector<1xi32>
    %squeeze3A_947 = vector.extract %slice3A_946[0] : i32 from vector<1xi32>
    %jit3A_948 = arith.constant 0 : i32
    %broadcast_in_dim3A_949 = vector.broadcast %squeeze3A_947 : i32 to vector<16xi32>
    %broadcast_in_dim3A_950 = vector.broadcast %jit3A_948 : i32 to vector<16xi32>
    %select_n3A_951 = arith.select %eq3A_945, %broadcast_in_dim3A_949, %broadcast_in_dim3A_950 : vector<16xi1>, vector<16xi32>
    %add3A_952 = arith.addi %add3A_923, %select_n3A_951 : vector<16xi32>
    %eq3A_953 = arith.constant 4 : i32
    %eq3A_954 = vector.broadcast %eq3A_953 : i32 to vector<16xi32>
    %eq3A_955 = arith.cmpi eq, %get3A_834, %eq3A_954 : vector<16xi32>
    %jit3A_956 = arith.constant 1 : i32
    %jit3A_957 = arith.constant 0 : i32
    %broadcast_in_dim3A_958 = vector.broadcast %jit3A_956 : i32 to vector<16xi32>
    %broadcast_in_dim3A_959 = vector.broadcast %jit3A_957 : i32 to vector<16xi32>
    %select_n3A_960 = arith.select %eq3A_955, %broadcast_in_dim3A_958, %broadcast_in_dim3A_959 : vector<16xi1>, vector<16xi32>
    %broadcast_in_dim3A_961 = arith.constant true
    %broadcast_in_dim3A_962 = vector.broadcast %broadcast_in_dim3A_961 : i1 to vector<16xi1>
    %masked_cumsum3A_963 = tpu.scan <sum>, %select_n3A_960 masked %broadcast_in_dim3A_962 : vector<16xi32>, vector<16xi1> -> vector<16xi32>
    %slice3A_964 = vector.extract_strided_slice %add3A_952 {offsets = [4], sizes = [1], strides = [1]} : vector<16xi32> to vector<1xi32>
    %squeeze3A_965 = vector.extract %slice3A_964[0] : i32 from vector<1xi32>
    %add3A_966 = vector.broadcast %squeeze3A_965 : i32 to vector<16xi32>
    %add3A_967 = arith.addi %add3A_966, %masked_cumsum3A_963 : vector<16xi32>
    %sub3A_968 = arith.constant 1 : i32
    %sub3A_969 = vector.broadcast %sub3A_968 : i32 to vector<16xi32>
    %sub3A_970 = arith.subi %add3A_967, %sub3A_969 : vector<16xi32>
    %select_n3A_971 = arith.select %eq3A_955, %sub3A_970, %select_n3A_942 : vector<16xi1>, vector<16xi32>
    %eq3A_972 = arith.constant 4 : i32
    %eq3A_973 = vector.broadcast %eq3A_972 : i32 to vector<16xi32>
    %eq3A_974 = arith.cmpi eq, %iota3A, %eq3A_973 : vector<16xi32>
    %slice3A_975 = vector.extract_strided_slice %masked_cumsum3A_963 {offsets = [15], sizes = [1], strides = [1]} : vector<16xi32> to vector<1xi32>
    %squeeze3A_976 = vector.extract %slice3A_975[0] : i32 from vector<1xi32>
    %jit3A_977 = arith.constant 0 : i32
    %broadcast_in_dim3A_978 = vector.broadcast %squeeze3A_976 : i32 to vector<16xi32>
    %broadcast_in_dim3A_979 = vector.broadcast %jit3A_977 : i32 to vector<16xi32>
    %select_n3A_980 = arith.select %eq3A_974, %broadcast_in_dim3A_978, %broadcast_in_dim3A_979 : vector<16xi1>, vector<16xi32>
    %add3A_981 = arith.addi %add3A_952, %select_n3A_980 : vector<16xi32>
    %eq3A_982 = arith.constant 5 : i32
    %eq3A_983 = vector.broadcast %eq3A_982 : i32 to vector<16xi32>
    %eq3A_984 = arith.cmpi eq, %get3A_834, %eq3A_983 : vector<16xi32>
    %jit3A_985 = arith.constant 1 : i32
    %jit3A_986 = arith.constant 0 : i32
    %broadcast_in_dim3A_987 = vector.broadcast %jit3A_985 : i32 to vector<16xi32>
    %broadcast_in_dim3A_988 = vector.broadcast %jit3A_986 : i32 to vector<16xi32>
    %select_n3A_989 = arith.select %eq3A_984, %broadcast_in_dim3A_987, %broadcast_in_dim3A_988 : vector<16xi1>, vector<16xi32>
    %broadcast_in_dim3A_990 = arith.constant true
    %broadcast_in_dim3A_991 = vector.broadcast %broadcast_in_dim3A_990 : i1 to vector<16xi1>
    %masked_cumsum3A_992 = tpu.scan <sum>, %select_n3A_989 masked %broadcast_in_dim3A_991 : vector<16xi32>, vector<16xi1> -> vector<16xi32>
    %slice3A_993 = vector.extract_strided_slice %add3A_981 {offsets = [5], sizes = [1], strides = [1]} : vector<16xi32> to vector<1xi32>
    %squeeze3A_994 = vector.extract %slice3A_993[0] : i32 from vector<1xi32>
    %add3A_995 = vector.broadcast %squeeze3A_994 : i32 to vector<16xi32>
    %add3A_996 = arith.addi %add3A_995, %masked_cumsum3A_992 : vector<16xi32>
    %sub3A_997 = arith.constant 1 : i32
    %sub3A_998 = vector.broadcast %sub3A_997 : i32 to vector<16xi32>
    %sub3A_999 = arith.subi %add3A_996, %sub3A_998 : vector<16xi32>
    %select_n3A_1000 = arith.select %eq3A_984, %sub3A_999, %select_n3A_971 : vector<16xi1>, vector<16xi32>
    %eq3A_1001 = arith.constant 5 : i32
    %eq3A_1002 = vector.broadcast %eq3A_1001 : i32 to vector<16xi32>
    %eq3A_1003 = arith.cmpi eq, %iota3A, %eq3A_1002 : vector<16xi32>
    %slice3A_1004 = vector.extract_strided_slice %masked_cumsum3A_992 {offsets = [15], sizes = [1], strides = [1]} : vector<16xi32> to vector<1xi32>
    %squeeze3A_1005 = vector.extract %slice3A_1004[0] : i32 from vector<1xi32>
    %jit3A_1006 = arith.constant 0 : i32
    %broadcast_in_dim3A_1007 = vector.broadcast %squeeze3A_1005 : i32 to vector<16xi32>
    %broadcast_in_dim3A_1008 = vector.broadcast %jit3A_1006 : i32 to vector<16xi32>
    %select_n3A_1009 = arith.select %eq3A_1003, %broadcast_in_dim3A_1007, %broadcast_in_dim3A_1008 : vector<16xi1>, vector<16xi32>
    %add3A_1010 = arith.addi %add3A_981, %select_n3A_1009 : vector<16xi32>
    %eq3A_1011 = arith.constant 6 : i32
    %eq3A_1012 = vector.broadcast %eq3A_1011 : i32 to vector<16xi32>
    %eq3A_1013 = arith.cmpi eq, %get3A_834, %eq3A_1012 : vector<16xi32>
    %jit3A_1014 = arith.constant 1 : i32
    %jit3A_1015 = arith.constant 0 : i32
    %broadcast_in_dim3A_1016 = vector.broadcast %jit3A_1014 : i32 to vector<16xi32>
    %broadcast_in_dim3A_1017 = vector.broadcast %jit3A_1015 : i32 to vector<16xi32>
    %select_n3A_1018 = arith.select %eq3A_1013, %broadcast_in_dim3A_1016, %broadcast_in_dim3A_1017 : vector<16xi1>, vector<16xi32>
    %broadcast_in_dim3A_1019 = arith.constant true
    %broadcast_in_dim3A_1020 = vector.broadcast %broadcast_in_dim3A_1019 : i1 to vector<16xi1>
    %masked_cumsum3A_1021 = tpu.scan <sum>, %select_n3A_1018 masked %broadcast_in_dim3A_1020 : vector<16xi32>, vector<16xi1> -> vector<16xi32>
    %slice3A_1022 = vector.extract_strided_slice %add3A_1010 {offsets = [6], sizes = [1], strides = [1]} : vector<16xi32> to vector<1xi32>
    %squeeze3A_1023 = vector.extract %slice3A_1022[0] : i32 from vector<1xi32>
    %add3A_1024 = vector.broadcast %squeeze3A_1023 : i32 to vector<16xi32>
    %add3A_1025 = arith.addi %add3A_1024, %masked_cumsum3A_1021 : vector<16xi32>
    %sub3A_1026 = arith.constant 1 : i32
    %sub3A_1027 = vector.broadcast %sub3A_1026 : i32 to vector<16xi32>
    %sub3A_1028 = arith.subi %add3A_1025, %sub3A_1027 : vector<16xi32>
    %select_n3A_1029 = arith.select %eq3A_1013, %sub3A_1028, %select_n3A_1000 : vector<16xi1>, vector<16xi32>
    %eq3A_1030 = arith.constant 6 : i32
    %eq3A_1031 = vector.broadcast %eq3A_1030 : i32 to vector<16xi32>
    %eq3A_1032 = arith.cmpi eq, %iota3A, %eq3A_1031 : vector<16xi32>
    %slice3A_1033 = vector.extract_strided_slice %masked_cumsum3A_1021 {offsets = [15], sizes = [1], strides = [1]} : vector<16xi32> to vector<1xi32>
    %squeeze3A_1034 = vector.extract %slice3A_1033[0] : i32 from vector<1xi32>
    %jit3A_1035 = arith.constant 0 : i32
    %broadcast_in_dim3A_1036 = vector.broadcast %squeeze3A_1034 : i32 to vector<16xi32>
    %broadcast_in_dim3A_1037 = vector.broadcast %jit3A_1035 : i32 to vector<16xi32>
    %select_n3A_1038 = arith.select %eq3A_1032, %broadcast_in_dim3A_1036, %broadcast_in_dim3A_1037 : vector<16xi1>, vector<16xi32>
    %add3A_1039 = arith.addi %add3A_1010, %select_n3A_1038 : vector<16xi32>
    %swap3A_1040 = arith.constant 0 : index
    %swap3A_1041 = tpu.vector_load %arg16[%swap3A_1040] {strides = array<i32>} : memref<128xi32, #tpu.memory_space<vmem>>, vector<16xi32>,
    tpu.vector_store %arg16[%swap3A_1040], %select_n3A_1029 {strides = array<i32>} : memref<128xi32, #tpu.memory_space<vmem>>, vector<16xi32>,
    %swap3A_1042 = arith.constant 0 : index
    %swap3A_1043 = tpu.vector_load %arg17[%swap3A_1042] {strides = array<i32>} : memref<64xi32, #tpu.memory_space<vmem>>, vector<16xi32>,
    tpu.vector_store %arg17[%swap3A_1042], %select_n3A_1029 {strides = array<i32>} : memref<64xi32, #tpu.memory_space<vmem>>, vector<16xi32>,
    %get3A_1044 = arith.constant 16 : index
    %get3A_1045 = tpu.vector_load %arg12[%get3A_1044] {strides = array<i32>} : memref<128xi32, #tpu.memory_space<vmem>>, vector<16xi32>,
    %broadcast_in_dim3A_1046 = arith.constant 0 : i32
    %broadcast_in_dim3A_1047 = vector.broadcast %broadcast_in_dim3A_1046 : i32 to vector<16xi32>
    %eq3A_1048 = arith.constant 0 : i32
    %eq3A_1049 = vector.broadcast %eq3A_1048 : i32 to vector<16xi32>
    %eq3A_1050 = arith.cmpi eq, %get3A_1045, %eq3A_1049 : vector<16xi32>
    %jit3A_1051 = arith.constant 1 : i32
    %jit3A_1052 = arith.constant 0 : i32
    %broadcast_in_dim3A_1053 = vector.broadcast %jit3A_1051 : i32 to vector<16xi32>
    %broadcast_in_dim3A_1054 = vector.broadcast %jit3A_1052 : i32 to vector<16xi32>
    %select_n3A_1055 = arith.select %eq3A_1050, %broadcast_in_dim3A_1053, %broadcast_in_dim3A_1054 : vector<16xi1>, vector<16xi32>
    %broadcast_in_dim3A_1056 = arith.constant true
    %broadcast_in_dim3A_1057 = vector.broadcast %broadcast_in_dim3A_1056 : i1 to vector<16xi1>
    %masked_cumsum3A_1058 = tpu.scan <sum>, %select_n3A_1055 masked %broadcast_in_dim3A_1057 : vector<16xi32>, vector<16xi1> -> vector<16xi32>
    %slice3A_1059 = vector.extract_strided_slice %add3A_1039 {offsets = [0], sizes = [1], strides = [1]} : vector<16xi32> to vector<1xi32>
    %squeeze3A_1060 = vector.extract %slice3A_1059[0] : i32 from vector<1xi32>
    %add3A_1061 = vector.broadcast %squeeze3A_1060 : i32 to vector<16xi32>
    %add3A_1062 = arith.addi %add3A_1061, %masked_cumsum3A_1058 : vector<16xi32>
    %sub3A_1063 = arith.constant 1 : i32
    %sub3A_1064 = vector.broadcast %sub3A_1063 : i32 to vector<16xi32>
    %sub3A_1065 = arith.subi %add3A_1062, %sub3A_1064 : vector<16xi32>
    %select_n3A_1066 = arith.select %eq3A_1050, %sub3A_1065, %broadcast_in_dim3A_1047 : vector<16xi1>, vector<16xi32>
    %eq3A_1067 = arith.constant 0 : i32
    %eq3A_1068 = vector.broadcast %eq3A_1067 : i32 to vector<16xi32>
    %eq3A_1069 = arith.cmpi eq, %iota3A, %eq3A_1068 : vector<16xi32>
    %slice3A_1070 = vector.extract_strided_slice %masked_cumsum3A_1058 {offsets = [15], sizes = [1], strides = [1]} : vector<16xi32> to vector<1xi32>
    %squeeze3A_1071 = vector.extract %slice3A_1070[0] : i32 from vector<1xi32>
    %jit3A_1072 = arith.constant 0 : i32
    %broadcast_in_dim3A_1073 = vector.broadcast %squeeze3A_1071 : i32 to vector<16xi32>
    %broadcast_in_dim3A_1074 = vector.broadcast %jit3A_1072 : i32 to vector<16xi32>
    %select_n3A_1075 = arith.select %eq3A_1069, %broadcast_in_dim3A_1073, %broadcast_in_dim3A_1074 : vector<16xi1>, vector<16xi32>
    %add3A_1076 = arith.addi %add3A_1039, %select_n3A_1075 : vector<16xi32>
    %eq3A_1077 = arith.constant 1 : i32
    %eq3A_1078 = vector.broadcast %eq3A_1077 : i32 to vector<16xi32>
    %eq3A_1079 = arith.cmpi eq, %get3A_1045, %eq3A_1078 : vector<16xi32>
    %jit3A_1080 = arith.constant 1 : i32
    %jit3A_1081 = arith.constant 0 : i32
    %broadcast_in_dim3A_1082 = vector.broadcast %jit3A_1080 : i32 to vector<16xi32>
    %broadcast_in_dim3A_1083 = vector.broadcast %jit3A_1081 : i32 to vector<16xi32>
    %select_n3A_1084 = arith.select %eq3A_1079, %broadcast_in_dim3A_1082, %broadcast_in_dim3A_1083 : vector<16xi1>, vector<16xi32>
    %broadcast_in_dim3A_1085 = arith.constant true
    %broadcast_in_dim3A_1086 = vector.broadcast %broadcast_in_dim3A_1085 : i1 to vector<16xi1>
    %masked_cumsum3A_1087 = tpu.scan <sum>, %select_n3A_1084 masked %broadcast_in_dim3A_1086 : vector<16xi32>, vector<16xi1> -> vector<16xi32>
    %slice3A_1088 = vector.extract_strided_slice %add3A_1076 {offsets = [1], sizes = [1], strides = [1]} : vector<16xi32> to vector<1xi32>
    %squeeze3A_1089 = vector.extract %slice3A_1088[0] : i32 from vector<1xi32>
    %add3A_1090 = vector.broadcast %squeeze3A_1089 : i32 to vector<16xi32>
    %add3A_1091 = arith.addi %add3A_1090, %masked_cumsum3A_1087 : vector<16xi32>
    %sub3A_1092 = arith.constant 1 : i32
    %sub3A_1093 = vector.broadcast %sub3A_1092 : i32 to vector<16xi32>
    %sub3A_1094 = arith.subi %add3A_1091, %sub3A_1093 : vector<16xi32>
    %select_n3A_1095 = arith.select %eq3A_1079, %sub3A_1094, %select_n3A_1066 : vector<16xi1>, vector<16xi32>
    %eq3A_1096 = arith.constant 1 : i32
    %eq3A_1097 = vector.broadcast %eq3A_1096 : i32 to vector<16xi32>
    %eq3A_1098 = arith.cmpi eq, %iota3A, %eq3A_1097 : vector<16xi32>
    %slice3A_1099 = vector.extract_strided_slice %masked_cumsum3A_1087 {offsets = [15], sizes = [1], strides = [1]} : vector<16xi32> to vector<1xi32>
    %squeeze3A_1100 = vector.extract %slice3A_1099[0] : i32 from vector<1xi32>
    %jit3A_1101 = arith.constant 0 : i32
    %broadcast_in_dim3A_1102 = vector.broadcast %squeeze3A_1100 : i32 to vector<16xi32>
    %broadcast_in_dim3A_1103 = vector.broadcast %jit3A_1101 : i32 to vector<16xi32>
    %select_n3A_1104 = arith.select %eq3A_1098, %broadcast_in_dim3A_1102, %broadcast_in_dim3A_1103 : vector<16xi1>, vector<16xi32>
    %add3A_1105 = arith.addi %add3A_1076, %select_n3A_1104 : vector<16xi32>
    %eq3A_1106 = arith.constant 2 : i32
    %eq3A_1107 = vector.broadcast %eq3A_1106 : i32 to vector<16xi32>
    %eq3A_1108 = arith.cmpi eq, %get3A_1045, %eq3A_1107 : vector<16xi32>
    %jit3A_1109 = arith.constant 1 : i32
    %jit3A_1110 = arith.constant 0 : i32
    %broadcast_in_dim3A_1111 = vector.broadcast %jit3A_1109 : i32 to vector<16xi32>
    %broadcast_in_dim3A_1112 = vector.broadcast %jit3A_1110 : i32 to vector<16xi32>
    %select_n3A_1113 = arith.select %eq3A_1108, %broadcast_in_dim3A_1111, %broadcast_in_dim3A_1112 : vector<16xi1>, vector<16xi32>
    %broadcast_in_dim3A_1114 = arith.constant true
    %broadcast_in_dim3A_1115 = vector.broadcast %broadcast_in_dim3A_1114 : i1 to vector<16xi1>
    %masked_cumsum3A_1116 = tpu.scan <sum>, %select_n3A_1113 masked %broadcast_in_dim3A_1115 : vector<16xi32>, vector<16xi1> -> vector<16xi32>
    %slice3A_1117 = vector.extract_strided_slice %add3A_1105 {offsets = [2], sizes = [1], strides = [1]} : vector<16xi32> to vector<1xi32>
    %squeeze3A_1118 = vector.extract %slice3A_1117[0] : i32 from vector<1xi32>
    %add3A_1119 = vector.broadcast %squeeze3A_1118 : i32 to vector<16xi32>
    %add3A_1120 = arith.addi %add3A_1119, %masked_cumsum3A_1116 : vector<16xi32>
    %sub3A_1121 = arith.constant 1 : i32
    %sub3A_1122 = vector.broadcast %sub3A_1121 : i32 to vector<16xi32>
    %sub3A_1123 = arith.subi %add3A_1120, %sub3A_1122 : vector<16xi32>
    %select_n3A_1124 = arith.select %eq3A_1108, %sub3A_1123, %select_n3A_1095 : vector<16xi1>, vector<16xi32>
    %eq3A_1125 = arith.constant 2 : i32
    %eq3A_1126 = vector.broadcast %eq3A_1125 : i32 to vector<16xi32>
    %eq3A_1127 = arith.cmpi eq, %iota3A, %eq3A_1126 : vector<16xi32>
    %slice3A_1128 = vector.extract_strided_slice %masked_cumsum3A_1116 {offsets = [15], sizes = [1], strides = [1]} : vector<16xi32> to vector<1xi32>
    %squeeze3A_1129 = vector.extract %slice3A_1128[0] : i32 from vector<1xi32>
    %jit3A_1130 = arith.constant 0 : i32
    %broadcast_in_dim3A_1131 = vector.broadcast %squeeze3A_1129 : i32 to vector<16xi32>
    %broadcast_in_dim3A_1132 = vector.broadcast %jit3A_1130 : i32 to vector<16xi32>
    %select_n3A_1133 = arith.select %eq3A_1127, %broadcast_in_dim3A_1131, %broadcast_in_dim3A_1132 : vector<16xi1>, vector<16xi32>
    %add3A_1134 = arith.addi %add3A_1105, %select_n3A_1133 : vector<16xi32>
    %eq3A_1135 = arith.constant 3 : i32
    %eq3A_1136 = vector.broadcast %eq3A_1135 : i32 to vector<16xi32>
    %eq3A_1137 = arith.cmpi eq, %get3A_1045, %eq3A_1136 : vector<16xi32>
    %jit3A_1138 = arith.constant 1 : i32
    %jit3A_1139 = arith.constant 0 : i32
    %broadcast_in_dim3A_1140 = vector.broadcast %jit3A_1138 : i32 to vector<16xi32>
    %broadcast_in_dim3A_1141 = vector.broadcast %jit3A_1139 : i32 to vector<16xi32>
    %select_n3A_1142 = arith.select %eq3A_1137, %broadcast_in_dim3A_1140, %broadcast_in_dim3A_1141 : vector<16xi1>, vector<16xi32>
    %broadcast_in_dim3A_1143 = arith.constant true
    %broadcast_in_dim3A_1144 = vector.broadcast %broadcast_in_dim3A_1143 : i1 to vector<16xi1>
    %masked_cumsum3A_1145 = tpu.scan <sum>, %select_n3A_1142 masked %broadcast_in_dim3A_1144 : vector<16xi32>, vector<16xi1> -> vector<16xi32>
    %slice3A_1146 = vector.extract_strided_slice %add3A_1134 {offsets = [3], sizes = [1], strides = [1]} : vector<16xi32> to vector<1xi32>
    %squeeze3A_1147 = vector.extract %slice3A_1146[0] : i32 from vector<1xi32>
    %add3A_1148 = vector.broadcast %squeeze3A_1147 : i32 to vector<16xi32>
    %add3A_1149 = arith.addi %add3A_1148, %masked_cumsum3A_1145 : vector<16xi32>
    %sub3A_1150 = arith.constant 1 : i32
    %sub3A_1151 = vector.broadcast %sub3A_1150 : i32 to vector<16xi32>
    %sub3A_1152 = arith.subi %add3A_1149, %sub3A_1151 : vector<16xi32>
    %select_n3A_1153 = arith.select %eq3A_1137, %sub3A_1152, %select_n3A_1124 : vector<16xi1>, vector<16xi32>
    %eq3A_1154 = arith.constant 3 : i32
    %eq3A_1155 = vector.broadcast %eq3A_1154 : i32 to vector<16xi32>
    %eq3A_1156 = arith.cmpi eq, %iota3A, %eq3A_1155 : vector<16xi32>
    %slice3A_1157 = vector.extract_strided_slice %masked_cumsum3A_1145 {offsets = [15], sizes = [1], strides = [1]} : vector<16xi32> to vector<1xi32>
    %squeeze3A_1158 = vector.extract %slice3A_1157[0] : i32 from vector<1xi32>
    %jit3A_1159 = arith.constant 0 : i32
    %broadcast_in_dim3A_1160 = vector.broadcast %squeeze3A_1158 : i32 to vector<16xi32>
    %broadcast_in_dim3A_1161 = vector.broadcast %jit3A_1159 : i32 to vector<16xi32>
    %select_n3A_1162 = arith.select %eq3A_1156, %broadcast_in_dim3A_1160, %broadcast_in_dim3A_1161 : vector<16xi1>, vector<16xi32>
    %add3A_1163 = arith.addi %add3A_1134, %select_n3A_1162 : vector<16xi32>
    %eq3A_1164 = arith.constant 4 : i32
    %eq3A_1165 = vector.broadcast %eq3A_1164 : i32 to vector<16xi32>
    %eq3A_1166 = arith.cmpi eq, %get3A_1045, %eq3A_1165 : vector<16xi32>
    %jit3A_1167 = arith.constant 1 : i32
    %jit3A_1168 = arith.constant 0 : i32
    %broadcast_in_dim3A_1169 = vector.broadcast %jit3A_1167 : i32 to vector<16xi32>
    %broadcast_in_dim3A_1170 = vector.broadcast %jit3A_1168 : i32 to vector<16xi32>
    %select_n3A_1171 = arith.select %eq3A_1166, %broadcast_in_dim3A_1169, %broadcast_in_dim3A_1170 : vector<16xi1>, vector<16xi32>
    %broadcast_in_dim3A_1172 = arith.constant true
    %broadcast_in_dim3A_1173 = vector.broadcast %broadcast_in_dim3A_1172 : i1 to vector<16xi1>
    %masked_cumsum3A_1174 = tpu.scan <sum>, %select_n3A_1171 masked %broadcast_in_dim3A_1173 : vector<16xi32>, vector<16xi1> -> vector<16xi32>
    %slice3A_1175 = vector.extract_strided_slice %add3A_1163 {offsets = [4], sizes = [1], strides = [1]} : vector<16xi32> to vector<1xi32>
    %squeeze3A_1176 = vector.extract %slice3A_1175[0] : i32 from vector<1xi32>
    %add3A_1177 = vector.broadcast %squeeze3A_1176 : i32 to vector<16xi32>
    %add3A_1178 = arith.addi %add3A_1177, %masked_cumsum3A_1174 : vector<16xi32>
    %sub3A_1179 = arith.constant 1 : i32
    %sub3A_1180 = vector.broadcast %sub3A_1179 : i32 to vector<16xi32>
    %sub3A_1181 = arith.subi %add3A_1178, %sub3A_1180 : vector<16xi32>
    %select_n3A_1182 = arith.select %eq3A_1166, %sub3A_1181, %select_n3A_1153 : vector<16xi1>, vector<16xi32>
    %eq3A_1183 = arith.constant 4 : i32
    %eq3A_1184 = vector.broadcast %eq3A_1183 : i32 to vector<16xi32>
    %eq3A_1185 = arith.cmpi eq, %iota3A, %eq3A_1184 : vector<16xi32>
    %slice3A_1186 = vector.extract_strided_slice %masked_cumsum3A_1174 {offsets = [15], sizes = [1], strides = [1]} : vector<16xi32> to vector<1xi32>
    %squeeze3A_1187 = vector.extract %slice3A_1186[0] : i32 from vector<1xi32>
    %jit3A_1188 = arith.constant 0 : i32
    %broadcast_in_dim3A_1189 = vector.broadcast %squeeze3A_1187 : i32 to vector<16xi32>
    %broadcast_in_dim3A_1190 = vector.broadcast %jit3A_1188 : i32 to vector<16xi32>
    %select_n3A_1191 = arith.select %eq3A_1185, %broadcast_in_dim3A_1189, %broadcast_in_dim3A_1190 : vector<16xi1>, vector<16xi32>
    %add3A_1192 = arith.addi %add3A_1163, %select_n3A_1191 : vector<16xi32>
    %eq3A_1193 = arith.constant 5 : i32
    %eq3A_1194 = vector.broadcast %eq3A_1193 : i32 to vector<16xi32>
    %eq3A_1195 = arith.cmpi eq, %get3A_1045, %eq3A_1194 : vector<16xi32>
    %jit3A_1196 = arith.constant 1 : i32
    %jit3A_1197 = arith.constant 0 : i32
    %broadcast_in_dim3A_1198 = vector.broadcast %jit3A_1196 : i32 to vector<16xi32>
    %broadcast_in_dim3A_1199 = vector.broadcast %jit3A_1197 : i32 to vector<16xi32>
    %select_n3A_1200 = arith.select %eq3A_1195, %broadcast_in_dim3A_1198, %broadcast_in_dim3A_1199 : vector<16xi1>, vector<16xi32>
    %broadcast_in_dim3A_1201 = arith.constant true
    %broadcast_in_dim3A_1202 = vector.broadcast %broadcast_in_dim3A_1201 : i1 to vector<16xi1>
    %masked_cumsum3A_1203 = tpu.scan <sum>, %select_n3A_1200 masked %broadcast_in_dim3A_1202 : vector<16xi32>, vector<16xi1> -> vector<16xi32>
    %slice3A_1204 = vector.extract_strided_slice %add3A_1192 {offsets = [5], sizes = [1], strides = [1]} : vector<16xi32> to vector<1xi32>
    %squeeze3A_1205 = vector.extract %slice3A_1204[0] : i32 from vector<1xi32>
    %add3A_1206 = vector.broadcast %squeeze3A_1205 : i32 to vector<16xi32>
    %add3A_1207 = arith.addi %add3A_1206, %masked_cumsum3A_1203 : vector<16xi32>
    %sub3A_1208 = arith.constant 1 : i32
    %sub3A_1209 = vector.broadcast %sub3A_1208 : i32 to vector<16xi32>
    %sub3A_1210 = arith.subi %add3A_1207, %sub3A_1209 : vector<16xi32>
    %select_n3A_1211 = arith.select %eq3A_1195, %sub3A_1210, %select_n3A_1182 : vector<16xi1>, vector<16xi32>
    %eq3A_1212 = arith.constant 5 : i32
    %eq3A_1213 = vector.broadcast %eq3A_1212 : i32 to vector<16xi32>
    %eq3A_1214 = arith.cmpi eq, %iota3A, %eq3A_1213 : vector<16xi32>
    %slice3A_1215 = vector.extract_strided_slice %masked_cumsum3A_1203 {offsets = [15], sizes = [1], strides = [1]} : vector<16xi32> to vector<1xi32>
    %squeeze3A_1216 = vector.extract %slice3A_1215[0] : i32 from vector<1xi32>
    %jit3A_1217 = arith.constant 0 : i32
    %broadcast_in_dim3A_1218 = vector.broadcast %squeeze3A_1216 : i32 to vector<16xi32>
    %broadcast_in_dim3A_1219 = vector.broadcast %jit3A_1217 : i32 to vector<16xi32>
    %select_n3A_1220 = arith.select %eq3A_1214, %broadcast_in_dim3A_1218, %broadcast_in_dim3A_1219 : vector<16xi1>, vector<16xi32>
    %add3A_1221 = arith.addi %add3A_1192, %select_n3A_1220 : vector<16xi32>
    %eq3A_1222 = arith.constant 6 : i32
    %eq3A_1223 = vector.broadcast %eq3A_1222 : i32 to vector<16xi32>
    %eq3A_1224 = arith.cmpi eq, %get3A_1045, %eq3A_1223 : vector<16xi32>
    %jit3A_1225 = arith.constant 1 : i32
    %jit3A_1226 = arith.constant 0 : i32
    %broadcast_in_dim3A_1227 = vector.broadcast %jit3A_1225 : i32 to vector<16xi32>
    %broadcast_in_dim3A_1228 = vector.broadcast %jit3A_1226 : i32 to vector<16xi32>
    %select_n3A_1229 = arith.select %eq3A_1224, %broadcast_in_dim3A_1227, %broadcast_in_dim3A_1228 : vector<16xi1>, vector<16xi32>
    %broadcast_in_dim3A_1230 = arith.constant true
    %broadcast_in_dim3A_1231 = vector.broadcast %broadcast_in_dim3A_1230 : i1 to vector<16xi1>
    %masked_cumsum3A_1232 = tpu.scan <sum>, %select_n3A_1229 masked %broadcast_in_dim3A_1231 : vector<16xi32>, vector<16xi1> -> vector<16xi32>
    %slice3A_1233 = vector.extract_strided_slice %add3A_1221 {offsets = [6], sizes = [1], strides = [1]} : vector<16xi32> to vector<1xi32>
    %squeeze3A_1234 = vector.extract %slice3A_1233[0] : i32 from vector<1xi32>
    %add3A_1235 = vector.broadcast %squeeze3A_1234 : i32 to vector<16xi32>
    %add3A_1236 = arith.addi %add3A_1235, %masked_cumsum3A_1232 : vector<16xi32>
    %sub3A_1237 = arith.constant 1 : i32
    %sub3A_1238 = vector.broadcast %sub3A_1237 : i32 to vector<16xi32>
    %sub3A_1239 = arith.subi %add3A_1236, %sub3A_1238 : vector<16xi32>
    %select_n3A_1240 = arith.select %eq3A_1224, %sub3A_1239, %select_n3A_1211 : vector<16xi1>, vector<16xi32>
    %eq3A_1241 = arith.constant 6 : i32
    %eq3A_1242 = vector.broadcast %eq3A_1241 : i32 to vector<16xi32>
    %eq3A_1243 = arith.cmpi eq, %iota3A, %eq3A_1242 : vector<16xi32>
    %slice3A_1244 = vector.extract_strided_slice %masked_cumsum3A_1232 {offsets = [15], sizes = [1], strides = [1]} : vector<16xi32> to vector<1xi32>
    %squeeze3A_1245 = vector.extract %slice3A_1244[0] : i32 from vector<1xi32>
    %jit3A_1246 = arith.constant 0 : i32
    %broadcast_in_dim3A_1247 = vector.broadcast %squeeze3A_1245 : i32 to vector<16xi32>
    %broadcast_in_dim3A_1248 = vector.broadcast %jit3A_1246 : i32 to vector<16xi32>
    %select_n3A_1249 = arith.select %eq3A_1243, %broadcast_in_dim3A_1247, %broadcast_in_dim3A_1248 : vector<16xi1>, vector<16xi32>
    %add3A_1250 = arith.addi %add3A_1221, %select_n3A_1249 : vector<16xi32>
    %swap3A_1251 = arith.constant 16 : index
    %swap3A_1252 = tpu.vector_load %arg16[%swap3A_1251] {strides = array<i32>} : memref<128xi32, #tpu.memory_space<vmem>>, vector<16xi32>,
    tpu.vector_store %arg16[%swap3A_1251], %select_n3A_1240 {strides = array<i32>} : memref<128xi32, #tpu.memory_space<vmem>>, vector<16xi32>,
    %swap3A_1253 = arith.constant 16 : index
    %swap3A_1254 = tpu.vector_load %arg17[%swap3A_1253] {strides = array<i32>} : memref<64xi32, #tpu.memory_space<vmem>>, vector<16xi32>,
    tpu.vector_store %arg17[%swap3A_1253], %select_n3A_1240 {strides = array<i32>} : memref<64xi32, #tpu.memory_space<vmem>>, vector<16xi32>,
    %get3A_1255 = arith.constant 32 : index
    %get3A_1256 = tpu.vector_load %arg12[%get3A_1255] {strides = array<i32>} : memref<128xi32, #tpu.memory_space<vmem>>, vector<16xi32>,
    %broadcast_in_dim3A_1257 = arith.constant 0 : i32
    %broadcast_in_dim3A_1258 = vector.broadcast %broadcast_in_dim3A_1257 : i32 to vector<16xi32>
    %eq3A_1259 = arith.constant 0 : i32
    %eq3A_1260 = vector.broadcast %eq3A_1259 : i32 to vector<16xi32>
    %eq3A_1261 = arith.cmpi eq, %get3A_1256, %eq3A_1260 : vector<16xi32>
    %jit3A_1262 = arith.constant 1 : i32
    %jit3A_1263 = arith.constant 0 : i32
    %broadcast_in_dim3A_1264 = vector.broadcast %jit3A_1262 : i32 to vector<16xi32>
    %broadcast_in_dim3A_1265 = vector.broadcast %jit3A_1263 : i32 to vector<16xi32>
    %select_n3A_1266 = arith.select %eq3A_1261, %broadcast_in_dim3A_1264, %broadcast_in_dim3A_1265 : vector<16xi1>, vector<16xi32>
    %broadcast_in_dim3A_1267 = arith.constant true
    %broadcast_in_dim3A_1268 = vector.broadcast %broadcast_in_dim3A_1267 : i1 to vector<16xi1>
    %masked_cumsum3A_1269 = tpu.scan <sum>, %select_n3A_1266 masked %broadcast_in_dim3A_1268 : vector<16xi32>, vector<16xi1> -> vector<16xi32>
    %slice3A_1270 = vector.extract_strided_slice %add3A_1250 {offsets = [0], sizes = [1], strides = [1]} : vector<16xi32> to vector<1xi32>
    %squeeze3A_1271 = vector.extract %slice3A_1270[0] : i32 from vector<1xi32>
    %add3A_1272 = vector.broadcast %squeeze3A_1271 : i32 to vector<16xi32>
    %add3A_1273 = arith.addi %add3A_1272, %masked_cumsum3A_1269 : vector<16xi32>
    %sub3A_1274 = arith.constant 1 : i32
    %sub3A_1275 = vector.broadcast %sub3A_1274 : i32 to vector<16xi32>
    %sub3A_1276 = arith.subi %add3A_1273, %sub3A_1275 : vector<16xi32>
    %select_n3A_1277 = arith.select %eq3A_1261, %sub3A_1276, %broadcast_in_dim3A_1258 : vector<16xi1>, vector<16xi32>
    %eq3A_1278 = arith.constant 0 : i32
    %eq3A_1279 = vector.broadcast %eq3A_1278 : i32 to vector<16xi32>
    %eq3A_1280 = arith.cmpi eq, %iota3A, %eq3A_1279 : vector<16xi32>
    %slice3A_1281 = vector.extract_strided_slice %masked_cumsum3A_1269 {offsets = [15], sizes = [1], strides = [1]} : vector<16xi32> to vector<1xi32>
    %squeeze3A_1282 = vector.extract %slice3A_1281[0] : i32 from vector<1xi32>
    %jit3A_1283 = arith.constant 0 : i32
    %broadcast_in_dim3A_1284 = vector.broadcast %squeeze3A_1282 : i32 to vector<16xi32>
    %broadcast_in_dim3A_1285 = vector.broadcast %jit3A_1283 : i32 to vector<16xi32>
    %select_n3A_1286 = arith.select %eq3A_1280, %broadcast_in_dim3A_1284, %broadcast_in_dim3A_1285 : vector<16xi1>, vector<16xi32>
    %add3A_1287 = arith.addi %add3A_1250, %select_n3A_1286 : vector<16xi32>
    %eq3A_1288 = arith.constant 1 : i32
    %eq3A_1289 = vector.broadcast %eq3A_1288 : i32 to vector<16xi32>
    %eq3A_1290 = arith.cmpi eq, %get3A_1256, %eq3A_1289 : vector<16xi32>
    %jit3A_1291 = arith.constant 1 : i32
    %jit3A_1292 = arith.constant 0 : i32
    %broadcast_in_dim3A_1293 = vector.broadcast %jit3A_1291 : i32 to vector<16xi32>
    %broadcast_in_dim3A_1294 = vector.broadcast %jit3A_1292 : i32 to vector<16xi32>
    %select_n3A_1295 = arith.select %eq3A_1290, %broadcast_in_dim3A_1293, %broadcast_in_dim3A_1294 : vector<16xi1>, vector<16xi32>
    %broadcast_in_dim3A_1296 = arith.constant true
    %broadcast_in_dim3A_1297 = vector.broadcast %broadcast_in_dim3A_1296 : i1 to vector<16xi1>
    %masked_cumsum3A_1298 = tpu.scan <sum>, %select_n3A_1295 masked %broadcast_in_dim3A_1297 : vector<16xi32>, vector<16xi1> -> vector<16xi32>
    %slice3A_1299 = vector.extract_strided_slice %add3A_1287 {offsets = [1], sizes = [1], strides = [1]} : vector<16xi32> to vector<1xi32>
    %squeeze3A_1300 = vector.extract %slice3A_1299[0] : i32 from vector<1xi32>
    %add3A_1301 = vector.broadcast %squeeze3A_1300 : i32 to vector<16xi32>
    %add3A_1302 = arith.addi %add3A_1301, %masked_cumsum3A_1298 : vector<16xi32>
    %sub3A_1303 = arith.constant 1 : i32
    %sub3A_1304 = vector.broadcast %sub3A_1303 : i32 to vector<16xi32>
    %sub3A_1305 = arith.subi %add3A_1302, %sub3A_1304 : vector<16xi32>
    %select_n3A_1306 = arith.select %eq3A_1290, %sub3A_1305, %select_n3A_1277 : vector<16xi1>, vector<16xi32>
    %eq3A_1307 = arith.constant 1 : i32
    %eq3A_1308 = vector.broadcast %eq3A_1307 : i32 to vector<16xi32>
    %eq3A_1309 = arith.cmpi eq, %iota3A, %eq3A_1308 : vector<16xi32>
    %slice3A_1310 = vector.extract_strided_slice %masked_cumsum3A_1298 {offsets = [15], sizes = [1], strides = [1]} : vector<16xi32> to vector<1xi32>
    %squeeze3A_1311 = vector.extract %slice3A_1310[0] : i32 from vector<1xi32>
    %jit3A_1312 = arith.constant 0 : i32
    %broadcast_in_dim3A_1313 = vector.broadcast %squeeze3A_1311 : i32 to vector<16xi32>
    %broadcast_in_dim3A_1314 = vector.broadcast %jit3A_1312 : i32 to vector<16xi32>
    %select_n3A_1315 = arith.select %eq3A_1309, %broadcast_in_dim3A_1313, %broadcast_in_dim3A_1314 : vector<16xi1>, vector<16xi32>
    %add3A_1316 = arith.addi %add3A_1287, %select_n3A_1315 : vector<16xi32>
    %eq3A_1317 = arith.constant 2 : i32
    %eq3A_1318 = vector.broadcast %eq3A_1317 : i32 to vector<16xi32>
    %eq3A_1319 = arith.cmpi eq, %get3A_1256, %eq3A_1318 : vector<16xi32>
    %jit3A_1320 = arith.constant 1 : i32
    %jit3A_1321 = arith.constant 0 : i32
    %broadcast_in_dim3A_1322 = vector.broadcast %jit3A_1320 : i32 to vector<16xi32>
    %broadcast_in_dim3A_1323 = vector.broadcast %jit3A_1321 : i32 to vector<16xi32>
    %select_n3A_1324 = arith.select %eq3A_1319, %broadcast_in_dim3A_1322, %broadcast_in_dim3A_1323 : vector<16xi1>, vector<16xi32>
    %broadcast_in_dim3A_1325 = arith.constant true
    %broadcast_in_dim3A_1326 = vector.broadcast %broadcast_in_dim3A_1325 : i1 to vector<16xi1>
    %masked_cumsum3A_1327 = tpu.scan <sum>, %select_n3A_1324 masked %broadcast_in_dim3A_1326 : vector<16xi32>, vector<16xi1> -> vector<16xi32>
    %slice3A_1328 = vector.extract_strided_slice %add3A_1316 {offsets = [2], sizes = [1], strides = [1]} : vector<16xi32> to vector<1xi32>
    %squeeze3A_1329 = vector.extract %slice3A_1328[0] : i32 from vector<1xi32>
    %add3A_1330 = vector.broadcast %squeeze3A_1329 : i32 to vector<16xi32>
    %add3A_1331 = arith.addi %add3A_1330, %masked_cumsum3A_1327 : vector<16xi32>
    %sub3A_1332 = arith.constant 1 : i32
    %sub3A_1333 = vector.broadcast %sub3A_1332 : i32 to vector<16xi32>
    %sub3A_1334 = arith.subi %add3A_1331, %sub3A_1333 : vector<16xi32>
    %select_n3A_1335 = arith.select %eq3A_1319, %sub3A_1334, %select_n3A_1306 : vector<16xi1>, vector<16xi32>
    %eq3A_1336 = arith.constant 2 : i32
    %eq3A_1337 = vector.broadcast %eq3A_1336 : i32 to vector<16xi32>
    %eq3A_1338 = arith.cmpi eq, %iota3A, %eq3A_1337 : vector<16xi32>
    %slice3A_1339 = vector.extract_strided_slice %masked_cumsum3A_1327 {offsets = [15], sizes = [1], strides = [1]} : vector<16xi32> to vector<1xi32>
    %squeeze3A_1340 = vector.extract %slice3A_1339[0] : i32 from vector<1xi32>
    %jit3A_1341 = arith.constant 0 : i32
    %broadcast_in_dim3A_1342 = vector.broadcast %squeeze3A_1340 : i32 to vector<16xi32>
    %broadcast_in_dim3A_1343 = vector.broadcast %jit3A_1341 : i32 to vector<16xi32>
    %select_n3A_1344 = arith.select %eq3A_1338, %broadcast_in_dim3A_1342, %broadcast_in_dim3A_1343 : vector<16xi1>, vector<16xi32>
    %add3A_1345 = arith.addi %add3A_1316, %select_n3A_1344 : vector<16xi32>
    %eq3A_1346 = arith.constant 3 : i32
    %eq3A_1347 = vector.broadcast %eq3A_1346 : i32 to vector<16xi32>
    %eq3A_1348 = arith.cmpi eq, %get3A_1256, %eq3A_1347 : vector<16xi32>
    %jit3A_1349 = arith.constant 1 : i32
    %jit3A_1350 = arith.constant 0 : i32
    %broadcast_in_dim3A_1351 = vector.broadcast %jit3A_1349 : i32 to vector<16xi32>
    %broadcast_in_dim3A_1352 = vector.broadcast %jit3A_1350 : i32 to vector<16xi32>
    %select_n3A_1353 = arith.select %eq3A_1348, %broadcast_in_dim3A_1351, %broadcast_in_dim3A_1352 : vector<16xi1>, vector<16xi32>
    %broadcast_in_dim3A_1354 = arith.constant true
    %broadcast_in_dim3A_1355 = vector.broadcast %broadcast_in_dim3A_1354 : i1 to vector<16xi1>
    %masked_cumsum3A_1356 = tpu.scan <sum>, %select_n3A_1353 masked %broadcast_in_dim3A_1355 : vector<16xi32>, vector<16xi1> -> vector<16xi32>
    %slice3A_1357 = vector.extract_strided_slice %add3A_1345 {offsets = [3], sizes = [1], strides = [1]} : vector<16xi32> to vector<1xi32>
    %squeeze3A_1358 = vector.extract %slice3A_1357[0] : i32 from vector<1xi32>
    %add3A_1359 = vector.broadcast %squeeze3A_1358 : i32 to vector<16xi32>
    %add3A_1360 = arith.addi %add3A_1359, %masked_cumsum3A_1356 : vector<16xi32>
    %sub3A_1361 = arith.constant 1 : i32
    %sub3A_1362 = vector.broadcast %sub3A_1361 : i32 to vector<16xi32>
    %sub3A_1363 = arith.subi %add3A_1360, %sub3A_1362 : vector<16xi32>
    %select_n3A_1364 = arith.select %eq3A_1348, %sub3A_1363, %select_n3A_1335 : vector<16xi1>, vector<16xi32>
    %eq3A_1365 = arith.constant 3 : i32
    %eq3A_1366 = vector.broadcast %eq3A_1365 : i32 to vector<16xi32>
    %eq3A_1367 = arith.cmpi eq, %iota3A, %eq3A_1366 : vector<16xi32>
    %slice3A_1368 = vector.extract_strided_slice %masked_cumsum3A_1356 {offsets = [15], sizes = [1], strides = [1]} : vector<16xi32> to vector<1xi32>
    %squeeze3A_1369 = vector.extract %slice3A_1368[0] : i32 from vector<1xi32>
    %jit3A_1370 = arith.constant 0 : i32
    %broadcast_in_dim3A_1371 = vector.broadcast %squeeze3A_1369 : i32 to vector<16xi32>
    %broadcast_in_dim3A_1372 = vector.broadcast %jit3A_1370 : i32 to vector<16xi32>
    %select_n3A_1373 = arith.select %eq3A_1367, %broadcast_in_dim3A_1371, %broadcast_in_dim3A_1372 : vector<16xi1>, vector<16xi32>
    %add3A_1374 = arith.addi %add3A_1345, %select_n3A_1373 : vector<16xi32>
    %eq3A_1375 = arith.constant 4 : i32
    %eq3A_1376 = vector.broadcast %eq3A_1375 : i32 to vector<16xi32>
    %eq3A_1377 = arith.cmpi eq, %get3A_1256, %eq3A_1376 : vector<16xi32>
    %jit3A_1378 = arith.constant 1 : i32
    %jit3A_1379 = arith.constant 0 : i32
    %broadcast_in_dim3A_1380 = vector.broadcast %jit3A_1378 : i32 to vector<16xi32>
    %broadcast_in_dim3A_1381 = vector.broadcast %jit3A_1379 : i32 to vector<16xi32>
    %select_n3A_1382 = arith.select %eq3A_1377, %broadcast_in_dim3A_1380, %broadcast_in_dim3A_1381 : vector<16xi1>, vector<16xi32>
    %broadcast_in_dim3A_1383 = arith.constant true
    %broadcast_in_dim3A_1384 = vector.broadcast %broadcast_in_dim3A_1383 : i1 to vector<16xi1>
    %masked_cumsum3A_1385 = tpu.scan <sum>, %select_n3A_1382 masked %broadcast_in_dim3A_1384 : vector<16xi32>, vector<16xi1> -> vector<16xi32>
    %slice3A_1386 = vector.extract_strided_slice %add3A_1374 {offsets = [4], sizes = [1], strides = [1]} : vector<16xi32> to vector<1xi32>
    %squeeze3A_1387 = vector.extract %slice3A_1386[0] : i32 from vector<1xi32>
    %add3A_1388 = vector.broadcast %squeeze3A_1387 : i32 to vector<16xi32>
    %add3A_1389 = arith.addi %add3A_1388, %masked_cumsum3A_1385 : vector<16xi32>
    %sub3A_1390 = arith.constant 1 : i32
    %sub3A_1391 = vector.broadcast %sub3A_1390 : i32 to vector<16xi32>
    %sub3A_1392 = arith.subi %add3A_1389, %sub3A_1391 : vector<16xi32>
    %select_n3A_1393 = arith.select %eq3A_1377, %sub3A_1392, %select_n3A_1364 : vector<16xi1>, vector<16xi32>
    %eq3A_1394 = arith.constant 4 : i32
    %eq3A_1395 = vector.broadcast %eq3A_1394 : i32 to vector<16xi32>
    %eq3A_1396 = arith.cmpi eq, %iota3A, %eq3A_1395 : vector<16xi32>
    %slice3A_1397 = vector.extract_strided_slice %masked_cumsum3A_1385 {offsets = [15], sizes = [1], strides = [1]} : vector<16xi32> to vector<1xi32>
    %squeeze3A_1398 = vector.extract %slice3A_1397[0] : i32 from vector<1xi32>
    %jit3A_1399 = arith.constant 0 : i32
    %broadcast_in_dim3A_1400 = vector.broadcast %squeeze3A_1398 : i32 to vector<16xi32>
    %broadcast_in_dim3A_1401 = vector.broadcast %jit3A_1399 : i32 to vector<16xi32>
    %select_n3A_1402 = arith.select %eq3A_1396, %broadcast_in_dim3A_1400, %broadcast_in_dim3A_1401 : vector<16xi1>, vector<16xi32>
    %add3A_1403 = arith.addi %add3A_1374, %select_n3A_1402 : vector<16xi32>
    %eq3A_1404 = arith.constant 5 : i32
    %eq3A_1405 = vector.broadcast %eq3A_1404 : i32 to vector<16xi32>
    %eq3A_1406 = arith.cmpi eq, %get3A_1256, %eq3A_1405 : vector<16xi32>
    %jit3A_1407 = arith.constant 1 : i32
    %jit3A_1408 = arith.constant 0 : i32
    %broadcast_in_dim3A_1409 = vector.broadcast %jit3A_1407 : i32 to vector<16xi32>
    %broadcast_in_dim3A_1410 = vector.broadcast %jit3A_1408 : i32 to vector<16xi32>
    %select_n3A_1411 = arith.select %eq3A_1406, %broadcast_in_dim3A_1409, %broadcast_in_dim3A_1410 : vector<16xi1>, vector<16xi32>
    %broadcast_in_dim3A_1412 = arith.constant true
    %broadcast_in_dim3A_1413 = vector.broadcast %broadcast_in_dim3A_1412 : i1 to vector<16xi1>
    %masked_cumsum3A_1414 = tpu.scan <sum>, %select_n3A_1411 masked %broadcast_in_dim3A_1413 : vector<16xi32>, vector<16xi1> -> vector<16xi32>
    %slice3A_1415 = vector.extract_strided_slice %add3A_1403 {offsets = [5], sizes = [1], strides = [1]} : vector<16xi32> to vector<1xi32>
    %squeeze3A_1416 = vector.extract %slice3A_1415[0] : i32 from vector<1xi32>
    %add3A_1417 = vector.broadcast %squeeze3A_1416 : i32 to vector<16xi32>
    %add3A_1418 = arith.addi %add3A_1417, %masked_cumsum3A_1414 : vector<16xi32>
    %sub3A_1419 = arith.constant 1 : i32
    %sub3A_1420 = vector.broadcast %sub3A_1419 : i32 to vector<16xi32>
    %sub3A_1421 = arith.subi %add3A_1418, %sub3A_1420 : vector<16xi32>
    %select_n3A_1422 = arith.select %eq3A_1406, %sub3A_1421, %select_n3A_1393 : vector<16xi1>, vector<16xi32>
    %eq3A_1423 = arith.constant 5 : i32
    %eq3A_1424 = vector.broadcast %eq3A_1423 : i32 to vector<16xi32>
    %eq3A_1425 = arith.cmpi eq, %iota3A, %eq3A_1424 : vector<16xi32>
    %slice3A_1426 = vector.extract_strided_slice %masked_cumsum3A_1414 {offsets = [15], sizes = [1], strides = [1]} : vector<16xi32> to vector<1xi32>
    %squeeze3A_1427 = vector.extract %slice3A_1426[0] : i32 from vector<1xi32>
    %jit3A_1428 = arith.constant 0 : i32
    %broadcast_in_dim3A_1429 = vector.broadcast %squeeze3A_1427 : i32 to vector<16xi32>
    %broadcast_in_dim3A_1430 = vector.broadcast %jit3A_1428 : i32 to vector<16xi32>
    %select_n3A_1431 = arith.select %eq3A_1425, %broadcast_in_dim3A_1429, %broadcast_in_dim3A_1430 : vector<16xi1>, vector<16xi32>
    %add3A_1432 = arith.addi %add3A_1403, %select_n3A_1431 : vector<16xi32>
    %eq3A_1433 = arith.constant 6 : i32
    %eq3A_1434 = vector.broadcast %eq3A_1433 : i32 to vector<16xi32>
    %eq3A_1435 = arith.cmpi eq, %get3A_1256, %eq3A_1434 : vector<16xi32>
    %jit3A_1436 = arith.constant 1 : i32
    %jit3A_1437 = arith.constant 0 : i32
    %broadcast_in_dim3A_1438 = vector.broadcast %jit3A_1436 : i32 to vector<16xi32>
    %broadcast_in_dim3A_1439 = vector.broadcast %jit3A_1437 : i32 to vector<16xi32>
    %select_n3A_1440 = arith.select %eq3A_1435, %broadcast_in_dim3A_1438, %broadcast_in_dim3A_1439 : vector<16xi1>, vector<16xi32>
    %broadcast_in_dim3A_1441 = arith.constant true
    %broadcast_in_dim3A_1442 = vector.broadcast %broadcast_in_dim3A_1441 : i1 to vector<16xi1>
    %masked_cumsum3A_1443 = tpu.scan <sum>, %select_n3A_1440 masked %broadcast_in_dim3A_1442 : vector<16xi32>, vector<16xi1> -> vector<16xi32>
    %slice3A_1444 = vector.extract_strided_slice %add3A_1432 {offsets = [6], sizes = [1], strides = [1]} : vector<16xi32> to vector<1xi32>
    %squeeze3A_1445 = vector.extract %slice3A_1444[0] : i32 from vector<1xi32>
    %add3A_1446 = vector.broadcast %squeeze3A_1445 : i32 to vector<16xi32>
    %add3A_1447 = arith.addi %add3A_1446, %masked_cumsum3A_1443 : vector<16xi32>
    %sub3A_1448 = arith.constant 1 : i32
    %sub3A_1449 = vector.broadcast %sub3A_1448 : i32 to vector<16xi32>
    %sub3A_1450 = arith.subi %add3A_1447, %sub3A_1449 : vector<16xi32>
    %select_n3A_1451 = arith.select %eq3A_1435, %sub3A_1450, %select_n3A_1422 : vector<16xi1>, vector<16xi32>
    %eq3A_1452 = arith.constant 6 : i32
    %eq3A_1453 = vector.broadcast %eq3A_1452 : i32 to vector<16xi32>
    %eq3A_1454 = arith.cmpi eq, %iota3A, %eq3A_1453 : vector<16xi32>
    %slice3A_1455 = vector.extract_strided_slice %masked_cumsum3A_1443 {offsets = [15], sizes = [1], strides = [1]} : vector<16xi32> to vector<1xi32>
    %squeeze3A_1456 = vector.extract %slice3A_1455[0] : i32 from vector<1xi32>
    %jit3A_1457 = arith.constant 0 : i32
    %broadcast_in_dim3A_1458 = vector.broadcast %squeeze3A_1456 : i32 to vector<16xi32>
    %broadcast_in_dim3A_1459 = vector.broadcast %jit3A_1457 : i32 to vector<16xi32>
    %select_n3A_1460 = arith.select %eq3A_1454, %broadcast_in_dim3A_1458, %broadcast_in_dim3A_1459 : vector<16xi1>, vector<16xi32>
    %add3A_1461 = arith.addi %add3A_1432, %select_n3A_1460 : vector<16xi32>
    %swap3A_1462 = arith.constant 32 : index
    %swap3A_1463 = tpu.vector_load %arg16[%swap3A_1462] {strides = array<i32>} : memref<128xi32, #tpu.memory_space<vmem>>, vector<16xi32>,
    tpu.vector_store %arg16[%swap3A_1462], %select_n3A_1451 {strides = array<i32>} : memref<128xi32, #tpu.memory_space<vmem>>, vector<16xi32>,
    %swap3A_1464 = arith.constant 32 : index
    %swap3A_1465 = tpu.vector_load %arg17[%swap3A_1464] {strides = array<i32>} : memref<64xi32, #tpu.memory_space<vmem>>, vector<16xi32>,
    tpu.vector_store %arg17[%swap3A_1464], %select_n3A_1451 {strides = array<i32>} : memref<64xi32, #tpu.memory_space<vmem>>, vector<16xi32>,
    %get3A_1466 = arith.constant 48 : index
    %get3A_1467 = tpu.vector_load %arg12[%get3A_1466] {strides = array<i32>} : memref<128xi32, #tpu.memory_space<vmem>>, vector<16xi32>,
    %broadcast_in_dim3A_1468 = arith.constant 0 : i32
    %broadcast_in_dim3A_1469 = vector.broadcast %broadcast_in_dim3A_1468 : i32 to vector<16xi32>
    %eq3A_1470 = arith.constant 0 : i32
    %eq3A_1471 = vector.broadcast %eq3A_1470 : i32 to vector<16xi32>
    %eq3A_1472 = arith.cmpi eq, %get3A_1467, %eq3A_1471 : vector<16xi32>
    %jit3A_1473 = arith.constant 1 : i32
    %jit3A_1474 = arith.constant 0 : i32
    %broadcast_in_dim3A_1475 = vector.broadcast %jit3A_1473 : i32 to vector<16xi32>
    %broadcast_in_dim3A_1476 = vector.broadcast %jit3A_1474 : i32 to vector<16xi32>
    %select_n3A_1477 = arith.select %eq3A_1472, %broadcast_in_dim3A_1475, %broadcast_in_dim3A_1476 : vector<16xi1>, vector<16xi32>
    %broadcast_in_dim3A_1478 = arith.constant true
    %broadcast_in_dim3A_1479 = vector.broadcast %broadcast_in_dim3A_1478 : i1 to vector<16xi1>
    %masked_cumsum3A_1480 = tpu.scan <sum>, %select_n3A_1477 masked %broadcast_in_dim3A_1479 : vector<16xi32>, vector<16xi1> -> vector<16xi32>
    %slice3A_1481 = vector.extract_strided_slice %add3A_1461 {offsets = [0], sizes = [1], strides = [1]} : vector<16xi32> to vector<1xi32>
    %squeeze3A_1482 = vector.extract %slice3A_1481[0] : i32 from vector<1xi32>
    %add3A_1483 = vector.broadcast %squeeze3A_1482 : i32 to vector<16xi32>
    %add3A_1484 = arith.addi %add3A_1483, %masked_cumsum3A_1480 : vector<16xi32>
    %sub3A_1485 = arith.constant 1 : i32
    %sub3A_1486 = vector.broadcast %sub3A_1485 : i32 to vector<16xi32>
    %sub3A_1487 = arith.subi %add3A_1484, %sub3A_1486 : vector<16xi32>
    %select_n3A_1488 = arith.select %eq3A_1472, %sub3A_1487, %broadcast_in_dim3A_1469 : vector<16xi1>, vector<16xi32>
    %eq3A_1489 = arith.constant 0 : i32
    %eq3A_1490 = vector.broadcast %eq3A_1489 : i32 to vector<16xi32>
    %eq3A_1491 = arith.cmpi eq, %iota3A, %eq3A_1490 : vector<16xi32>
    %slice3A_1492 = vector.extract_strided_slice %masked_cumsum3A_1480 {offsets = [15], sizes = [1], strides = [1]} : vector<16xi32> to vector<1xi32>
    %squeeze3A_1493 = vector.extract %slice3A_1492[0] : i32 from vector<1xi32>
    %jit3A_1494 = arith.constant 0 : i32
    %broadcast_in_dim3A_1495 = vector.broadcast %squeeze3A_1493 : i32 to vector<16xi32>
    %broadcast_in_dim3A_1496 = vector.broadcast %jit3A_1494 : i32 to vector<16xi32>
    %select_n3A_1497 = arith.select %eq3A_1491, %broadcast_in_dim3A_1495, %broadcast_in_dim3A_1496 : vector<16xi1>, vector<16xi32>
    %add3A_1498 = arith.addi %add3A_1461, %select_n3A_1497 : vector<16xi32>
    %eq3A_1499 = arith.constant 1 : i32
    %eq3A_1500 = vector.broadcast %eq3A_1499 : i32 to vector<16xi32>
    %eq3A_1501 = arith.cmpi eq, %get3A_1467, %eq3A_1500 : vector<16xi32>
    %jit3A_1502 = arith.constant 1 : i32
    %jit3A_1503 = arith.constant 0 : i32
    %broadcast_in_dim3A_1504 = vector.broadcast %jit3A_1502 : i32 to vector<16xi32>
    %broadcast_in_dim3A_1505 = vector.broadcast %jit3A_1503 : i32 to vector<16xi32>
    %select_n3A_1506 = arith.select %eq3A_1501, %broadcast_in_dim3A_1504, %broadcast_in_dim3A_1505 : vector<16xi1>, vector<16xi32>
    %broadcast_in_dim3A_1507 = arith.constant true
    %broadcast_in_dim3A_1508 = vector.broadcast %broadcast_in_dim3A_1507 : i1 to vector<16xi1>
    %masked_cumsum3A_1509 = tpu.scan <sum>, %select_n3A_1506 masked %broadcast_in_dim3A_1508 : vector<16xi32>, vector<16xi1> -> vector<16xi32>
    %slice3A_1510 = vector.extract_strided_slice %add3A_1498 {offsets = [1], sizes = [1], strides = [1]} : vector<16xi32> to vector<1xi32>
    %squeeze3A_1511 = vector.extract %slice3A_1510[0] : i32 from vector<1xi32>
    %add3A_1512 = vector.broadcast %squeeze3A_1511 : i32 to vector<16xi32>
    %add3A_1513 = arith.addi %add3A_1512, %masked_cumsum3A_1509 : vector<16xi32>
    %sub3A_1514 = arith.constant 1 : i32
    %sub3A_1515 = vector.broadcast %sub3A_1514 : i32 to vector<16xi32>
    %sub3A_1516 = arith.subi %add3A_1513, %sub3A_1515 : vector<16xi32>
    %select_n3A_1517 = arith.select %eq3A_1501, %sub3A_1516, %select_n3A_1488 : vector<16xi1>, vector<16xi32>
    %eq3A_1518 = arith.constant 1 : i32
    %eq3A_1519 = vector.broadcast %eq3A_1518 : i32 to vector<16xi32>
    %eq3A_1520 = arith.cmpi eq, %iota3A, %eq3A_1519 : vector<16xi32>
    %slice3A_1521 = vector.extract_strided_slice %masked_cumsum3A_1509 {offsets = [15], sizes = [1], strides = [1]} : vector<16xi32> to vector<1xi32>
    %squeeze3A_1522 = vector.extract %slice3A_1521[0] : i32 from vector<1xi32>
    %jit3A_1523 = arith.constant 0 : i32
    %broadcast_in_dim3A_1524 = vector.broadcast %squeeze3A_1522 : i32 to vector<16xi32>
    %broadcast_in_dim3A_1525 = vector.broadcast %jit3A_1523 : i32 to vector<16xi32>
    %select_n3A_1526 = arith.select %eq3A_1520, %broadcast_in_dim3A_1524, %broadcast_in_dim3A_1525 : vector<16xi1>, vector<16xi32>
    %add3A_1527 = arith.addi %add3A_1498, %select_n3A_1526 : vector<16xi32>
    %eq3A_1528 = arith.constant 2 : i32
    %eq3A_1529 = vector.broadcast %eq3A_1528 : i32 to vector<16xi32>
    %eq3A_1530 = arith.cmpi eq, %get3A_1467, %eq3A_1529 : vector<16xi32>
    %jit3A_1531 = arith.constant 1 : i32
    %jit3A_1532 = arith.constant 0 : i32
    %broadcast_in_dim3A_1533 = vector.broadcast %jit3A_1531 : i32 to vector<16xi32>
    %broadcast_in_dim3A_1534 = vector.broadcast %jit3A_1532 : i32 to vector<16xi32>
    %select_n3A_1535 = arith.select %eq3A_1530, %broadcast_in_dim3A_1533, %broadcast_in_dim3A_1534 : vector<16xi1>, vector<16xi32>
    %broadcast_in_dim3A_1536 = arith.constant true
    %broadcast_in_dim3A_1537 = vector.broadcast %broadcast_in_dim3A_1536 : i1 to vector<16xi1>
    %masked_cumsum3A_1538 = tpu.scan <sum>, %select_n3A_1535 masked %broadcast_in_dim3A_1537 : vector<16xi32>, vector<16xi1> -> vector<16xi32>
    %slice3A_1539 = vector.extract_strided_slice %add3A_1527 {offsets = [2], sizes = [1], strides = [1]} : vector<16xi32> to vector<1xi32>
    %squeeze3A_1540 = vector.extract %slice3A_1539[0] : i32 from vector<1xi32>
    %add3A_1541 = vector.broadcast %squeeze3A_1540 : i32 to vector<16xi32>
    %add3A_1542 = arith.addi %add3A_1541, %masked_cumsum3A_1538 : vector<16xi32>
    %sub3A_1543 = arith.constant 1 : i32
    %sub3A_1544 = vector.broadcast %sub3A_1543 : i32 to vector<16xi32>
    %sub3A_1545 = arith.subi %add3A_1542, %sub3A_1544 : vector<16xi32>
    %select_n3A_1546 = arith.select %eq3A_1530, %sub3A_1545, %select_n3A_1517 : vector<16xi1>, vector<16xi32>
    %eq3A_1547 = arith.constant 2 : i32
    %eq3A_1548 = vector.broadcast %eq3A_1547 : i32 to vector<16xi32>
    %eq3A_1549 = arith.cmpi eq, %iota3A, %eq3A_1548 : vector<16xi32>
    %slice3A_1550 = vector.extract_strided_slice %masked_cumsum3A_1538 {offsets = [15], sizes = [1], strides = [1]} : vector<16xi32> to vector<1xi32>
    %squeeze3A_1551 = vector.extract %slice3A_1550[0] : i32 from vector<1xi32>
    %jit3A_1552 = arith.constant 0 : i32
    %broadcast_in_dim3A_1553 = vector.broadcast %squeeze3A_1551 : i32 to vector<16xi32>
    %broadcast_in_dim3A_1554 = vector.broadcast %jit3A_1552 : i32 to vector<16xi32>
    %select_n3A_1555 = arith.select %eq3A_1549, %broadcast_in_dim3A_1553, %broadcast_in_dim3A_1554 : vector<16xi1>, vector<16xi32>
    %add3A_1556 = arith.addi %add3A_1527, %select_n3A_1555 : vector<16xi32>
    %eq3A_1557 = arith.constant 3 : i32
    %eq3A_1558 = vector.broadcast %eq3A_1557 : i32 to vector<16xi32>
    %eq3A_1559 = arith.cmpi eq, %get3A_1467, %eq3A_1558 : vector<16xi32>
    %jit3A_1560 = arith.constant 1 : i32
    %jit3A_1561 = arith.constant 0 : i32
    %broadcast_in_dim3A_1562 = vector.broadcast %jit3A_1560 : i32 to vector<16xi32>
    %broadcast_in_dim3A_1563 = vector.broadcast %jit3A_1561 : i32 to vector<16xi32>
    %select_n3A_1564 = arith.select %eq3A_1559, %broadcast_in_dim3A_1562, %broadcast_in_dim3A_1563 : vector<16xi1>, vector<16xi32>
    %broadcast_in_dim3A_1565 = arith.constant true
    %broadcast_in_dim3A_1566 = vector.broadcast %broadcast_in_dim3A_1565 : i1 to vector<16xi1>
    %masked_cumsum3A_1567 = tpu.scan <sum>, %select_n3A_1564 masked %broadcast_in_dim3A_1566 : vector<16xi32>, vector<16xi1> -> vector<16xi32>
    %slice3A_1568 = vector.extract_strided_slice %add3A_1556 {offsets = [3], sizes = [1], strides = [1]} : vector<16xi32> to vector<1xi32>
    %squeeze3A_1569 = vector.extract %slice3A_1568[0] : i32 from vector<1xi32>
    %add3A_1570 = vector.broadcast %squeeze3A_1569 : i32 to vector<16xi32>
    %add3A_1571 = arith.addi %add3A_1570, %masked_cumsum3A_1567 : vector<16xi32>
    %sub3A_1572 = arith.constant 1 : i32
    %sub3A_1573 = vector.broadcast %sub3A_1572 : i32 to vector<16xi32>
    %sub3A_1574 = arith.subi %add3A_1571, %sub3A_1573 : vector<16xi32>
    %select_n3A_1575 = arith.select %eq3A_1559, %sub3A_1574, %select_n3A_1546 : vector<16xi1>, vector<16xi32>
    %eq3A_1576 = arith.constant 3 : i32
    %eq3A_1577 = vector.broadcast %eq3A_1576 : i32 to vector<16xi32>
    %eq3A_1578 = arith.cmpi eq, %iota3A, %eq3A_1577 : vector<16xi32>
    %slice3A_1579 = vector.extract_strided_slice %masked_cumsum3A_1567 {offsets = [15], sizes = [1], strides = [1]} : vector<16xi32> to vector<1xi32>
    %squeeze3A_1580 = vector.extract %slice3A_1579[0] : i32 from vector<1xi32>
    %jit3A_1581 = arith.constant 0 : i32
    %broadcast_in_dim3A_1582 = vector.broadcast %squeeze3A_1580 : i32 to vector<16xi32>
    %broadcast_in_dim3A_1583 = vector.broadcast %jit3A_1581 : i32 to vector<16xi32>
    %select_n3A_1584 = arith.select %eq3A_1578, %broadcast_in_dim3A_1582, %broadcast_in_dim3A_1583 : vector<16xi1>, vector<16xi32>
    %add3A_1585 = arith.addi %add3A_1556, %select_n3A_1584 : vector<16xi32>
    %eq3A_1586 = arith.constant 4 : i32
    %eq3A_1587 = vector.broadcast %eq3A_1586 : i32 to vector<16xi32>
    %eq3A_1588 = arith.cmpi eq, %get3A_1467, %eq3A_1587 : vector<16xi32>
    %jit3A_1589 = arith.constant 1 : i32
    %jit3A_1590 = arith.constant 0 : i32
    %broadcast_in_dim3A_1591 = vector.broadcast %jit3A_1589 : i32 to vector<16xi32>
    %broadcast_in_dim3A_1592 = vector.broadcast %jit3A_1590 : i32 to vector<16xi32>
    %select_n3A_1593 = arith.select %eq3A_1588, %broadcast_in_dim3A_1591, %broadcast_in_dim3A_1592 : vector<16xi1>, vector<16xi32>
    %broadcast_in_dim3A_1594 = arith.constant true
    %broadcast_in_dim3A_1595 = vector.broadcast %broadcast_in_dim3A_1594 : i1 to vector<16xi1>
    %masked_cumsum3A_1596 = tpu.scan <sum>, %select_n3A_1593 masked %broadcast_in_dim3A_1595 : vector<16xi32>, vector<16xi1> -> vector<16xi32>
    %slice3A_1597 = vector.extract_strided_slice %add3A_1585 {offsets = [4], sizes = [1], strides = [1]} : vector<16xi32> to vector<1xi32>
    %squeeze3A_1598 = vector.extract %slice3A_1597[0] : i32 from vector<1xi32>
    %add3A_1599 = vector.broadcast %squeeze3A_1598 : i32 to vector<16xi32>
    %add3A_1600 = arith.addi %add3A_1599, %masked_cumsum3A_1596 : vector<16xi32>
    %sub3A_1601 = arith.constant 1 : i32
    %sub3A_1602 = vector.broadcast %sub3A_1601 : i32 to vector<16xi32>
    %sub3A_1603 = arith.subi %add3A_1600, %sub3A_1602 : vector<16xi32>
    %select_n3A_1604 = arith.select %eq3A_1588, %sub3A_1603, %select_n3A_1575 : vector<16xi1>, vector<16xi32>
    %eq3A_1605 = arith.constant 4 : i32
    %eq3A_1606 = vector.broadcast %eq3A_1605 : i32 to vector<16xi32>
    %eq3A_1607 = arith.cmpi eq, %iota3A, %eq3A_1606 : vector<16xi32>
    %slice3A_1608 = vector.extract_strided_slice %masked_cumsum3A_1596 {offsets = [15], sizes = [1], strides = [1]} : vector<16xi32> to vector<1xi32>
    %squeeze3A_1609 = vector.extract %slice3A_1608[0] : i32 from vector<1xi32>
    %jit3A_1610 = arith.constant 0 : i32
    %broadcast_in_dim3A_1611 = vector.broadcast %squeeze3A_1609 : i32 to vector<16xi32>
    %broadcast_in_dim3A_1612 = vector.broadcast %jit3A_1610 : i32 to vector<16xi32>
    %select_n3A_1613 = arith.select %eq3A_1607, %broadcast_in_dim3A_1611, %broadcast_in_dim3A_1612 : vector<16xi1>, vector<16xi32>
    %add3A_1614 = arith.addi %add3A_1585, %select_n3A_1613 : vector<16xi32>
    %eq3A_1615 = arith.constant 5 : i32
    %eq3A_1616 = vector.broadcast %eq3A_1615 : i32 to vector<16xi32>
    %eq3A_1617 = arith.cmpi eq, %get3A_1467, %eq3A_1616 : vector<16xi32>
    %jit3A_1618 = arith.constant 1 : i32
    %jit3A_1619 = arith.constant 0 : i32
    %broadcast_in_dim3A_1620 = vector.broadcast %jit3A_1618 : i32 to vector<16xi32>
    %broadcast_in_dim3A_1621 = vector.broadcast %jit3A_1619 : i32 to vector<16xi32>
    %select_n3A_1622 = arith.select %eq3A_1617, %broadcast_in_dim3A_1620, %broadcast_in_dim3A_1621 : vector<16xi1>, vector<16xi32>
    %broadcast_in_dim3A_1623 = arith.constant true
    %broadcast_in_dim3A_1624 = vector.broadcast %broadcast_in_dim3A_1623 : i1 to vector<16xi1>
    %masked_cumsum3A_1625 = tpu.scan <sum>, %select_n3A_1622 masked %broadcast_in_dim3A_1624 : vector<16xi32>, vector<16xi1> -> vector<16xi32>
    %slice3A_1626 = vector.extract_strided_slice %add3A_1614 {offsets = [5], sizes = [1], strides = [1]} : vector<16xi32> to vector<1xi32>
    %squeeze3A_1627 = vector.extract %slice3A_1626[0] : i32 from vector<1xi32>
    %add3A_1628 = vector.broadcast %squeeze3A_1627 : i32 to vector<16xi32>
    %add3A_1629 = arith.addi %add3A_1628, %masked_cumsum3A_1625 : vector<16xi32>
    %sub3A_1630 = arith.constant 1 : i32
    %sub3A_1631 = vector.broadcast %sub3A_1630 : i32 to vector<16xi32>
    %sub3A_1632 = arith.subi %add3A_1629, %sub3A_1631 : vector<16xi32>
    %select_n3A_1633 = arith.select %eq3A_1617, %sub3A_1632, %select_n3A_1604 : vector<16xi1>, vector<16xi32>
    %eq3A_1634 = arith.constant 5 : i32
    %eq3A_1635 = vector.broadcast %eq3A_1634 : i32 to vector<16xi32>
    %eq3A_1636 = arith.cmpi eq, %iota3A, %eq3A_1635 : vector<16xi32>
    %slice3A_1637 = vector.extract_strided_slice %masked_cumsum3A_1625 {offsets = [15], sizes = [1], strides = [1]} : vector<16xi32> to vector<1xi32>
    %squeeze3A_1638 = vector.extract %slice3A_1637[0] : i32 from vector<1xi32>
    %jit3A_1639 = arith.constant 0 : i32
    %broadcast_in_dim3A_1640 = vector.broadcast %squeeze3A_1638 : i32 to vector<16xi32>
    %broadcast_in_dim3A_1641 = vector.broadcast %jit3A_1639 : i32 to vector<16xi32>
    %select_n3A_1642 = arith.select %eq3A_1636, %broadcast_in_dim3A_1640, %broadcast_in_dim3A_1641 : vector<16xi1>, vector<16xi32>
    %add3A_1643 = arith.addi %add3A_1614, %select_n3A_1642 : vector<16xi32>
    %eq3A_1644 = arith.constant 6 : i32
    %eq3A_1645 = vector.broadcast %eq3A_1644 : i32 to vector<16xi32>
    %eq3A_1646 = arith.cmpi eq, %get3A_1467, %eq3A_1645 : vector<16xi32>
    %jit3A_1647 = arith.constant 1 : i32
    %jit3A_1648 = arith.constant 0 : i32
    %broadcast_in_dim3A_1649 = vector.broadcast %jit3A_1647 : i32 to vector<16xi32>
    %broadcast_in_dim3A_1650 = vector.broadcast %jit3A_1648 : i32 to vector<16xi32>
    %select_n3A_1651 = arith.select %eq3A_1646, %broadcast_in_dim3A_1649, %broadcast_in_dim3A_1650 : vector<16xi1>, vector<16xi32>
    %broadcast_in_dim3A_1652 = arith.constant true
    %broadcast_in_dim3A_1653 = vector.broadcast %broadcast_in_dim3A_1652 : i1 to vector<16xi1>
    %masked_cumsum3A_1654 = tpu.scan <sum>, %select_n3A_1651 masked %broadcast_in_dim3A_1653 : vector<16xi32>, vector<16xi1> -> vector<16xi32>
    %slice3A_1655 = vector.extract_strided_slice %add3A_1643 {offsets = [6], sizes = [1], strides = [1]} : vector<16xi32> to vector<1xi32>
    %squeeze3A_1656 = vector.extract %slice3A_1655[0] : i32 from vector<1xi32>
    %add3A_1657 = vector.broadcast %squeeze3A_1656 : i32 to vector<16xi32>
    %add3A_1658 = arith.addi %add3A_1657, %masked_cumsum3A_1654 : vector<16xi32>
    %sub3A_1659 = arith.constant 1 : i32
    %sub3A_1660 = vector.broadcast %sub3A_1659 : i32 to vector<16xi32>
    %sub3A_1661 = arith.subi %add3A_1658, %sub3A_1660 : vector<16xi32>
    %select_n3A_1662 = arith.select %eq3A_1646, %sub3A_1661, %select_n3A_1633 : vector<16xi1>, vector<16xi32>
    %eq3A_1663 = arith.constant 6 : i32
    %eq3A_1664 = vector.broadcast %eq3A_1663 : i32 to vector<16xi32>
    %eq3A_1665 = arith.cmpi eq, %iota3A, %eq3A_1664 : vector<16xi32>
    %slice3A_1666 = vector.extract_strided_slice %masked_cumsum3A_1654 {offsets = [15], sizes = [1], strides = [1]} : vector<16xi32> to vector<1xi32>
    %squeeze3A_1667 = vector.extract %slice3A_1666[0] : i32 from vector<1xi32>
    %jit3A_1668 = arith.constant 0 : i32
    %broadcast_in_dim3A_1669 = vector.broadcast %squeeze3A_1667 : i32 to vector<16xi32>
    %broadcast_in_dim3A_1670 = vector.broadcast %jit3A_1668 : i32 to vector<16xi32>
    %select_n3A_1671 = arith.select %eq3A_1665, %broadcast_in_dim3A_1669, %broadcast_in_dim3A_1670 : vector<16xi1>, vector<16xi32>
    %add3A_1672 = arith.addi %add3A_1643, %select_n3A_1671 : vector<16xi32>
    %swap3A_1673 = arith.constant 48 : index
    %swap3A_1674 = tpu.vector_load %arg16[%swap3A_1673] {strides = array<i32>} : memref<128xi32, #tpu.memory_space<vmem>>, vector<16xi32>,
    tpu.vector_store %arg16[%swap3A_1673], %select_n3A_1662 {strides = array<i32>} : memref<128xi32, #tpu.memory_space<vmem>>, vector<16xi32>,
    %swap3A_1675 = arith.constant 48 : index
    %swap3A_1676 = tpu.vector_load %arg17[%swap3A_1675] {strides = array<i32>} : memref<64xi32, #tpu.memory_space<vmem>>, vector<16xi32>,
    tpu.vector_store %arg17[%swap3A_1675], %select_n3A_1662 {strides = array<i32>} : memref<64xi32, #tpu.memory_space<vmem>>, vector<16xi32>,
    %get3A_1677 = arith.constant 64 : index
    %get3A_1678 = tpu.vector_load %arg12[%get3A_1677] {strides = array<i32>} : memref<128xi32, #tpu.memory_space<vmem>>, vector<16xi32>,
    %broadcast_in_dim3A_1679 = arith.constant 0 : i32
    %broadcast_in_dim3A_1680 = vector.broadcast %broadcast_in_dim3A_1679 : i32 to vector<16xi32>
    %eq3A_1681 = arith.constant 0 : i32
    %eq3A_1682 = vector.broadcast %eq3A_1681 : i32 to vector<16xi32>
    %eq3A_1683 = arith.cmpi eq, %get3A_1678, %eq3A_1682 : vector<16xi32>
    %jit3A_1684 = arith.constant 1 : i32
    %jit3A_1685 = arith.constant 0 : i32
    %broadcast_in_dim3A_1686 = vector.broadcast %jit3A_1684 : i32 to vector<16xi32>
    %broadcast_in_dim3A_1687 = vector.broadcast %jit3A_1685 : i32 to vector<16xi32>
    %select_n3A_1688 = arith.select %eq3A_1683, %broadcast_in_dim3A_1686, %broadcast_in_dim3A_1687 : vector<16xi1>, vector<16xi32>
    %broadcast_in_dim3A_1689 = arith.constant true
    %broadcast_in_dim3A_1690 = vector.broadcast %broadcast_in_dim3A_1689 : i1 to vector<16xi1>
    %masked_cumsum3A_1691 = tpu.scan <sum>, %select_n3A_1688 masked %broadcast_in_dim3A_1690 : vector<16xi32>, vector<16xi1> -> vector<16xi32>
    %slice3A_1692 = vector.extract_strided_slice %add3A_1672 {offsets = [0], sizes = [1], strides = [1]} : vector<16xi32> to vector<1xi32>
    %squeeze3A_1693 = vector.extract %slice3A_1692[0] : i32 from vector<1xi32>
    %add3A_1694 = vector.broadcast %squeeze3A_1693 : i32 to vector<16xi32>
    %add3A_1695 = arith.addi %add3A_1694, %masked_cumsum3A_1691 : vector<16xi32>
    %sub3A_1696 = arith.constant 1 : i32
    %sub3A_1697 = vector.broadcast %sub3A_1696 : i32 to vector<16xi32>
    %sub3A_1698 = arith.subi %add3A_1695, %sub3A_1697 : vector<16xi32>
    %select_n3A_1699 = arith.select %eq3A_1683, %sub3A_1698, %broadcast_in_dim3A_1680 : vector<16xi1>, vector<16xi32>
    %eq3A_1700 = arith.constant 0 : i32
    %eq3A_1701 = vector.broadcast %eq3A_1700 : i32 to vector<16xi32>
    %eq3A_1702 = arith.cmpi eq, %iota3A, %eq3A_1701 : vector<16xi32>
    %slice3A_1703 = vector.extract_strided_slice %masked_cumsum3A_1691 {offsets = [15], sizes = [1], strides = [1]} : vector<16xi32> to vector<1xi32>
    %squeeze3A_1704 = vector.extract %slice3A_1703[0] : i32 from vector<1xi32>
    %jit3A_1705 = arith.constant 0 : i32
    %broadcast_in_dim3A_1706 = vector.broadcast %squeeze3A_1704 : i32 to vector<16xi32>
    %broadcast_in_dim3A_1707 = vector.broadcast %jit3A_1705 : i32 to vector<16xi32>
    %select_n3A_1708 = arith.select %eq3A_1702, %broadcast_in_dim3A_1706, %broadcast_in_dim3A_1707 : vector<16xi1>, vector<16xi32>
    %add3A_1709 = arith.addi %add3A_1672, %select_n3A_1708 : vector<16xi32>
    %eq3A_1710 = arith.constant 1 : i32
    %eq3A_1711 = vector.broadcast %eq3A_1710 : i32 to vector<16xi32>
    %eq3A_1712 = arith.cmpi eq, %get3A_1678, %eq3A_1711 : vector<16xi32>
    %jit3A_1713 = arith.constant 1 : i32
    %jit3A_1714 = arith.constant 0 : i32
    %broadcast_in_dim3A_1715 = vector.broadcast %jit3A_1713 : i32 to vector<16xi32>
    %broadcast_in_dim3A_1716 = vector.broadcast %jit3A_1714 : i32 to vector<16xi32>
    %select_n3A_1717 = arith.select %eq3A_1712, %broadcast_in_dim3A_1715, %broadcast_in_dim3A_1716 : vector<16xi1>, vector<16xi32>
    %broadcast_in_dim3A_1718 = arith.constant true
    %broadcast_in_dim3A_1719 = vector.broadcast %broadcast_in_dim3A_1718 : i1 to vector<16xi1>
    %masked_cumsum3A_1720 = tpu.scan <sum>, %select_n3A_1717 masked %broadcast_in_dim3A_1719 : vector<16xi32>, vector<16xi1> -> vector<16xi32>
    %slice3A_1721 = vector.extract_strided_slice %add3A_1709 {offsets = [1], sizes = [1], strides = [1]} : vector<16xi32> to vector<1xi32>
    %squeeze3A_1722 = vector.extract %slice3A_1721[0] : i32 from vector<1xi32>
    %add3A_1723 = vector.broadcast %squeeze3A_1722 : i32 to vector<16xi32>
    %add3A_1724 = arith.addi %add3A_1723, %masked_cumsum3A_1720 : vector<16xi32>
    %sub3A_1725 = arith.constant 1 : i32
    %sub3A_1726 = vector.broadcast %sub3A_1725 : i32 to vector<16xi32>
    %sub3A_1727 = arith.subi %add3A_1724, %sub3A_1726 : vector<16xi32>
    %select_n3A_1728 = arith.select %eq3A_1712, %sub3A_1727, %select_n3A_1699 : vector<16xi1>, vector<16xi32>
    %eq3A_1729 = arith.constant 1 : i32
    %eq3A_1730 = vector.broadcast %eq3A_1729 : i32 to vector<16xi32>
    %eq3A_1731 = arith.cmpi eq, %iota3A, %eq3A_1730 : vector<16xi32>
    %slice3A_1732 = vector.extract_strided_slice %masked_cumsum3A_1720 {offsets = [15], sizes = [1], strides = [1]} : vector<16xi32> to vector<1xi32>
    %squeeze3A_1733 = vector.extract %slice3A_1732[0] : i32 from vector<1xi32>
    %jit3A_1734 = arith.constant 0 : i32
    %broadcast_in_dim3A_1735 = vector.broadcast %squeeze3A_1733 : i32 to vector<16xi32>
    %broadcast_in_dim3A_1736 = vector.broadcast %jit3A_1734 : i32 to vector<16xi32>
    %select_n3A_1737 = arith.select %eq3A_1731, %broadcast_in_dim3A_1735, %broadcast_in_dim3A_1736 : vector<16xi1>, vector<16xi32>
    %add3A_1738 = arith.addi %add3A_1709, %select_n3A_1737 : vector<16xi32>
    %eq3A_1739 = arith.constant 2 : i32
    %eq3A_1740 = vector.broadcast %eq3A_1739 : i32 to vector<16xi32>
    %eq3A_1741 = arith.cmpi eq, %get3A_1678, %eq3A_1740 : vector<16xi32>
    %jit3A_1742 = arith.constant 1 : i32
    %jit3A_1743 = arith.constant 0 : i32
    %broadcast_in_dim3A_1744 = vector.broadcast %jit3A_1742 : i32 to vector<16xi32>
    %broadcast_in_dim3A_1745 = vector.broadcast %jit3A_1743 : i32 to vector<16xi32>
    %select_n3A_1746 = arith.select %eq3A_1741, %broadcast_in_dim3A_1744, %broadcast_in_dim3A_1745 : vector<16xi1>, vector<16xi32>
    %broadcast_in_dim3A_1747 = arith.constant true
    %broadcast_in_dim3A_1748 = vector.broadcast %broadcast_in_dim3A_1747 : i1 to vector<16xi1>
    %masked_cumsum3A_1749 = tpu.scan <sum>, %select_n3A_1746 masked %broadcast_in_dim3A_1748 : vector<16xi32>, vector<16xi1> -> vector<16xi32>
    %slice3A_1750 = vector.extract_strided_slice %add3A_1738 {offsets = [2], sizes = [1], strides = [1]} : vector<16xi32> to vector<1xi32>
    %squeeze3A_1751 = vector.extract %slice3A_1750[0] : i32 from vector<1xi32>
    %add3A_1752 = vector.broadcast %squeeze3A_1751 : i32 to vector<16xi32>
    %add3A_1753 = arith.addi %add3A_1752, %masked_cumsum3A_1749 : vector<16xi32>
    %sub3A_1754 = arith.constant 1 : i32
    %sub3A_1755 = vector.broadcast %sub3A_1754 : i32 to vector<16xi32>
    %sub3A_1756 = arith.subi %add3A_1753, %sub3A_1755 : vector<16xi32>
    %select_n3A_1757 = arith.select %eq3A_1741, %sub3A_1756, %select_n3A_1728 : vector<16xi1>, vector<16xi32>
    %eq3A_1758 = arith.constant 2 : i32
    %eq3A_1759 = vector.broadcast %eq3A_1758 : i32 to vector<16xi32>
    %eq3A_1760 = arith.cmpi eq, %iota3A, %eq3A_1759 : vector<16xi32>
    %slice3A_1761 = vector.extract_strided_slice %masked_cumsum3A_1749 {offsets = [15], sizes = [1], strides = [1]} : vector<16xi32> to vector<1xi32>
    %squeeze3A_1762 = vector.extract %slice3A_1761[0] : i32 from vector<1xi32>
    %jit3A_1763 = arith.constant 0 : i32
    %broadcast_in_dim3A_1764 = vector.broadcast %squeeze3A_1762 : i32 to vector<16xi32>
    %broadcast_in_dim3A_1765 = vector.broadcast %jit3A_1763 : i32 to vector<16xi32>
    %select_n3A_1766 = arith.select %eq3A_1760, %broadcast_in_dim3A_1764, %broadcast_in_dim3A_1765 : vector<16xi1>, vector<16xi32>
    %add3A_1767 = arith.addi %add3A_1738, %select_n3A_1766 : vector<16xi32>
    %eq3A_1768 = arith.constant 3 : i32
    %eq3A_1769 = vector.broadcast %eq3A_1768 : i32 to vector<16xi32>
    %eq3A_1770 = arith.cmpi eq, %get3A_1678, %eq3A_1769 : vector<16xi32>
    %jit3A_1771 = arith.constant 1 : i32
    %jit3A_1772 = arith.constant 0 : i32
    %broadcast_in_dim3A_1773 = vector.broadcast %jit3A_1771 : i32 to vector<16xi32>
    %broadcast_in_dim3A_1774 = vector.broadcast %jit3A_1772 : i32 to vector<16xi32>
    %select_n3A_1775 = arith.select %eq3A_1770, %broadcast_in_dim3A_1773, %broadcast_in_dim3A_1774 : vector<16xi1>, vector<16xi32>
    %broadcast_in_dim3A_1776 = arith.constant true
    %broadcast_in_dim3A_1777 = vector.broadcast %broadcast_in_dim3A_1776 : i1 to vector<16xi1>
    %masked_cumsum3A_1778 = tpu.scan <sum>, %select_n3A_1775 masked %broadcast_in_dim3A_1777 : vector<16xi32>, vector<16xi1> -> vector<16xi32>
    %slice3A_1779 = vector.extract_strided_slice %add3A_1767 {offsets = [3], sizes = [1], strides = [1]} : vector<16xi32> to vector<1xi32>
    %squeeze3A_1780 = vector.extract %slice3A_1779[0] : i32 from vector<1xi32>
    %add3A_1781 = vector.broadcast %squeeze3A_1780 : i32 to vector<16xi32>
    %add3A_1782 = arith.addi %add3A_1781, %masked_cumsum3A_1778 : vector<16xi32>
    %sub3A_1783 = arith.constant 1 : i32
    %sub3A_1784 = vector.broadcast %sub3A_1783 : i32 to vector<16xi32>
    %sub3A_1785 = arith.subi %add3A_1782, %sub3A_1784 : vector<16xi32>
    %select_n3A_1786 = arith.select %eq3A_1770, %sub3A_1785, %select_n3A_1757 : vector<16xi1>, vector<16xi32>
    %eq3A_1787 = arith.constant 3 : i32
    %eq3A_1788 = vector.broadcast %eq3A_1787 : i32 to vector<16xi32>
    %eq3A_1789 = arith.cmpi eq, %iota3A, %eq3A_1788 : vector<16xi32>
    %slice3A_1790 = vector.extract_strided_slice %masked_cumsum3A_1778 {offsets = [15], sizes = [1], strides = [1]} : vector<16xi32> to vector<1xi32>
    %squeeze3A_1791 = vector.extract %slice3A_1790[0] : i32 from vector<1xi32>
    %jit3A_1792 = arith.constant 0 : i32
    %broadcast_in_dim3A_1793 = vector.broadcast %squeeze3A_1791 : i32 to vector<16xi32>
    %broadcast_in_dim3A_1794 = vector.broadcast %jit3A_1792 : i32 to vector<16xi32>
    %select_n3A_1795 = arith.select %eq3A_1789, %broadcast_in_dim3A_1793, %broadcast_in_dim3A_1794 : vector<16xi1>, vector<16xi32>
    %add3A_1796 = arith.addi %add3A_1767, %select_n3A_1795 : vector<16xi32>
    %eq3A_1797 = arith.constant 4 : i32
    %eq3A_1798 = vector.broadcast %eq3A_1797 : i32 to vector<16xi32>
    %eq3A_1799 = arith.cmpi eq, %get3A_1678, %eq3A_1798 : vector<16xi32>
    %jit3A_1800 = arith.constant 1 : i32
    %jit3A_1801 = arith.constant 0 : i32
    %broadcast_in_dim3A_1802 = vector.broadcast %jit3A_1800 : i32 to vector<16xi32>
    %broadcast_in_dim3A_1803 = vector.broadcast %jit3A_1801 : i32 to vector<16xi32>
    %select_n3A_1804 = arith.select %eq3A_1799, %broadcast_in_dim3A_1802, %broadcast_in_dim3A_1803 : vector<16xi1>, vector<16xi32>
    %broadcast_in_dim3A_1805 = arith.constant true
    %broadcast_in_dim3A_1806 = vector.broadcast %broadcast_in_dim3A_1805 : i1 to vector<16xi1>
    %masked_cumsum3A_1807 = tpu.scan <sum>, %select_n3A_1804 masked %broadcast_in_dim3A_1806 : vector<16xi32>, vector<16xi1> -> vector<16xi32>
    %slice3A_1808 = vector.extract_strided_slice %add3A_1796 {offsets = [4], sizes = [1], strides = [1]} : vector<16xi32> to vector<1xi32>
    %squeeze3A_1809 = vector.extract %slice3A_1808[0] : i32 from vector<1xi32>
    %add3A_1810 = vector.broadcast %squeeze3A_1809 : i32 to vector<16xi32>
    %add3A_1811 = arith.addi %add3A_1810, %masked_cumsum3A_1807 : vector<16xi32>
    %sub3A_1812 = arith.constant 1 : i32
    %sub3A_1813 = vector.broadcast %sub3A_1812 : i32 to vector<16xi32>
    %sub3A_1814 = arith.subi %add3A_1811, %sub3A_1813 : vector<16xi32>
    %select_n3A_1815 = arith.select %eq3A_1799, %sub3A_1814, %select_n3A_1786 : vector<16xi1>, vector<16xi32>
    %eq3A_1816 = arith.constant 4 : i32
    %eq3A_1817 = vector.broadcast %eq3A_1816 : i32 to vector<16xi32>
    %eq3A_1818 = arith.cmpi eq, %iota3A, %eq3A_1817 : vector<16xi32>
    %slice3A_1819 = vector.extract_strided_slice %masked_cumsum3A_1807 {offsets = [15], sizes = [1], strides = [1]} : vector<16xi32> to vector<1xi32>
    %squeeze3A_1820 = vector.extract %slice3A_1819[0] : i32 from vector<1xi32>
    %jit3A_1821 = arith.constant 0 : i32
    %broadcast_in_dim3A_1822 = vector.broadcast %squeeze3A_1820 : i32 to vector<16xi32>
    %broadcast_in_dim3A_1823 = vector.broadcast %jit3A_1821 : i32 to vector<16xi32>
    %select_n3A_1824 = arith.select %eq3A_1818, %broadcast_in_dim3A_1822, %broadcast_in_dim3A_1823 : vector<16xi1>, vector<16xi32>
    %add3A_1825 = arith.addi %add3A_1796, %select_n3A_1824 : vector<16xi32>
    %eq3A_1826 = arith.constant 5 : i32
    %eq3A_1827 = vector.broadcast %eq3A_1826 : i32 to vector<16xi32>
    %eq3A_1828 = arith.cmpi eq, %get3A_1678, %eq3A_1827 : vector<16xi32>
    %jit3A_1829 = arith.constant 1 : i32
    %jit3A_1830 = arith.constant 0 : i32
    %broadcast_in_dim3A_1831 = vector.broadcast %jit3A_1829 : i32 to vector<16xi32>
    %broadcast_in_dim3A_1832 = vector.broadcast %jit3A_1830 : i32 to vector<16xi32>
    %select_n3A_1833 = arith.select %eq3A_1828, %broadcast_in_dim3A_1831, %broadcast_in_dim3A_1832 : vector<16xi1>, vector<16xi32>
    %broadcast_in_dim3A_1834 = arith.constant true
    %broadcast_in_dim3A_1835 = vector.broadcast %broadcast_in_dim3A_1834 : i1 to vector<16xi1>
    %masked_cumsum3A_1836 = tpu.scan <sum>, %select_n3A_1833 masked %broadcast_in_dim3A_1835 : vector<16xi32>, vector<16xi1> -> vector<16xi32>
    %slice3A_1837 = vector.extract_strided_slice %add3A_1825 {offsets = [5], sizes = [1], strides = [1]} : vector<16xi32> to vector<1xi32>
    %squeeze3A_1838 = vector.extract %slice3A_1837[0] : i32 from vector<1xi32>
    %add3A_1839 = vector.broadcast %squeeze3A_1838 : i32 to vector<16xi32>
    %add3A_1840 = arith.addi %add3A_1839, %masked_cumsum3A_1836 : vector<16xi32>
    %sub3A_1841 = arith.constant 1 : i32
    %sub3A_1842 = vector.broadcast %sub3A_1841 : i32 to vector<16xi32>
    %sub3A_1843 = arith.subi %add3A_1840, %sub3A_1842 : vector<16xi32>
    %select_n3A_1844 = arith.select %eq3A_1828, %sub3A_1843, %select_n3A_1815 : vector<16xi1>, vector<16xi32>
    %eq3A_1845 = arith.constant 5 : i32
    %eq3A_1846 = vector.broadcast %eq3A_1845 : i32 to vector<16xi32>
    %eq3A_1847 = arith.cmpi eq, %iota3A, %eq3A_1846 : vector<16xi32>
    %slice3A_1848 = vector.extract_strided_slice %masked_cumsum3A_1836 {offsets = [15], sizes = [1], strides = [1]} : vector<16xi32> to vector<1xi32>
    %squeeze3A_1849 = vector.extract %slice3A_1848[0] : i32 from vector<1xi32>
    %jit3A_1850 = arith.constant 0 : i32
    %broadcast_in_dim3A_1851 = vector.broadcast %squeeze3A_1849 : i32 to vector<16xi32>
    %broadcast_in_dim3A_1852 = vector.broadcast %jit3A_1850 : i32 to vector<16xi32>
    %select_n3A_1853 = arith.select %eq3A_1847, %broadcast_in_dim3A_1851, %broadcast_in_dim3A_1852 : vector<16xi1>, vector<16xi32>
    %add3A_1854 = arith.addi %add3A_1825, %select_n3A_1853 : vector<16xi32>
    %eq3A_1855 = arith.constant 6 : i32
    %eq3A_1856 = vector.broadcast %eq3A_1855 : i32 to vector<16xi32>
    %eq3A_1857 = arith.cmpi eq, %get3A_1678, %eq3A_1856 : vector<16xi32>
    %jit3A_1858 = arith.constant 1 : i32
    %jit3A_1859 = arith.constant 0 : i32
    %broadcast_in_dim3A_1860 = vector.broadcast %jit3A_1858 : i32 to vector<16xi32>
    %broadcast_in_dim3A_1861 = vector.broadcast %jit3A_1859 : i32 to vector<16xi32>
    %select_n3A_1862 = arith.select %eq3A_1857, %broadcast_in_dim3A_1860, %broadcast_in_dim3A_1861 : vector<16xi1>, vector<16xi32>
    %broadcast_in_dim3A_1863 = arith.constant true
    %broadcast_in_dim3A_1864 = vector.broadcast %broadcast_in_dim3A_1863 : i1 to vector<16xi1>
    %masked_cumsum3A_1865 = tpu.scan <sum>, %select_n3A_1862 masked %broadcast_in_dim3A_1864 : vector<16xi32>, vector<16xi1> -> vector<16xi32>
    %slice3A_1866 = vector.extract_strided_slice %add3A_1854 {offsets = [6], sizes = [1], strides = [1]} : vector<16xi32> to vector<1xi32>
    %squeeze3A_1867 = vector.extract %slice3A_1866[0] : i32 from vector<1xi32>
    %add3A_1868 = vector.broadcast %squeeze3A_1867 : i32 to vector<16xi32>
    %add3A_1869 = arith.addi %add3A_1868, %masked_cumsum3A_1865 : vector<16xi32>
    %sub3A_1870 = arith.constant 1 : i32
    %sub3A_1871 = vector.broadcast %sub3A_1870 : i32 to vector<16xi32>
    %sub3A_1872 = arith.subi %add3A_1869, %sub3A_1871 : vector<16xi32>
    %select_n3A_1873 = arith.select %eq3A_1857, %sub3A_1872, %select_n3A_1844 : vector<16xi1>, vector<16xi32>
    %eq3A_1874 = arith.constant 6 : i32
    %eq3A_1875 = vector.broadcast %eq3A_1874 : i32 to vector<16xi32>
    %eq3A_1876 = arith.cmpi eq, %iota3A, %eq3A_1875 : vector<16xi32>
    %slice3A_1877 = vector.extract_strided_slice %masked_cumsum3A_1865 {offsets = [15], sizes = [1], strides = [1]} : vector<16xi32> to vector<1xi32>
    %squeeze3A_1878 = vector.extract %slice3A_1877[0] : i32 from vector<1xi32>
    %jit3A_1879 = arith.constant 0 : i32
    %broadcast_in_dim3A_1880 = vector.broadcast %squeeze3A_1878 : i32 to vector<16xi32>
    %broadcast_in_dim3A_1881 = vector.broadcast %jit3A_1879 : i32 to vector<16xi32>
    %select_n3A_1882 = arith.select %eq3A_1876, %broadcast_in_dim3A_1880, %broadcast_in_dim3A_1881 : vector<16xi1>, vector<16xi32>
    %add3A_1883 = arith.addi %add3A_1854, %select_n3A_1882 : vector<16xi32>
    %swap3A_1884 = arith.constant 64 : index
    %swap3A_1885 = tpu.vector_load %arg16[%swap3A_1884] {strides = array<i32>} : memref<128xi32, #tpu.memory_space<vmem>>, vector<16xi32>,
    tpu.vector_store %arg16[%swap3A_1884], %select_n3A_1873 {strides = array<i32>} : memref<128xi32, #tpu.memory_space<vmem>>, vector<16xi32>,
    %swap3A_1886 = arith.constant 0 : index
    %swap3A_1887 = tpu.vector_load %arg18[%swap3A_1886] {strides = array<i32>} : memref<64xi32, #tpu.memory_space<vmem>>, vector<16xi32>,
    tpu.vector_store %arg18[%swap3A_1886], %select_n3A_1873 {strides = array<i32>} : memref<64xi32, #tpu.memory_space<vmem>>, vector<16xi32>,
    %get3A_1888 = arith.constant 80 : index
    %get3A_1889 = tpu.vector_load %arg12[%get3A_1888] {strides = array<i32>} : memref<128xi32, #tpu.memory_space<vmem>>, vector<16xi32>,
    %broadcast_in_dim3A_1890 = arith.constant 0 : i32
    %broadcast_in_dim3A_1891 = vector.broadcast %broadcast_in_dim3A_1890 : i32 to vector<16xi32>
    %eq3A_1892 = arith.constant 0 : i32
    %eq3A_1893 = vector.broadcast %eq3A_1892 : i32 to vector<16xi32>
    %eq3A_1894 = arith.cmpi eq, %get3A_1889, %eq3A_1893 : vector<16xi32>
    %jit3A_1895 = arith.constant 1 : i32
    %jit3A_1896 = arith.constant 0 : i32
    %broadcast_in_dim3A_1897 = vector.broadcast %jit3A_1895 : i32 to vector<16xi32>
    %broadcast_in_dim3A_1898 = vector.broadcast %jit3A_1896 : i32 to vector<16xi32>
    %select_n3A_1899 = arith.select %eq3A_1894, %broadcast_in_dim3A_1897, %broadcast_in_dim3A_1898 : vector<16xi1>, vector<16xi32>
    %broadcast_in_dim3A_1900 = arith.constant true
    %broadcast_in_dim3A_1901 = vector.broadcast %broadcast_in_dim3A_1900 : i1 to vector<16xi1>
    %masked_cumsum3A_1902 = tpu.scan <sum>, %select_n3A_1899 masked %broadcast_in_dim3A_1901 : vector<16xi32>, vector<16xi1> -> vector<16xi32>
    %slice3A_1903 = vector.extract_strided_slice %add3A_1883 {offsets = [0], sizes = [1], strides = [1]} : vector<16xi32> to vector<1xi32>
    %squeeze3A_1904 = vector.extract %slice3A_1903[0] : i32 from vector<1xi32>
    %add3A_1905 = vector.broadcast %squeeze3A_1904 : i32 to vector<16xi32>
    %add3A_1906 = arith.addi %add3A_1905, %masked_cumsum3A_1902 : vector<16xi32>
    %sub3A_1907 = arith.constant 1 : i32
    %sub3A_1908 = vector.broadcast %sub3A_1907 : i32 to vector<16xi32>
    %sub3A_1909 = arith.subi %add3A_1906, %sub3A_1908 : vector<16xi32>
    %select_n3A_1910 = arith.select %eq3A_1894, %sub3A_1909, %broadcast_in_dim3A_1891 : vector<16xi1>, vector<16xi32>
    %eq3A_1911 = arith.constant 0 : i32
    %eq3A_1912 = vector.broadcast %eq3A_1911 : i32 to vector<16xi32>
    %eq3A_1913 = arith.cmpi eq, %iota3A, %eq3A_1912 : vector<16xi32>
    %slice3A_1914 = vector.extract_strided_slice %masked_cumsum3A_1902 {offsets = [15], sizes = [1], strides = [1]} : vector<16xi32> to vector<1xi32>
    %squeeze3A_1915 = vector.extract %slice3A_1914[0] : i32 from vector<1xi32>
    %jit3A_1916 = arith.constant 0 : i32
    %broadcast_in_dim3A_1917 = vector.broadcast %squeeze3A_1915 : i32 to vector<16xi32>
    %broadcast_in_dim3A_1918 = vector.broadcast %jit3A_1916 : i32 to vector<16xi32>
    %select_n3A_1919 = arith.select %eq3A_1913, %broadcast_in_dim3A_1917, %broadcast_in_dim3A_1918 : vector<16xi1>, vector<16xi32>
    %add3A_1920 = arith.addi %add3A_1883, %select_n3A_1919 : vector<16xi32>
    %eq3A_1921 = arith.constant 1 : i32
    %eq3A_1922 = vector.broadcast %eq3A_1921 : i32 to vector<16xi32>
    %eq3A_1923 = arith.cmpi eq, %get3A_1889, %eq3A_1922 : vector<16xi32>
    %jit3A_1924 = arith.constant 1 : i32
    %jit3A_1925 = arith.constant 0 : i32
    %broadcast_in_dim3A_1926 = vector.broadcast %jit3A_1924 : i32 to vector<16xi32>
    %broadcast_in_dim3A_1927 = vector.broadcast %jit3A_1925 : i32 to vector<16xi32>
    %select_n3A_1928 = arith.select %eq3A_1923, %broadcast_in_dim3A_1926, %broadcast_in_dim3A_1927 : vector<16xi1>, vector<16xi32>
    %broadcast_in_dim3A_1929 = arith.constant true
    %broadcast_in_dim3A_1930 = vector.broadcast %broadcast_in_dim3A_1929 : i1 to vector<16xi1>
    %masked_cumsum3A_1931 = tpu.scan <sum>, %select_n3A_1928 masked %broadcast_in_dim3A_1930 : vector<16xi32>, vector<16xi1> -> vector<16xi32>
    %slice3A_1932 = vector.extract_strided_slice %add3A_1920 {offsets = [1], sizes = [1], strides = [1]} : vector<16xi32> to vector<1xi32>
    %squeeze3A_1933 = vector.extract %slice3A_1932[0] : i32 from vector<1xi32>
    %add3A_1934 = vector.broadcast %squeeze3A_1933 : i32 to vector<16xi32>
    %add3A_1935 = arith.addi %add3A_1934, %masked_cumsum3A_1931 : vector<16xi32>
    %sub3A_1936 = arith.constant 1 : i32
    %sub3A_1937 = vector.broadcast %sub3A_1936 : i32 to vector<16xi32>
    %sub3A_1938 = arith.subi %add3A_1935, %sub3A_1937 : vector<16xi32>
    %select_n3A_1939 = arith.select %eq3A_1923, %sub3A_1938, %select_n3A_1910 : vector<16xi1>, vector<16xi32>
    %eq3A_1940 = arith.constant 1 : i32
    %eq3A_1941 = vector.broadcast %eq3A_1940 : i32 to vector<16xi32>
    %eq3A_1942 = arith.cmpi eq, %iota3A, %eq3A_1941 : vector<16xi32>
    %slice3A_1943 = vector.extract_strided_slice %masked_cumsum3A_1931 {offsets = [15], sizes = [1], strides = [1]} : vector<16xi32> to vector<1xi32>
    %squeeze3A_1944 = vector.extract %slice3A_1943[0] : i32 from vector<1xi32>
    %jit3A_1945 = arith.constant 0 : i32
    %broadcast_in_dim3A_1946 = vector.broadcast %squeeze3A_1944 : i32 to vector<16xi32>
    %broadcast_in_dim3A_1947 = vector.broadcast %jit3A_1945 : i32 to vector<16xi32>
    %select_n3A_1948 = arith.select %eq3A_1942, %broadcast_in_dim3A_1946, %broadcast_in_dim3A_1947 : vector<16xi1>, vector<16xi32>
    %add3A_1949 = arith.addi %add3A_1920, %select_n3A_1948 : vector<16xi32>
    %eq3A_1950 = arith.constant 2 : i32
    %eq3A_1951 = vector.broadcast %eq3A_1950 : i32 to vector<16xi32>
    %eq3A_1952 = arith.cmpi eq, %get3A_1889, %eq3A_1951 : vector<16xi32>
    %jit3A_1953 = arith.constant 1 : i32
    %jit3A_1954 = arith.constant 0 : i32
    %broadcast_in_dim3A_1955 = vector.broadcast %jit3A_1953 : i32 to vector<16xi32>
    %broadcast_in_dim3A_1956 = vector.broadcast %jit3A_1954 : i32 to vector<16xi32>
    %select_n3A_1957 = arith.select %eq3A_1952, %broadcast_in_dim3A_1955, %broadcast_in_dim3A_1956 : vector<16xi1>, vector<16xi32>
    %broadcast_in_dim3A_1958 = arith.constant true
    %broadcast_in_dim3A_1959 = vector.broadcast %broadcast_in_dim3A_1958 : i1 to vector<16xi1>
    %masked_cumsum3A_1960 = tpu.scan <sum>, %select_n3A_1957 masked %broadcast_in_dim3A_1959 : vector<16xi32>, vector<16xi1> -> vector<16xi32>
    %slice3A_1961 = vector.extract_strided_slice %add3A_1949 {offsets = [2], sizes = [1], strides = [1]} : vector<16xi32> to vector<1xi32>
    %squeeze3A_1962 = vector.extract %slice3A_1961[0] : i32 from vector<1xi32>
    %add3A_1963 = vector.broadcast %squeeze3A_1962 : i32 to vector<16xi32>
    %add3A_1964 = arith.addi %add3A_1963, %masked_cumsum3A_1960 : vector<16xi32>
    %sub3A_1965 = arith.constant 1 : i32
    %sub3A_1966 = vector.broadcast %sub3A_1965 : i32 to vector<16xi32>
    %sub3A_1967 = arith.subi %add3A_1964, %sub3A_1966 : vector<16xi32>
    %select_n3A_1968 = arith.select %eq3A_1952, %sub3A_1967, %select_n3A_1939 : vector<16xi1>, vector<16xi32>
    %eq3A_1969 = arith.constant 2 : i32
    %eq3A_1970 = vector.broadcast %eq3A_1969 : i32 to vector<16xi32>
    %eq3A_1971 = arith.cmpi eq, %iota3A, %eq3A_1970 : vector<16xi32>
    %slice3A_1972 = vector.extract_strided_slice %masked_cumsum3A_1960 {offsets = [15], sizes = [1], strides = [1]} : vector<16xi32> to vector<1xi32>
    %squeeze3A_1973 = vector.extract %slice3A_1972[0] : i32 from vector<1xi32>
    %jit3A_1974 = arith.constant 0 : i32
    %broadcast_in_dim3A_1975 = vector.broadcast %squeeze3A_1973 : i32 to vector<16xi32>
    %broadcast_in_dim3A_1976 = vector.broadcast %jit3A_1974 : i32 to vector<16xi32>
    %select_n3A_1977 = arith.select %eq3A_1971, %broadcast_in_dim3A_1975, %broadcast_in_dim3A_1976 : vector<16xi1>, vector<16xi32>
    %add3A_1978 = arith.addi %add3A_1949, %select_n3A_1977 : vector<16xi32>
    %eq3A_1979 = arith.constant 3 : i32
    %eq3A_1980 = vector.broadcast %eq3A_1979 : i32 to vector<16xi32>
    %eq3A_1981 = arith.cmpi eq, %get3A_1889, %eq3A_1980 : vector<16xi32>
    %jit3A_1982 = arith.constant 1 : i32
    %jit3A_1983 = arith.constant 0 : i32
    %broadcast_in_dim3A_1984 = vector.broadcast %jit3A_1982 : i32 to vector<16xi32>
    %broadcast_in_dim3A_1985 = vector.broadcast %jit3A_1983 : i32 to vector<16xi32>
    %select_n3A_1986 = arith.select %eq3A_1981, %broadcast_in_dim3A_1984, %broadcast_in_dim3A_1985 : vector<16xi1>, vector<16xi32>
    %broadcast_in_dim3A_1987 = arith.constant true
    %broadcast_in_dim3A_1988 = vector.broadcast %broadcast_in_dim3A_1987 : i1 to vector<16xi1>
    %masked_cumsum3A_1989 = tpu.scan <sum>, %select_n3A_1986 masked %broadcast_in_dim3A_1988 : vector<16xi32>, vector<16xi1> -> vector<16xi32>
    %slice3A_1990 = vector.extract_strided_slice %add3A_1978 {offsets = [3], sizes = [1], strides = [1]} : vector<16xi32> to vector<1xi32>
    %squeeze3A_1991 = vector.extract %slice3A_1990[0] : i32 from vector<1xi32>
    %add3A_1992 = vector.broadcast %squeeze3A_1991 : i32 to vector<16xi32>
    %add3A_1993 = arith.addi %add3A_1992, %masked_cumsum3A_1989 : vector<16xi32>
    %sub3A_1994 = arith.constant 1 : i32
    %sub3A_1995 = vector.broadcast %sub3A_1994 : i32 to vector<16xi32>
    %sub3A_1996 = arith.subi %add3A_1993, %sub3A_1995 : vector<16xi32>
    %select_n3A_1997 = arith.select %eq3A_1981, %sub3A_1996, %select_n3A_1968 : vector<16xi1>, vector<16xi32>
    %eq3A_1998 = arith.constant 3 : i32
    %eq3A_1999 = vector.broadcast %eq3A_1998 : i32 to vector<16xi32>
    %eq3A_2000 = arith.cmpi eq, %iota3A, %eq3A_1999 : vector<16xi32>
    %slice3A_2001 = vector.extract_strided_slice %masked_cumsum3A_1989 {offsets = [15], sizes = [1], strides = [1]} : vector<16xi32> to vector<1xi32>
    %squeeze3A_2002 = vector.extract %slice3A_2001[0] : i32 from vector<1xi32>
    %jit3A_2003 = arith.constant 0 : i32
    %broadcast_in_dim3A_2004 = vector.broadcast %squeeze3A_2002 : i32 to vector<16xi32>
    %broadcast_in_dim3A_2005 = vector.broadcast %jit3A_2003 : i32 to vector<16xi32>
    %select_n3A_2006 = arith.select %eq3A_2000, %broadcast_in_dim3A_2004, %broadcast_in_dim3A_2005 : vector<16xi1>, vector<16xi32>
    %add3A_2007 = arith.addi %add3A_1978, %select_n3A_2006 : vector<16xi32>
    %eq3A_2008 = arith.constant 4 : i32
    %eq3A_2009 = vector.broadcast %eq3A_2008 : i32 to vector<16xi32>
    %eq3A_2010 = arith.cmpi eq, %get3A_1889, %eq3A_2009 : vector<16xi32>
    %jit3A_2011 = arith.constant 1 : i32
    %jit3A_2012 = arith.constant 0 : i32
    %broadcast_in_dim3A_2013 = vector.broadcast %jit3A_2011 : i32 to vector<16xi32>
    %broadcast_in_dim3A_2014 = vector.broadcast %jit3A_2012 : i32 to vector<16xi32>
    %select_n3A_2015 = arith.select %eq3A_2010, %broadcast_in_dim3A_2013, %broadcast_in_dim3A_2014 : vector<16xi1>, vector<16xi32>
    %broadcast_in_dim3A_2016 = arith.constant true
    %broadcast_in_dim3A_2017 = vector.broadcast %broadcast_in_dim3A_2016 : i1 to vector<16xi1>
    %masked_cumsum3A_2018 = tpu.scan <sum>, %select_n3A_2015 masked %broadcast_in_dim3A_2017 : vector<16xi32>, vector<16xi1> -> vector<16xi32>
    %slice3A_2019 = vector.extract_strided_slice %add3A_2007 {offsets = [4], sizes = [1], strides = [1]} : vector<16xi32> to vector<1xi32>
    %squeeze3A_2020 = vector.extract %slice3A_2019[0] : i32 from vector<1xi32>
    %add3A_2021 = vector.broadcast %squeeze3A_2020 : i32 to vector<16xi32>
    %add3A_2022 = arith.addi %add3A_2021, %masked_cumsum3A_2018 : vector<16xi32>
    %sub3A_2023 = arith.constant 1 : i32
    %sub3A_2024 = vector.broadcast %sub3A_2023 : i32 to vector<16xi32>
    %sub3A_2025 = arith.subi %add3A_2022, %sub3A_2024 : vector<16xi32>
    %select_n3A_2026 = arith.select %eq3A_2010, %sub3A_2025, %select_n3A_1997 : vector<16xi1>, vector<16xi32>
    %eq3A_2027 = arith.constant 4 : i32
    %eq3A_2028 = vector.broadcast %eq3A_2027 : i32 to vector<16xi32>
    %eq3A_2029 = arith.cmpi eq, %iota3A, %eq3A_2028 : vector<16xi32>
    %slice3A_2030 = vector.extract_strided_slice %masked_cumsum3A_2018 {offsets = [15], sizes = [1], strides = [1]} : vector<16xi32> to vector<1xi32>
    %squeeze3A_2031 = vector.extract %slice3A_2030[0] : i32 from vector<1xi32>
    %jit3A_2032 = arith.constant 0 : i32
    %broadcast_in_dim3A_2033 = vector.broadcast %squeeze3A_2031 : i32 to vector<16xi32>
    %broadcast_in_dim3A_2034 = vector.broadcast %jit3A_2032 : i32 to vector<16xi32>
    %select_n3A_2035 = arith.select %eq3A_2029, %broadcast_in_dim3A_2033, %broadcast_in_dim3A_2034 : vector<16xi1>, vector<16xi32>
    %add3A_2036 = arith.addi %add3A_2007, %select_n3A_2035 : vector<16xi32>
    %eq3A_2037 = arith.constant 5 : i32
    %eq3A_2038 = vector.broadcast %eq3A_2037 : i32 to vector<16xi32>
    %eq3A_2039 = arith.cmpi eq, %get3A_1889, %eq3A_2038 : vector<16xi32>
    %jit3A_2040 = arith.constant 1 : i32
    %jit3A_2041 = arith.constant 0 : i32
    %broadcast_in_dim3A_2042 = vector.broadcast %jit3A_2040 : i32 to vector<16xi32>
    %broadcast_in_dim3A_2043 = vector.broadcast %jit3A_2041 : i32 to vector<16xi32>
    %select_n3A_2044 = arith.select %eq3A_2039, %broadcast_in_dim3A_2042, %broadcast_in_dim3A_2043 : vector<16xi1>, vector<16xi32>
    %broadcast_in_dim3A_2045 = arith.constant true
    %broadcast_in_dim3A_2046 = vector.broadcast %broadcast_in_dim3A_2045 : i1 to vector<16xi1>
    %masked_cumsum3A_2047 = tpu.scan <sum>, %select_n3A_2044 masked %broadcast_in_dim3A_2046 : vector<16xi32>, vector<16xi1> -> vector<16xi32>
    %slice3A_2048 = vector.extract_strided_slice %add3A_2036 {offsets = [5], sizes = [1], strides = [1]} : vector<16xi32> to vector<1xi32>
    %squeeze3A_2049 = vector.extract %slice3A_2048[0] : i32 from vector<1xi32>
    %add3A_2050 = vector.broadcast %squeeze3A_2049 : i32 to vector<16xi32>
    %add3A_2051 = arith.addi %add3A_2050, %masked_cumsum3A_2047 : vector<16xi32>
    %sub3A_2052 = arith.constant 1 : i32
    %sub3A_2053 = vector.broadcast %sub3A_2052 : i32 to vector<16xi32>
    %sub3A_2054 = arith.subi %add3A_2051, %sub3A_2053 : vector<16xi32>
    %select_n3A_2055 = arith.select %eq3A_2039, %sub3A_2054, %select_n3A_2026 : vector<16xi1>, vector<16xi32>
    %eq3A_2056 = arith.constant 5 : i32
    %eq3A_2057 = vector.broadcast %eq3A_2056 : i32 to vector<16xi32>
    %eq3A_2058 = arith.cmpi eq, %iota3A, %eq3A_2057 : vector<16xi32>
    %slice3A_2059 = vector.extract_strided_slice %masked_cumsum3A_2047 {offsets = [15], sizes = [1], strides = [1]} : vector<16xi32> to vector<1xi32>
    %squeeze3A_2060 = vector.extract %slice3A_2059[0] : i32 from vector<1xi32>
    %jit3A_2061 = arith.constant 0 : i32
    %broadcast_in_dim3A_2062 = vector.broadcast %squeeze3A_2060 : i32 to vector<16xi32>
    %broadcast_in_dim3A_2063 = vector.broadcast %jit3A_2061 : i32 to vector<16xi32>
    %select_n3A_2064 = arith.select %eq3A_2058, %broadcast_in_dim3A_2062, %broadcast_in_dim3A_2063 : vector<16xi1>, vector<16xi32>
    %add3A_2065 = arith.addi %add3A_2036, %select_n3A_2064 : vector<16xi32>
    %eq3A_2066 = arith.constant 6 : i32
    %eq3A_2067 = vector.broadcast %eq3A_2066 : i32 to vector<16xi32>
    %eq3A_2068 = arith.cmpi eq, %get3A_1889, %eq3A_2067 : vector<16xi32>
    %jit3A_2069 = arith.constant 1 : i32
    %jit3A_2070 = arith.constant 0 : i32
    %broadcast_in_dim3A_2071 = vector.broadcast %jit3A_2069 : i32 to vector<16xi32>
    %broadcast_in_dim3A_2072 = vector.broadcast %jit3A_2070 : i32 to vector<16xi32>
    %select_n3A_2073 = arith.select %eq3A_2068, %broadcast_in_dim3A_2071, %broadcast_in_dim3A_2072 : vector<16xi1>, vector<16xi32>
    %broadcast_in_dim3A_2074 = arith.constant true
    %broadcast_in_dim3A_2075 = vector.broadcast %broadcast_in_dim3A_2074 : i1 to vector<16xi1>
    %masked_cumsum3A_2076 = tpu.scan <sum>, %select_n3A_2073 masked %broadcast_in_dim3A_2075 : vector<16xi32>, vector<16xi1> -> vector<16xi32>
    %slice3A_2077 = vector.extract_strided_slice %add3A_2065 {offsets = [6], sizes = [1], strides = [1]} : vector<16xi32> to vector<1xi32>
    %squeeze3A_2078 = vector.extract %slice3A_2077[0] : i32 from vector<1xi32>
    %add3A_2079 = vector.broadcast %squeeze3A_2078 : i32 to vector<16xi32>
    %add3A_2080 = arith.addi %add3A_2079, %masked_cumsum3A_2076 : vector<16xi32>
    %sub3A_2081 = arith.constant 1 : i32
    %sub3A_2082 = vector.broadcast %sub3A_2081 : i32 to vector<16xi32>
    %sub3A_2083 = arith.subi %add3A_2080, %sub3A_2082 : vector<16xi32>
    %select_n3A_2084 = arith.select %eq3A_2068, %sub3A_2083, %select_n3A_2055 : vector<16xi1>, vector<16xi32>
    %eq3A_2085 = arith.constant 6 : i32
    %eq3A_2086 = vector.broadcast %eq3A_2085 : i32 to vector<16xi32>
    %eq3A_2087 = arith.cmpi eq, %iota3A, %eq3A_2086 : vector<16xi32>
    %slice3A_2088 = vector.extract_strided_slice %masked_cumsum3A_2076 {offsets = [15], sizes = [1], strides = [1]} : vector<16xi32> to vector<1xi32>
    %squeeze3A_2089 = vector.extract %slice3A_2088[0] : i32 from vector<1xi32>
    %jit3A_2090 = arith.constant 0 : i32
    %broadcast_in_dim3A_2091 = vector.broadcast %squeeze3A_2089 : i32 to vector<16xi32>
    %broadcast_in_dim3A_2092 = vector.broadcast %jit3A_2090 : i32 to vector<16xi32>
    %select_n3A_2093 = arith.select %eq3A_2087, %broadcast_in_dim3A_2091, %broadcast_in_dim3A_2092 : vector<16xi1>, vector<16xi32>
    %add3A_2094 = arith.addi %add3A_2065, %select_n3A_2093 : vector<16xi32>
    %swap3A_2095 = arith.constant 80 : index
    %swap3A_2096 = tpu.vector_load %arg16[%swap3A_2095] {strides = array<i32>} : memref<128xi32, #tpu.memory_space<vmem>>, vector<16xi32>,
    tpu.vector_store %arg16[%swap3A_2095], %select_n3A_2084 {strides = array<i32>} : memref<128xi32, #tpu.memory_space<vmem>>, vector<16xi32>,
    %swap3A_2097 = arith.constant 16 : index
    %swap3A_2098 = tpu.vector_load %arg18[%swap3A_2097] {strides = array<i32>} : memref<64xi32, #tpu.memory_space<vmem>>, vector<16xi32>,
    tpu.vector_store %arg18[%swap3A_2097], %select_n3A_2084 {strides = array<i32>} : memref<64xi32, #tpu.memory_space<vmem>>, vector<16xi32>,
    %get3A_2099 = arith.constant 96 : index
    %get3A_2100 = tpu.vector_load %arg12[%get3A_2099] {strides = array<i32>} : memref<128xi32, #tpu.memory_space<vmem>>, vector<16xi32>,
    %broadcast_in_dim3A_2101 = arith.constant 0 : i32
    %broadcast_in_dim3A_2102 = vector.broadcast %broadcast_in_dim3A_2101 : i32 to vector<16xi32>
    %eq3A_2103 = arith.constant 0 : i32
    %eq3A_2104 = vector.broadcast %eq3A_2103 : i32 to vector<16xi32>
    %eq3A_2105 = arith.cmpi eq, %get3A_2100, %eq3A_2104 : vector<16xi32>
    %jit3A_2106 = arith.constant 1 : i32
    %jit3A_2107 = arith.constant 0 : i32
    %broadcast_in_dim3A_2108 = vector.broadcast %jit3A_2106 : i32 to vector<16xi32>
    %broadcast_in_dim3A_2109 = vector.broadcast %jit3A_2107 : i32 to vector<16xi32>
    %select_n3A_2110 = arith.select %eq3A_2105, %broadcast_in_dim3A_2108, %broadcast_in_dim3A_2109 : vector<16xi1>, vector<16xi32>
    %broadcast_in_dim3A_2111 = arith.constant true
    %broadcast_in_dim3A_2112 = vector.broadcast %broadcast_in_dim3A_2111 : i1 to vector<16xi1>
    %masked_cumsum3A_2113 = tpu.scan <sum>, %select_n3A_2110 masked %broadcast_in_dim3A_2112 : vector<16xi32>, vector<16xi1> -> vector<16xi32>
    %slice3A_2114 = vector.extract_strided_slice %add3A_2094 {offsets = [0], sizes = [1], strides = [1]} : vector<16xi32> to vector<1xi32>
    %squeeze3A_2115 = vector.extract %slice3A_2114[0] : i32 from vector<1xi32>
    %add3A_2116 = vector.broadcast %squeeze3A_2115 : i32 to vector<16xi32>
    %add3A_2117 = arith.addi %add3A_2116, %masked_cumsum3A_2113 : vector<16xi32>
    %sub3A_2118 = arith.constant 1 : i32
    %sub3A_2119 = vector.broadcast %sub3A_2118 : i32 to vector<16xi32>
    %sub3A_2120 = arith.subi %add3A_2117, %sub3A_2119 : vector<16xi32>
    %select_n3A_2121 = arith.select %eq3A_2105, %sub3A_2120, %broadcast_in_dim3A_2102 : vector<16xi1>, vector<16xi32>
    %eq3A_2122 = arith.constant 0 : i32
    %eq3A_2123 = vector.broadcast %eq3A_2122 : i32 to vector<16xi32>
    %eq3A_2124 = arith.cmpi eq, %iota3A, %eq3A_2123 : vector<16xi32>
    %slice3A_2125 = vector.extract_strided_slice %masked_cumsum3A_2113 {offsets = [15], sizes = [1], strides = [1]} : vector<16xi32> to vector<1xi32>
    %squeeze3A_2126 = vector.extract %slice3A_2125[0] : i32 from vector<1xi32>
    %jit3A_2127 = arith.constant 0 : i32
    %broadcast_in_dim3A_2128 = vector.broadcast %squeeze3A_2126 : i32 to vector<16xi32>
    %broadcast_in_dim3A_2129 = vector.broadcast %jit3A_2127 : i32 to vector<16xi32>
    %select_n3A_2130 = arith.select %eq3A_2124, %broadcast_in_dim3A_2128, %broadcast_in_dim3A_2129 : vector<16xi1>, vector<16xi32>
    %add3A_2131 = arith.addi %add3A_2094, %select_n3A_2130 : vector<16xi32>
    %eq3A_2132 = arith.constant 1 : i32
    %eq3A_2133 = vector.broadcast %eq3A_2132 : i32 to vector<16xi32>
    %eq3A_2134 = arith.cmpi eq, %get3A_2100, %eq3A_2133 : vector<16xi32>
    %jit3A_2135 = arith.constant 1 : i32
    %jit3A_2136 = arith.constant 0 : i32
    %broadcast_in_dim3A_2137 = vector.broadcast %jit3A_2135 : i32 to vector<16xi32>
    %broadcast_in_dim3A_2138 = vector.broadcast %jit3A_2136 : i32 to vector<16xi32>
    %select_n3A_2139 = arith.select %eq3A_2134, %broadcast_in_dim3A_2137, %broadcast_in_dim3A_2138 : vector<16xi1>, vector<16xi32>
    %broadcast_in_dim3A_2140 = arith.constant true
    %broadcast_in_dim3A_2141 = vector.broadcast %broadcast_in_dim3A_2140 : i1 to vector<16xi1>
    %masked_cumsum3A_2142 = tpu.scan <sum>, %select_n3A_2139 masked %broadcast_in_dim3A_2141 : vector<16xi32>, vector<16xi1> -> vector<16xi32>
    %slice3A_2143 = vector.extract_strided_slice %add3A_2131 {offsets = [1], sizes = [1], strides = [1]} : vector<16xi32> to vector<1xi32>
    %squeeze3A_2144 = vector.extract %slice3A_2143[0] : i32 from vector<1xi32>
    %add3A_2145 = vector.broadcast %squeeze3A_2144 : i32 to vector<16xi32>
    %add3A_2146 = arith.addi %add3A_2145, %masked_cumsum3A_2142 : vector<16xi32>
    %sub3A_2147 = arith.constant 1 : i32
    %sub3A_2148 = vector.broadcast %sub3A_2147 : i32 to vector<16xi32>
    %sub3A_2149 = arith.subi %add3A_2146, %sub3A_2148 : vector<16xi32>
    %select_n3A_2150 = arith.select %eq3A_2134, %sub3A_2149, %select_n3A_2121 : vector<16xi1>, vector<16xi32>
    %eq3A_2151 = arith.constant 1 : i32
    %eq3A_2152 = vector.broadcast %eq3A_2151 : i32 to vector<16xi32>
    %eq3A_2153 = arith.cmpi eq, %iota3A, %eq3A_2152 : vector<16xi32>
    %slice3A_2154 = vector.extract_strided_slice %masked_cumsum3A_2142 {offsets = [15], sizes = [1], strides = [1]} : vector<16xi32> to vector<1xi32>
    %squeeze3A_2155 = vector.extract %slice3A_2154[0] : i32 from vector<1xi32>
    %jit3A_2156 = arith.constant 0 : i32
    %broadcast_in_dim3A_2157 = vector.broadcast %squeeze3A_2155 : i32 to vector<16xi32>
    %broadcast_in_dim3A_2158 = vector.broadcast %jit3A_2156 : i32 to vector<16xi32>
    %select_n3A_2159 = arith.select %eq3A_2153, %broadcast_in_dim3A_2157, %broadcast_in_dim3A_2158 : vector<16xi1>, vector<16xi32>
    %add3A_2160 = arith.addi %add3A_2131, %select_n3A_2159 : vector<16xi32>
    %eq3A_2161 = arith.constant 2 : i32
    %eq3A_2162 = vector.broadcast %eq3A_2161 : i32 to vector<16xi32>
    %eq3A_2163 = arith.cmpi eq, %get3A_2100, %eq3A_2162 : vector<16xi32>
    %jit3A_2164 = arith.constant 1 : i32
    %jit3A_2165 = arith.constant 0 : i32
    %broadcast_in_dim3A_2166 = vector.broadcast %jit3A_2164 : i32 to vector<16xi32>
    %broadcast_in_dim3A_2167 = vector.broadcast %jit3A_2165 : i32 to vector<16xi32>
    %select_n3A_2168 = arith.select %eq3A_2163, %broadcast_in_dim3A_2166, %broadcast_in_dim3A_2167 : vector<16xi1>, vector<16xi32>
    %broadcast_in_dim3A_2169 = arith.constant true
    %broadcast_in_dim3A_2170 = vector.broadcast %broadcast_in_dim3A_2169 : i1 to vector<16xi1>
    %masked_cumsum3A_2171 = tpu.scan <sum>, %select_n3A_2168 masked %broadcast_in_dim3A_2170 : vector<16xi32>, vector<16xi1> -> vector<16xi32>
    %slice3A_2172 = vector.extract_strided_slice %add3A_2160 {offsets = [2], sizes = [1], strides = [1]} : vector<16xi32> to vector<1xi32>
    %squeeze3A_2173 = vector.extract %slice3A_2172[0] : i32 from vector<1xi32>
    %add3A_2174 = vector.broadcast %squeeze3A_2173 : i32 to vector<16xi32>
    %add3A_2175 = arith.addi %add3A_2174, %masked_cumsum3A_2171 : vector<16xi32>
    %sub3A_2176 = arith.constant 1 : i32
    %sub3A_2177 = vector.broadcast %sub3A_2176 : i32 to vector<16xi32>
    %sub3A_2178 = arith.subi %add3A_2175, %sub3A_2177 : vector<16xi32>
    %select_n3A_2179 = arith.select %eq3A_2163, %sub3A_2178, %select_n3A_2150 : vector<16xi1>, vector<16xi32>
    %eq3A_2180 = arith.constant 2 : i32
    %eq3A_2181 = vector.broadcast %eq3A_2180 : i32 to vector<16xi32>
    %eq3A_2182 = arith.cmpi eq, %iota3A, %eq3A_2181 : vector<16xi32>
    %slice3A_2183 = vector.extract_strided_slice %masked_cumsum3A_2171 {offsets = [15], sizes = [1], strides = [1]} : vector<16xi32> to vector<1xi32>
    %squeeze3A_2184 = vector.extract %slice3A_2183[0] : i32 from vector<1xi32>
    %jit3A_2185 = arith.constant 0 : i32
    %broadcast_in_dim3A_2186 = vector.broadcast %squeeze3A_2184 : i32 to vector<16xi32>
    %broadcast_in_dim3A_2187 = vector.broadcast %jit3A_2185 : i32 to vector<16xi32>
    %select_n3A_2188 = arith.select %eq3A_2182, %broadcast_in_dim3A_2186, %broadcast_in_dim3A_2187 : vector<16xi1>, vector<16xi32>
    %add3A_2189 = arith.addi %add3A_2160, %select_n3A_2188 : vector<16xi32>
    %eq3A_2190 = arith.constant 3 : i32
    %eq3A_2191 = vector.broadcast %eq3A_2190 : i32 to vector<16xi32>
    %eq3A_2192 = arith.cmpi eq, %get3A_2100, %eq3A_2191 : vector<16xi32>
    %jit3A_2193 = arith.constant 1 : i32
    %jit3A_2194 = arith.constant 0 : i32
    %broadcast_in_dim3A_2195 = vector.broadcast %jit3A_2193 : i32 to vector<16xi32>
    %broadcast_in_dim3A_2196 = vector.broadcast %jit3A_2194 : i32 to vector<16xi32>
    %select_n3A_2197 = arith.select %eq3A_2192, %broadcast_in_dim3A_2195, %broadcast_in_dim3A_2196 : vector<16xi1>, vector<16xi32>
    %broadcast_in_dim3A_2198 = arith.constant true
    %broadcast_in_dim3A_2199 = vector.broadcast %broadcast_in_dim3A_2198 : i1 to vector<16xi1>
    %masked_cumsum3A_2200 = tpu.scan <sum>, %select_n3A_2197 masked %broadcast_in_dim3A_2199 : vector<16xi32>, vector<16xi1> -> vector<16xi32>
    %slice3A_2201 = vector.extract_strided_slice %add3A_2189 {offsets = [3], sizes = [1], strides = [1]} : vector<16xi32> to vector<1xi32>
    %squeeze3A_2202 = vector.extract %slice3A_2201[0] : i32 from vector<1xi32>
    %add3A_2203 = vector.broadcast %squeeze3A_2202 : i32 to vector<16xi32>
    %add3A_2204 = arith.addi %add3A_2203, %masked_cumsum3A_2200 : vector<16xi32>
    %sub3A_2205 = arith.constant 1 : i32
    %sub3A_2206 = vector.broadcast %sub3A_2205 : i32 to vector<16xi32>
    %sub3A_2207 = arith.subi %add3A_2204, %sub3A_2206 : vector<16xi32>
    %select_n3A_2208 = arith.select %eq3A_2192, %sub3A_2207, %select_n3A_2179 : vector<16xi1>, vector<16xi32>
    %eq3A_2209 = arith.constant 3 : i32
    %eq3A_2210 = vector.broadcast %eq3A_2209 : i32 to vector<16xi32>
    %eq3A_2211 = arith.cmpi eq, %iota3A, %eq3A_2210 : vector<16xi32>
    %slice3A_2212 = vector.extract_strided_slice %masked_cumsum3A_2200 {offsets = [15], sizes = [1], strides = [1]} : vector<16xi32> to vector<1xi32>
    %squeeze3A_2213 = vector.extract %slice3A_2212[0] : i32 from vector<1xi32>
    %jit3A_2214 = arith.constant 0 : i32
    %broadcast_in_dim3A_2215 = vector.broadcast %squeeze3A_2213 : i32 to vector<16xi32>
    %broadcast_in_dim3A_2216 = vector.broadcast %jit3A_2214 : i32 to vector<16xi32>
    %select_n3A_2217 = arith.select %eq3A_2211, %broadcast_in_dim3A_2215, %broadcast_in_dim3A_2216 : vector<16xi1>, vector<16xi32>
    %add3A_2218 = arith.addi %add3A_2189, %select_n3A_2217 : vector<16xi32>
    %eq3A_2219 = arith.constant 4 : i32
    %eq3A_2220 = vector.broadcast %eq3A_2219 : i32 to vector<16xi32>
    %eq3A_2221 = arith.cmpi eq, %get3A_2100, %eq3A_2220 : vector<16xi32>
    %jit3A_2222 = arith.constant 1 : i32
    %jit3A_2223 = arith.constant 0 : i32
    %broadcast_in_dim3A_2224 = vector.broadcast %jit3A_2222 : i32 to vector<16xi32>
    %broadcast_in_dim3A_2225 = vector.broadcast %jit3A_2223 : i32 to vector<16xi32>
    %select_n3A_2226 = arith.select %eq3A_2221, %broadcast_in_dim3A_2224, %broadcast_in_dim3A_2225 : vector<16xi1>, vector<16xi32>
    %broadcast_in_dim3A_2227 = arith.constant true
    %broadcast_in_dim3A_2228 = vector.broadcast %broadcast_in_dim3A_2227 : i1 to vector<16xi1>
    %masked_cumsum3A_2229 = tpu.scan <sum>, %select_n3A_2226 masked %broadcast_in_dim3A_2228 : vector<16xi32>, vector<16xi1> -> vector<16xi32>
    %slice3A_2230 = vector.extract_strided_slice %add3A_2218 {offsets = [4], sizes = [1], strides = [1]} : vector<16xi32> to vector<1xi32>
    %squeeze3A_2231 = vector.extract %slice3A_2230[0] : i32 from vector<1xi32>
    %add3A_2232 = vector.broadcast %squeeze3A_2231 : i32 to vector<16xi32>
    %add3A_2233 = arith.addi %add3A_2232, %masked_cumsum3A_2229 : vector<16xi32>
    %sub3A_2234 = arith.constant 1 : i32
    %sub3A_2235 = vector.broadcast %sub3A_2234 : i32 to vector<16xi32>
    %sub3A_2236 = arith.subi %add3A_2233, %sub3A_2235 : vector<16xi32>
    %select_n3A_2237 = arith.select %eq3A_2221, %sub3A_2236, %select_n3A_2208 : vector<16xi1>, vector<16xi32>
    %eq3A_2238 = arith.constant 4 : i32
    %eq3A_2239 = vector.broadcast %eq3A_2238 : i32 to vector<16xi32>
    %eq3A_2240 = arith.cmpi eq, %iota3A, %eq3A_2239 : vector<16xi32>
    %slice3A_2241 = vector.extract_strided_slice %masked_cumsum3A_2229 {offsets = [15], sizes = [1], strides = [1]} : vector<16xi32> to vector<1xi32>
    %squeeze3A_2242 = vector.extract %slice3A_2241[0] : i32 from vector<1xi32>
    %jit3A_2243 = arith.constant 0 : i32
    %broadcast_in_dim3A_2244 = vector.broadcast %squeeze3A_2242 : i32 to vector<16xi32>
    %broadcast_in_dim3A_2245 = vector.broadcast %jit3A_2243 : i32 to vector<16xi32>
    %select_n3A_2246 = arith.select %eq3A_2240, %broadcast_in_dim3A_2244, %broadcast_in_dim3A_2245 : vector<16xi1>, vector<16xi32>
    %add3A_2247 = arith.addi %add3A_2218, %select_n3A_2246 : vector<16xi32>
    %eq3A_2248 = arith.constant 5 : i32
    %eq3A_2249 = vector.broadcast %eq3A_2248 : i32 to vector<16xi32>
    %eq3A_2250 = arith.cmpi eq, %get3A_2100, %eq3A_2249 : vector<16xi32>
    %jit3A_2251 = arith.constant 1 : i32
    %jit3A_2252 = arith.constant 0 : i32
    %broadcast_in_dim3A_2253 = vector.broadcast %jit3A_2251 : i32 to vector<16xi32>
    %broadcast_in_dim3A_2254 = vector.broadcast %jit3A_2252 : i32 to vector<16xi32>
    %select_n3A_2255 = arith.select %eq3A_2250, %broadcast_in_dim3A_2253, %broadcast_in_dim3A_2254 : vector<16xi1>, vector<16xi32>
    %broadcast_in_dim3A_2256 = arith.constant true
    %broadcast_in_dim3A_2257 = vector.broadcast %broadcast_in_dim3A_2256 : i1 to vector<16xi1>
    %masked_cumsum3A_2258 = tpu.scan <sum>, %select_n3A_2255 masked %broadcast_in_dim3A_2257 : vector<16xi32>, vector<16xi1> -> vector<16xi32>
    %slice3A_2259 = vector.extract_strided_slice %add3A_2247 {offsets = [5], sizes = [1], strides = [1]} : vector<16xi32> to vector<1xi32>
    %squeeze3A_2260 = vector.extract %slice3A_2259[0] : i32 from vector<1xi32>
    %add3A_2261 = vector.broadcast %squeeze3A_2260 : i32 to vector<16xi32>
    %add3A_2262 = arith.addi %add3A_2261, %masked_cumsum3A_2258 : vector<16xi32>
    %sub3A_2263 = arith.constant 1 : i32
    %sub3A_2264 = vector.broadcast %sub3A_2263 : i32 to vector<16xi32>
    %sub3A_2265 = arith.subi %add3A_2262, %sub3A_2264 : vector<16xi32>
    %select_n3A_2266 = arith.select %eq3A_2250, %sub3A_2265, %select_n3A_2237 : vector<16xi1>, vector<16xi32>
    %eq3A_2267 = arith.constant 5 : i32
    %eq3A_2268 = vector.broadcast %eq3A_2267 : i32 to vector<16xi32>
    %eq3A_2269 = arith.cmpi eq, %iota3A, %eq3A_2268 : vector<16xi32>
    %slice3A_2270 = vector.extract_strided_slice %masked_cumsum3A_2258 {offsets = [15], sizes = [1], strides = [1]} : vector<16xi32> to vector<1xi32>
    %squeeze3A_2271 = vector.extract %slice3A_2270[0] : i32 from vector<1xi32>
    %jit3A_2272 = arith.constant 0 : i32
    %broadcast_in_dim3A_2273 = vector.broadcast %squeeze3A_2271 : i32 to vector<16xi32>
    %broadcast_in_dim3A_2274 = vector.broadcast %jit3A_2272 : i32 to vector<16xi32>
    %select_n3A_2275 = arith.select %eq3A_2269, %broadcast_in_dim3A_2273, %broadcast_in_dim3A_2274 : vector<16xi1>, vector<16xi32>
    %add3A_2276 = arith.addi %add3A_2247, %select_n3A_2275 : vector<16xi32>
    %eq3A_2277 = arith.constant 6 : i32
    %eq3A_2278 = vector.broadcast %eq3A_2277 : i32 to vector<16xi32>
    %eq3A_2279 = arith.cmpi eq, %get3A_2100, %eq3A_2278 : vector<16xi32>
    %jit3A_2280 = arith.constant 1 : i32
    %jit3A_2281 = arith.constant 0 : i32
    %broadcast_in_dim3A_2282 = vector.broadcast %jit3A_2280 : i32 to vector<16xi32>
    %broadcast_in_dim3A_2283 = vector.broadcast %jit3A_2281 : i32 to vector<16xi32>
    %select_n3A_2284 = arith.select %eq3A_2279, %broadcast_in_dim3A_2282, %broadcast_in_dim3A_2283 : vector<16xi1>, vector<16xi32>
    %broadcast_in_dim3A_2285 = arith.constant true
    %broadcast_in_dim3A_2286 = vector.broadcast %broadcast_in_dim3A_2285 : i1 to vector<16xi1>
    %masked_cumsum3A_2287 = tpu.scan <sum>, %select_n3A_2284 masked %broadcast_in_dim3A_2286 : vector<16xi32>, vector<16xi1> -> vector<16xi32>
    %slice3A_2288 = vector.extract_strided_slice %add3A_2276 {offsets = [6], sizes = [1], strides = [1]} : vector<16xi32> to vector<1xi32>
    %squeeze3A_2289 = vector.extract %slice3A_2288[0] : i32 from vector<1xi32>
    %add3A_2290 = vector.broadcast %squeeze3A_2289 : i32 to vector<16xi32>
    %add3A_2291 = arith.addi %add3A_2290, %masked_cumsum3A_2287 : vector<16xi32>
    %sub3A_2292 = arith.constant 1 : i32
    %sub3A_2293 = vector.broadcast %sub3A_2292 : i32 to vector<16xi32>
    %sub3A_2294 = arith.subi %add3A_2291, %sub3A_2293 : vector<16xi32>
    %select_n3A_2295 = arith.select %eq3A_2279, %sub3A_2294, %select_n3A_2266 : vector<16xi1>, vector<16xi32>
    %eq3A_2296 = arith.constant 6 : i32
    %eq3A_2297 = vector.broadcast %eq3A_2296 : i32 to vector<16xi32>
    %eq3A_2298 = arith.cmpi eq, %iota3A, %eq3A_2297 : vector<16xi32>
    %slice3A_2299 = vector.extract_strided_slice %masked_cumsum3A_2287 {offsets = [15], sizes = [1], strides = [1]} : vector<16xi32> to vector<1xi32>
    %squeeze3A_2300 = vector.extract %slice3A_2299[0] : i32 from vector<1xi32>
    %jit3A_2301 = arith.constant 0 : i32
    %broadcast_in_dim3A_2302 = vector.broadcast %squeeze3A_2300 : i32 to vector<16xi32>
    %broadcast_in_dim3A_2303 = vector.broadcast %jit3A_2301 : i32 to vector<16xi32>
    %select_n3A_2304 = arith.select %eq3A_2298, %broadcast_in_dim3A_2302, %broadcast_in_dim3A_2303 : vector<16xi1>, vector<16xi32>
    %add3A_2305 = arith.addi %add3A_2276, %select_n3A_2304 : vector<16xi32>
    %swap3A_2306 = arith.constant 96 : index
    %swap3A_2307 = tpu.vector_load %arg16[%swap3A_2306] {strides = array<i32>} : memref<128xi32, #tpu.memory_space<vmem>>, vector<16xi32>,
    tpu.vector_store %arg16[%swap3A_2306], %select_n3A_2295 {strides = array<i32>} : memref<128xi32, #tpu.memory_space<vmem>>, vector<16xi32>,
    %swap3A_2308 = arith.constant 32 : index
    %swap3A_2309 = tpu.vector_load %arg18[%swap3A_2308] {strides = array<i32>} : memref<64xi32, #tpu.memory_space<vmem>>, vector<16xi32>,
    tpu.vector_store %arg18[%swap3A_2308], %select_n3A_2295 {strides = array<i32>} : memref<64xi32, #tpu.memory_space<vmem>>, vector<16xi32>,
    %get3A_2310 = arith.constant 112 : index
    %get3A_2311 = tpu.vector_load %arg12[%get3A_2310] {strides = array<i32>} : memref<128xi32, #tpu.memory_space<vmem>>, vector<16xi32>,
    %broadcast_in_dim3A_2312 = arith.constant 0 : i32
    %broadcast_in_dim3A_2313 = vector.broadcast %broadcast_in_dim3A_2312 : i32 to vector<16xi32>
    %eq3A_2314 = arith.constant 0 : i32
    %eq3A_2315 = vector.broadcast %eq3A_2314 : i32 to vector<16xi32>
    %eq3A_2316 = arith.cmpi eq, %get3A_2311, %eq3A_2315 : vector<16xi32>
    %jit3A_2317 = arith.constant 1 : i32
    %jit3A_2318 = arith.constant 0 : i32
    %broadcast_in_dim3A_2319 = vector.broadcast %jit3A_2317 : i32 to vector<16xi32>
    %broadcast_in_dim3A_2320 = vector.broadcast %jit3A_2318 : i32 to vector<16xi32>
    %select_n3A_2321 = arith.select %eq3A_2316, %broadcast_in_dim3A_2319, %broadcast_in_dim3A_2320 : vector<16xi1>, vector<16xi32>
    %broadcast_in_dim3A_2322 = arith.constant true
    %broadcast_in_dim3A_2323 = vector.broadcast %broadcast_in_dim3A_2322 : i1 to vector<16xi1>
    %masked_cumsum3A_2324 = tpu.scan <sum>, %select_n3A_2321 masked %broadcast_in_dim3A_2323 : vector<16xi32>, vector<16xi1> -> vector<16xi32>
    %slice3A_2325 = vector.extract_strided_slice %add3A_2305 {offsets = [0], sizes = [1], strides = [1]} : vector<16xi32> to vector<1xi32>
    %squeeze3A_2326 = vector.extract %slice3A_2325[0] : i32 from vector<1xi32>
    %add3A_2327 = vector.broadcast %squeeze3A_2326 : i32 to vector<16xi32>
    %add3A_2328 = arith.addi %add3A_2327, %masked_cumsum3A_2324 : vector<16xi32>
    %sub3A_2329 = arith.constant 1 : i32
    %sub3A_2330 = vector.broadcast %sub3A_2329 : i32 to vector<16xi32>
    %sub3A_2331 = arith.subi %add3A_2328, %sub3A_2330 : vector<16xi32>
    %select_n3A_2332 = arith.select %eq3A_2316, %sub3A_2331, %broadcast_in_dim3A_2313 : vector<16xi1>, vector<16xi32>
    %eq3A_2333 = arith.constant 0 : i32
    %eq3A_2334 = vector.broadcast %eq3A_2333 : i32 to vector<16xi32>
    %eq3A_2335 = arith.cmpi eq, %iota3A, %eq3A_2334 : vector<16xi32>
    %slice3A_2336 = vector.extract_strided_slice %masked_cumsum3A_2324 {offsets = [15], sizes = [1], strides = [1]} : vector<16xi32> to vector<1xi32>
    %squeeze3A_2337 = vector.extract %slice3A_2336[0] : i32 from vector<1xi32>
    %jit3A_2338 = arith.constant 0 : i32
    %broadcast_in_dim3A_2339 = vector.broadcast %squeeze3A_2337 : i32 to vector<16xi32>
    %broadcast_in_dim3A_2340 = vector.broadcast %jit3A_2338 : i32 to vector<16xi32>
    %select_n3A_2341 = arith.select %eq3A_2335, %broadcast_in_dim3A_2339, %broadcast_in_dim3A_2340 : vector<16xi1>, vector<16xi32>
    %add3A_2342 = arith.addi %add3A_2305, %select_n3A_2341 : vector<16xi32>
    %eq3A_2343 = arith.constant 1 : i32
    %eq3A_2344 = vector.broadcast %eq3A_2343 : i32 to vector<16xi32>
    %eq3A_2345 = arith.cmpi eq, %get3A_2311, %eq3A_2344 : vector<16xi32>
    %jit3A_2346 = arith.constant 1 : i32
    %jit3A_2347 = arith.constant 0 : i32
    %broadcast_in_dim3A_2348 = vector.broadcast %jit3A_2346 : i32 to vector<16xi32>
    %broadcast_in_dim3A_2349 = vector.broadcast %jit3A_2347 : i32 to vector<16xi32>
    %select_n3A_2350 = arith.select %eq3A_2345, %broadcast_in_dim3A_2348, %broadcast_in_dim3A_2349 : vector<16xi1>, vector<16xi32>
    %broadcast_in_dim3A_2351 = arith.constant true
    %broadcast_in_dim3A_2352 = vector.broadcast %broadcast_in_dim3A_2351 : i1 to vector<16xi1>
    %masked_cumsum3A_2353 = tpu.scan <sum>, %select_n3A_2350 masked %broadcast_in_dim3A_2352 : vector<16xi32>, vector<16xi1> -> vector<16xi32>
    %slice3A_2354 = vector.extract_strided_slice %add3A_2342 {offsets = [1], sizes = [1], strides = [1]} : vector<16xi32> to vector<1xi32>
    %squeeze3A_2355 = vector.extract %slice3A_2354[0] : i32 from vector<1xi32>
    %add3A_2356 = vector.broadcast %squeeze3A_2355 : i32 to vector<16xi32>
    %add3A_2357 = arith.addi %add3A_2356, %masked_cumsum3A_2353 : vector<16xi32>
    %sub3A_2358 = arith.constant 1 : i32
    %sub3A_2359 = vector.broadcast %sub3A_2358 : i32 to vector<16xi32>
    %sub3A_2360 = arith.subi %add3A_2357, %sub3A_2359 : vector<16xi32>
    %select_n3A_2361 = arith.select %eq3A_2345, %sub3A_2360, %select_n3A_2332 : vector<16xi1>, vector<16xi32>
    %eq3A_2362 = arith.constant 1 : i32
    %eq3A_2363 = vector.broadcast %eq3A_2362 : i32 to vector<16xi32>
    %eq3A_2364 = arith.cmpi eq, %iota3A, %eq3A_2363 : vector<16xi32>
    %slice3A_2365 = vector.extract_strided_slice %masked_cumsum3A_2353 {offsets = [15], sizes = [1], strides = [1]} : vector<16xi32> to vector<1xi32>
    %squeeze3A_2366 = vector.extract %slice3A_2365[0] : i32 from vector<1xi32>
    %jit3A_2367 = arith.constant 0 : i32
    %broadcast_in_dim3A_2368 = vector.broadcast %squeeze3A_2366 : i32 to vector<16xi32>
    %broadcast_in_dim3A_2369 = vector.broadcast %jit3A_2367 : i32 to vector<16xi32>
    %select_n3A_2370 = arith.select %eq3A_2364, %broadcast_in_dim3A_2368, %broadcast_in_dim3A_2369 : vector<16xi1>, vector<16xi32>
    %add3A_2371 = arith.addi %add3A_2342, %select_n3A_2370 : vector<16xi32>
    %eq3A_2372 = arith.constant 2 : i32
    %eq3A_2373 = vector.broadcast %eq3A_2372 : i32 to vector<16xi32>
    %eq3A_2374 = arith.cmpi eq, %get3A_2311, %eq3A_2373 : vector<16xi32>
    %jit3A_2375 = arith.constant 1 : i32
    %jit3A_2376 = arith.constant 0 : i32
    %broadcast_in_dim3A_2377 = vector.broadcast %jit3A_2375 : i32 to vector<16xi32>
    %broadcast_in_dim3A_2378 = vector.broadcast %jit3A_2376 : i32 to vector<16xi32>
    %select_n3A_2379 = arith.select %eq3A_2374, %broadcast_in_dim3A_2377, %broadcast_in_dim3A_2378 : vector<16xi1>, vector<16xi32>
    %broadcast_in_dim3A_2380 = arith.constant true
    %broadcast_in_dim3A_2381 = vector.broadcast %broadcast_in_dim3A_2380 : i1 to vector<16xi1>
    %masked_cumsum3A_2382 = tpu.scan <sum>, %select_n3A_2379 masked %broadcast_in_dim3A_2381 : vector<16xi32>, vector<16xi1> -> vector<16xi32>
    %slice3A_2383 = vector.extract_strided_slice %add3A_2371 {offsets = [2], sizes = [1], strides = [1]} : vector<16xi32> to vector<1xi32>
    %squeeze3A_2384 = vector.extract %slice3A_2383[0] : i32 from vector<1xi32>
    %add3A_2385 = vector.broadcast %squeeze3A_2384 : i32 to vector<16xi32>
    %add3A_2386 = arith.addi %add3A_2385, %masked_cumsum3A_2382 : vector<16xi32>
    %sub3A_2387 = arith.constant 1 : i32
    %sub3A_2388 = vector.broadcast %sub3A_2387 : i32 to vector<16xi32>
    %sub3A_2389 = arith.subi %add3A_2386, %sub3A_2388 : vector<16xi32>
    %select_n3A_2390 = arith.select %eq3A_2374, %sub3A_2389, %select_n3A_2361 : vector<16xi1>, vector<16xi32>
    %eq3A_2391 = arith.constant 2 : i32
    %eq3A_2392 = vector.broadcast %eq3A_2391 : i32 to vector<16xi32>
    %eq3A_2393 = arith.cmpi eq, %iota3A, %eq3A_2392 : vector<16xi32>
    %slice3A_2394 = vector.extract_strided_slice %masked_cumsum3A_2382 {offsets = [15], sizes = [1], strides = [1]} : vector<16xi32> to vector<1xi32>
    %squeeze3A_2395 = vector.extract %slice3A_2394[0] : i32 from vector<1xi32>
    %jit3A_2396 = arith.constant 0 : i32
    %broadcast_in_dim3A_2397 = vector.broadcast %squeeze3A_2395 : i32 to vector<16xi32>
    %broadcast_in_dim3A_2398 = vector.broadcast %jit3A_2396 : i32 to vector<16xi32>
    %select_n3A_2399 = arith.select %eq3A_2393, %broadcast_in_dim3A_2397, %broadcast_in_dim3A_2398 : vector<16xi1>, vector<16xi32>
    %add3A_2400 = arith.addi %add3A_2371, %select_n3A_2399 : vector<16xi32>
    %eq3A_2401 = arith.constant 3 : i32
    %eq3A_2402 = vector.broadcast %eq3A_2401 : i32 to vector<16xi32>
    %eq3A_2403 = arith.cmpi eq, %get3A_2311, %eq3A_2402 : vector<16xi32>
    %jit3A_2404 = arith.constant 1 : i32
    %jit3A_2405 = arith.constant 0 : i32
    %broadcast_in_dim3A_2406 = vector.broadcast %jit3A_2404 : i32 to vector<16xi32>
    %broadcast_in_dim3A_2407 = vector.broadcast %jit3A_2405 : i32 to vector<16xi32>
    %select_n3A_2408 = arith.select %eq3A_2403, %broadcast_in_dim3A_2406, %broadcast_in_dim3A_2407 : vector<16xi1>, vector<16xi32>
    %broadcast_in_dim3A_2409 = arith.constant true
    %broadcast_in_dim3A_2410 = vector.broadcast %broadcast_in_dim3A_2409 : i1 to vector<16xi1>
    %masked_cumsum3A_2411 = tpu.scan <sum>, %select_n3A_2408 masked %broadcast_in_dim3A_2410 : vector<16xi32>, vector<16xi1> -> vector<16xi32>
    %slice3A_2412 = vector.extract_strided_slice %add3A_2400 {offsets = [3], sizes = [1], strides = [1]} : vector<16xi32> to vector<1xi32>
    %squeeze3A_2413 = vector.extract %slice3A_2412[0] : i32 from vector<1xi32>
    %add3A_2414 = vector.broadcast %squeeze3A_2413 : i32 to vector<16xi32>
    %add3A_2415 = arith.addi %add3A_2414, %masked_cumsum3A_2411 : vector<16xi32>
    %sub3A_2416 = arith.constant 1 : i32
    %sub3A_2417 = vector.broadcast %sub3A_2416 : i32 to vector<16xi32>
    %sub3A_2418 = arith.subi %add3A_2415, %sub3A_2417 : vector<16xi32>
    %select_n3A_2419 = arith.select %eq3A_2403, %sub3A_2418, %select_n3A_2390 : vector<16xi1>, vector<16xi32>
    %eq3A_2420 = arith.constant 3 : i32
    %eq3A_2421 = vector.broadcast %eq3A_2420 : i32 to vector<16xi32>
    %eq3A_2422 = arith.cmpi eq, %iota3A, %eq3A_2421 : vector<16xi32>
    %slice3A_2423 = vector.extract_strided_slice %masked_cumsum3A_2411 {offsets = [15], sizes = [1], strides = [1]} : vector<16xi32> to vector<1xi32>
    %squeeze3A_2424 = vector.extract %slice3A_2423[0] : i32 from vector<1xi32>
    %jit3A_2425 = arith.constant 0 : i32
    %broadcast_in_dim3A_2426 = vector.broadcast %squeeze3A_2424 : i32 to vector<16xi32>
    %broadcast_in_dim3A_2427 = vector.broadcast %jit3A_2425 : i32 to vector<16xi32>
    %select_n3A_2428 = arith.select %eq3A_2422, %broadcast_in_dim3A_2426, %broadcast_in_dim3A_2427 : vector<16xi1>, vector<16xi32>
    %add3A_2429 = arith.addi %add3A_2400, %select_n3A_2428 : vector<16xi32>
    %eq3A_2430 = arith.constant 4 : i32
    %eq3A_2431 = vector.broadcast %eq3A_2430 : i32 to vector<16xi32>
    %eq3A_2432 = arith.cmpi eq, %get3A_2311, %eq3A_2431 : vector<16xi32>
    %jit3A_2433 = arith.constant 1 : i32
    %jit3A_2434 = arith.constant 0 : i32
    %broadcast_in_dim3A_2435 = vector.broadcast %jit3A_2433 : i32 to vector<16xi32>
    %broadcast_in_dim3A_2436 = vector.broadcast %jit3A_2434 : i32 to vector<16xi32>
    %select_n3A_2437 = arith.select %eq3A_2432, %broadcast_in_dim3A_2435, %broadcast_in_dim3A_2436 : vector<16xi1>, vector<16xi32>
    %broadcast_in_dim3A_2438 = arith.constant true
    %broadcast_in_dim3A_2439 = vector.broadcast %broadcast_in_dim3A_2438 : i1 to vector<16xi1>
    %masked_cumsum3A_2440 = tpu.scan <sum>, %select_n3A_2437 masked %broadcast_in_dim3A_2439 : vector<16xi32>, vector<16xi1> -> vector<16xi32>
    %slice3A_2441 = vector.extract_strided_slice %add3A_2429 {offsets = [4], sizes = [1], strides = [1]} : vector<16xi32> to vector<1xi32>
    %squeeze3A_2442 = vector.extract %slice3A_2441[0] : i32 from vector<1xi32>
    %add3A_2443 = vector.broadcast %squeeze3A_2442 : i32 to vector<16xi32>
    %add3A_2444 = arith.addi %add3A_2443, %masked_cumsum3A_2440 : vector<16xi32>
    %sub3A_2445 = arith.constant 1 : i32
    %sub3A_2446 = vector.broadcast %sub3A_2445 : i32 to vector<16xi32>
    %sub3A_2447 = arith.subi %add3A_2444, %sub3A_2446 : vector<16xi32>
    %select_n3A_2448 = arith.select %eq3A_2432, %sub3A_2447, %select_n3A_2419 : vector<16xi1>, vector<16xi32>
    %eq3A_2449 = arith.constant 4 : i32
    %eq3A_2450 = vector.broadcast %eq3A_2449 : i32 to vector<16xi32>
    %eq3A_2451 = arith.cmpi eq, %iota3A, %eq3A_2450 : vector<16xi32>
    %slice3A_2452 = vector.extract_strided_slice %masked_cumsum3A_2440 {offsets = [15], sizes = [1], strides = [1]} : vector<16xi32> to vector<1xi32>
    %squeeze3A_2453 = vector.extract %slice3A_2452[0] : i32 from vector<1xi32>
    %jit3A_2454 = arith.constant 0 : i32
    %broadcast_in_dim3A_2455 = vector.broadcast %squeeze3A_2453 : i32 to vector<16xi32>
    %broadcast_in_dim3A_2456 = vector.broadcast %jit3A_2454 : i32 to vector<16xi32>
    %select_n3A_2457 = arith.select %eq3A_2451, %broadcast_in_dim3A_2455, %broadcast_in_dim3A_2456 : vector<16xi1>, vector<16xi32>
    %add3A_2458 = arith.addi %add3A_2429, %select_n3A_2457 : vector<16xi32>
    %eq3A_2459 = arith.constant 5 : i32
    %eq3A_2460 = vector.broadcast %eq3A_2459 : i32 to vector<16xi32>
    %eq3A_2461 = arith.cmpi eq, %get3A_2311, %eq3A_2460 : vector<16xi32>
    %jit3A_2462 = arith.constant 1 : i32
    %jit3A_2463 = arith.constant 0 : i32
    %broadcast_in_dim3A_2464 = vector.broadcast %jit3A_2462 : i32 to vector<16xi32>
    %broadcast_in_dim3A_2465 = vector.broadcast %jit3A_2463 : i32 to vector<16xi32>
    %select_n3A_2466 = arith.select %eq3A_2461, %broadcast_in_dim3A_2464, %broadcast_in_dim3A_2465 : vector<16xi1>, vector<16xi32>
    %broadcast_in_dim3A_2467 = arith.constant true
    %broadcast_in_dim3A_2468 = vector.broadcast %broadcast_in_dim3A_2467 : i1 to vector<16xi1>
    %masked_cumsum3A_2469 = tpu.scan <sum>, %select_n3A_2466 masked %broadcast_in_dim3A_2468 : vector<16xi32>, vector<16xi1> -> vector<16xi32>
    %slice3A_2470 = vector.extract_strided_slice %add3A_2458 {offsets = [5], sizes = [1], strides = [1]} : vector<16xi32> to vector<1xi32>
    %squeeze3A_2471 = vector.extract %slice3A_2470[0] : i32 from vector<1xi32>
    %add3A_2472 = vector.broadcast %squeeze3A_2471 : i32 to vector<16xi32>
    %add3A_2473 = arith.addi %add3A_2472, %masked_cumsum3A_2469 : vector<16xi32>
    %sub3A_2474 = arith.constant 1 : i32
    %sub3A_2475 = vector.broadcast %sub3A_2474 : i32 to vector<16xi32>
    %sub3A_2476 = arith.subi %add3A_2473, %sub3A_2475 : vector<16xi32>
    %select_n3A_2477 = arith.select %eq3A_2461, %sub3A_2476, %select_n3A_2448 : vector<16xi1>, vector<16xi32>
    %eq3A_2478 = arith.constant 5 : i32
    %eq3A_2479 = vector.broadcast %eq3A_2478 : i32 to vector<16xi32>
    %eq3A_2480 = arith.cmpi eq, %iota3A, %eq3A_2479 : vector<16xi32>
    %slice3A_2481 = vector.extract_strided_slice %masked_cumsum3A_2469 {offsets = [15], sizes = [1], strides = [1]} : vector<16xi32> to vector<1xi32>
    %squeeze3A_2482 = vector.extract %slice3A_2481[0] : i32 from vector<1xi32>
    %jit3A_2483 = arith.constant 0 : i32
    %broadcast_in_dim3A_2484 = vector.broadcast %squeeze3A_2482 : i32 to vector<16xi32>
    %broadcast_in_dim3A_2485 = vector.broadcast %jit3A_2483 : i32 to vector<16xi32>
    %select_n3A_2486 = arith.select %eq3A_2480, %broadcast_in_dim3A_2484, %broadcast_in_dim3A_2485 : vector<16xi1>, vector<16xi32>
    %add3A_2487 = arith.addi %add3A_2458, %select_n3A_2486 : vector<16xi32>
    %eq3A_2488 = arith.constant 6 : i32
    %eq3A_2489 = vector.broadcast %eq3A_2488 : i32 to vector<16xi32>
    %eq3A_2490 = arith.cmpi eq, %get3A_2311, %eq3A_2489 : vector<16xi32>
    %jit3A_2491 = arith.constant 1 : i32
    %jit3A_2492 = arith.constant 0 : i32
    %broadcast_in_dim3A_2493 = vector.broadcast %jit3A_2491 : i32 to vector<16xi32>
    %broadcast_in_dim3A_2494 = vector.broadcast %jit3A_2492 : i32 to vector<16xi32>
    %select_n3A_2495 = arith.select %eq3A_2490, %broadcast_in_dim3A_2493, %broadcast_in_dim3A_2494 : vector<16xi1>, vector<16xi32>
    %broadcast_in_dim3A_2496 = arith.constant true
    %broadcast_in_dim3A_2497 = vector.broadcast %broadcast_in_dim3A_2496 : i1 to vector<16xi1>
    %masked_cumsum3A_2498 = tpu.scan <sum>, %select_n3A_2495 masked %broadcast_in_dim3A_2497 : vector<16xi32>, vector<16xi1> -> vector<16xi32>
    %slice3A_2499 = vector.extract_strided_slice %add3A_2487 {offsets = [6], sizes = [1], strides = [1]} : vector<16xi32> to vector<1xi32>
    %squeeze3A_2500 = vector.extract %slice3A_2499[0] : i32 from vector<1xi32>
    %add3A_2501 = vector.broadcast %squeeze3A_2500 : i32 to vector<16xi32>
    %add3A_2502 = arith.addi %add3A_2501, %masked_cumsum3A_2498 : vector<16xi32>
    %sub3A_2503 = arith.constant 1 : i32
    %sub3A_2504 = vector.broadcast %sub3A_2503 : i32 to vector<16xi32>
    %sub3A_2505 = arith.subi %add3A_2502, %sub3A_2504 : vector<16xi32>
    %select_n3A_2506 = arith.select %eq3A_2490, %sub3A_2505, %select_n3A_2477 : vector<16xi1>, vector<16xi32>
    %eq3A_2507 = arith.constant 6 : i32
    %eq3A_2508 = vector.broadcast %eq3A_2507 : i32 to vector<16xi32>
    %eq3A_2509 = arith.cmpi eq, %iota3A, %eq3A_2508 : vector<16xi32>
    %slice3A_2510 = vector.extract_strided_slice %masked_cumsum3A_2498 {offsets = [15], sizes = [1], strides = [1]} : vector<16xi32> to vector<1xi32>
    %squeeze3A_2511 = vector.extract %slice3A_2510[0] : i32 from vector<1xi32>
    %jit3A_2512 = arith.constant 0 : i32
    %broadcast_in_dim3A_2513 = vector.broadcast %squeeze3A_2511 : i32 to vector<16xi32>
    %broadcast_in_dim3A_2514 = vector.broadcast %jit3A_2512 : i32 to vector<16xi32>
    %select_n3A_2515 = arith.select %eq3A_2509, %broadcast_in_dim3A_2513, %broadcast_in_dim3A_2514 : vector<16xi1>, vector<16xi32>
    %add3A_2516 = arith.addi %add3A_2487, %select_n3A_2515 : vector<16xi32>
    %swap3A_2517 = arith.constant 112 : index
    %swap3A_2518 = tpu.vector_load %arg16[%swap3A_2517] {strides = array<i32>} : memref<128xi32, #tpu.memory_space<vmem>>, vector<16xi32>,
    tpu.vector_store %arg16[%swap3A_2517], %select_n3A_2506 {strides = array<i32>} : memref<128xi32, #tpu.memory_space<vmem>>, vector<16xi32>,
    %swap3A_2519 = arith.constant 48 : index
    %swap3A_2520 = tpu.vector_load %arg18[%swap3A_2519] {strides = array<i32>} : memref<64xi32, #tpu.memory_space<vmem>>, vector<16xi32>,
    tpu.vector_store %arg18[%swap3A_2519], %select_n3A_2506 {strides = array<i32>} : memref<64xi32, #tpu.memory_space<vmem>>, vector<16xi32>,
    "tpu.region"() ({
      %run_scoped3A = tpu.sem_alloc : memref<!tpu.dma_semaphore, #tpu.memory_space<semaphore_mem>>
      %dma_start3A_3459 = tpu.memref_slice %arg6[%mul3A_2] : memref<4096xi32, #tpu.memory_space<hbm>> -> memref<128xi32, #tpu.memory_space<hbm>>
      %dma_start3A_3460 = tpu.memref_slice %arg6[%mul3A_2] : memref<4096xi32, #tpu.memory_space<hbm>> -> memref<128xi32, #tpu.memory_space<hbm>>
      tpu.enqueue_dma source(%arg16 : memref<128xi32, #tpu.memory_space<vmem>>) target(%dma_start3A_3460 : memref<128xi32, #tpu.memory_space<hbm>>) target_semaphore(%run_scoped3A : memref<!tpu.dma_semaphore, #tpu.memory_space<semaphore_mem>>)
      %dma_wait3A_3461 = tpu.memref_slice %arg6[%mul3A_2] : memref<4096xi32, #tpu.memory_space<hbm>> -> memref<128xi32, #tpu.memory_space<hbm>>
      %dma_wait3A_3462 = tpu.memref_slice %arg6[%mul3A_2] : memref<4096xi32, #tpu.memory_space<hbm>> -> memref<128xi32, #tpu.memory_space<hbm>>
      tpu.wait_dma2 semaphore(%run_scoped3A : memref<!tpu.dma_semaphore, #tpu.memory_space<semaphore_mem>>) src(%arg16 : memref<128xi32, #tpu.memory_space<vmem>>) dst(%dma_wait3A_3462 : memref<128xi32, #tpu.memory_space<hbm>>)
      tpu.yield
    }) : () -> ()
    %add3A_2521 = arith.constant 0 : i32
    %add3A_2522 = arith.addi %mul3A_2, %add3A_2521 : i32
    %get3A_2523 = arith.constant 0 : index
    %get3A_2524 = tpu.vector_load %arg13[%get3A_2523] {strides = array<i32>} : memref<128xf32, #tpu.memory_space<vmem>>, vector<16xf32>,
    %slice3A_2525 = vector.extract_strided_slice %get3A_2524 {offsets = [0], sizes = [1], strides = [1]} : vector<16xf32> to vector<1xf32>
    %squeeze3A_2526 = vector.extract %slice3A_2525[0] : f32 from vector<1xf32>
    %broadcast_in_dim3A_2527 = vector.broadcast %squeeze3A_2526 : f32 to vector<16xf32>
    %swap3A_2528 = arith.constant 0 : i32
    %swap3A_2529 = arith.index_cast %swap3A_2528 : i32 to index
    %swap3A_2530 = arith.constant 0 : index
    %swap3A_2531 = tpu.vector_load %arg20[%swap3A_2529, %swap3A_2530] {strides = array<i32>} : memref<64x128xf32, #tpu.memory_space<vmem>>, vector<16xf32>,
    tpu.vector_store %arg20[%swap3A_2529, %swap3A_2530], %broadcast_in_dim3A_2527 {strides = array<i32>} : memref<64x128xf32, #tpu.memory_space<vmem>>, vector<16xf32>,
    %slice3A_2532 = vector.extract_strided_slice %get3A_2524 {offsets = [1], sizes = [1], strides = [1]} : vector<16xf32> to vector<1xf32>
    %squeeze3A_2533 = vector.extract %slice3A_2532[0] : f32 from vector<1xf32>
    %broadcast_in_dim3A_2534 = vector.broadcast %squeeze3A_2533 : f32 to vector<16xf32>
    %swap3A_2535 = arith.constant 1 : i32
    %swap3A_2536 = arith.index_cast %swap3A_2535 : i32 to index
    %swap3A_2537 = arith.constant 0 : index
    %swap3A_2538 = tpu.vector_load %arg20[%swap3A_2536, %swap3A_2537] {strides = array<i32>} : memref<64x128xf32, #tpu.memory_space<vmem>>, vector<16xf32>,
    tpu.vector_store %arg20[%swap3A_2536, %swap3A_2537], %broadcast_in_dim3A_2534 {strides = array<i32>} : memref<64x128xf32, #tpu.memory_space<vmem>>, vector<16xf32>,
    %slice3A_2539 = vector.extract_strided_slice %get3A_2524 {offsets = [2], sizes = [1], strides = [1]} : vector<16xf32> to vector<1xf32>
    %squeeze3A_2540 = vector.extract %slice3A_2539[0] : f32 from vector<1xf32>
    %broadcast_in_dim3A_2541 = vector.broadcast %squeeze3A_2540 : f32 to vector<16xf32>
    %swap3A_2542 = arith.constant 2 : i32
    %swap3A_2543 = arith.index_cast %swap3A_2542 : i32 to index
    %swap3A_2544 = arith.constant 0 : index
    %swap3A_2545 = tpu.vector_load %arg20[%swap3A_2543, %swap3A_2544] {strides = array<i32>} : memref<64x128xf32, #tpu.memory_space<vmem>>, vector<16xf32>,
    tpu.vector_store %arg20[%swap3A_2543, %swap3A_2544], %broadcast_in_dim3A_2541 {strides = array<i32>} : memref<64x128xf32, #tpu.memory_space<vmem>>, vector<16xf32>,
    %slice3A_2546 = vector.extract_strided_slice %get3A_2524 {offsets = [3], sizes = [1], strides = [1]} : vector<16xf32> to vector<1xf32>
    %squeeze3A_2547 = vector.extract %slice3A_2546[0] : f32 from vector<1xf32>
    %broadcast_in_dim3A_2548 = vector.broadcast %squeeze3A_2547 : f32 to vector<16xf32>
    %swap3A_2549 = arith.constant 3 : i32
    %swap3A_2550 = arith.index_cast %swap3A_2549 : i32 to index
    %swap3A_2551 = arith.constant 0 : index
    %swap3A_2552 = tpu.vector_load %arg20[%swap3A_2550, %swap3A_2551] {strides = array<i32>} : memref<64x128xf32, #tpu.memory_space<vmem>>, vector<16xf32>,
    tpu.vector_store %arg20[%swap3A_2550, %swap3A_2551], %broadcast_in_dim3A_2548 {strides = array<i32>} : memref<64x128xf32, #tpu.memory_space<vmem>>, vector<16xf32>,
    %slice3A_2553 = vector.extract_strided_slice %get3A_2524 {offsets = [4], sizes = [1], strides = [1]} : vector<16xf32> to vector<1xf32>
    %squeeze3A_2554 = vector.extract %slice3A_2553[0] : f32 from vector<1xf32>
    %broadcast_in_dim3A_2555 = vector.broadcast %squeeze3A_2554 : f32 to vector<16xf32>
    %swap3A_2556 = arith.constant 4 : i32
    %swap3A_2557 = arith.index_cast %swap3A_2556 : i32 to index
    %swap3A_2558 = arith.constant 0 : index
    %swap3A_2559 = tpu.vector_load %arg20[%swap3A_2557, %swap3A_2558] {strides = array<i32>} : memref<64x128xf32, #tpu.memory_space<vmem>>, vector<16xf32>,
    tpu.vector_store %arg20[%swap3A_2557, %swap3A_2558], %broadcast_in_dim3A_2555 {strides = array<i32>} : memref<64x128xf32, #tpu.memory_space<vmem>>, vector<16xf32>,
    %slice3A_2560 = vector.extract_strided_slice %get3A_2524 {offsets = [5], sizes = [1], strides = [1]} : vector<16xf32> to vector<1xf32>
    %squeeze3A_2561 = vector.extract %slice3A_2560[0] : f32 from vector<1xf32>
    %broadcast_in_dim3A_2562 = vector.broadcast %squeeze3A_2561 : f32 to vector<16xf32>
    %swap3A_2563 = arith.constant 5 : i32
    %swap3A_2564 = arith.index_cast %swap3A_2563 : i32 to index
    %swap3A_2565 = arith.constant 0 : index
    %swap3A_2566 = tpu.vector_load %arg20[%swap3A_2564, %swap3A_2565] {strides = array<i32>} : memref<64x128xf32, #tpu.memory_space<vmem>>, vector<16xf32>,
    tpu.vector_store %arg20[%swap3A_2564, %swap3A_2565], %broadcast_in_dim3A_2562 {strides = array<i32>} : memref<64x128xf32, #tpu.memory_space<vmem>>, vector<16xf32>,
    %slice3A_2567 = vector.extract_strided_slice %get3A_2524 {offsets = [6], sizes = [1], strides = [1]} : vector<16xf32> to vector<1xf32>
    %squeeze3A_2568 = vector.extract %slice3A_2567[0] : f32 from vector<1xf32>
    %broadcast_in_dim3A_2569 = vector.broadcast %squeeze3A_2568 : f32 to vector<16xf32>
    %swap3A_2570 = arith.constant 6 : i32
    %swap3A_2571 = arith.index_cast %swap3A_2570 : i32 to index
    %swap3A_2572 = arith.constant 0 : index
    %swap3A_2573 = tpu.vector_load %arg20[%swap3A_2571, %swap3A_2572] {strides = array<i32>} : memref<64x128xf32, #tpu.memory_space<vmem>>, vector<16xf32>,
    tpu.vector_store %arg20[%swap3A_2571, %swap3A_2572], %broadcast_in_dim3A_2569 {strides = array<i32>} : memref<64x128xf32, #tpu.memory_space<vmem>>, vector<16xf32>,
    %slice3A_2574 = vector.extract_strided_slice %get3A_2524 {offsets = [7], sizes = [1], strides = [1]} : vector<16xf32> to vector<1xf32>
    %squeeze3A_2575 = vector.extract %slice3A_2574[0] : f32 from vector<1xf32>
    %broadcast_in_dim3A_2576 = vector.broadcast %squeeze3A_2575 : f32 to vector<16xf32>
    %swap3A_2577 = arith.constant 7 : i32
    %swap3A_2578 = arith.index_cast %swap3A_2577 : i32 to index
    %swap3A_2579 = arith.constant 0 : index
    %swap3A_2580 = tpu.vector_load %arg20[%swap3A_2578, %swap3A_2579] {strides = array<i32>} : memref<64x128xf32, #tpu.memory_space<vmem>>, vector<16xf32>,
    tpu.vector_store %arg20[%swap3A_2578, %swap3A_2579], %broadcast_in_dim3A_2576 {strides = array<i32>} : memref<64x128xf32, #tpu.memory_space<vmem>>, vector<16xf32>,
    %slice3A_2581 = vector.extract_strided_slice %get3A_2524 {offsets = [8], sizes = [1], strides = [1]} : vector<16xf32> to vector<1xf32>
    %squeeze3A_2582 = vector.extract %slice3A_2581[0] : f32 from vector<1xf32>
    %broadcast_in_dim3A_2583 = vector.broadcast %squeeze3A_2582 : f32 to vector<16xf32>
    %swap3A_2584 = arith.constant 8 : i32
    %swap3A_2585 = arith.index_cast %swap3A_2584 : i32 to index
    %swap3A_2586 = arith.constant 0 : index
    %swap3A_2587 = tpu.vector_load %arg20[%swap3A_2585, %swap3A_2586] {strides = array<i32>} : memref<64x128xf32, #tpu.memory_space<vmem>>, vector<16xf32>,
    tpu.vector_store %arg20[%swap3A_2585, %swap3A_2586], %broadcast_in_dim3A_2583 {strides = array<i32>} : memref<64x128xf32, #tpu.memory_space<vmem>>, vector<16xf32>,
    %slice3A_2588 = vector.extract_strided_slice %get3A_2524 {offsets = [9], sizes = [1], strides = [1]} : vector<16xf32> to vector<1xf32>
    %squeeze3A_2589 = vector.extract %slice3A_2588[0] : f32 from vector<1xf32>
    %broadcast_in_dim3A_2590 = vector.broadcast %squeeze3A_2589 : f32 to vector<16xf32>
    %swap3A_2591 = arith.constant 9 : i32
    %swap3A_2592 = arith.index_cast %swap3A_2591 : i32 to index
    %swap3A_2593 = arith.constant 0 : index
    %swap3A_2594 = tpu.vector_load %arg20[%swap3A_2592, %swap3A_2593] {strides = array<i32>} : memref<64x128xf32, #tpu.memory_space<vmem>>, vector<16xf32>,
    tpu.vector_store %arg20[%swap3A_2592, %swap3A_2593], %broadcast_in_dim3A_2590 {strides = array<i32>} : memref<64x128xf32, #tpu.memory_space<vmem>>, vector<16xf32>,
    %slice3A_2595 = vector.extract_strided_slice %get3A_2524 {offsets = [10], sizes = [1], strides = [1]} : vector<16xf32> to vector<1xf32>
    %squeeze3A_2596 = vector.extract %slice3A_2595[0] : f32 from vector<1xf32>
    %broadcast_in_dim3A_2597 = vector.broadcast %squeeze3A_2596 : f32 to vector<16xf32>
    %swap3A_2598 = arith.constant 10 : i32
    %swap3A_2599 = arith.index_cast %swap3A_2598 : i32 to index
    %swap3A_2600 = arith.constant 0 : index
    %swap3A_2601 = tpu.vector_load %arg20[%swap3A_2599, %swap3A_2600] {strides = array<i32>} : memref<64x128xf32, #tpu.memory_space<vmem>>, vector<16xf32>,
    tpu.vector_store %arg20[%swap3A_2599, %swap3A_2600], %broadcast_in_dim3A_2597 {strides = array<i32>} : memref<64x128xf32, #tpu.memory_space<vmem>>, vector<16xf32>,
    %slice3A_2602 = vector.extract_strided_slice %get3A_2524 {offsets = [11], sizes = [1], strides = [1]} : vector<16xf32> to vector<1xf32>
    %squeeze3A_2603 = vector.extract %slice3A_2602[0] : f32 from vector<1xf32>
    %broadcast_in_dim3A_2604 = vector.broadcast %squeeze3A_2603 : f32 to vector<16xf32>
    %swap3A_2605 = arith.constant 11 : i32
    %swap3A_2606 = arith.index_cast %swap3A_2605 : i32 to index
    %swap3A_2607 = arith.constant 0 : index
    %swap3A_2608 = tpu.vector_load %arg20[%swap3A_2606, %swap3A_2607] {strides = array<i32>} : memref<64x128xf32, #tpu.memory_space<vmem>>, vector<16xf32>,
    tpu.vector_store %arg20[%swap3A_2606, %swap3A_2607], %broadcast_in_dim3A_2604 {strides = array<i32>} : memref<64x128xf32, #tpu.memory_space<vmem>>, vector<16xf32>,
    %slice3A_2609 = vector.extract_strided_slice %get3A_2524 {offsets = [12], sizes = [1], strides = [1]} : vector<16xf32> to vector<1xf32>
    %squeeze3A_2610 = vector.extract %slice3A_2609[0] : f32 from vector<1xf32>
    %broadcast_in_dim3A_2611 = vector.broadcast %squeeze3A_2610 : f32 to vector<16xf32>
    %swap3A_2612 = arith.constant 12 : i32
    %swap3A_2613 = arith.index_cast %swap3A_2612 : i32 to index
    %swap3A_2614 = arith.constant 0 : index
    %swap3A_2615 = tpu.vector_load %arg20[%swap3A_2613, %swap3A_2614] {strides = array<i32>} : memref<64x128xf32, #tpu.memory_space<vmem>>, vector<16xf32>,
    tpu.vector_store %arg20[%swap3A_2613, %swap3A_2614], %broadcast_in_dim3A_2611 {strides = array<i32>} : memref<64x128xf32, #tpu.memory_space<vmem>>, vector<16xf32>,
    %slice3A_2616 = vector.extract_strided_slice %get3A_2524 {offsets = [13], sizes = [1], strides = [1]} : vector<16xf32> to vector<1xf32>
    %squeeze3A_2617 = vector.extract %slice3A_2616[0] : f32 from vector<1xf32>
    %broadcast_in_dim3A_2618 = vector.broadcast %squeeze3A_2617 : f32 to vector<16xf32>
    %swap3A_2619 = arith.constant 13 : i32
    %swap3A_2620 = arith.index_cast %swap3A_2619 : i32 to index
    %swap3A_2621 = arith.constant 0 : index
    %swap3A_2622 = tpu.vector_load %arg20[%swap3A_2620, %swap3A_2621] {strides = array<i32>} : memref<64x128xf32, #tpu.memory_space<vmem>>, vector<16xf32>,
    tpu.vector_store %arg20[%swap3A_2620, %swap3A_2621], %broadcast_in_dim3A_2618 {strides = array<i32>} : memref<64x128xf32, #tpu.memory_space<vmem>>, vector<16xf32>,
    %slice3A_2623 = vector.extract_strided_slice %get3A_2524 {offsets = [14], sizes = [1], strides = [1]} : vector<16xf32> to vector<1xf32>
    %squeeze3A_2624 = vector.extract %slice3A_2623[0] : f32 from vector<1xf32>
    %broadcast_in_dim3A_2625 = vector.broadcast %squeeze3A_2624 : f32 to vector<16xf32>
    %swap3A_2626 = arith.constant 14 : i32
    %swap3A_2627 = arith.index_cast %swap3A_2626 : i32 to index
    %swap3A_2628 = arith.constant 0 : index
    %swap3A_2629 = tpu.vector_load %arg20[%swap3A_2627, %swap3A_2628] {strides = array<i32>} : memref<64x128xf32, #tpu.memory_space<vmem>>, vector<16xf32>,
    tpu.vector_store %arg20[%swap3A_2627, %swap3A_2628], %broadcast_in_dim3A_2625 {strides = array<i32>} : memref<64x128xf32, #tpu.memory_space<vmem>>, vector<16xf32>,
    %slice3A_2630 = vector.extract_strided_slice %get3A_2524 {offsets = [15], sizes = [1], strides = [1]} : vector<16xf32> to vector<1xf32>
    %squeeze3A_2631 = vector.extract %slice3A_2630[0] : f32 from vector<1xf32>
    %broadcast_in_dim3A_2632 = vector.broadcast %squeeze3A_2631 : f32 to vector<16xf32>
    %swap3A_2633 = arith.constant 15 : i32
    %swap3A_2634 = arith.index_cast %swap3A_2633 : i32 to index
    %swap3A_2635 = arith.constant 0 : index
    %swap3A_2636 = tpu.vector_load %arg20[%swap3A_2634, %swap3A_2635] {strides = array<i32>} : memref<64x128xf32, #tpu.memory_space<vmem>>, vector<16xf32>,
    tpu.vector_store %arg20[%swap3A_2634, %swap3A_2635], %broadcast_in_dim3A_2632 {strides = array<i32>} : memref<64x128xf32, #tpu.memory_space<vmem>>, vector<16xf32>,
    %get3A_2637 = arith.constant 16 : index
    %get3A_2638 = tpu.vector_load %arg13[%get3A_2637] {strides = array<i32>} : memref<128xf32, #tpu.memory_space<vmem>>, vector<16xf32>,
    %slice3A_2639 = vector.extract_strided_slice %get3A_2638 {offsets = [0], sizes = [1], strides = [1]} : vector<16xf32> to vector<1xf32>
    %squeeze3A_2640 = vector.extract %slice3A_2639[0] : f32 from vector<1xf32>
    %broadcast_in_dim3A_2641 = vector.broadcast %squeeze3A_2640 : f32 to vector<16xf32>
    %swap3A_2642 = arith.constant 16 : i32
    %swap3A_2643 = arith.index_cast %swap3A_2642 : i32 to index
    %swap3A_2644 = arith.constant 0 : index
    %swap3A_2645 = tpu.vector_load %arg20[%swap3A_2643, %swap3A_2644] {strides = array<i32>} : memref<64x128xf32, #tpu.memory_space<vmem>>, vector<16xf32>,
    tpu.vector_store %arg20[%swap3A_2643, %swap3A_2644], %broadcast_in_dim3A_2641 {strides = array<i32>} : memref<64x128xf32, #tpu.memory_space<vmem>>, vector<16xf32>,
    %slice3A_2646 = vector.extract_strided_slice %get3A_2638 {offsets = [1], sizes = [1], strides = [1]} : vector<16xf32> to vector<1xf32>
    %squeeze3A_2647 = vector.extract %slice3A_2646[0] : f32 from vector<1xf32>
    %broadcast_in_dim3A_2648 = vector.broadcast %squeeze3A_2647 : f32 to vector<16xf32>
    %swap3A_2649 = arith.constant 17 : i32
    %swap3A_2650 = arith.index_cast %swap3A_2649 : i32 to index
    %swap3A_2651 = arith.constant 0 : index
    %swap3A_2652 = tpu.vector_load %arg20[%swap3A_2650, %swap3A_2651] {strides = array<i32>} : memref<64x128xf32, #tpu.memory_space<vmem>>, vector<16xf32>,
    tpu.vector_store %arg20[%swap3A_2650, %swap3A_2651], %broadcast_in_dim3A_2648 {strides = array<i32>} : memref<64x128xf32, #tpu.memory_space<vmem>>, vector<16xf32>,
    %slice3A_2653 = vector.extract_strided_slice %get3A_2638 {offsets = [2], sizes = [1], strides = [1]} : vector<16xf32> to vector<1xf32>
    %squeeze3A_2654 = vector.extract %slice3A_2653[0] : f32 from vector<1xf32>
    %broadcast_in_dim3A_2655 = vector.broadcast %squeeze3A_2654 : f32 to vector<16xf32>
    %swap3A_2656 = arith.constant 18 : i32
    %swap3A_2657 = arith.index_cast %swap3A_2656 : i32 to index
    %swap3A_2658 = arith.constant 0 : index
    %swap3A_2659 = tpu.vector_load %arg20[%swap3A_2657, %swap3A_2658] {strides = array<i32>} : memref<64x128xf32, #tpu.memory_space<vmem>>, vector<16xf32>,
    tpu.vector_store %arg20[%swap3A_2657, %swap3A_2658], %broadcast_in_dim3A_2655 {strides = array<i32>} : memref<64x128xf32, #tpu.memory_space<vmem>>, vector<16xf32>,
    %slice3A_2660 = vector.extract_strided_slice %get3A_2638 {offsets = [3], sizes = [1], strides = [1]} : vector<16xf32> to vector<1xf32>
    %squeeze3A_2661 = vector.extract %slice3A_2660[0] : f32 from vector<1xf32>
    %broadcast_in_dim3A_2662 = vector.broadcast %squeeze3A_2661 : f32 to vector<16xf32>
    %swap3A_2663 = arith.constant 19 : i32
    %swap3A_2664 = arith.index_cast %swap3A_2663 : i32 to index
    %swap3A_2665 = arith.constant 0 : index
    %swap3A_2666 = tpu.vector_load %arg20[%swap3A_2664, %swap3A_2665] {strides = array<i32>} : memref<64x128xf32, #tpu.memory_space<vmem>>, vector<16xf32>,
    tpu.vector_store %arg20[%swap3A_2664, %swap3A_2665], %broadcast_in_dim3A_2662 {strides = array<i32>} : memref<64x128xf32, #tpu.memory_space<vmem>>, vector<16xf32>,
    %slice3A_2667 = vector.extract_strided_slice %get3A_2638 {offsets = [4], sizes = [1], strides = [1]} : vector<16xf32> to vector<1xf32>
    %squeeze3A_2668 = vector.extract %slice3A_2667[0] : f32 from vector<1xf32>
    %broadcast_in_dim3A_2669 = vector.broadcast %squeeze3A_2668 : f32 to vector<16xf32>
    %swap3A_2670 = arith.constant 20 : i32
    %swap3A_2671 = arith.index_cast %swap3A_2670 : i32 to index
    %swap3A_2672 = arith.constant 0 : index
    %swap3A_2673 = tpu.vector_load %arg20[%swap3A_2671, %swap3A_2672] {strides = array<i32>} : memref<64x128xf32, #tpu.memory_space<vmem>>, vector<16xf32>,
    tpu.vector_store %arg20[%swap3A_2671, %swap3A_2672], %broadcast_in_dim3A_2669 {strides = array<i32>} : memref<64x128xf32, #tpu.memory_space<vmem>>, vector<16xf32>,
    %slice3A_2674 = vector.extract_strided_slice %get3A_2638 {offsets = [5], sizes = [1], strides = [1]} : vector<16xf32> to vector<1xf32>
    %squeeze3A_2675 = vector.extract %slice3A_2674[0] : f32 from vector<1xf32>
    %broadcast_in_dim3A_2676 = vector.broadcast %squeeze3A_2675 : f32 to vector<16xf32>
    %swap3A_2677 = arith.constant 21 : i32
    %swap3A_2678 = arith.index_cast %swap3A_2677 : i32 to index
    %swap3A_2679 = arith.constant 0 : index
    %swap3A_2680 = tpu.vector_load %arg20[%swap3A_2678, %swap3A_2679] {strides = array<i32>} : memref<64x128xf32, #tpu.memory_space<vmem>>, vector<16xf32>,
    tpu.vector_store %arg20[%swap3A_2678, %swap3A_2679], %broadcast_in_dim3A_2676 {strides = array<i32>} : memref<64x128xf32, #tpu.memory_space<vmem>>, vector<16xf32>,
    %slice3A_2681 = vector.extract_strided_slice %get3A_2638 {offsets = [6], sizes = [1], strides = [1]} : vector<16xf32> to vector<1xf32>
    %squeeze3A_2682 = vector.extract %slice3A_2681[0] : f32 from vector<1xf32>
    %broadcast_in_dim3A_2683 = vector.broadcast %squeeze3A_2682 : f32 to vector<16xf32>
    %swap3A_2684 = arith.constant 22 : i32
    %swap3A_2685 = arith.index_cast %swap3A_2684 : i32 to index
    %swap3A_2686 = arith.constant 0 : index
    %swap3A_2687 = tpu.vector_load %arg20[%swap3A_2685, %swap3A_2686] {strides = array<i32>} : memref<64x128xf32, #tpu.memory_space<vmem>>, vector<16xf32>,
    tpu.vector_store %arg20[%swap3A_2685, %swap3A_2686], %broadcast_in_dim3A_2683 {strides = array<i32>} : memref<64x128xf32, #tpu.memory_space<vmem>>, vector<16xf32>,
    %slice3A_2688 = vector.extract_strided_slice %get3A_2638 {offsets = [7], sizes = [1], strides = [1]} : vector<16xf32> to vector<1xf32>
    %squeeze3A_2689 = vector.extract %slice3A_2688[0] : f32 from vector<1xf32>
    %broadcast_in_dim3A_2690 = vector.broadcast %squeeze3A_2689 : f32 to vector<16xf32>
    %swap3A_2691 = arith.constant 23 : i32
    %swap3A_2692 = arith.index_cast %swap3A_2691 : i32 to index
    %swap3A_2693 = arith.constant 0 : index
    %swap3A_2694 = tpu.vector_load %arg20[%swap3A_2692, %swap3A_2693] {strides = array<i32>} : memref<64x128xf32, #tpu.memory_space<vmem>>, vector<16xf32>,
    tpu.vector_store %arg20[%swap3A_2692, %swap3A_2693], %broadcast_in_dim3A_2690 {strides = array<i32>} : memref<64x128xf32, #tpu.memory_space<vmem>>, vector<16xf32>,
    %slice3A_2695 = vector.extract_strided_slice %get3A_2638 {offsets = [8], sizes = [1], strides = [1]} : vector<16xf32> to vector<1xf32>
    %squeeze3A_2696 = vector.extract %slice3A_2695[0] : f32 from vector<1xf32>
    %broadcast_in_dim3A_2697 = vector.broadcast %squeeze3A_2696 : f32 to vector<16xf32>
    %swap3A_2698 = arith.constant 24 : i32
    %swap3A_2699 = arith.index_cast %swap3A_2698 : i32 to index
    %swap3A_2700 = arith.constant 0 : index
    %swap3A_2701 = tpu.vector_load %arg20[%swap3A_2699, %swap3A_2700] {strides = array<i32>} : memref<64x128xf32, #tpu.memory_space<vmem>>, vector<16xf32>,
    tpu.vector_store %arg20[%swap3A_2699, %swap3A_2700], %broadcast_in_dim3A_2697 {strides = array<i32>} : memref<64x128xf32, #tpu.memory_space<vmem>>, vector<16xf32>,
    %slice3A_2702 = vector.extract_strided_slice %get3A_2638 {offsets = [9], sizes = [1], strides = [1]} : vector<16xf32> to vector<1xf32>
    %squeeze3A_2703 = vector.extract %slice3A_2702[0] : f32 from vector<1xf32>
    %broadcast_in_dim3A_2704 = vector.broadcast %squeeze3A_2703 : f32 to vector<16xf32>
    %swap3A_2705 = arith.constant 25 : i32
    %swap3A_2706 = arith.index_cast %swap3A_2705 : i32 to index
    %swap3A_2707 = arith.constant 0 : index
    %swap3A_2708 = tpu.vector_load %arg20[%swap3A_2706, %swap3A_2707] {strides = array<i32>} : memref<64x128xf32, #tpu.memory_space<vmem>>, vector<16xf32>,
    tpu.vector_store %arg20[%swap3A_2706, %swap3A_2707], %broadcast_in_dim3A_2704 {strides = array<i32>} : memref<64x128xf32, #tpu.memory_space<vmem>>, vector<16xf32>,
    %slice3A_2709 = vector.extract_strided_slice %get3A_2638 {offsets = [10], sizes = [1], strides = [1]} : vector<16xf32> to vector<1xf32>
    %squeeze3A_2710 = vector.extract %slice3A_2709[0] : f32 from vector<1xf32>
    %broadcast_in_dim3A_2711 = vector.broadcast %squeeze3A_2710 : f32 to vector<16xf32>
    %swap3A_2712 = arith.constant 26 : i32
    %swap3A_2713 = arith.index_cast %swap3A_2712 : i32 to index
    %swap3A_2714 = arith.constant 0 : index
    %swap3A_2715 = tpu.vector_load %arg20[%swap3A_2713, %swap3A_2714] {strides = array<i32>} : memref<64x128xf32, #tpu.memory_space<vmem>>, vector<16xf32>,
    tpu.vector_store %arg20[%swap3A_2713, %swap3A_2714], %broadcast_in_dim3A_2711 {strides = array<i32>} : memref<64x128xf32, #tpu.memory_space<vmem>>, vector<16xf32>,
    %slice3A_2716 = vector.extract_strided_slice %get3A_2638 {offsets = [11], sizes = [1], strides = [1]} : vector<16xf32> to vector<1xf32>
    %squeeze3A_2717 = vector.extract %slice3A_2716[0] : f32 from vector<1xf32>
    %broadcast_in_dim3A_2718 = vector.broadcast %squeeze3A_2717 : f32 to vector<16xf32>
    %swap3A_2719 = arith.constant 27 : i32
    %swap3A_2720 = arith.index_cast %swap3A_2719 : i32 to index
    %swap3A_2721 = arith.constant 0 : index
    %swap3A_2722 = tpu.vector_load %arg20[%swap3A_2720, %swap3A_2721] {strides = array<i32>} : memref<64x128xf32, #tpu.memory_space<vmem>>, vector<16xf32>,
    tpu.vector_store %arg20[%swap3A_2720, %swap3A_2721], %broadcast_in_dim3A_2718 {strides = array<i32>} : memref<64x128xf32, #tpu.memory_space<vmem>>, vector<16xf32>,
    %slice3A_2723 = vector.extract_strided_slice %get3A_2638 {offsets = [12], sizes = [1], strides = [1]} : vector<16xf32> to vector<1xf32>
    %squeeze3A_2724 = vector.extract %slice3A_2723[0] : f32 from vector<1xf32>
    %broadcast_in_dim3A_2725 = vector.broadcast %squeeze3A_2724 : f32 to vector<16xf32>
    %swap3A_2726 = arith.constant 28 : i32
    %swap3A_2727 = arith.index_cast %swap3A_2726 : i32 to index
    %swap3A_2728 = arith.constant 0 : index
    %swap3A_2729 = tpu.vector_load %arg20[%swap3A_2727, %swap3A_2728] {strides = array<i32>} : memref<64x128xf32, #tpu.memory_space<vmem>>, vector<16xf32>,
    tpu.vector_store %arg20[%swap3A_2727, %swap3A_2728], %broadcast_in_dim3A_2725 {strides = array<i32>} : memref<64x128xf32, #tpu.memory_space<vmem>>, vector<16xf32>,
    %slice3A_2730 = vector.extract_strided_slice %get3A_2638 {offsets = [13], sizes = [1], strides = [1]} : vector<16xf32> to vector<1xf32>
    %squeeze3A_2731 = vector.extract %slice3A_2730[0] : f32 from vector<1xf32>
    %broadcast_in_dim3A_2732 = vector.broadcast %squeeze3A_2731 : f32 to vector<16xf32>
    %swap3A_2733 = arith.constant 29 : i32
    %swap3A_2734 = arith.index_cast %swap3A_2733 : i32 to index
    %swap3A_2735 = arith.constant 0 : index
    %swap3A_2736 = tpu.vector_load %arg20[%swap3A_2734, %swap3A_2735] {strides = array<i32>} : memref<64x128xf32, #tpu.memory_space<vmem>>, vector<16xf32>,
    tpu.vector_store %arg20[%swap3A_2734, %swap3A_2735], %broadcast_in_dim3A_2732 {strides = array<i32>} : memref<64x128xf32, #tpu.memory_space<vmem>>, vector<16xf32>,
    %slice3A_2737 = vector.extract_strided_slice %get3A_2638 {offsets = [14], sizes = [1], strides = [1]} : vector<16xf32> to vector<1xf32>
    %squeeze3A_2738 = vector.extract %slice3A_2737[0] : f32 from vector<1xf32>
    %broadcast_in_dim3A_2739 = vector.broadcast %squeeze3A_2738 : f32 to vector<16xf32>
    %swap3A_2740 = arith.constant 30 : i32
    %swap3A_2741 = arith.index_cast %swap3A_2740 : i32 to index
    %swap3A_2742 = arith.constant 0 : index
    %swap3A_2743 = tpu.vector_load %arg20[%swap3A_2741, %swap3A_2742] {strides = array<i32>} : memref<64x128xf32, #tpu.memory_space<vmem>>, vector<16xf32>,
    tpu.vector_store %arg20[%swap3A_2741, %swap3A_2742], %broadcast_in_dim3A_2739 {strides = array<i32>} : memref<64x128xf32, #tpu.memory_space<vmem>>, vector<16xf32>,
    %slice3A_2744 = vector.extract_strided_slice %get3A_2638 {offsets = [15], sizes = [1], strides = [1]} : vector<16xf32> to vector<1xf32>
    %squeeze3A_2745 = vector.extract %slice3A_2744[0] : f32 from vector<1xf32>
    %broadcast_in_dim3A_2746 = vector.broadcast %squeeze3A_2745 : f32 to vector<16xf32>
    %swap3A_2747 = arith.constant 31 : i32
    %swap3A_2748 = arith.index_cast %swap3A_2747 : i32 to index
    %swap3A_2749 = arith.constant 0 : index
    %swap3A_2750 = tpu.vector_load %arg20[%swap3A_2748, %swap3A_2749] {strides = array<i32>} : memref<64x128xf32, #tpu.memory_space<vmem>>, vector<16xf32>,
    tpu.vector_store %arg20[%swap3A_2748, %swap3A_2749], %broadcast_in_dim3A_2746 {strides = array<i32>} : memref<64x128xf32, #tpu.memory_space<vmem>>, vector<16xf32>,
    %get3A_2751 = arith.constant 32 : index
    %get3A_2752 = tpu.vector_load %arg13[%get3A_2751] {strides = array<i32>} : memref<128xf32, #tpu.memory_space<vmem>>, vector<16xf32>,
    %slice3A_2753 = vector.extract_strided_slice %get3A_2752 {offsets = [0], sizes = [1], strides = [1]} : vector<16xf32> to vector<1xf32>
    %squeeze3A_2754 = vector.extract %slice3A_2753[0] : f32 from vector<1xf32>
    %broadcast_in_dim3A_2755 = vector.broadcast %squeeze3A_2754 : f32 to vector<16xf32>
    %swap3A_2756 = arith.constant 32 : i32
    %swap3A_2757 = arith.index_cast %swap3A_2756 : i32 to index
    %swap3A_2758 = arith.constant 0 : index
    %swap3A_2759 = tpu.vector_load %arg20[%swap3A_2757, %swap3A_2758] {strides = array<i32>} : memref<64x128xf32, #tpu.memory_space<vmem>>, vector<16xf32>,
    tpu.vector_store %arg20[%swap3A_2757, %swap3A_2758], %broadcast_in_dim3A_2755 {strides = array<i32>} : memref<64x128xf32, #tpu.memory_space<vmem>>, vector<16xf32>,
    %slice3A_2760 = vector.extract_strided_slice %get3A_2752 {offsets = [1], sizes = [1], strides = [1]} : vector<16xf32> to vector<1xf32>
    %squeeze3A_2761 = vector.extract %slice3A_2760[0] : f32 from vector<1xf32>
    %broadcast_in_dim3A_2762 = vector.broadcast %squeeze3A_2761 : f32 to vector<16xf32>
    %swap3A_2763 = arith.constant 33 : i32
    %swap3A_2764 = arith.index_cast %swap3A_2763 : i32 to index
    %swap3A_2765 = arith.constant 0 : index
    %swap3A_2766 = tpu.vector_load %arg20[%swap3A_2764, %swap3A_2765] {strides = array<i32>} : memref<64x128xf32, #tpu.memory_space<vmem>>, vector<16xf32>,
    tpu.vector_store %arg20[%swap3A_2764, %swap3A_2765], %broadcast_in_dim3A_2762 {strides = array<i32>} : memref<64x128xf32, #tpu.memory_space<vmem>>, vector<16xf32>,
    %slice3A_2767 = vector.extract_strided_slice %get3A_2752 {offsets = [2], sizes = [1], strides = [1]} : vector<16xf32> to vector<1xf32>
    %squeeze3A_2768 = vector.extract %slice3A_2767[0] : f32 from vector<1xf32>
    %broadcast_in_dim3A_2769 = vector.broadcast %squeeze3A_2768 : f32 to vector<16xf32>
    %swap3A_2770 = arith.constant 34 : i32
    %swap3A_2771 = arith.index_cast %swap3A_2770 : i32 to index
    %swap3A_2772 = arith.constant 0 : index
    %swap3A_2773 = tpu.vector_load %arg20[%swap3A_2771, %swap3A_2772] {strides = array<i32>} : memref<64x128xf32, #tpu.memory_space<vmem>>, vector<16xf32>,
    tpu.vector_store %arg20[%swap3A_2771, %swap3A_2772], %broadcast_in_dim3A_2769 {strides = array<i32>} : memref<64x128xf32, #tpu.memory_space<vmem>>, vector<16xf32>,
    %slice3A_2774 = vector.extract_strided_slice %get3A_2752 {offsets = [3], sizes = [1], strides = [1]} : vector<16xf32> to vector<1xf32>
    %squeeze3A_2775 = vector.extract %slice3A_2774[0] : f32 from vector<1xf32>
    %broadcast_in_dim3A_2776 = vector.broadcast %squeeze3A_2775 : f32 to vector<16xf32>
    %swap3A_2777 = arith.constant 35 : i32
    %swap3A_2778 = arith.index_cast %swap3A_2777 : i32 to index
    %swap3A_2779 = arith.constant 0 : index
    %swap3A_2780 = tpu.vector_load %arg20[%swap3A_2778, %swap3A_2779] {strides = array<i32>} : memref<64x128xf32, #tpu.memory_space<vmem>>, vector<16xf32>,
    tpu.vector_store %arg20[%swap3A_2778, %swap3A_2779], %broadcast_in_dim3A_2776 {strides = array<i32>} : memref<64x128xf32, #tpu.memory_space<vmem>>, vector<16xf32>,
    %slice3A_2781 = vector.extract_strided_slice %get3A_2752 {offsets = [4], sizes = [1], strides = [1]} : vector<16xf32> to vector<1xf32>
    %squeeze3A_2782 = vector.extract %slice3A_2781[0] : f32 from vector<1xf32>
    %broadcast_in_dim3A_2783 = vector.broadcast %squeeze3A_2782 : f32 to vector<16xf32>
    %swap3A_2784 = arith.constant 36 : i32
    %swap3A_2785 = arith.index_cast %swap3A_2784 : i32 to index
    %swap3A_2786 = arith.constant 0 : index
    %swap3A_2787 = tpu.vector_load %arg20[%swap3A_2785, %swap3A_2786] {strides = array<i32>} : memref<64x128xf32, #tpu.memory_space<vmem>>, vector<16xf32>,
    tpu.vector_store %arg20[%swap3A_2785, %swap3A_2786], %broadcast_in_dim3A_2783 {strides = array<i32>} : memref<64x128xf32, #tpu.memory_space<vmem>>, vector<16xf32>,
    %slice3A_2788 = vector.extract_strided_slice %get3A_2752 {offsets = [5], sizes = [1], strides = [1]} : vector<16xf32> to vector<1xf32>
    %squeeze3A_2789 = vector.extract %slice3A_2788[0] : f32 from vector<1xf32>
    %broadcast_in_dim3A_2790 = vector.broadcast %squeeze3A_2789 : f32 to vector<16xf32>
    %swap3A_2791 = arith.constant 37 : i32
    %swap3A_2792 = arith.index_cast %swap3A_2791 : i32 to index
    %swap3A_2793 = arith.constant 0 : index
    %swap3A_2794 = tpu.vector_load %arg20[%swap3A_2792, %swap3A_2793] {strides = array<i32>} : memref<64x128xf32, #tpu.memory_space<vmem>>, vector<16xf32>,
    tpu.vector_store %arg20[%swap3A_2792, %swap3A_2793], %broadcast_in_dim3A_2790 {strides = array<i32>} : memref<64x128xf32, #tpu.memory_space<vmem>>, vector<16xf32>,
    %slice3A_2795 = vector.extract_strided_slice %get3A_2752 {offsets = [6], sizes = [1], strides = [1]} : vector<16xf32> to vector<1xf32>
    %squeeze3A_2796 = vector.extract %slice3A_2795[0] : f32 from vector<1xf32>
    %broadcast_in_dim3A_2797 = vector.broadcast %squeeze3A_2796 : f32 to vector<16xf32>
    %swap3A_2798 = arith.constant 38 : i32
    %swap3A_2799 = arith.index_cast %swap3A_2798 : i32 to index
    %swap3A_2800 = arith.constant 0 : index
    %swap3A_2801 = tpu.vector_load %arg20[%swap3A_2799, %swap3A_2800] {strides = array<i32>} : memref<64x128xf32, #tpu.memory_space<vmem>>, vector<16xf32>,
    tpu.vector_store %arg20[%swap3A_2799, %swap3A_2800], %broadcast_in_dim3A_2797 {strides = array<i32>} : memref<64x128xf32, #tpu.memory_space<vmem>>, vector<16xf32>,
    %slice3A_2802 = vector.extract_strided_slice %get3A_2752 {offsets = [7], sizes = [1], strides = [1]} : vector<16xf32> to vector<1xf32>
    %squeeze3A_2803 = vector.extract %slice3A_2802[0] : f32 from vector<1xf32>
    %broadcast_in_dim3A_2804 = vector.broadcast %squeeze3A_2803 : f32 to vector<16xf32>
    %swap3A_2805 = arith.constant 39 : i32
    %swap3A_2806 = arith.index_cast %swap3A_2805 : i32 to index
    %swap3A_2807 = arith.constant 0 : index
    %swap3A_2808 = tpu.vector_load %arg20[%swap3A_2806, %swap3A_2807] {strides = array<i32>} : memref<64x128xf32, #tpu.memory_space<vmem>>, vector<16xf32>,
    tpu.vector_store %arg20[%swap3A_2806, %swap3A_2807], %broadcast_in_dim3A_2804 {strides = array<i32>} : memref<64x128xf32, #tpu.memory_space<vmem>>, vector<16xf32>,
    %slice3A_2809 = vector.extract_strided_slice %get3A_2752 {offsets = [8], sizes = [1], strides = [1]} : vector<16xf32> to vector<1xf32>
    %squeeze3A_2810 = vector.extract %slice3A_2809[0] : f32 from vector<1xf32>
    %broadcast_in_dim3A_2811 = vector.broadcast %squeeze3A_2810 : f32 to vector<16xf32>
    %swap3A_2812 = arith.constant 40 : i32
    %swap3A_2813 = arith.index_cast %swap3A_2812 : i32 to index
    %swap3A_2814 = arith.constant 0 : index
    %swap3A_2815 = tpu.vector_load %arg20[%swap3A_2813, %swap3A_2814] {strides = array<i32>} : memref<64x128xf32, #tpu.memory_space<vmem>>, vector<16xf32>,
    tpu.vector_store %arg20[%swap3A_2813, %swap3A_2814], %broadcast_in_dim3A_2811 {strides = array<i32>} : memref<64x128xf32, #tpu.memory_space<vmem>>, vector<16xf32>,
    %slice3A_2816 = vector.extract_strided_slice %get3A_2752 {offsets = [9], sizes = [1], strides = [1]} : vector<16xf32> to vector<1xf32>
    %squeeze3A_2817 = vector.extract %slice3A_2816[0] : f32 from vector<1xf32>
    %broadcast_in_dim3A_2818 = vector.broadcast %squeeze3A_2817 : f32 to vector<16xf32>
    %swap3A_2819 = arith.constant 41 : i32
    %swap3A_2820 = arith.index_cast %swap3A_2819 : i32 to index
    %swap3A_2821 = arith.constant 0 : index
    %swap3A_2822 = tpu.vector_load %arg20[%swap3A_2820, %swap3A_2821] {strides = array<i32>} : memref<64x128xf32, #tpu.memory_space<vmem>>, vector<16xf32>,
    tpu.vector_store %arg20[%swap3A_2820, %swap3A_2821], %broadcast_in_dim3A_2818 {strides = array<i32>} : memref<64x128xf32, #tpu.memory_space<vmem>>, vector<16xf32>,
    %slice3A_2823 = vector.extract_strided_slice %get3A_2752 {offsets = [10], sizes = [1], strides = [1]} : vector<16xf32> to vector<1xf32>
    %squeeze3A_2824 = vector.extract %slice3A_2823[0] : f32 from vector<1xf32>
    %broadcast_in_dim3A_2825 = vector.broadcast %squeeze3A_2824 : f32 to vector<16xf32>
    %swap3A_2826 = arith.constant 42 : i32
    %swap3A_2827 = arith.index_cast %swap3A_2826 : i32 to index
    %swap3A_2828 = arith.constant 0 : index
    %swap3A_2829 = tpu.vector_load %arg20[%swap3A_2827, %swap3A_2828] {strides = array<i32>} : memref<64x128xf32, #tpu.memory_space<vmem>>, vector<16xf32>,
    tpu.vector_store %arg20[%swap3A_2827, %swap3A_2828], %broadcast_in_dim3A_2825 {strides = array<i32>} : memref<64x128xf32, #tpu.memory_space<vmem>>, vector<16xf32>,
    %slice3A_2830 = vector.extract_strided_slice %get3A_2752 {offsets = [11], sizes = [1], strides = [1]} : vector<16xf32> to vector<1xf32>
    %squeeze3A_2831 = vector.extract %slice3A_2830[0] : f32 from vector<1xf32>
    %broadcast_in_dim3A_2832 = vector.broadcast %squeeze3A_2831 : f32 to vector<16xf32>
    %swap3A_2833 = arith.constant 43 : i32
    %swap3A_2834 = arith.index_cast %swap3A_2833 : i32 to index
    %swap3A_2835 = arith.constant 0 : index
    %swap3A_2836 = tpu.vector_load %arg20[%swap3A_2834, %swap3A_2835] {strides = array<i32>} : memref<64x128xf32, #tpu.memory_space<vmem>>, vector<16xf32>,
    tpu.vector_store %arg20[%swap3A_2834, %swap3A_2835], %broadcast_in_dim3A_2832 {strides = array<i32>} : memref<64x128xf32, #tpu.memory_space<vmem>>, vector<16xf32>,
    %slice3A_2837 = vector.extract_strided_slice %get3A_2752 {offsets = [12], sizes = [1], strides = [1]} : vector<16xf32> to vector<1xf32>
    %squeeze3A_2838 = vector.extract %slice3A_2837[0] : f32 from vector<1xf32>
    %broadcast_in_dim3A_2839 = vector.broadcast %squeeze3A_2838 : f32 to vector<16xf32>
    %swap3A_2840 = arith.constant 44 : i32
    %swap3A_2841 = arith.index_cast %swap3A_2840 : i32 to index
    %swap3A_2842 = arith.constant 0 : index
    %swap3A_2843 = tpu.vector_load %arg20[%swap3A_2841, %swap3A_2842] {strides = array<i32>} : memref<64x128xf32, #tpu.memory_space<vmem>>, vector<16xf32>,
    tpu.vector_store %arg20[%swap3A_2841, %swap3A_2842], %broadcast_in_dim3A_2839 {strides = array<i32>} : memref<64x128xf32, #tpu.memory_space<vmem>>, vector<16xf32>,
    %slice3A_2844 = vector.extract_strided_slice %get3A_2752 {offsets = [13], sizes = [1], strides = [1]} : vector<16xf32> to vector<1xf32>
    %squeeze3A_2845 = vector.extract %slice3A_2844[0] : f32 from vector<1xf32>
    %broadcast_in_dim3A_2846 = vector.broadcast %squeeze3A_2845 : f32 to vector<16xf32>
    %swap3A_2847 = arith.constant 45 : i32
    %swap3A_2848 = arith.index_cast %swap3A_2847 : i32 to index
    %swap3A_2849 = arith.constant 0 : index
    %swap3A_2850 = tpu.vector_load %arg20[%swap3A_2848, %swap3A_2849] {strides = array<i32>} : memref<64x128xf32, #tpu.memory_space<vmem>>, vector<16xf32>,
    tpu.vector_store %arg20[%swap3A_2848, %swap3A_2849], %broadcast_in_dim3A_2846 {strides = array<i32>} : memref<64x128xf32, #tpu.memory_space<vmem>>, vector<16xf32>,
    %slice3A_2851 = vector.extract_strided_slice %get3A_2752 {offsets = [14], sizes = [1], strides = [1]} : vector<16xf32> to vector<1xf32>
    %squeeze3A_2852 = vector.extract %slice3A_2851[0] : f32 from vector<1xf32>
    %broadcast_in_dim3A_2853 = vector.broadcast %squeeze3A_2852 : f32 to vector<16xf32>
    %swap3A_2854 = arith.constant 46 : i32
    %swap3A_2855 = arith.index_cast %swap3A_2854 : i32 to index
    %swap3A_2856 = arith.constant 0 : index
    %swap3A_2857 = tpu.vector_load %arg20[%swap3A_2855, %swap3A_2856] {strides = array<i32>} : memref<64x128xf32, #tpu.memory_space<vmem>>, vector<16xf32>,
    tpu.vector_store %arg20[%swap3A_2855, %swap3A_2856], %broadcast_in_dim3A_2853 {strides = array<i32>} : memref<64x128xf32, #tpu.memory_space<vmem>>, vector<16xf32>,
    %slice3A_2858 = vector.extract_strided_slice %get3A_2752 {offsets = [15], sizes = [1], strides = [1]} : vector<16xf32> to vector<1xf32>
    %squeeze3A_2859 = vector.extract %slice3A_2858[0] : f32 from vector<1xf32>
    %broadcast_in_dim3A_2860 = vector.broadcast %squeeze3A_2859 : f32 to vector<16xf32>
    %swap3A_2861 = arith.constant 47 : i32
    %swap3A_2862 = arith.index_cast %swap3A_2861 : i32 to index
    %swap3A_2863 = arith.constant 0 : index
    %swap3A_2864 = tpu.vector_load %arg20[%swap3A_2862, %swap3A_2863] {strides = array<i32>} : memref<64x128xf32, #tpu.memory_space<vmem>>, vector<16xf32>,
    tpu.vector_store %arg20[%swap3A_2862, %swap3A_2863], %broadcast_in_dim3A_2860 {strides = array<i32>} : memref<64x128xf32, #tpu.memory_space<vmem>>, vector<16xf32>,
    %get3A_2865 = arith.constant 48 : index
    %get3A_2866 = tpu.vector_load %arg13[%get3A_2865] {strides = array<i32>} : memref<128xf32, #tpu.memory_space<vmem>>, vector<16xf32>,
    %slice3A_2867 = vector.extract_strided_slice %get3A_2866 {offsets = [0], sizes = [1], strides = [1]} : vector<16xf32> to vector<1xf32>
    %squeeze3A_2868 = vector.extract %slice3A_2867[0] : f32 from vector<1xf32>
    %broadcast_in_dim3A_2869 = vector.broadcast %squeeze3A_2868 : f32 to vector<16xf32>
    %swap3A_2870 = arith.constant 48 : i32
    %swap3A_2871 = arith.index_cast %swap3A_2870 : i32 to index
    %swap3A_2872 = arith.constant 0 : index
    %swap3A_2873 = tpu.vector_load %arg20[%swap3A_2871, %swap3A_2872] {strides = array<i32>} : memref<64x128xf32, #tpu.memory_space<vmem>>, vector<16xf32>,
    tpu.vector_store %arg20[%swap3A_2871, %swap3A_2872], %broadcast_in_dim3A_2869 {strides = array<i32>} : memref<64x128xf32, #tpu.memory_space<vmem>>, vector<16xf32>,
    %slice3A_2874 = vector.extract_strided_slice %get3A_2866 {offsets = [1], sizes = [1], strides = [1]} : vector<16xf32> to vector<1xf32>
    %squeeze3A_2875 = vector.extract %slice3A_2874[0] : f32 from vector<1xf32>
    %broadcast_in_dim3A_2876 = vector.broadcast %squeeze3A_2875 : f32 to vector<16xf32>
    %swap3A_2877 = arith.constant 49 : i32
    %swap3A_2878 = arith.index_cast %swap3A_2877 : i32 to index
    %swap3A_2879 = arith.constant 0 : index
    %swap3A_2880 = tpu.vector_load %arg20[%swap3A_2878, %swap3A_2879] {strides = array<i32>} : memref<64x128xf32, #tpu.memory_space<vmem>>, vector<16xf32>,
    tpu.vector_store %arg20[%swap3A_2878, %swap3A_2879], %broadcast_in_dim3A_2876 {strides = array<i32>} : memref<64x128xf32, #tpu.memory_space<vmem>>, vector<16xf32>,
    %slice3A_2881 = vector.extract_strided_slice %get3A_2866 {offsets = [2], sizes = [1], strides = [1]} : vector<16xf32> to vector<1xf32>
    %squeeze3A_2882 = vector.extract %slice3A_2881[0] : f32 from vector<1xf32>
    %broadcast_in_dim3A_2883 = vector.broadcast %squeeze3A_2882 : f32 to vector<16xf32>
    %swap3A_2884 = arith.constant 50 : i32
    %swap3A_2885 = arith.index_cast %swap3A_2884 : i32 to index
    %swap3A_2886 = arith.constant 0 : index
    %swap3A_2887 = tpu.vector_load %arg20[%swap3A_2885, %swap3A_2886] {strides = array<i32>} : memref<64x128xf32, #tpu.memory_space<vmem>>, vector<16xf32>,
    tpu.vector_store %arg20[%swap3A_2885, %swap3A_2886], %broadcast_in_dim3A_2883 {strides = array<i32>} : memref<64x128xf32, #tpu.memory_space<vmem>>, vector<16xf32>,
    %slice3A_2888 = vector.extract_strided_slice %get3A_2866 {offsets = [3], sizes = [1], strides = [1]} : vector<16xf32> to vector<1xf32>
    %squeeze3A_2889 = vector.extract %slice3A_2888[0] : f32 from vector<1xf32>
    %broadcast_in_dim3A_2890 = vector.broadcast %squeeze3A_2889 : f32 to vector<16xf32>
    %swap3A_2891 = arith.constant 51 : i32
    %swap3A_2892 = arith.index_cast %swap3A_2891 : i32 to index
    %swap3A_2893 = arith.constant 0 : index
    %swap3A_2894 = tpu.vector_load %arg20[%swap3A_2892, %swap3A_2893] {strides = array<i32>} : memref<64x128xf32, #tpu.memory_space<vmem>>, vector<16xf32>,
    tpu.vector_store %arg20[%swap3A_2892, %swap3A_2893], %broadcast_in_dim3A_2890 {strides = array<i32>} : memref<64x128xf32, #tpu.memory_space<vmem>>, vector<16xf32>,
    %slice3A_2895 = vector.extract_strided_slice %get3A_2866 {offsets = [4], sizes = [1], strides = [1]} : vector<16xf32> to vector<1xf32>
    %squeeze3A_2896 = vector.extract %slice3A_2895[0] : f32 from vector<1xf32>
    %broadcast_in_dim3A_2897 = vector.broadcast %squeeze3A_2896 : f32 to vector<16xf32>
    %swap3A_2898 = arith.constant 52 : i32
    %swap3A_2899 = arith.index_cast %swap3A_2898 : i32 to index
    %swap3A_2900 = arith.constant 0 : index
    %swap3A_2901 = tpu.vector_load %arg20[%swap3A_2899, %swap3A_2900] {strides = array<i32>} : memref<64x128xf32, #tpu.memory_space<vmem>>, vector<16xf32>,
    tpu.vector_store %arg20[%swap3A_2899, %swap3A_2900], %broadcast_in_dim3A_2897 {strides = array<i32>} : memref<64x128xf32, #tpu.memory_space<vmem>>, vector<16xf32>,
    %slice3A_2902 = vector.extract_strided_slice %get3A_2866 {offsets = [5], sizes = [1], strides = [1]} : vector<16xf32> to vector<1xf32>
    %squeeze3A_2903 = vector.extract %slice3A_2902[0] : f32 from vector<1xf32>
    %broadcast_in_dim3A_2904 = vector.broadcast %squeeze3A_2903 : f32 to vector<16xf32>
    %swap3A_2905 = arith.constant 53 : i32
    %swap3A_2906 = arith.index_cast %swap3A_2905 : i32 to index
    %swap3A_2907 = arith.constant 0 : index
    %swap3A_2908 = tpu.vector_load %arg20[%swap3A_2906, %swap3A_2907] {strides = array<i32>} : memref<64x128xf32, #tpu.memory_space<vmem>>, vector<16xf32>,
    tpu.vector_store %arg20[%swap3A_2906, %swap3A_2907], %broadcast_in_dim3A_2904 {strides = array<i32>} : memref<64x128xf32, #tpu.memory_space<vmem>>, vector<16xf32>,
    %slice3A_2909 = vector.extract_strided_slice %get3A_2866 {offsets = [6], sizes = [1], strides = [1]} : vector<16xf32> to vector<1xf32>
    %squeeze3A_2910 = vector.extract %slice3A_2909[0] : f32 from vector<1xf32>
    %broadcast_in_dim3A_2911 = vector.broadcast %squeeze3A_2910 : f32 to vector<16xf32>
    %swap3A_2912 = arith.constant 54 : i32
    %swap3A_2913 = arith.index_cast %swap3A_2912 : i32 to index
    %swap3A_2914 = arith.constant 0 : index
    %swap3A_2915 = tpu.vector_load %arg20[%swap3A_2913, %swap3A_2914] {strides = array<i32>} : memref<64x128xf32, #tpu.memory_space<vmem>>, vector<16xf32>,
    tpu.vector_store %arg20[%swap3A_2913, %swap3A_2914], %broadcast_in_dim3A_2911 {strides = array<i32>} : memref<64x128xf32, #tpu.memory_space<vmem>>, vector<16xf32>,
    %slice3A_2916 = vector.extract_strided_slice %get3A_2866 {offsets = [7], sizes = [1], strides = [1]} : vector<16xf32> to vector<1xf32>
    %squeeze3A_2917 = vector.extract %slice3A_2916[0] : f32 from vector<1xf32>
    %broadcast_in_dim3A_2918 = vector.broadcast %squeeze3A_2917 : f32 to vector<16xf32>
    %swap3A_2919 = arith.constant 55 : i32
    %swap3A_2920 = arith.index_cast %swap3A_2919 : i32 to index
    %swap3A_2921 = arith.constant 0 : index
    %swap3A_2922 = tpu.vector_load %arg20[%swap3A_2920, %swap3A_2921] {strides = array<i32>} : memref<64x128xf32, #tpu.memory_space<vmem>>, vector<16xf32>,
    tpu.vector_store %arg20[%swap3A_2920, %swap3A_2921], %broadcast_in_dim3A_2918 {strides = array<i32>} : memref<64x128xf32, #tpu.memory_space<vmem>>, vector<16xf32>,
    %slice3A_2923 = vector.extract_strided_slice %get3A_2866 {offsets = [8], sizes = [1], strides = [1]} : vector<16xf32> to vector<1xf32>
    %squeeze3A_2924 = vector.extract %slice3A_2923[0] : f32 from vector<1xf32>
    %broadcast_in_dim3A_2925 = vector.broadcast %squeeze3A_2924 : f32 to vector<16xf32>
    %swap3A_2926 = arith.constant 56 : i32
    %swap3A_2927 = arith.index_cast %swap3A_2926 : i32 to index
    %swap3A_2928 = arith.constant 0 : index
    %swap3A_2929 = tpu.vector_load %arg20[%swap3A_2927, %swap3A_2928] {strides = array<i32>} : memref<64x128xf32, #tpu.memory_space<vmem>>, vector<16xf32>,
    tpu.vector_store %arg20[%swap3A_2927, %swap3A_2928], %broadcast_in_dim3A_2925 {strides = array<i32>} : memref<64x128xf32, #tpu.memory_space<vmem>>, vector<16xf32>,
    %slice3A_2930 = vector.extract_strided_slice %get3A_2866 {offsets = [9], sizes = [1], strides = [1]} : vector<16xf32> to vector<1xf32>
    %squeeze3A_2931 = vector.extract %slice3A_2930[0] : f32 from vector<1xf32>
    %broadcast_in_dim3A_2932 = vector.broadcast %squeeze3A_2931 : f32 to vector<16xf32>
    %swap3A_2933 = arith.constant 57 : i32
    %swap3A_2934 = arith.index_cast %swap3A_2933 : i32 to index
    %swap3A_2935 = arith.constant 0 : index
    %swap3A_2936 = tpu.vector_load %arg20[%swap3A_2934, %swap3A_2935] {strides = array<i32>} : memref<64x128xf32, #tpu.memory_space<vmem>>, vector<16xf32>,
    tpu.vector_store %arg20[%swap3A_2934, %swap3A_2935], %broadcast_in_dim3A_2932 {strides = array<i32>} : memref<64x128xf32, #tpu.memory_space<vmem>>, vector<16xf32>,
    %slice3A_2937 = vector.extract_strided_slice %get3A_2866 {offsets = [10], sizes = [1], strides = [1]} : vector<16xf32> to vector<1xf32>
    %squeeze3A_2938 = vector.extract %slice3A_2937[0] : f32 from vector<1xf32>
    %broadcast_in_dim3A_2939 = vector.broadcast %squeeze3A_2938 : f32 to vector<16xf32>
    %swap3A_2940 = arith.constant 58 : i32
    %swap3A_2941 = arith.index_cast %swap3A_2940 : i32 to index
    %swap3A_2942 = arith.constant 0 : index
    %swap3A_2943 = tpu.vector_load %arg20[%swap3A_2941, %swap3A_2942] {strides = array<i32>} : memref<64x128xf32, #tpu.memory_space<vmem>>, vector<16xf32>,
    tpu.vector_store %arg20[%swap3A_2941, %swap3A_2942], %broadcast_in_dim3A_2939 {strides = array<i32>} : memref<64x128xf32, #tpu.memory_space<vmem>>, vector<16xf32>,
    %slice3A_2944 = vector.extract_strided_slice %get3A_2866 {offsets = [11], sizes = [1], strides = [1]} : vector<16xf32> to vector<1xf32>
    %squeeze3A_2945 = vector.extract %slice3A_2944[0] : f32 from vector<1xf32>
    %broadcast_in_dim3A_2946 = vector.broadcast %squeeze3A_2945 : f32 to vector<16xf32>
    %swap3A_2947 = arith.constant 59 : i32
    %swap3A_2948 = arith.index_cast %swap3A_2947 : i32 to index
    %swap3A_2949 = arith.constant 0 : index
    %swap3A_2950 = tpu.vector_load %arg20[%swap3A_2948, %swap3A_2949] {strides = array<i32>} : memref<64x128xf32, #tpu.memory_space<vmem>>, vector<16xf32>,
    tpu.vector_store %arg20[%swap3A_2948, %swap3A_2949], %broadcast_in_dim3A_2946 {strides = array<i32>} : memref<64x128xf32, #tpu.memory_space<vmem>>, vector<16xf32>,
    %slice3A_2951 = vector.extract_strided_slice %get3A_2866 {offsets = [12], sizes = [1], strides = [1]} : vector<16xf32> to vector<1xf32>
    %squeeze3A_2952 = vector.extract %slice3A_2951[0] : f32 from vector<1xf32>
    %broadcast_in_dim3A_2953 = vector.broadcast %squeeze3A_2952 : f32 to vector<16xf32>
    %swap3A_2954 = arith.constant 60 : i32
    %swap3A_2955 = arith.index_cast %swap3A_2954 : i32 to index
    %swap3A_2956 = arith.constant 0 : index
    %swap3A_2957 = tpu.vector_load %arg20[%swap3A_2955, %swap3A_2956] {strides = array<i32>} : memref<64x128xf32, #tpu.memory_space<vmem>>, vector<16xf32>,
    tpu.vector_store %arg20[%swap3A_2955, %swap3A_2956], %broadcast_in_dim3A_2953 {strides = array<i32>} : memref<64x128xf32, #tpu.memory_space<vmem>>, vector<16xf32>,
    %slice3A_2958 = vector.extract_strided_slice %get3A_2866 {offsets = [13], sizes = [1], strides = [1]} : vector<16xf32> to vector<1xf32>
    %squeeze3A_2959 = vector.extract %slice3A_2958[0] : f32 from vector<1xf32>
    %broadcast_in_dim3A_2960 = vector.broadcast %squeeze3A_2959 : f32 to vector<16xf32>
    %swap3A_2961 = arith.constant 61 : i32
    %swap3A_2962 = arith.index_cast %swap3A_2961 : i32 to index
    %swap3A_2963 = arith.constant 0 : index
    %swap3A_2964 = tpu.vector_load %arg20[%swap3A_2962, %swap3A_2963] {strides = array<i32>} : memref<64x128xf32, #tpu.memory_space<vmem>>, vector<16xf32>,
    tpu.vector_store %arg20[%swap3A_2962, %swap3A_2963], %broadcast_in_dim3A_2960 {strides = array<i32>} : memref<64x128xf32, #tpu.memory_space<vmem>>, vector<16xf32>,
    %slice3A_2965 = vector.extract_strided_slice %get3A_2866 {offsets = [14], sizes = [1], strides = [1]} : vector<16xf32> to vector<1xf32>
    %squeeze3A_2966 = vector.extract %slice3A_2965[0] : f32 from vector<1xf32>
    %broadcast_in_dim3A_2967 = vector.broadcast %squeeze3A_2966 : f32 to vector<16xf32>
    %swap3A_2968 = arith.constant 62 : i32
    %swap3A_2969 = arith.index_cast %swap3A_2968 : i32 to index
    %swap3A_2970 = arith.constant 0 : index
    %swap3A_2971 = tpu.vector_load %arg20[%swap3A_2969, %swap3A_2970] {strides = array<i32>} : memref<64x128xf32, #tpu.memory_space<vmem>>, vector<16xf32>,
    tpu.vector_store %arg20[%swap3A_2969, %swap3A_2970], %broadcast_in_dim3A_2967 {strides = array<i32>} : memref<64x128xf32, #tpu.memory_space<vmem>>, vector<16xf32>,
    %slice3A_2972 = vector.extract_strided_slice %get3A_2866 {offsets = [15], sizes = [1], strides = [1]} : vector<16xf32> to vector<1xf32>
    %squeeze3A_2973 = vector.extract %slice3A_2972[0] : f32 from vector<1xf32>
    %broadcast_in_dim3A_2974 = vector.broadcast %squeeze3A_2973 : f32 to vector<16xf32>
    %swap3A_2975 = arith.constant 63 : i32
    %swap3A_2976 = arith.index_cast %swap3A_2975 : i32 to index
    %swap3A_2977 = arith.constant 0 : index
    %swap3A_2978 = tpu.vector_load %arg20[%swap3A_2976, %swap3A_2977] {strides = array<i32>} : memref<64x128xf32, #tpu.memory_space<vmem>>, vector<16xf32>,
    tpu.vector_store %arg20[%swap3A_2976, %swap3A_2977], %broadcast_in_dim3A_2974 {strides = array<i32>} : memref<64x128xf32, #tpu.memory_space<vmem>>, vector<16xf32>,
    "tpu.region"() ({
      %run_scoped3A = tpu.sem_alloc : memref<!tpu.dma_semaphore, #tpu.memory_space<semaphore_mem>>
      %dma_start3A_3459 = arith.constant 0 : i32
      %dma_start3A_3460 = tpu.memref_slice %arg5[%add3A_2522, %dma_start3A_3459] : memref<4096x1024xf32, #tpu.memory_space<hbm>> -> memref<64x1024xf32, #tpu.memory_space<hbm>>
      %dma_start3A_3461 = arith.constant 0 : i32
      %dma_start3A_3462 = tpu.memref_slice %arg5[%add3A_2522, %dma_start3A_3461] : memref<4096x1024xf32, #tpu.memory_space<hbm>> -> memref<64x1024xf32, #tpu.memory_space<hbm>>
      tpu.enqueue_dma source(%dma_start3A_3462 : memref<64x1024xf32, #tpu.memory_space<hbm>>) target(%arg19 : memref<64x1024xf32, #tpu.memory_space<vmem>>) target_semaphore(%run_scoped3A : memref<!tpu.dma_semaphore, #tpu.memory_space<semaphore_mem>>)
      %dma_wait3A_3463 = arith.constant 0 : i32
      %dma_wait3A_3464 = tpu.memref_slice %arg5[%add3A_2522, %dma_wait3A_3463] : memref<4096x1024xf32, #tpu.memory_space<hbm>> -> memref<64x1024xf32, #tpu.memory_space<hbm>>
      %dma_wait3A_3465 = arith.constant 0 : i32
      %dma_wait3A_3466 = tpu.memref_slice %arg5[%add3A_2522, %dma_wait3A_3465] : memref<4096x1024xf32, #tpu.memory_space<hbm>> -> memref<64x1024xf32, #tpu.memory_space<hbm>>
      tpu.wait_dma2 semaphore(%run_scoped3A : memref<!tpu.dma_semaphore, #tpu.memory_space<semaphore_mem>>) src(%dma_wait3A_3466 : memref<64x1024xf32, #tpu.memory_space<hbm>>) dst(%arg19 : memref<64x1024xf32, #tpu.memory_space<vmem>>)
      tpu.yield
    }) : () -> ()
    %dma_start3A = arith.constant 0 : i32
    %dma_start3A_2979 = arith.constant 0 : i32
    %dma_start3A_2980 = tpu.memref_slice %arg9[%dma_start3A, %dma_start3A_2979] : memref<4864x1024xf32, #tpu.memory_space<hbm>> -> memref<4864x1024xf32, #tpu.memory_space<hbm>>
    tpu.enqueue_indirect_dma source(%arg19 : memref<64x1024xf32, #tpu.memory_space<vmem>>) target(%dma_start3A_2980 : memref<4864x1024xf32, #tpu.memory_space<hbm>>) offsets(%arg17 : memref<64xi32, #tpu.memory_space<vmem>>) semaphore(%arg21 : memref<!tpu.dma_semaphore, #tpu.memory_space<semaphore_mem>>)
    %dma_wait3A = arith.constant 0 : i32
    %dma_wait3A_2981 = arith.constant 0 : i32
    %dma_wait3A_2982 = tpu.memref_slice %arg9[%dma_wait3A, %dma_wait3A_2981] : memref<4864x1024xf32, #tpu.memory_space<hbm>> -> memref<4864x1024xf32, #tpu.memory_space<hbm>>
    tpu.wait_indirect_dma semaphore(%arg21 : memref<!tpu.dma_semaphore, #tpu.memory_space<semaphore_mem>>) src(%arg19 : memref<64x1024xf32, #tpu.memory_space<vmem>>) dst(%dma_wait3A_2982 : memref<4864x1024xf32, #tpu.memory_space<hbm>>)
    %dma_start3A_2983 = arith.constant 0 : i32
    %dma_start3A_2984 = arith.constant 0 : i32
    %dma_start3A_2985 = tpu.memref_slice %arg10[%dma_start3A_2983, %dma_start3A_2984] : memref<4864x128xf32, #tpu.memory_space<hbm>> -> memref<4864x128xf32, #tpu.memory_space<hbm>>
    tpu.enqueue_indirect_dma source(%arg20 : memref<64x128xf32, #tpu.memory_space<vmem>>) target(%dma_start3A_2985 : memref<4864x128xf32, #tpu.memory_space<hbm>>) offsets(%arg17 : memref<64xi32, #tpu.memory_space<vmem>>) semaphore(%arg21 : memref<!tpu.dma_semaphore, #tpu.memory_space<semaphore_mem>>)
    %dma_wait3A_2986 = arith.constant 0 : i32
    %dma_wait3A_2987 = arith.constant 0 : i32
    %dma_wait3A_2988 = tpu.memref_slice %arg10[%dma_wait3A_2986, %dma_wait3A_2987] : memref<4864x128xf32, #tpu.memory_space<hbm>> -> memref<4864x128xf32, #tpu.memory_space<hbm>>
    tpu.wait_indirect_dma semaphore(%arg21 : memref<!tpu.dma_semaphore, #tpu.memory_space<semaphore_mem>>) src(%arg20 : memref<64x128xf32, #tpu.memory_space<vmem>>) dst(%dma_wait3A_2988 : memref<4864x128xf32, #tpu.memory_space<hbm>>)
    %add3A_2989 = arith.constant 64 : i32
    %add3A_2990 = arith.addi %mul3A_2, %add3A_2989 : i32
    %get3A_2991 = arith.constant 64 : index
    %get3A_2992 = tpu.vector_load %arg13[%get3A_2991] {strides = array<i32>} : memref<128xf32, #tpu.memory_space<vmem>>, vector<16xf32>,
    %slice3A_2993 = vector.extract_strided_slice %get3A_2992 {offsets = [0], sizes = [1], strides = [1]} : vector<16xf32> to vector<1xf32>
    %squeeze3A_2994 = vector.extract %slice3A_2993[0] : f32 from vector<1xf32>
    %broadcast_in_dim3A_2995 = vector.broadcast %squeeze3A_2994 : f32 to vector<16xf32>
    %swap3A_2996 = arith.constant 0 : i32
    %swap3A_2997 = arith.index_cast %swap3A_2996 : i32 to index
    %swap3A_2998 = arith.constant 0 : index
    %swap3A_2999 = tpu.vector_load %arg20[%swap3A_2997, %swap3A_2998] {strides = array<i32>} : memref<64x128xf32, #tpu.memory_space<vmem>>, vector<16xf32>,
    tpu.vector_store %arg20[%swap3A_2997, %swap3A_2998], %broadcast_in_dim3A_2995 {strides = array<i32>} : memref<64x128xf32, #tpu.memory_space<vmem>>, vector<16xf32>,
    %slice3A_3000 = vector.extract_strided_slice %get3A_2992 {offsets = [1], sizes = [1], strides = [1]} : vector<16xf32> to vector<1xf32>
    %squeeze3A_3001 = vector.extract %slice3A_3000[0] : f32 from vector<1xf32>
    %broadcast_in_dim3A_3002 = vector.broadcast %squeeze3A_3001 : f32 to vector<16xf32>
    %swap3A_3003 = arith.constant 1 : i32
    %swap3A_3004 = arith.index_cast %swap3A_3003 : i32 to index
    %swap3A_3005 = arith.constant 0 : index
    %swap3A_3006 = tpu.vector_load %arg20[%swap3A_3004, %swap3A_3005] {strides = array<i32>} : memref<64x128xf32, #tpu.memory_space<vmem>>, vector<16xf32>,
    tpu.vector_store %arg20[%swap3A_3004, %swap3A_3005], %broadcast_in_dim3A_3002 {strides = array<i32>} : memref<64x128xf32, #tpu.memory_space<vmem>>, vector<16xf32>,
    %slice3A_3007 = vector.extract_strided_slice %get3A_2992 {offsets = [2], sizes = [1], strides = [1]} : vector<16xf32> to vector<1xf32>
    %squeeze3A_3008 = vector.extract %slice3A_3007[0] : f32 from vector<1xf32>
    %broadcast_in_dim3A_3009 = vector.broadcast %squeeze3A_3008 : f32 to vector<16xf32>
    %swap3A_3010 = arith.constant 2 : i32
    %swap3A_3011 = arith.index_cast %swap3A_3010 : i32 to index
    %swap3A_3012 = arith.constant 0 : index
    %swap3A_3013 = tpu.vector_load %arg20[%swap3A_3011, %swap3A_3012] {strides = array<i32>} : memref<64x128xf32, #tpu.memory_space<vmem>>, vector<16xf32>,
    tpu.vector_store %arg20[%swap3A_3011, %swap3A_3012], %broadcast_in_dim3A_3009 {strides = array<i32>} : memref<64x128xf32, #tpu.memory_space<vmem>>, vector<16xf32>,
    %slice3A_3014 = vector.extract_strided_slice %get3A_2992 {offsets = [3], sizes = [1], strides = [1]} : vector<16xf32> to vector<1xf32>
    %squeeze3A_3015 = vector.extract %slice3A_3014[0] : f32 from vector<1xf32>
    %broadcast_in_dim3A_3016 = vector.broadcast %squeeze3A_3015 : f32 to vector<16xf32>
    %swap3A_3017 = arith.constant 3 : i32
    %swap3A_3018 = arith.index_cast %swap3A_3017 : i32 to index
    %swap3A_3019 = arith.constant 0 : index
    %swap3A_3020 = tpu.vector_load %arg20[%swap3A_3018, %swap3A_3019] {strides = array<i32>} : memref<64x128xf32, #tpu.memory_space<vmem>>, vector<16xf32>,
    tpu.vector_store %arg20[%swap3A_3018, %swap3A_3019], %broadcast_in_dim3A_3016 {strides = array<i32>} : memref<64x128xf32, #tpu.memory_space<vmem>>, vector<16xf32>,
    %slice3A_3021 = vector.extract_strided_slice %get3A_2992 {offsets = [4], sizes = [1], strides = [1]} : vector<16xf32> to vector<1xf32>
    %squeeze3A_3022 = vector.extract %slice3A_3021[0] : f32 from vector<1xf32>
    %broadcast_in_dim3A_3023 = vector.broadcast %squeeze3A_3022 : f32 to vector<16xf32>
    %swap3A_3024 = arith.constant 4 : i32
    %swap3A_3025 = arith.index_cast %swap3A_3024 : i32 to index
    %swap3A_3026 = arith.constant 0 : index
    %swap3A_3027 = tpu.vector_load %arg20[%swap3A_3025, %swap3A_3026] {strides = array<i32>} : memref<64x128xf32, #tpu.memory_space<vmem>>, vector<16xf32>,
    tpu.vector_store %arg20[%swap3A_3025, %swap3A_3026], %broadcast_in_dim3A_3023 {strides = array<i32>} : memref<64x128xf32, #tpu.memory_space<vmem>>, vector<16xf32>,
    %slice3A_3028 = vector.extract_strided_slice %get3A_2992 {offsets = [5], sizes = [1], strides = [1]} : vector<16xf32> to vector<1xf32>
    %squeeze3A_3029 = vector.extract %slice3A_3028[0] : f32 from vector<1xf32>
    %broadcast_in_dim3A_3030 = vector.broadcast %squeeze3A_3029 : f32 to vector<16xf32>
    %swap3A_3031 = arith.constant 5 : i32
    %swap3A_3032 = arith.index_cast %swap3A_3031 : i32 to index
    %swap3A_3033 = arith.constant 0 : index
    %swap3A_3034 = tpu.vector_load %arg20[%swap3A_3032, %swap3A_3033] {strides = array<i32>} : memref<64x128xf32, #tpu.memory_space<vmem>>, vector<16xf32>,
    tpu.vector_store %arg20[%swap3A_3032, %swap3A_3033], %broadcast_in_dim3A_3030 {strides = array<i32>} : memref<64x128xf32, #tpu.memory_space<vmem>>, vector<16xf32>,
    %slice3A_3035 = vector.extract_strided_slice %get3A_2992 {offsets = [6], sizes = [1], strides = [1]} : vector<16xf32> to vector<1xf32>
    %squeeze3A_3036 = vector.extract %slice3A_3035[0] : f32 from vector<1xf32>
    %broadcast_in_dim3A_3037 = vector.broadcast %squeeze3A_3036 : f32 to vector<16xf32>
    %swap3A_3038 = arith.constant 6 : i32
    %swap3A_3039 = arith.index_cast %swap3A_3038 : i32 to index
    %swap3A_3040 = arith.constant 0 : index
    %swap3A_3041 = tpu.vector_load %arg20[%swap3A_3039, %swap3A_3040] {strides = array<i32>} : memref<64x128xf32, #tpu.memory_space<vmem>>, vector<16xf32>,
    tpu.vector_store %arg20[%swap3A_3039, %swap3A_3040], %broadcast_in_dim3A_3037 {strides = array<i32>} : memref<64x128xf32, #tpu.memory_space<vmem>>, vector<16xf32>,
    %slice3A_3042 = vector.extract_strided_slice %get3A_2992 {offsets = [7], sizes = [1], strides = [1]} : vector<16xf32> to vector<1xf32>
    %squeeze3A_3043 = vector.extract %slice3A_3042[0] : f32 from vector<1xf32>
    %broadcast_in_dim3A_3044 = vector.broadcast %squeeze3A_3043 : f32 to vector<16xf32>
    %swap3A_3045 = arith.constant 7 : i32
    %swap3A_3046 = arith.index_cast %swap3A_3045 : i32 to index
    %swap3A_3047 = arith.constant 0 : index
    %swap3A_3048 = tpu.vector_load %arg20[%swap3A_3046, %swap3A_3047] {strides = array<i32>} : memref<64x128xf32, #tpu.memory_space<vmem>>, vector<16xf32>,
    tpu.vector_store %arg20[%swap3A_3046, %swap3A_3047], %broadcast_in_dim3A_3044 {strides = array<i32>} : memref<64x128xf32, #tpu.memory_space<vmem>>, vector<16xf32>,
    %slice3A_3049 = vector.extract_strided_slice %get3A_2992 {offsets = [8], sizes = [1], strides = [1]} : vector<16xf32> to vector<1xf32>
    %squeeze3A_3050 = vector.extract %slice3A_3049[0] : f32 from vector<1xf32>
    %broadcast_in_dim3A_3051 = vector.broadcast %squeeze3A_3050 : f32 to vector<16xf32>
    %swap3A_3052 = arith.constant 8 : i32
    %swap3A_3053 = arith.index_cast %swap3A_3052 : i32 to index
    %swap3A_3054 = arith.constant 0 : index
    %swap3A_3055 = tpu.vector_load %arg20[%swap3A_3053, %swap3A_3054] {strides = array<i32>} : memref<64x128xf32, #tpu.memory_space<vmem>>, vector<16xf32>,
    tpu.vector_store %arg20[%swap3A_3053, %swap3A_3054], %broadcast_in_dim3A_3051 {strides = array<i32>} : memref<64x128xf32, #tpu.memory_space<vmem>>, vector<16xf32>,
    %slice3A_3056 = vector.extract_strided_slice %get3A_2992 {offsets = [9], sizes = [1], strides = [1]} : vector<16xf32> to vector<1xf32>
    %squeeze3A_3057 = vector.extract %slice3A_3056[0] : f32 from vector<1xf32>
    %broadcast_in_dim3A_3058 = vector.broadcast %squeeze3A_3057 : f32 to vector<16xf32>
    %swap3A_3059 = arith.constant 9 : i32
    %swap3A_3060 = arith.index_cast %swap3A_3059 : i32 to index
    %swap3A_3061 = arith.constant 0 : index
    %swap3A_3062 = tpu.vector_load %arg20[%swap3A_3060, %swap3A_3061] {strides = array<i32>} : memref<64x128xf32, #tpu.memory_space<vmem>>, vector<16xf32>,
    tpu.vector_store %arg20[%swap3A_3060, %swap3A_3061], %broadcast_in_dim3A_3058 {strides = array<i32>} : memref<64x128xf32, #tpu.memory_space<vmem>>, vector<16xf32>,
    %slice3A_3063 = vector.extract_strided_slice %get3A_2992 {offsets = [10], sizes = [1], strides = [1]} : vector<16xf32> to vector<1xf32>
    %squeeze3A_3064 = vector.extract %slice3A_3063[0] : f32 from vector<1xf32>
    %broadcast_in_dim3A_3065 = vector.broadcast %squeeze3A_3064 : f32 to vector<16xf32>
    %swap3A_3066 = arith.constant 10 : i32
    %swap3A_3067 = arith.index_cast %swap3A_3066 : i32 to index
    %swap3A_3068 = arith.constant 0 : index
    %swap3A_3069 = tpu.vector_load %arg20[%swap3A_3067, %swap3A_3068] {strides = array<i32>} : memref<64x128xf32, #tpu.memory_space<vmem>>, vector<16xf32>,
    tpu.vector_store %arg20[%swap3A_3067, %swap3A_3068], %broadcast_in_dim3A_3065 {strides = array<i32>} : memref<64x128xf32, #tpu.memory_space<vmem>>, vector<16xf32>,
    %slice3A_3070 = vector.extract_strided_slice %get3A_2992 {offsets = [11], sizes = [1], strides = [1]} : vector<16xf32> to vector<1xf32>
    %squeeze3A_3071 = vector.extract %slice3A_3070[0] : f32 from vector<1xf32>
    %broadcast_in_dim3A_3072 = vector.broadcast %squeeze3A_3071 : f32 to vector<16xf32>
    %swap3A_3073 = arith.constant 11 : i32
    %swap3A_3074 = arith.index_cast %swap3A_3073 : i32 to index
    %swap3A_3075 = arith.constant 0 : index
    %swap3A_3076 = tpu.vector_load %arg20[%swap3A_3074, %swap3A_3075] {strides = array<i32>} : memref<64x128xf32, #tpu.memory_space<vmem>>, vector<16xf32>,
    tpu.vector_store %arg20[%swap3A_3074, %swap3A_3075], %broadcast_in_dim3A_3072 {strides = array<i32>} : memref<64x128xf32, #tpu.memory_space<vmem>>, vector<16xf32>,
    %slice3A_3077 = vector.extract_strided_slice %get3A_2992 {offsets = [12], sizes = [1], strides = [1]} : vector<16xf32> to vector<1xf32>
    %squeeze3A_3078 = vector.extract %slice3A_3077[0] : f32 from vector<1xf32>
    %broadcast_in_dim3A_3079 = vector.broadcast %squeeze3A_3078 : f32 to vector<16xf32>
    %swap3A_3080 = arith.constant 12 : i32
    %swap3A_3081 = arith.index_cast %swap3A_3080 : i32 to index
    %swap3A_3082 = arith.constant 0 : index
    %swap3A_3083 = tpu.vector_load %arg20[%swap3A_3081, %swap3A_3082] {strides = array<i32>} : memref<64x128xf32, #tpu.memory_space<vmem>>, vector<16xf32>,
    tpu.vector_store %arg20[%swap3A_3081, %swap3A_3082], %broadcast_in_dim3A_3079 {strides = array<i32>} : memref<64x128xf32, #tpu.memory_space<vmem>>, vector<16xf32>,
    %slice3A_3084 = vector.extract_strided_slice %get3A_2992 {offsets = [13], sizes = [1], strides = [1]} : vector<16xf32> to vector<1xf32>
    %squeeze3A_3085 = vector.extract %slice3A_3084[0] : f32 from vector<1xf32>
    %broadcast_in_dim3A_3086 = vector.broadcast %squeeze3A_3085 : f32 to vector<16xf32>
    %swap3A_3087 = arith.constant 13 : i32
    %swap3A_3088 = arith.index_cast %swap3A_3087 : i32 to index
    %swap3A_3089 = arith.constant 0 : index
    %swap3A_3090 = tpu.vector_load %arg20[%swap3A_3088, %swap3A_3089] {strides = array<i32>} : memref<64x128xf32, #tpu.memory_space<vmem>>, vector<16xf32>,
    tpu.vector_store %arg20[%swap3A_3088, %swap3A_3089], %broadcast_in_dim3A_3086 {strides = array<i32>} : memref<64x128xf32, #tpu.memory_space<vmem>>, vector<16xf32>,
    %slice3A_3091 = vector.extract_strided_slice %get3A_2992 {offsets = [14], sizes = [1], strides = [1]} : vector<16xf32> to vector<1xf32>
    %squeeze3A_3092 = vector.extract %slice3A_3091[0] : f32 from vector<1xf32>
    %broadcast_in_dim3A_3093 = vector.broadcast %squeeze3A_3092 : f32 to vector<16xf32>
    %swap3A_3094 = arith.constant 14 : i32
    %swap3A_3095 = arith.index_cast %swap3A_3094 : i32 to index
    %swap3A_3096 = arith.constant 0 : index
    %swap3A_3097 = tpu.vector_load %arg20[%swap3A_3095, %swap3A_3096] {strides = array<i32>} : memref<64x128xf32, #tpu.memory_space<vmem>>, vector<16xf32>,
    tpu.vector_store %arg20[%swap3A_3095, %swap3A_3096], %broadcast_in_dim3A_3093 {strides = array<i32>} : memref<64x128xf32, #tpu.memory_space<vmem>>, vector<16xf32>,
    %slice3A_3098 = vector.extract_strided_slice %get3A_2992 {offsets = [15], sizes = [1], strides = [1]} : vector<16xf32> to vector<1xf32>
    %squeeze3A_3099 = vector.extract %slice3A_3098[0] : f32 from vector<1xf32>
    %broadcast_in_dim3A_3100 = vector.broadcast %squeeze3A_3099 : f32 to vector<16xf32>
    %swap3A_3101 = arith.constant 15 : i32
    %swap3A_3102 = arith.index_cast %swap3A_3101 : i32 to index
    %swap3A_3103 = arith.constant 0 : index
    %swap3A_3104 = tpu.vector_load %arg20[%swap3A_3102, %swap3A_3103] {strides = array<i32>} : memref<64x128xf32, #tpu.memory_space<vmem>>, vector<16xf32>,
    tpu.vector_store %arg20[%swap3A_3102, %swap3A_3103], %broadcast_in_dim3A_3100 {strides = array<i32>} : memref<64x128xf32, #tpu.memory_space<vmem>>, vector<16xf32>,
    %get3A_3105 = arith.constant 80 : index
    %get3A_3106 = tpu.vector_load %arg13[%get3A_3105] {strides = array<i32>} : memref<128xf32, #tpu.memory_space<vmem>>, vector<16xf32>,
    %slice3A_3107 = vector.extract_strided_slice %get3A_3106 {offsets = [0], sizes = [1], strides = [1]} : vector<16xf32> to vector<1xf32>
    %squeeze3A_3108 = vector.extract %slice3A_3107[0] : f32 from vector<1xf32>
    %broadcast_in_dim3A_3109 = vector.broadcast %squeeze3A_3108 : f32 to vector<16xf32>
    %swap3A_3110 = arith.constant 16 : i32
    %swap3A_3111 = arith.index_cast %swap3A_3110 : i32 to index
    %swap3A_3112 = arith.constant 0 : index
    %swap3A_3113 = tpu.vector_load %arg20[%swap3A_3111, %swap3A_3112] {strides = array<i32>} : memref<64x128xf32, #tpu.memory_space<vmem>>, vector<16xf32>,
    tpu.vector_store %arg20[%swap3A_3111, %swap3A_3112], %broadcast_in_dim3A_3109 {strides = array<i32>} : memref<64x128xf32, #tpu.memory_space<vmem>>, vector<16xf32>,
    %slice3A_3114 = vector.extract_strided_slice %get3A_3106 {offsets = [1], sizes = [1], strides = [1]} : vector<16xf32> to vector<1xf32>
    %squeeze3A_3115 = vector.extract %slice3A_3114[0] : f32 from vector<1xf32>
    %broadcast_in_dim3A_3116 = vector.broadcast %squeeze3A_3115 : f32 to vector<16xf32>
    %swap3A_3117 = arith.constant 17 : i32
    %swap3A_3118 = arith.index_cast %swap3A_3117 : i32 to index
    %swap3A_3119 = arith.constant 0 : index
    %swap3A_3120 = tpu.vector_load %arg20[%swap3A_3118, %swap3A_3119] {strides = array<i32>} : memref<64x128xf32, #tpu.memory_space<vmem>>, vector<16xf32>,
    tpu.vector_store %arg20[%swap3A_3118, %swap3A_3119], %broadcast_in_dim3A_3116 {strides = array<i32>} : memref<64x128xf32, #tpu.memory_space<vmem>>, vector<16xf32>,
    %slice3A_3121 = vector.extract_strided_slice %get3A_3106 {offsets = [2], sizes = [1], strides = [1]} : vector<16xf32> to vector<1xf32>
    %squeeze3A_3122 = vector.extract %slice3A_3121[0] : f32 from vector<1xf32>
    %broadcast_in_dim3A_3123 = vector.broadcast %squeeze3A_3122 : f32 to vector<16xf32>
    %swap3A_3124 = arith.constant 18 : i32
    %swap3A_3125 = arith.index_cast %swap3A_3124 : i32 to index
    %swap3A_3126 = arith.constant 0 : index
    %swap3A_3127 = tpu.vector_load %arg20[%swap3A_3125, %swap3A_3126] {strides = array<i32>} : memref<64x128xf32, #tpu.memory_space<vmem>>, vector<16xf32>,
    tpu.vector_store %arg20[%swap3A_3125, %swap3A_3126], %broadcast_in_dim3A_3123 {strides = array<i32>} : memref<64x128xf32, #tpu.memory_space<vmem>>, vector<16xf32>,
    %slice3A_3128 = vector.extract_strided_slice %get3A_3106 {offsets = [3], sizes = [1], strides = [1]} : vector<16xf32> to vector<1xf32>
    %squeeze3A_3129 = vector.extract %slice3A_3128[0] : f32 from vector<1xf32>
    %broadcast_in_dim3A_3130 = vector.broadcast %squeeze3A_3129 : f32 to vector<16xf32>
    %swap3A_3131 = arith.constant 19 : i32
    %swap3A_3132 = arith.index_cast %swap3A_3131 : i32 to index
    %swap3A_3133 = arith.constant 0 : index
    %swap3A_3134 = tpu.vector_load %arg20[%swap3A_3132, %swap3A_3133] {strides = array<i32>} : memref<64x128xf32, #tpu.memory_space<vmem>>, vector<16xf32>,
    tpu.vector_store %arg20[%swap3A_3132, %swap3A_3133], %broadcast_in_dim3A_3130 {strides = array<i32>} : memref<64x128xf32, #tpu.memory_space<vmem>>, vector<16xf32>,
    %slice3A_3135 = vector.extract_strided_slice %get3A_3106 {offsets = [4], sizes = [1], strides = [1]} : vector<16xf32> to vector<1xf32>
    %squeeze3A_3136 = vector.extract %slice3A_3135[0] : f32 from vector<1xf32>
    %broadcast_in_dim3A_3137 = vector.broadcast %squeeze3A_3136 : f32 to vector<16xf32>
    %swap3A_3138 = arith.constant 20 : i32
    %swap3A_3139 = arith.index_cast %swap3A_3138 : i32 to index
    %swap3A_3140 = arith.constant 0 : index
    %swap3A_3141 = tpu.vector_load %arg20[%swap3A_3139, %swap3A_3140] {strides = array<i32>} : memref<64x128xf32, #tpu.memory_space<vmem>>, vector<16xf32>,
    tpu.vector_store %arg20[%swap3A_3139, %swap3A_3140], %broadcast_in_dim3A_3137 {strides = array<i32>} : memref<64x128xf32, #tpu.memory_space<vmem>>, vector<16xf32>,
    %slice3A_3142 = vector.extract_strided_slice %get3A_3106 {offsets = [5], sizes = [1], strides = [1]} : vector<16xf32> to vector<1xf32>
    %squeeze3A_3143 = vector.extract %slice3A_3142[0] : f32 from vector<1xf32>
    %broadcast_in_dim3A_3144 = vector.broadcast %squeeze3A_3143 : f32 to vector<16xf32>
    %swap3A_3145 = arith.constant 21 : i32
    %swap3A_3146 = arith.index_cast %swap3A_3145 : i32 to index
    %swap3A_3147 = arith.constant 0 : index
    %swap3A_3148 = tpu.vector_load %arg20[%swap3A_3146, %swap3A_3147] {strides = array<i32>} : memref<64x128xf32, #tpu.memory_space<vmem>>, vector<16xf32>,
    tpu.vector_store %arg20[%swap3A_3146, %swap3A_3147], %broadcast_in_dim3A_3144 {strides = array<i32>} : memref<64x128xf32, #tpu.memory_space<vmem>>, vector<16xf32>,
    %slice3A_3149 = vector.extract_strided_slice %get3A_3106 {offsets = [6], sizes = [1], strides = [1]} : vector<16xf32> to vector<1xf32>
    %squeeze3A_3150 = vector.extract %slice3A_3149[0] : f32 from vector<1xf32>
    %broadcast_in_dim3A_3151 = vector.broadcast %squeeze3A_3150 : f32 to vector<16xf32>
    %swap3A_3152 = arith.constant 22 : i32
    %swap3A_3153 = arith.index_cast %swap3A_3152 : i32 to index
    %swap3A_3154 = arith.constant 0 : index
    %swap3A_3155 = tpu.vector_load %arg20[%swap3A_3153, %swap3A_3154] {strides = array<i32>} : memref<64x128xf32, #tpu.memory_space<vmem>>, vector<16xf32>,
    tpu.vector_store %arg20[%swap3A_3153, %swap3A_3154], %broadcast_in_dim3A_3151 {strides = array<i32>} : memref<64x128xf32, #tpu.memory_space<vmem>>, vector<16xf32>,
    %slice3A_3156 = vector.extract_strided_slice %get3A_3106 {offsets = [7], sizes = [1], strides = [1]} : vector<16xf32> to vector<1xf32>
    %squeeze3A_3157 = vector.extract %slice3A_3156[0] : f32 from vector<1xf32>
    %broadcast_in_dim3A_3158 = vector.broadcast %squeeze3A_3157 : f32 to vector<16xf32>
    %swap3A_3159 = arith.constant 23 : i32
    %swap3A_3160 = arith.index_cast %swap3A_3159 : i32 to index
    %swap3A_3161 = arith.constant 0 : index
    %swap3A_3162 = tpu.vector_load %arg20[%swap3A_3160, %swap3A_3161] {strides = array<i32>} : memref<64x128xf32, #tpu.memory_space<vmem>>, vector<16xf32>,
    tpu.vector_store %arg20[%swap3A_3160, %swap3A_3161], %broadcast_in_dim3A_3158 {strides = array<i32>} : memref<64x128xf32, #tpu.memory_space<vmem>>, vector<16xf32>,
    %slice3A_3163 = vector.extract_strided_slice %get3A_3106 {offsets = [8], sizes = [1], strides = [1]} : vector<16xf32> to vector<1xf32>
    %squeeze3A_3164 = vector.extract %slice3A_3163[0] : f32 from vector<1xf32>
    %broadcast_in_dim3A_3165 = vector.broadcast %squeeze3A_3164 : f32 to vector<16xf32>
    %swap3A_3166 = arith.constant 24 : i32
    %swap3A_3167 = arith.index_cast %swap3A_3166 : i32 to index
    %swap3A_3168 = arith.constant 0 : index
    %swap3A_3169 = tpu.vector_load %arg20[%swap3A_3167, %swap3A_3168] {strides = array<i32>} : memref<64x128xf32, #tpu.memory_space<vmem>>, vector<16xf32>,
    tpu.vector_store %arg20[%swap3A_3167, %swap3A_3168], %broadcast_in_dim3A_3165 {strides = array<i32>} : memref<64x128xf32, #tpu.memory_space<vmem>>, vector<16xf32>,
    %slice3A_3170 = vector.extract_strided_slice %get3A_3106 {offsets = [9], sizes = [1], strides = [1]} : vector<16xf32> to vector<1xf32>
    %squeeze3A_3171 = vector.extract %slice3A_3170[0] : f32 from vector<1xf32>
    %broadcast_in_dim3A_3172 = vector.broadcast %squeeze3A_3171 : f32 to vector<16xf32>
    %swap3A_3173 = arith.constant 25 : i32
    %swap3A_3174 = arith.index_cast %swap3A_3173 : i32 to index
    %swap3A_3175 = arith.constant 0 : index
    %swap3A_3176 = tpu.vector_load %arg20[%swap3A_3174, %swap3A_3175] {strides = array<i32>} : memref<64x128xf32, #tpu.memory_space<vmem>>, vector<16xf32>,
    tpu.vector_store %arg20[%swap3A_3174, %swap3A_3175], %broadcast_in_dim3A_3172 {strides = array<i32>} : memref<64x128xf32, #tpu.memory_space<vmem>>, vector<16xf32>,
    %slice3A_3177 = vector.extract_strided_slice %get3A_3106 {offsets = [10], sizes = [1], strides = [1]} : vector<16xf32> to vector<1xf32>
    %squeeze3A_3178 = vector.extract %slice3A_3177[0] : f32 from vector<1xf32>
    %broadcast_in_dim3A_3179 = vector.broadcast %squeeze3A_3178 : f32 to vector<16xf32>
    %swap3A_3180 = arith.constant 26 : i32
    %swap3A_3181 = arith.index_cast %swap3A_3180 : i32 to index
    %swap3A_3182 = arith.constant 0 : index
    %swap3A_3183 = tpu.vector_load %arg20[%swap3A_3181, %swap3A_3182] {strides = array<i32>} : memref<64x128xf32, #tpu.memory_space<vmem>>, vector<16xf32>,
    tpu.vector_store %arg20[%swap3A_3181, %swap3A_3182], %broadcast_in_dim3A_3179 {strides = array<i32>} : memref<64x128xf32, #tpu.memory_space<vmem>>, vector<16xf32>,
    %slice3A_3184 = vector.extract_strided_slice %get3A_3106 {offsets = [11], sizes = [1], strides = [1]} : vector<16xf32> to vector<1xf32>
    %squeeze3A_3185 = vector.extract %slice3A_3184[0] : f32 from vector<1xf32>
    %broadcast_in_dim3A_3186 = vector.broadcast %squeeze3A_3185 : f32 to vector<16xf32>
    %swap3A_3187 = arith.constant 27 : i32
    %swap3A_3188 = arith.index_cast %swap3A_3187 : i32 to index
    %swap3A_3189 = arith.constant 0 : index
    %swap3A_3190 = tpu.vector_load %arg20[%swap3A_3188, %swap3A_3189] {strides = array<i32>} : memref<64x128xf32, #tpu.memory_space<vmem>>, vector<16xf32>,
    tpu.vector_store %arg20[%swap3A_3188, %swap3A_3189], %broadcast_in_dim3A_3186 {strides = array<i32>} : memref<64x128xf32, #tpu.memory_space<vmem>>, vector<16xf32>,
    %slice3A_3191 = vector.extract_strided_slice %get3A_3106 {offsets = [12], sizes = [1], strides = [1]} : vector<16xf32> to vector<1xf32>
    %squeeze3A_3192 = vector.extract %slice3A_3191[0] : f32 from vector<1xf32>
    %broadcast_in_dim3A_3193 = vector.broadcast %squeeze3A_3192 : f32 to vector<16xf32>
    %swap3A_3194 = arith.constant 28 : i32
    %swap3A_3195 = arith.index_cast %swap3A_3194 : i32 to index
    %swap3A_3196 = arith.constant 0 : index
    %swap3A_3197 = tpu.vector_load %arg20[%swap3A_3195, %swap3A_3196] {strides = array<i32>} : memref<64x128xf32, #tpu.memory_space<vmem>>, vector<16xf32>,
    tpu.vector_store %arg20[%swap3A_3195, %swap3A_3196], %broadcast_in_dim3A_3193 {strides = array<i32>} : memref<64x128xf32, #tpu.memory_space<vmem>>, vector<16xf32>,
    %slice3A_3198 = vector.extract_strided_slice %get3A_3106 {offsets = [13], sizes = [1], strides = [1]} : vector<16xf32> to vector<1xf32>
    %squeeze3A_3199 = vector.extract %slice3A_3198[0] : f32 from vector<1xf32>
    %broadcast_in_dim3A_3200 = vector.broadcast %squeeze3A_3199 : f32 to vector<16xf32>
    %swap3A_3201 = arith.constant 29 : i32
    %swap3A_3202 = arith.index_cast %swap3A_3201 : i32 to index
    %swap3A_3203 = arith.constant 0 : index
    %swap3A_3204 = tpu.vector_load %arg20[%swap3A_3202, %swap3A_3203] {strides = array<i32>} : memref<64x128xf32, #tpu.memory_space<vmem>>, vector<16xf32>,
    tpu.vector_store %arg20[%swap3A_3202, %swap3A_3203], %broadcast_in_dim3A_3200 {strides = array<i32>} : memref<64x128xf32, #tpu.memory_space<vmem>>, vector<16xf32>,
    %slice3A_3205 = vector.extract_strided_slice %get3A_3106 {offsets = [14], sizes = [1], strides = [1]} : vector<16xf32> to vector<1xf32>
    %squeeze3A_3206 = vector.extract %slice3A_3205[0] : f32 from vector<1xf32>
    %broadcast_in_dim3A_3207 = vector.broadcast %squeeze3A_3206 : f32 to vector<16xf32>
    %swap3A_3208 = arith.constant 30 : i32
    %swap3A_3209 = arith.index_cast %swap3A_3208 : i32 to index
    %swap3A_3210 = arith.constant 0 : index
    %swap3A_3211 = tpu.vector_load %arg20[%swap3A_3209, %swap3A_3210] {strides = array<i32>} : memref<64x128xf32, #tpu.memory_space<vmem>>, vector<16xf32>,
    tpu.vector_store %arg20[%swap3A_3209, %swap3A_3210], %broadcast_in_dim3A_3207 {strides = array<i32>} : memref<64x128xf32, #tpu.memory_space<vmem>>, vector<16xf32>,
    %slice3A_3212 = vector.extract_strided_slice %get3A_3106 {offsets = [15], sizes = [1], strides = [1]} : vector<16xf32> to vector<1xf32>
    %squeeze3A_3213 = vector.extract %slice3A_3212[0] : f32 from vector<1xf32>
    %broadcast_in_dim3A_3214 = vector.broadcast %squeeze3A_3213 : f32 to vector<16xf32>
    %swap3A_3215 = arith.constant 31 : i32
    %swap3A_3216 = arith.index_cast %swap3A_3215 : i32 to index
    %swap3A_3217 = arith.constant 0 : index
    %swap3A_3218 = tpu.vector_load %arg20[%swap3A_3216, %swap3A_3217] {strides = array<i32>} : memref<64x128xf32, #tpu.memory_space<vmem>>, vector<16xf32>,
    tpu.vector_store %arg20[%swap3A_3216, %swap3A_3217], %broadcast_in_dim3A_3214 {strides = array<i32>} : memref<64x128xf32, #tpu.memory_space<vmem>>, vector<16xf32>,
    %get3A_3219 = arith.constant 96 : index
    %get3A_3220 = tpu.vector_load %arg13[%get3A_3219] {strides = array<i32>} : memref<128xf32, #tpu.memory_space<vmem>>, vector<16xf32>,
    %slice3A_3221 = vector.extract_strided_slice %get3A_3220 {offsets = [0], sizes = [1], strides = [1]} : vector<16xf32> to vector<1xf32>
    %squeeze3A_3222 = vector.extract %slice3A_3221[0] : f32 from vector<1xf32>
    %broadcast_in_dim3A_3223 = vector.broadcast %squeeze3A_3222 : f32 to vector<16xf32>
    %swap3A_3224 = arith.constant 32 : i32
    %swap3A_3225 = arith.index_cast %swap3A_3224 : i32 to index
    %swap3A_3226 = arith.constant 0 : index
    %swap3A_3227 = tpu.vector_load %arg20[%swap3A_3225, %swap3A_3226] {strides = array<i32>} : memref<64x128xf32, #tpu.memory_space<vmem>>, vector<16xf32>,
    tpu.vector_store %arg20[%swap3A_3225, %swap3A_3226], %broadcast_in_dim3A_3223 {strides = array<i32>} : memref<64x128xf32, #tpu.memory_space<vmem>>, vector<16xf32>,
    %slice3A_3228 = vector.extract_strided_slice %get3A_3220 {offsets = [1], sizes = [1], strides = [1]} : vector<16xf32> to vector<1xf32>
    %squeeze3A_3229 = vector.extract %slice3A_3228[0] : f32 from vector<1xf32>
    %broadcast_in_dim3A_3230 = vector.broadcast %squeeze3A_3229 : f32 to vector<16xf32>
    %swap3A_3231 = arith.constant 33 : i32
    %swap3A_3232 = arith.index_cast %swap3A_3231 : i32 to index
    %swap3A_3233 = arith.constant 0 : index
    %swap3A_3234 = tpu.vector_load %arg20[%swap3A_3232, %swap3A_3233] {strides = array<i32>} : memref<64x128xf32, #tpu.memory_space<vmem>>, vector<16xf32>,
    tpu.vector_store %arg20[%swap3A_3232, %swap3A_3233], %broadcast_in_dim3A_3230 {strides = array<i32>} : memref<64x128xf32, #tpu.memory_space<vmem>>, vector<16xf32>,
    %slice3A_3235 = vector.extract_strided_slice %get3A_3220 {offsets = [2], sizes = [1], strides = [1]} : vector<16xf32> to vector<1xf32>
    %squeeze3A_3236 = vector.extract %slice3A_3235[0] : f32 from vector<1xf32>
    %broadcast_in_dim3A_3237 = vector.broadcast %squeeze3A_3236 : f32 to vector<16xf32>
    %swap3A_3238 = arith.constant 34 : i32
    %swap3A_3239 = arith.index_cast %swap3A_3238 : i32 to index
    %swap3A_3240 = arith.constant 0 : index
    %swap3A_3241 = tpu.vector_load %arg20[%swap3A_3239, %swap3A_3240] {strides = array<i32>} : memref<64x128xf32, #tpu.memory_space<vmem>>, vector<16xf32>,
    tpu.vector_store %arg20[%swap3A_3239, %swap3A_3240], %broadcast_in_dim3A_3237 {strides = array<i32>} : memref<64x128xf32, #tpu.memory_space<vmem>>, vector<16xf32>,
    %slice3A_3242 = vector.extract_strided_slice %get3A_3220 {offsets = [3], sizes = [1], strides = [1]} : vector<16xf32> to vector<1xf32>
    %squeeze3A_3243 = vector.extract %slice3A_3242[0] : f32 from vector<1xf32>
    %broadcast_in_dim3A_3244 = vector.broadcast %squeeze3A_3243 : f32 to vector<16xf32>
    %swap3A_3245 = arith.constant 35 : i32
    %swap3A_3246 = arith.index_cast %swap3A_3245 : i32 to index
    %swap3A_3247 = arith.constant 0 : index
    %swap3A_3248 = tpu.vector_load %arg20[%swap3A_3246, %swap3A_3247] {strides = array<i32>} : memref<64x128xf32, #tpu.memory_space<vmem>>, vector<16xf32>,
    tpu.vector_store %arg20[%swap3A_3246, %swap3A_3247], %broadcast_in_dim3A_3244 {strides = array<i32>} : memref<64x128xf32, #tpu.memory_space<vmem>>, vector<16xf32>,
    %slice3A_3249 = vector.extract_strided_slice %get3A_3220 {offsets = [4], sizes = [1], strides = [1]} : vector<16xf32> to vector<1xf32>
    %squeeze3A_3250 = vector.extract %slice3A_3249[0] : f32 from vector<1xf32>
    %broadcast_in_dim3A_3251 = vector.broadcast %squeeze3A_3250 : f32 to vector<16xf32>
    %swap3A_3252 = arith.constant 36 : i32
    %swap3A_3253 = arith.index_cast %swap3A_3252 : i32 to index
    %swap3A_3254 = arith.constant 0 : index
    %swap3A_3255 = tpu.vector_load %arg20[%swap3A_3253, %swap3A_3254] {strides = array<i32>} : memref<64x128xf32, #tpu.memory_space<vmem>>, vector<16xf32>,
    tpu.vector_store %arg20[%swap3A_3253, %swap3A_3254], %broadcast_in_dim3A_3251 {strides = array<i32>} : memref<64x128xf32, #tpu.memory_space<vmem>>, vector<16xf32>,
    %slice3A_3256 = vector.extract_strided_slice %get3A_3220 {offsets = [5], sizes = [1], strides = [1]} : vector<16xf32> to vector<1xf32>
    %squeeze3A_3257 = vector.extract %slice3A_3256[0] : f32 from vector<1xf32>
    %broadcast_in_dim3A_3258 = vector.broadcast %squeeze3A_3257 : f32 to vector<16xf32>
    %swap3A_3259 = arith.constant 37 : i32
    %swap3A_3260 = arith.index_cast %swap3A_3259 : i32 to index
    %swap3A_3261 = arith.constant 0 : index
    %swap3A_3262 = tpu.vector_load %arg20[%swap3A_3260, %swap3A_3261] {strides = array<i32>} : memref<64x128xf32, #tpu.memory_space<vmem>>, vector<16xf32>,
    tpu.vector_store %arg20[%swap3A_3260, %swap3A_3261], %broadcast_in_dim3A_3258 {strides = array<i32>} : memref<64x128xf32, #tpu.memory_space<vmem>>, vector<16xf32>,
    %slice3A_3263 = vector.extract_strided_slice %get3A_3220 {offsets = [6], sizes = [1], strides = [1]} : vector<16xf32> to vector<1xf32>
    %squeeze3A_3264 = vector.extract %slice3A_3263[0] : f32 from vector<1xf32>
    %broadcast_in_dim3A_3265 = vector.broadcast %squeeze3A_3264 : f32 to vector<16xf32>
    %swap3A_3266 = arith.constant 38 : i32
    %swap3A_3267 = arith.index_cast %swap3A_3266 : i32 to index
    %swap3A_3268 = arith.constant 0 : index
    %swap3A_3269 = tpu.vector_load %arg20[%swap3A_3267, %swap3A_3268] {strides = array<i32>} : memref<64x128xf32, #tpu.memory_space<vmem>>, vector<16xf32>,
    tpu.vector_store %arg20[%swap3A_3267, %swap3A_3268], %broadcast_in_dim3A_3265 {strides = array<i32>} : memref<64x128xf32, #tpu.memory_space<vmem>>, vector<16xf32>,
    %slice3A_3270 = vector.extract_strided_slice %get3A_3220 {offsets = [7], sizes = [1], strides = [1]} : vector<16xf32> to vector<1xf32>
    %squeeze3A_3271 = vector.extract %slice3A_3270[0] : f32 from vector<1xf32>
    %broadcast_in_dim3A_3272 = vector.broadcast %squeeze3A_3271 : f32 to vector<16xf32>
    %swap3A_3273 = arith.constant 39 : i32
    %swap3A_3274 = arith.index_cast %swap3A_3273 : i32 to index
    %swap3A_3275 = arith.constant 0 : index
    %swap3A_3276 = tpu.vector_load %arg20[%swap3A_3274, %swap3A_3275] {strides = array<i32>} : memref<64x128xf32, #tpu.memory_space<vmem>>, vector<16xf32>,
    tpu.vector_store %arg20[%swap3A_3274, %swap3A_3275], %broadcast_in_dim3A_3272 {strides = array<i32>} : memref<64x128xf32, #tpu.memory_space<vmem>>, vector<16xf32>,
    %slice3A_3277 = vector.extract_strided_slice %get3A_3220 {offsets = [8], sizes = [1], strides = [1]} : vector<16xf32> to vector<1xf32>
    %squeeze3A_3278 = vector.extract %slice3A_3277[0] : f32 from vector<1xf32>
    %broadcast_in_dim3A_3279 = vector.broadcast %squeeze3A_3278 : f32 to vector<16xf32>
    %swap3A_3280 = arith.constant 40 : i32
    %swap3A_3281 = arith.index_cast %swap3A_3280 : i32 to index
    %swap3A_3282 = arith.constant 0 : index
    %swap3A_3283 = tpu.vector_load %arg20[%swap3A_3281, %swap3A_3282] {strides = array<i32>} : memref<64x128xf32, #tpu.memory_space<vmem>>, vector<16xf32>,
    tpu.vector_store %arg20[%swap3A_3281, %swap3A_3282], %broadcast_in_dim3A_3279 {strides = array<i32>} : memref<64x128xf32, #tpu.memory_space<vmem>>, vector<16xf32>,
    %slice3A_3284 = vector.extract_strided_slice %get3A_3220 {offsets = [9], sizes = [1], strides = [1]} : vector<16xf32> to vector<1xf32>
    %squeeze3A_3285 = vector.extract %slice3A_3284[0] : f32 from vector<1xf32>
    %broadcast_in_dim3A_3286 = vector.broadcast %squeeze3A_3285 : f32 to vector<16xf32>
    %swap3A_3287 = arith.constant 41 : i32
    %swap3A_3288 = arith.index_cast %swap3A_3287 : i32 to index
    %swap3A_3289 = arith.constant 0 : index
    %swap3A_3290 = tpu.vector_load %arg20[%swap3A_3288, %swap3A_3289] {strides = array<i32>} : memref<64x128xf32, #tpu.memory_space<vmem>>, vector<16xf32>,
    tpu.vector_store %arg20[%swap3A_3288, %swap3A_3289], %broadcast_in_dim3A_3286 {strides = array<i32>} : memref<64x128xf32, #tpu.memory_space<vmem>>, vector<16xf32>,
    %slice3A_3291 = vector.extract_strided_slice %get3A_3220 {offsets = [10], sizes = [1], strides = [1]} : vector<16xf32> to vector<1xf32>
    %squeeze3A_3292 = vector.extract %slice3A_3291[0] : f32 from vector<1xf32>
    %broadcast_in_dim3A_3293 = vector.broadcast %squeeze3A_3292 : f32 to vector<16xf32>
    %swap3A_3294 = arith.constant 42 : i32
    %swap3A_3295 = arith.index_cast %swap3A_3294 : i32 to index
    %swap3A_3296 = arith.constant 0 : index
    %swap3A_3297 = tpu.vector_load %arg20[%swap3A_3295, %swap3A_3296] {strides = array<i32>} : memref<64x128xf32, #tpu.memory_space<vmem>>, vector<16xf32>,
    tpu.vector_store %arg20[%swap3A_3295, %swap3A_3296], %broadcast_in_dim3A_3293 {strides = array<i32>} : memref<64x128xf32, #tpu.memory_space<vmem>>, vector<16xf32>,
    %slice3A_3298 = vector.extract_strided_slice %get3A_3220 {offsets = [11], sizes = [1], strides = [1]} : vector<16xf32> to vector<1xf32>
    %squeeze3A_3299 = vector.extract %slice3A_3298[0] : f32 from vector<1xf32>
    %broadcast_in_dim3A_3300 = vector.broadcast %squeeze3A_3299 : f32 to vector<16xf32>
    %swap3A_3301 = arith.constant 43 : i32
    %swap3A_3302 = arith.index_cast %swap3A_3301 : i32 to index
    %swap3A_3303 = arith.constant 0 : index
    %swap3A_3304 = tpu.vector_load %arg20[%swap3A_3302, %swap3A_3303] {strides = array<i32>} : memref<64x128xf32, #tpu.memory_space<vmem>>, vector<16xf32>,
    tpu.vector_store %arg20[%swap3A_3302, %swap3A_3303], %broadcast_in_dim3A_3300 {strides = array<i32>} : memref<64x128xf32, #tpu.memory_space<vmem>>, vector<16xf32>,
    %slice3A_3305 = vector.extract_strided_slice %get3A_3220 {offsets = [12], sizes = [1], strides = [1]} : vector<16xf32> to vector<1xf32>
    %squeeze3A_3306 = vector.extract %slice3A_3305[0] : f32 from vector<1xf32>
    %broadcast_in_dim3A_3307 = vector.broadcast %squeeze3A_3306 : f32 to vector<16xf32>
    %swap3A_3308 = arith.constant 44 : i32
    %swap3A_3309 = arith.index_cast %swap3A_3308 : i32 to index
    %swap3A_3310 = arith.constant 0 : index
    %swap3A_3311 = tpu.vector_load %arg20[%swap3A_3309, %swap3A_3310] {strides = array<i32>} : memref<64x128xf32, #tpu.memory_space<vmem>>, vector<16xf32>,
    tpu.vector_store %arg20[%swap3A_3309, %swap3A_3310], %broadcast_in_dim3A_3307 {strides = array<i32>} : memref<64x128xf32, #tpu.memory_space<vmem>>, vector<16xf32>,
    %slice3A_3312 = vector.extract_strided_slice %get3A_3220 {offsets = [13], sizes = [1], strides = [1]} : vector<16xf32> to vector<1xf32>
    %squeeze3A_3313 = vector.extract %slice3A_3312[0] : f32 from vector<1xf32>
    %broadcast_in_dim3A_3314 = vector.broadcast %squeeze3A_3313 : f32 to vector<16xf32>
    %swap3A_3315 = arith.constant 45 : i32
    %swap3A_3316 = arith.index_cast %swap3A_3315 : i32 to index
    %swap3A_3317 = arith.constant 0 : index
    %swap3A_3318 = tpu.vector_load %arg20[%swap3A_3316, %swap3A_3317] {strides = array<i32>} : memref<64x128xf32, #tpu.memory_space<vmem>>, vector<16xf32>,
    tpu.vector_store %arg20[%swap3A_3316, %swap3A_3317], %broadcast_in_dim3A_3314 {strides = array<i32>} : memref<64x128xf32, #tpu.memory_space<vmem>>, vector<16xf32>,
    %slice3A_3319 = vector.extract_strided_slice %get3A_3220 {offsets = [14], sizes = [1], strides = [1]} : vector<16xf32> to vector<1xf32>
    %squeeze3A_3320 = vector.extract %slice3A_3319[0] : f32 from vector<1xf32>
    %broadcast_in_dim3A_3321 = vector.broadcast %squeeze3A_3320 : f32 to vector<16xf32>
    %swap3A_3322 = arith.constant 46 : i32
    %swap3A_3323 = arith.index_cast %swap3A_3322 : i32 to index
    %swap3A_3324 = arith.constant 0 : index
    %swap3A_3325 = tpu.vector_load %arg20[%swap3A_3323, %swap3A_3324] {strides = array<i32>} : memref<64x128xf32, #tpu.memory_space<vmem>>, vector<16xf32>,
    tpu.vector_store %arg20[%swap3A_3323, %swap3A_3324], %broadcast_in_dim3A_3321 {strides = array<i32>} : memref<64x128xf32, #tpu.memory_space<vmem>>, vector<16xf32>,
    %slice3A_3326 = vector.extract_strided_slice %get3A_3220 {offsets = [15], sizes = [1], strides = [1]} : vector<16xf32> to vector<1xf32>
    %squeeze3A_3327 = vector.extract %slice3A_3326[0] : f32 from vector<1xf32>
    %broadcast_in_dim3A_3328 = vector.broadcast %squeeze3A_3327 : f32 to vector<16xf32>
    %swap3A_3329 = arith.constant 47 : i32
    %swap3A_3330 = arith.index_cast %swap3A_3329 : i32 to index
    %swap3A_3331 = arith.constant 0 : index
    %swap3A_3332 = tpu.vector_load %arg20[%swap3A_3330, %swap3A_3331] {strides = array<i32>} : memref<64x128xf32, #tpu.memory_space<vmem>>, vector<16xf32>,
    tpu.vector_store %arg20[%swap3A_3330, %swap3A_3331], %broadcast_in_dim3A_3328 {strides = array<i32>} : memref<64x128xf32, #tpu.memory_space<vmem>>, vector<16xf32>,
    %get3A_3333 = arith.constant 112 : index
    %get3A_3334 = tpu.vector_load %arg13[%get3A_3333] {strides = array<i32>} : memref<128xf32, #tpu.memory_space<vmem>>, vector<16xf32>,
    %slice3A_3335 = vector.extract_strided_slice %get3A_3334 {offsets = [0], sizes = [1], strides = [1]} : vector<16xf32> to vector<1xf32>
    %squeeze3A_3336 = vector.extract %slice3A_3335[0] : f32 from vector<1xf32>
    %broadcast_in_dim3A_3337 = vector.broadcast %squeeze3A_3336 : f32 to vector<16xf32>
    %swap3A_3338 = arith.constant 48 : i32
    %swap3A_3339 = arith.index_cast %swap3A_3338 : i32 to index
    %swap3A_3340 = arith.constant 0 : index
    %swap3A_3341 = tpu.vector_load %arg20[%swap3A_3339, %swap3A_3340] {strides = array<i32>} : memref<64x128xf32, #tpu.memory_space<vmem>>, vector<16xf32>,
    tpu.vector_store %arg20[%swap3A_3339, %swap3A_3340], %broadcast_in_dim3A_3337 {strides = array<i32>} : memref<64x128xf32, #tpu.memory_space<vmem>>, vector<16xf32>,
    %slice3A_3342 = vector.extract_strided_slice %get3A_3334 {offsets = [1], sizes = [1], strides = [1]} : vector<16xf32> to vector<1xf32>
    %squeeze3A_3343 = vector.extract %slice3A_3342[0] : f32 from vector<1xf32>
    %broadcast_in_dim3A_3344 = vector.broadcast %squeeze3A_3343 : f32 to vector<16xf32>
    %swap3A_3345 = arith.constant 49 : i32
    %swap3A_3346 = arith.index_cast %swap3A_3345 : i32 to index
    %swap3A_3347 = arith.constant 0 : index
    %swap3A_3348 = tpu.vector_load %arg20[%swap3A_3346, %swap3A_3347] {strides = array<i32>} : memref<64x128xf32, #tpu.memory_space<vmem>>, vector<16xf32>,
    tpu.vector_store %arg20[%swap3A_3346, %swap3A_3347], %broadcast_in_dim3A_3344 {strides = array<i32>} : memref<64x128xf32, #tpu.memory_space<vmem>>, vector<16xf32>,
    %slice3A_3349 = vector.extract_strided_slice %get3A_3334 {offsets = [2], sizes = [1], strides = [1]} : vector<16xf32> to vector<1xf32>
    %squeeze3A_3350 = vector.extract %slice3A_3349[0] : f32 from vector<1xf32>
    %broadcast_in_dim3A_3351 = vector.broadcast %squeeze3A_3350 : f32 to vector<16xf32>
    %swap3A_3352 = arith.constant 50 : i32
    %swap3A_3353 = arith.index_cast %swap3A_3352 : i32 to index
    %swap3A_3354 = arith.constant 0 : index
    %swap3A_3355 = tpu.vector_load %arg20[%swap3A_3353, %swap3A_3354] {strides = array<i32>} : memref<64x128xf32, #tpu.memory_space<vmem>>, vector<16xf32>,
    tpu.vector_store %arg20[%swap3A_3353, %swap3A_3354], %broadcast_in_dim3A_3351 {strides = array<i32>} : memref<64x128xf32, #tpu.memory_space<vmem>>, vector<16xf32>,
    %slice3A_3356 = vector.extract_strided_slice %get3A_3334 {offsets = [3], sizes = [1], strides = [1]} : vector<16xf32> to vector<1xf32>
    %squeeze3A_3357 = vector.extract %slice3A_3356[0] : f32 from vector<1xf32>
    %broadcast_in_dim3A_3358 = vector.broadcast %squeeze3A_3357 : f32 to vector<16xf32>
    %swap3A_3359 = arith.constant 51 : i32
    %swap3A_3360 = arith.index_cast %swap3A_3359 : i32 to index
    %swap3A_3361 = arith.constant 0 : index
    %swap3A_3362 = tpu.vector_load %arg20[%swap3A_3360, %swap3A_3361] {strides = array<i32>} : memref<64x128xf32, #tpu.memory_space<vmem>>, vector<16xf32>,
    tpu.vector_store %arg20[%swap3A_3360, %swap3A_3361], %broadcast_in_dim3A_3358 {strides = array<i32>} : memref<64x128xf32, #tpu.memory_space<vmem>>, vector<16xf32>,
    %slice3A_3363 = vector.extract_strided_slice %get3A_3334 {offsets = [4], sizes = [1], strides = [1]} : vector<16xf32> to vector<1xf32>
    %squeeze3A_3364 = vector.extract %slice3A_3363[0] : f32 from vector<1xf32>
    %broadcast_in_dim3A_3365 = vector.broadcast %squeeze3A_3364 : f32 to vector<16xf32>
    %swap3A_3366 = arith.constant 52 : i32
    %swap3A_3367 = arith.index_cast %swap3A_3366 : i32 to index
    %swap3A_3368 = arith.constant 0 : index
    %swap3A_3369 = tpu.vector_load %arg20[%swap3A_3367, %swap3A_3368] {strides = array<i32>} : memref<64x128xf32, #tpu.memory_space<vmem>>, vector<16xf32>,
    tpu.vector_store %arg20[%swap3A_3367, %swap3A_3368], %broadcast_in_dim3A_3365 {strides = array<i32>} : memref<64x128xf32, #tpu.memory_space<vmem>>, vector<16xf32>,
    %slice3A_3370 = vector.extract_strided_slice %get3A_3334 {offsets = [5], sizes = [1], strides = [1]} : vector<16xf32> to vector<1xf32>
    %squeeze3A_3371 = vector.extract %slice3A_3370[0] : f32 from vector<1xf32>
    %broadcast_in_dim3A_3372 = vector.broadcast %squeeze3A_3371 : f32 to vector<16xf32>
    %swap3A_3373 = arith.constant 53 : i32
    %swap3A_3374 = arith.index_cast %swap3A_3373 : i32 to index
    %swap3A_3375 = arith.constant 0 : index
    %swap3A_3376 = tpu.vector_load %arg20[%swap3A_3374, %swap3A_3375] {strides = array<i32>} : memref<64x128xf32, #tpu.memory_space<vmem>>, vector<16xf32>,
    tpu.vector_store %arg20[%swap3A_3374, %swap3A_3375], %broadcast_in_dim3A_3372 {strides = array<i32>} : memref<64x128xf32, #tpu.memory_space<vmem>>, vector<16xf32>,
    %slice3A_3377 = vector.extract_strided_slice %get3A_3334 {offsets = [6], sizes = [1], strides = [1]} : vector<16xf32> to vector<1xf32>
    %squeeze3A_3378 = vector.extract %slice3A_3377[0] : f32 from vector<1xf32>
    %broadcast_in_dim3A_3379 = vector.broadcast %squeeze3A_3378 : f32 to vector<16xf32>
    %swap3A_3380 = arith.constant 54 : i32
    %swap3A_3381 = arith.index_cast %swap3A_3380 : i32 to index
    %swap3A_3382 = arith.constant 0 : index
    %swap3A_3383 = tpu.vector_load %arg20[%swap3A_3381, %swap3A_3382] {strides = array<i32>} : memref<64x128xf32, #tpu.memory_space<vmem>>, vector<16xf32>,
    tpu.vector_store %arg20[%swap3A_3381, %swap3A_3382], %broadcast_in_dim3A_3379 {strides = array<i32>} : memref<64x128xf32, #tpu.memory_space<vmem>>, vector<16xf32>,
    %slice3A_3384 = vector.extract_strided_slice %get3A_3334 {offsets = [7], sizes = [1], strides = [1]} : vector<16xf32> to vector<1xf32>
    %squeeze3A_3385 = vector.extract %slice3A_3384[0] : f32 from vector<1xf32>
    %broadcast_in_dim3A_3386 = vector.broadcast %squeeze3A_3385 : f32 to vector<16xf32>
    %swap3A_3387 = arith.constant 55 : i32
    %swap3A_3388 = arith.index_cast %swap3A_3387 : i32 to index
    %swap3A_3389 = arith.constant 0 : index
    %swap3A_3390 = tpu.vector_load %arg20[%swap3A_3388, %swap3A_3389] {strides = array<i32>} : memref<64x128xf32, #tpu.memory_space<vmem>>, vector<16xf32>,
    tpu.vector_store %arg20[%swap3A_3388, %swap3A_3389], %broadcast_in_dim3A_3386 {strides = array<i32>} : memref<64x128xf32, #tpu.memory_space<vmem>>, vector<16xf32>,
    %slice3A_3391 = vector.extract_strided_slice %get3A_3334 {offsets = [8], sizes = [1], strides = [1]} : vector<16xf32> to vector<1xf32>
    %squeeze3A_3392 = vector.extract %slice3A_3391[0] : f32 from vector<1xf32>
    %broadcast_in_dim3A_3393 = vector.broadcast %squeeze3A_3392 : f32 to vector<16xf32>
    %swap3A_3394 = arith.constant 56 : i32
    %swap3A_3395 = arith.index_cast %swap3A_3394 : i32 to index
    %swap3A_3396 = arith.constant 0 : index
    %swap3A_3397 = tpu.vector_load %arg20[%swap3A_3395, %swap3A_3396] {strides = array<i32>} : memref<64x128xf32, #tpu.memory_space<vmem>>, vector<16xf32>,
    tpu.vector_store %arg20[%swap3A_3395, %swap3A_3396], %broadcast_in_dim3A_3393 {strides = array<i32>} : memref<64x128xf32, #tpu.memory_space<vmem>>, vector<16xf32>,
    %slice3A_3398 = vector.extract_strided_slice %get3A_3334 {offsets = [9], sizes = [1], strides = [1]} : vector<16xf32> to vector<1xf32>
    %squeeze3A_3399 = vector.extract %slice3A_3398[0] : f32 from vector<1xf32>
    %broadcast_in_dim3A_3400 = vector.broadcast %squeeze3A_3399 : f32 to vector<16xf32>
    %swap3A_3401 = arith.constant 57 : i32
    %swap3A_3402 = arith.index_cast %swap3A_3401 : i32 to index
    %swap3A_3403 = arith.constant 0 : index
    %swap3A_3404 = tpu.vector_load %arg20[%swap3A_3402, %swap3A_3403] {strides = array<i32>} : memref<64x128xf32, #tpu.memory_space<vmem>>, vector<16xf32>,
    tpu.vector_store %arg20[%swap3A_3402, %swap3A_3403], %broadcast_in_dim3A_3400 {strides = array<i32>} : memref<64x128xf32, #tpu.memory_space<vmem>>, vector<16xf32>,
    %slice3A_3405 = vector.extract_strided_slice %get3A_3334 {offsets = [10], sizes = [1], strides = [1]} : vector<16xf32> to vector<1xf32>
    %squeeze3A_3406 = vector.extract %slice3A_3405[0] : f32 from vector<1xf32>
    %broadcast_in_dim3A_3407 = vector.broadcast %squeeze3A_3406 : f32 to vector<16xf32>
    %swap3A_3408 = arith.constant 58 : i32
    %swap3A_3409 = arith.index_cast %swap3A_3408 : i32 to index
    %swap3A_3410 = arith.constant 0 : index
    %swap3A_3411 = tpu.vector_load %arg20[%swap3A_3409, %swap3A_3410] {strides = array<i32>} : memref<64x128xf32, #tpu.memory_space<vmem>>, vector<16xf32>,
    tpu.vector_store %arg20[%swap3A_3409, %swap3A_3410], %broadcast_in_dim3A_3407 {strides = array<i32>} : memref<64x128xf32, #tpu.memory_space<vmem>>, vector<16xf32>,
    %slice3A_3412 = vector.extract_strided_slice %get3A_3334 {offsets = [11], sizes = [1], strides = [1]} : vector<16xf32> to vector<1xf32>
    %squeeze3A_3413 = vector.extract %slice3A_3412[0] : f32 from vector<1xf32>
    %broadcast_in_dim3A_3414 = vector.broadcast %squeeze3A_3413 : f32 to vector<16xf32>
    %swap3A_3415 = arith.constant 59 : i32
    %swap3A_3416 = arith.index_cast %swap3A_3415 : i32 to index
    %swap3A_3417 = arith.constant 0 : index
    %swap3A_3418 = tpu.vector_load %arg20[%swap3A_3416, %swap3A_3417] {strides = array<i32>} : memref<64x128xf32, #tpu.memory_space<vmem>>, vector<16xf32>,
    tpu.vector_store %arg20[%swap3A_3416, %swap3A_3417], %broadcast_in_dim3A_3414 {strides = array<i32>} : memref<64x128xf32, #tpu.memory_space<vmem>>, vector<16xf32>,
    %slice3A_3419 = vector.extract_strided_slice %get3A_3334 {offsets = [12], sizes = [1], strides = [1]} : vector<16xf32> to vector<1xf32>
    %squeeze3A_3420 = vector.extract %slice3A_3419[0] : f32 from vector<1xf32>
    %broadcast_in_dim3A_3421 = vector.broadcast %squeeze3A_3420 : f32 to vector<16xf32>
    %swap3A_3422 = arith.constant 60 : i32
    %swap3A_3423 = arith.index_cast %swap3A_3422 : i32 to index
    %swap3A_3424 = arith.constant 0 : index
    %swap3A_3425 = tpu.vector_load %arg20[%swap3A_3423, %swap3A_3424] {strides = array<i32>} : memref<64x128xf32, #tpu.memory_space<vmem>>, vector<16xf32>,
    tpu.vector_store %arg20[%swap3A_3423, %swap3A_3424], %broadcast_in_dim3A_3421 {strides = array<i32>} : memref<64x128xf32, #tpu.memory_space<vmem>>, vector<16xf32>,
    %slice3A_3426 = vector.extract_strided_slice %get3A_3334 {offsets = [13], sizes = [1], strides = [1]} : vector<16xf32> to vector<1xf32>
    %squeeze3A_3427 = vector.extract %slice3A_3426[0] : f32 from vector<1xf32>
    %broadcast_in_dim3A_3428 = vector.broadcast %squeeze3A_3427 : f32 to vector<16xf32>
    %swap3A_3429 = arith.constant 61 : i32
    %swap3A_3430 = arith.index_cast %swap3A_3429 : i32 to index
    %swap3A_3431 = arith.constant 0 : index
    %swap3A_3432 = tpu.vector_load %arg20[%swap3A_3430, %swap3A_3431] {strides = array<i32>} : memref<64x128xf32, #tpu.memory_space<vmem>>, vector<16xf32>,
    tpu.vector_store %arg20[%swap3A_3430, %swap3A_3431], %broadcast_in_dim3A_3428 {strides = array<i32>} : memref<64x128xf32, #tpu.memory_space<vmem>>, vector<16xf32>,
    %slice3A_3433 = vector.extract_strided_slice %get3A_3334 {offsets = [14], sizes = [1], strides = [1]} : vector<16xf32> to vector<1xf32>
    %squeeze3A_3434 = vector.extract %slice3A_3433[0] : f32 from vector<1xf32>
    %broadcast_in_dim3A_3435 = vector.broadcast %squeeze3A_3434 : f32 to vector<16xf32>
    %swap3A_3436 = arith.constant 62 : i32
    %swap3A_3437 = arith.index_cast %swap3A_3436 : i32 to index
    %swap3A_3438 = arith.constant 0 : index
    %swap3A_3439 = tpu.vector_load %arg20[%swap3A_3437, %swap3A_3438] {strides = array<i32>} : memref<64x128xf32, #tpu.memory_space<vmem>>, vector<16xf32>,
    tpu.vector_store %arg20[%swap3A_3437, %swap3A_3438], %broadcast_in_dim3A_3435 {strides = array<i32>} : memref<64x128xf32, #tpu.memory_space<vmem>>, vector<16xf32>,
    %slice3A_3440 = vector.extract_strided_slice %get3A_3334 {offsets = [15], sizes = [1], strides = [1]} : vector<16xf32> to vector<1xf32>
    %squeeze3A_3441 = vector.extract %slice3A_3440[0] : f32 from vector<1xf32>
    %broadcast_in_dim3A_3442 = vector.broadcast %squeeze3A_3441 : f32 to vector<16xf32>
    %swap3A_3443 = arith.constant 63 : i32
    %swap3A_3444 = arith.index_cast %swap3A_3443 : i32 to index
    %swap3A_3445 = arith.constant 0 : index
    %swap3A_3446 = tpu.vector_load %arg20[%swap3A_3444, %swap3A_3445] {strides = array<i32>} : memref<64x128xf32, #tpu.memory_space<vmem>>, vector<16xf32>,
    tpu.vector_store %arg20[%swap3A_3444, %swap3A_3445], %broadcast_in_dim3A_3442 {strides = array<i32>} : memref<64x128xf32, #tpu.memory_space<vmem>>, vector<16xf32>,
    "tpu.region"() ({
      %run_scoped3A = tpu.sem_alloc : memref<!tpu.dma_semaphore, #tpu.memory_space<semaphore_mem>>
      %dma_start3A_3459 = arith.constant 0 : i32
      %dma_start3A_3460 = tpu.memref_slice %arg5[%add3A_2990, %dma_start3A_3459] : memref<4096x1024xf32, #tpu.memory_space<hbm>> -> memref<64x1024xf32, #tpu.memory_space<hbm>>
      %dma_start3A_3461 = arith.constant 0 : i32
      %dma_start3A_3462 = tpu.memref_slice %arg5[%add3A_2990, %dma_start3A_3461] : memref<4096x1024xf32, #tpu.memory_space<hbm>> -> memref<64x1024xf32, #tpu.memory_space<hbm>>
      tpu.enqueue_dma source(%dma_start3A_3462 : memref<64x1024xf32, #tpu.memory_space<hbm>>) target(%arg19 : memref<64x1024xf32, #tpu.memory_space<vmem>>) target_semaphore(%run_scoped3A : memref<!tpu.dma_semaphore, #tpu.memory_space<semaphore_mem>>)
      %dma_wait3A_3463 = arith.constant 0 : i32
      %dma_wait3A_3464 = tpu.memref_slice %arg5[%add3A_2990, %dma_wait3A_3463] : memref<4096x1024xf32, #tpu.memory_space<hbm>> -> memref<64x1024xf32, #tpu.memory_space<hbm>>
      %dma_wait3A_3465 = arith.constant 0 : i32
      %dma_wait3A_3466 = tpu.memref_slice %arg5[%add3A_2990, %dma_wait3A_3465] : memref<4096x1024xf32, #tpu.memory_space<hbm>> -> memref<64x1024xf32, #tpu.memory_space<hbm>>
      tpu.wait_dma2 semaphore(%run_scoped3A : memref<!tpu.dma_semaphore, #tpu.memory_space<semaphore_mem>>) src(%dma_wait3A_3466 : memref<64x1024xf32, #tpu.memory_space<hbm>>) dst(%arg19 : memref<64x1024xf32, #tpu.memory_space<vmem>>)
      tpu.yield
    }) : () -> ()
    %dma_start3A_3447 = arith.constant 0 : i32
    %dma_start3A_3448 = arith.constant 0 : i32
    %dma_start3A_3449 = tpu.memref_slice %arg9[%dma_start3A_3447, %dma_start3A_3448] : memref<4864x1024xf32, #tpu.memory_space<hbm>> -> memref<4864x1024xf32, #tpu.memory_space<hbm>>
    tpu.enqueue_indirect_dma source(%arg19 : memref<64x1024xf32, #tpu.memory_space<vmem>>) target(%dma_start3A_3449 : memref<4864x1024xf32, #tpu.memory_space<hbm>>) offsets(%arg18 : memref<64xi32, #tpu.memory_space<vmem>>) semaphore(%arg21 : memref<!tpu.dma_semaphore, #tpu.memory_space<semaphore_mem>>)
    %dma_wait3A_3450 = arith.constant 0 : i32
    %dma_wait3A_3451 = arith.constant 0 : i32
    %dma_wait3A_3452 = tpu.memref_slice %arg9[%dma_wait3A_3450, %dma_wait3A_3451] : memref<4864x1024xf32, #tpu.memory_space<hbm>> -> memref<4864x1024xf32, #tpu.memory_space<hbm>>
    tpu.wait_indirect_dma semaphore(%arg21 : memref<!tpu.dma_semaphore, #tpu.memory_space<semaphore_mem>>) src(%arg19 : memref<64x1024xf32, #tpu.memory_space<vmem>>) dst(%dma_wait3A_3452 : memref<4864x1024xf32, #tpu.memory_space<hbm>>)
    %dma_start3A_3453 = arith.constant 0 : i32
    %dma_start3A_3454 = arith.constant 0 : i32
    %dma_start3A_3455 = tpu.memref_slice %arg10[%dma_start3A_3453, %dma_start3A_3454] : memref<4864x128xf32, #tpu.memory_space<hbm>> -> memref<4864x128xf32, #tpu.memory_space<hbm>>
    tpu.enqueue_indirect_dma source(%arg20 : memref<64x128xf32, #tpu.memory_space<vmem>>) target(%dma_start3A_3455 : memref<4864x128xf32, #tpu.memory_space<hbm>>) offsets(%arg18 : memref<64xi32, #tpu.memory_space<vmem>>) semaphore(%arg21 : memref<!tpu.dma_semaphore, #tpu.memory_space<semaphore_mem>>)
    %dma_wait3A_3456 = arith.constant 0 : i32
    %dma_wait3A_3457 = arith.constant 0 : i32
    %dma_wait3A_3458 = tpu.memref_slice %arg10[%dma_wait3A_3456, %dma_wait3A_3457] : memref<4864x128xf32, #tpu.memory_space<hbm>> -> memref<4864x128xf32, #tpu.memory_space<hbm>>
    tpu.wait_indirect_dma semaphore(%arg21 : memref<!tpu.dma_semaphore, #tpu.memory_space<semaphore_mem>>) src(%arg20 : memref<64x128xf32, #tpu.memory_space<vmem>>) dst(%dma_wait3A_3458 : memref<4864x128xf32, #tpu.memory_space<hbm>>)
    return
  }
}

#map = affine_map<(d0, d1) -> (0, 0)>
#map1 = affine_map<(d0, d1) -> (0)>
module attributes {stable_mosaic.version = 14 : i64} {
  func.func @k(%arg0: i32, %arg1: i32, %arg2: memref<4864x1024xf32, #tpu.memory_space<hbm>>, %arg3: memref<4096xi32, #tpu.memory_space<hbm>>, %arg4: memref<4096x1024xf32, #tpu.memory_space<hbm>>, %arg5: memref<128xi32, #tpu.memory_space<vmem>>, %arg6: memref<64xi32, #tpu.memory_space<vmem>>, %arg7: memref<64x1024xf32, #tpu.memory_space<vmem>>, %arg8: memref<!tpu.dma_semaphore, #tpu.memory_space<semaphore_mem>>) attributes {dimension_semantics = [#tpu.dimension_semantics<core_parallel>, #tpu.dimension_semantics<subcore_parallel>], iteration_bounds = array<i64: 2, 16>, scalar_prefetch = 0 : i64, scratch_operands = 4 : i64, tpu.core_type = #tpu.core_type<sc_vector_subcore>, window_params = [{transform_indices = #map}, {transform_indices = #map1}, {transform_indices = #map}]} {
    %mul3A = arith.constant 2 : i32
    %mul3A_0 = arith.muli %arg1, %mul3A : i32
    %add3A = arith.addi %mul3A_0, %arg0 : i32
    %mul3A_1 = arith.constant 128 : i32
    %mul3A_2 = arith.muli %add3A, %mul3A_1 : i32
    "tpu.region"() ({
      %run_scoped3A = tpu.sem_alloc : memref<!tpu.dma_semaphore, #tpu.memory_space<semaphore_mem>>
      %dma_start3A_47 = tpu.memref_slice %arg3[%mul3A_2] : memref<4096xi32, #tpu.memory_space<hbm>> -> memref<128xi32, #tpu.memory_space<hbm>>
      %dma_start3A_48 = tpu.memref_slice %arg3[%mul3A_2] : memref<4096xi32, #tpu.memory_space<hbm>> -> memref<128xi32, #tpu.memory_space<hbm>>
      tpu.enqueue_dma source(%dma_start3A_48 : memref<128xi32, #tpu.memory_space<hbm>>) target(%arg5 : memref<128xi32, #tpu.memory_space<vmem>>) target_semaphore(%run_scoped3A : memref<!tpu.dma_semaphore, #tpu.memory_space<semaphore_mem>>)
      %dma_wait3A_49 = tpu.memref_slice %arg3[%mul3A_2] : memref<4096xi32, #tpu.memory_space<hbm>> -> memref<128xi32, #tpu.memory_space<hbm>>
      %dma_wait3A_50 = tpu.memref_slice %arg3[%mul3A_2] : memref<4096xi32, #tpu.memory_space<hbm>> -> memref<128xi32, #tpu.memory_space<hbm>>
      tpu.wait_dma2 semaphore(%run_scoped3A : memref<!tpu.dma_semaphore, #tpu.memory_space<semaphore_mem>>) src(%dma_wait3A_50 : memref<128xi32, #tpu.memory_space<hbm>>) dst(%arg5 : memref<128xi32, #tpu.memory_space<vmem>>)
      tpu.yield
    }) : () -> ()
    %get3A = arith.constant 0 : index
    %get3A_3 = tpu.vector_load %arg5[%get3A] {strides = array<i32>} : memref<128xi32, #tpu.memory_space<vmem>>, vector<16xi32>,
    %swap3A = arith.constant 0 : index
    %swap3A_4 = tpu.vector_load %arg6[%swap3A] {strides = array<i32>} : memref<64xi32, #tpu.memory_space<vmem>>, vector<16xi32>,
    tpu.vector_store %arg6[%swap3A], %get3A_3 {strides = array<i32>} : memref<64xi32, #tpu.memory_space<vmem>>, vector<16xi32>,
    %get3A_5 = arith.constant 16 : index
    %get3A_6 = tpu.vector_load %arg5[%get3A_5] {strides = array<i32>} : memref<128xi32, #tpu.memory_space<vmem>>, vector<16xi32>,
    %swap3A_7 = arith.constant 16 : index
    %swap3A_8 = tpu.vector_load %arg6[%swap3A_7] {strides = array<i32>} : memref<64xi32, #tpu.memory_space<vmem>>, vector<16xi32>,
    tpu.vector_store %arg6[%swap3A_7], %get3A_6 {strides = array<i32>} : memref<64xi32, #tpu.memory_space<vmem>>, vector<16xi32>,
    %get3A_9 = arith.constant 32 : index
    %get3A_10 = tpu.vector_load %arg5[%get3A_9] {strides = array<i32>} : memref<128xi32, #tpu.memory_space<vmem>>, vector<16xi32>,
    %swap3A_11 = arith.constant 32 : index
    %swap3A_12 = tpu.vector_load %arg6[%swap3A_11] {strides = array<i32>} : memref<64xi32, #tpu.memory_space<vmem>>, vector<16xi32>,
    tpu.vector_store %arg6[%swap3A_11], %get3A_10 {strides = array<i32>} : memref<64xi32, #tpu.memory_space<vmem>>, vector<16xi32>,
    %get3A_13 = arith.constant 48 : index
    %get3A_14 = tpu.vector_load %arg5[%get3A_13] {strides = array<i32>} : memref<128xi32, #tpu.memory_space<vmem>>, vector<16xi32>,
    %swap3A_15 = arith.constant 48 : index
    %swap3A_16 = tpu.vector_load %arg6[%swap3A_15] {strides = array<i32>} : memref<64xi32, #tpu.memory_space<vmem>>, vector<16xi32>,
    tpu.vector_store %arg6[%swap3A_15], %get3A_14 {strides = array<i32>} : memref<64xi32, #tpu.memory_space<vmem>>, vector<16xi32>,
    %dma_start3A = arith.constant 0 : i32
    %dma_start3A_17 = arith.constant 0 : i32
    %dma_start3A_18 = tpu.memref_slice %arg2[%dma_start3A, %dma_start3A_17] : memref<4864x1024xf32, #tpu.memory_space<hbm>> -> memref<4864x1024xf32, #tpu.memory_space<hbm>>
    tpu.enqueue_indirect_dma source(%dma_start3A_18 : memref<4864x1024xf32, #tpu.memory_space<hbm>>) target(%arg7 : memref<64x1024xf32, #tpu.memory_space<vmem>>) offsets(%arg6 : memref<64xi32, #tpu.memory_space<vmem>>) semaphore(%arg8 : memref<!tpu.dma_semaphore, #tpu.memory_space<semaphore_mem>>)
    %dma_wait3A = arith.constant 0 : i32
    %dma_wait3A_19 = arith.constant 0 : i32
    %dma_wait3A_20 = tpu.memref_slice %arg2[%dma_wait3A, %dma_wait3A_19] : memref<4864x1024xf32, #tpu.memory_space<hbm>> -> memref<4864x1024xf32, #tpu.memory_space<hbm>>
    tpu.wait_indirect_dma semaphore(%arg8 : memref<!tpu.dma_semaphore, #tpu.memory_space<semaphore_mem>>) src(%dma_wait3A_20 : memref<4864x1024xf32, #tpu.memory_space<hbm>>) dst(%arg7 : memref<64x1024xf32, #tpu.memory_space<vmem>>)
    %add3A_21 = arith.constant 0 : i32
    %add3A_22 = arith.addi %mul3A_2, %add3A_21 : i32
    "tpu.region"() ({
      %run_scoped3A = tpu.sem_alloc : memref<!tpu.dma_semaphore, #tpu.memory_space<semaphore_mem>>
      %dma_start3A_47 = arith.constant 0 : i32
      %dma_start3A_48 = tpu.memref_slice %arg4[%add3A_22, %dma_start3A_47] : memref<4096x1024xf32, #tpu.memory_space<hbm>> -> memref<64x1024xf32, #tpu.memory_space<hbm>>
      %dma_start3A_49 = arith.constant 0 : i32
      %dma_start3A_50 = tpu.memref_slice %arg4[%add3A_22, %dma_start3A_49] : memref<4096x1024xf32, #tpu.memory_space<hbm>> -> memref<64x1024xf32, #tpu.memory_space<hbm>>
      tpu.enqueue_dma source(%arg7 : memref<64x1024xf32, #tpu.memory_space<vmem>>) target(%dma_start3A_50 : memref<64x1024xf32, #tpu.memory_space<hbm>>) target_semaphore(%run_scoped3A : memref<!tpu.dma_semaphore, #tpu.memory_space<semaphore_mem>>)
      %dma_wait3A_51 = arith.constant 0 : i32
      %dma_wait3A_52 = tpu.memref_slice %arg4[%add3A_22, %dma_wait3A_51] : memref<4096x1024xf32, #tpu.memory_space<hbm>> -> memref<64x1024xf32, #tpu.memory_space<hbm>>
      %dma_wait3A_53 = arith.constant 0 : i32
      %dma_wait3A_54 = tpu.memref_slice %arg4[%add3A_22, %dma_wait3A_53] : memref<4096x1024xf32, #tpu.memory_space<hbm>> -> memref<64x1024xf32, #tpu.memory_space<hbm>>
      tpu.wait_dma2 semaphore(%run_scoped3A : memref<!tpu.dma_semaphore, #tpu.memory_space<semaphore_mem>>) src(%arg7 : memref<64x1024xf32, #tpu.memory_space<vmem>>) dst(%dma_wait3A_54 : memref<64x1024xf32, #tpu.memory_space<hbm>>)
      tpu.yield
    }) : () -> ()
    %get3A_23 = arith.constant 64 : index
    %get3A_24 = tpu.vector_load %arg5[%get3A_23] {strides = array<i32>} : memref<128xi32, #tpu.memory_space<vmem>>, vector<16xi32>,
    %swap3A_25 = arith.constant 0 : index
    %swap3A_26 = tpu.vector_load %arg6[%swap3A_25] {strides = array<i32>} : memref<64xi32, #tpu.memory_space<vmem>>, vector<16xi32>,
    tpu.vector_store %arg6[%swap3A_25], %get3A_24 {strides = array<i32>} : memref<64xi32, #tpu.memory_space<vmem>>, vector<16xi32>,
    %get3A_27 = arith.constant 80 : index
    %get3A_28 = tpu.vector_load %arg5[%get3A_27] {strides = array<i32>} : memref<128xi32, #tpu.memory_space<vmem>>, vector<16xi32>,
    %swap3A_29 = arith.constant 16 : index
    %swap3A_30 = tpu.vector_load %arg6[%swap3A_29] {strides = array<i32>} : memref<64xi32, #tpu.memory_space<vmem>>, vector<16xi32>,
    tpu.vector_store %arg6[%swap3A_29], %get3A_28 {strides = array<i32>} : memref<64xi32, #tpu.memory_space<vmem>>, vector<16xi32>,
    %get3A_31 = arith.constant 96 : index
    %get3A_32 = tpu.vector_load %arg5[%get3A_31] {strides = array<i32>} : memref<128xi32, #tpu.memory_space<vmem>>, vector<16xi32>,
    %swap3A_33 = arith.constant 32 : index
    %swap3A_34 = tpu.vector_load %arg6[%swap3A_33] {strides = array<i32>} : memref<64xi32, #tpu.memory_space<vmem>>, vector<16xi32>,
    tpu.vector_store %arg6[%swap3A_33], %get3A_32 {strides = array<i32>} : memref<64xi32, #tpu.memory_space<vmem>>, vector<16xi32>,
    %get3A_35 = arith.constant 112 : index
    %get3A_36 = tpu.vector_load %arg5[%get3A_35] {strides = array<i32>} : memref<128xi32, #tpu.memory_space<vmem>>, vector<16xi32>,
    %swap3A_37 = arith.constant 48 : index
    %swap3A_38 = tpu.vector_load %arg6[%swap3A_37] {strides = array<i32>} : memref<64xi32, #tpu.memory_space<vmem>>, vector<16xi32>,
    tpu.vector_store %arg6[%swap3A_37], %get3A_36 {strides = array<i32>} : memref<64xi32, #tpu.memory_space<vmem>>, vector<16xi32>,
    %dma_start3A_39 = arith.constant 0 : i32
    %dma_start3A_40 = arith.constant 0 : i32
    %dma_start3A_41 = tpu.memref_slice %arg2[%dma_start3A_39, %dma_start3A_40] : memref<4864x1024xf32, #tpu.memory_space<hbm>> -> memref<4864x1024xf32, #tpu.memory_space<hbm>>
    tpu.enqueue_indirect_dma source(%dma_start3A_41 : memref<4864x1024xf32, #tpu.memory_space<hbm>>) target(%arg7 : memref<64x1024xf32, #tpu.memory_space<vmem>>) offsets(%arg6 : memref<64xi32, #tpu.memory_space<vmem>>) semaphore(%arg8 : memref<!tpu.dma_semaphore, #tpu.memory_space<semaphore_mem>>)
    %dma_wait3A_42 = arith.constant 0 : i32
    %dma_wait3A_43 = arith.constant 0 : i32
    %dma_wait3A_44 = tpu.memref_slice %arg2[%dma_wait3A_42, %dma_wait3A_43] : memref<4864x1024xf32, #tpu.memory_space<hbm>> -> memref<4864x1024xf32, #tpu.memory_space<hbm>>
    tpu.wait_indirect_dma semaphore(%arg8 : memref<!tpu.dma_semaphore, #tpu.memory_space<semaphore_mem>>) src(%dma_wait3A_44 : memref<4864x1024xf32, #tpu.memory_space<hbm>>) dst(%arg7 : memref<64x1024xf32, #tpu.memory_space<vmem>>)
    %add3A_45 = arith.constant 64 : i32
    %add3A_46 = arith.addi %mul3A_2, %add3A_45 : i32
    "tpu.region"() ({
      %run_scoped3A = tpu.sem_alloc : memref<!tpu.dma_semaphore, #tpu.memory_space<semaphore_mem>>
      %dma_start3A_47 = arith.constant 0 : i32
      %dma_start3A_48 = tpu.memref_slice %arg4[%add3A_46, %dma_start3A_47] : memref<4096x1024xf32, #tpu.memory_space<hbm>> -> memref<64x1024xf32, #tpu.memory_space<hbm>>
      %dma_start3A_49 = arith.constant 0 : i32
      %dma_start3A_50 = tpu.memref_slice %arg4[%add3A_46, %dma_start3A_49] : memref<4096x1024xf32, #tpu.memory_space<hbm>> -> memref<64x1024xf32, #tpu.memory_space<hbm>>
      tpu.enqueue_dma source(%arg7 : memref<64x1024xf32, #tpu.memory_space<vmem>>) target(%dma_start3A_50 : memref<64x1024xf32, #tpu.memory_space<hbm>>) target_semaphore(%run_scoped3A : memref<!tpu.dma_semaphore, #tpu.memory_space<semaphore_mem>>)
      %dma_wait3A_51 = arith.constant 0 : i32
      %dma_wait3A_52 = tpu.memref_slice %arg4[%add3A_46, %dma_wait3A_51] : memref<4096x1024xf32, #tpu.memory_space<hbm>> -> memref<64x1024xf32, #tpu.memory_space<hbm>>
      %dma_wait3A_53 = arith.constant 0 : i32
      %dma_wait3A_54 = tpu.memref_slice %arg4[%add3A_46, %dma_wait3A_53] : memref<4096x1024xf32, #tpu.memory_space<hbm>> -> memref<64x1024xf32, #tpu.memory_space<hbm>>
      tpu.wait_dma2 semaphore(%run_scoped3A : memref<!tpu.dma_semaphore, #tpu.memory_space<semaphore_mem>>) src(%arg7 : memref<64x1024xf32, #tpu.memory_space<vmem>>) dst(%dma_wait3A_54 : memref<64x1024xf32, #tpu.memory_space<hbm>>)
      tpu.yield
    }) : () -> ()
    return
  }
}

module attributes {stable_mosaic.version = 14 : i64} {
  func.func @_router_body(%arg0: i32, %arg1: memref<512x1024xf32, #tpu.memory_space<vmem>>, %arg2: memref<1024x8xf32, #tpu.memory_space<vmem>>, %arg3: memref<1x1x512xi32, #tpu.memory_space<vmem>>, %arg4: memref<1x1x512xf32, #tpu.memory_space<vmem>>, %arg5: memref<1x4x16xi32, #tpu.memory_space<vmem>>) attributes {dimension_semantics = [#tpu.dimension_semantics<arbitrary>], iteration_bounds = array<i64: 8>, scalar_prefetch = 0 : i64, scratch_operands = 0 : i64, tpu.core_type = #tpu.core_type<tc>, window_params = [{transform_indices = @transform_0, window_bounds = array<i64: 512, 1024>}, {pipeline_mode = #tpu.pipeline_mode<synchronous>, transform_indices = @transform_1, window_bounds = array<i64: 1024, 8>}, {transform_indices = @transform_2, window_bounds = array<i64: 1, 1, 512>}, {transform_indices = @transform_3, window_bounds = array<i64: 1, 1, 512>}, {transform_indices = @transform_4, window_bounds = array<i64: 1, 4, 16>}]} {
    %get3A = arith.constant 0 : index
    %get3A_0 = arith.constant 0 : index
    %get3A_1 = vector.load %arg1[%get3A, %get3A_0] : memref<512x1024xf32, #tpu.memory_space<vmem>>, vector<512x1024xf32>
    %get3A_2 = arith.constant 0 : index
    %get3A_3 = arith.constant 0 : index
    %get3A_4 = vector.load %arg2[%get3A_2, %get3A_3] : memref<1024x8xf32, #tpu.memory_space<vmem>>, vector<1024x8xf32>
    %dot_general3A = arith.constant dense<0.000000e+00> : vector<512x8xf32>
    %dot_general3A_5 = tpu.matmul %get3A_1, %get3A_4, %dot_general3A {dimension_numbers = #tpu.dot_dimension_numbers<[1], [0], [0], [1], [0, 0, 1, 1], [], []>, transpose_lhs_hint = false} : vector<512x1024xf32>, vector<1024x8xf32>, vector<512x8xf32> -> vector<512x8xf32>
    %reduce_max3A = arith.constant dense<0xFF800000> : vector<512xf32>
    %reduce_max3A_6 = vector.multi_reduction <maximumf>, %dot_general3A_5, %reduce_max3A [1] : vector<512x8xf32> to vector<512xf32>
    %broadcast_in_dim3A = vector.shape_cast %reduce_max3A_6 : vector<512xf32> to vector<512x1xf32>
    %iota3A = tpu.iota {dimensions = array<i32: 1>} : vector<512x8xi32>
    %eq3A = vector.broadcast %broadcast_in_dim3A : vector<512x1xf32> to vector<512x8xf32>
    %eq3A_7 = arith.cmpf oeq, %dot_general3A_5, %eq3A : vector<512x8xf32>
    %jit3A = arith.constant 8 : i32
    %broadcast_in_dim3A_8 = vector.broadcast %jit3A : i32 to vector<512x8xi32>
    %select_n3A = arith.select %eq3A_7, %iota3A, %broadcast_in_dim3A_8 : vector<512x8xi1>, vector<512x8xi32>
    %reduce_min3A = arith.constant dense<2147483647> : vector<512xi32>
    %reduce_min3A_9 = vector.multi_reduction <minsi>, %select_n3A, %reduce_min3A [1] : vector<512x8xi32> to vector<512xi32>
    %sub3A = vector.broadcast %broadcast_in_dim3A : vector<512x1xf32> to vector<512x8xf32>
    %sub3A_10 = arith.subf %dot_general3A_5, %sub3A : vector<512x8xf32>
    %exp3A = math.exp %sub3A_10 : vector<512x8xf32>
    %reduce_sum3A = arith.constant dense<0.000000e+00> : vector<512xf32>
    %reduce_sum3A_11 = vector.multi_reduction <add>, %exp3A, %reduce_sum3A [1] : vector<512x8xf32> to vector<512xf32>
    %div3A = arith.constant 1.000000e+00 : f32
    %div3A_12 = vector.broadcast %div3A : f32 to vector<512xf32>
    %div3A_13 = arith.divf %div3A_12, %reduce_sum3A_11 : vector<512xf32>
    %lt3A = arith.constant 7 : i32
    %lt3A_14 = vector.broadcast %lt3A : i32 to vector<512xi32>
    %lt3A_15 = arith.cmpi slt, %reduce_min3A_9, %lt3A_14 : vector<512xi32>
    %jit3A_16 = arith.constant 0 : i32
    %broadcast_in_dim3A_17 = vector.broadcast %jit3A_16 : i32 to vector<512xi32>
    %select_n3A_18 = arith.select %lt3A_15, %reduce_min3A_9, %broadcast_in_dim3A_17 : vector<512xi1>, vector<512xi32>
    %swap3A = arith.constant 0 : index
    %swap3A_19 = arith.constant 0 : index
    %swap3A_20 = arith.constant 0 : index
    %swap3A_21 = vector.load %arg3[%swap3A, %swap3A_19, %swap3A_20] : memref<1x1x512xi32, #tpu.memory_space<vmem>>, vector<1x1x512xi32>
    %swap3A_22 = vector.shape_cast %swap3A_21 : vector<1x1x512xi32> to vector<512xi32>
    %swap3A_23 = vector.shape_cast %select_n3A_18 : vector<512xi32> to vector<1x1x512xi32>
    tpu.vector_store %arg3[%swap3A, %swap3A_19, %swap3A_20], %swap3A_23 {strides = array<i32>} : memref<1x1x512xi32, #tpu.memory_space<vmem>>, vector<1x1x512xi32>,
    %mul3A = arith.constant 2.000000e+00 : f32
    %mul3A_24 = vector.broadcast %mul3A : f32 to vector<512xf32>
    %mul3A_25 = arith.mulf %mul3A_24, %div3A_13 : vector<512xf32>
    %jit3A_26 = arith.constant 0.000000e+00 : f32
    %broadcast_in_dim3A_27 = vector.broadcast %jit3A_26 : f32 to vector<512xf32>
    %select_n3A_28 = arith.select %lt3A_15, %mul3A_25, %broadcast_in_dim3A_27 : vector<512xi1>, vector<512xf32>
    %swap3A_29 = arith.constant 0 : index
    %swap3A_30 = arith.constant 0 : index
    %swap3A_31 = arith.constant 0 : index
    %swap3A_32 = vector.load %arg4[%swap3A_29, %swap3A_30, %swap3A_31] : memref<1x1x512xf32, #tpu.memory_space<vmem>>, vector<1x1x512xf32>
    %swap3A_33 = vector.shape_cast %swap3A_32 : vector<1x1x512xf32> to vector<512xf32>
    %swap3A_34 = vector.shape_cast %select_n3A_28 : vector<512xf32> to vector<1x1x512xf32>
    tpu.vector_store %arg4[%swap3A_29, %swap3A_30, %swap3A_31], %swap3A_34 {strides = array<i32>} : memref<1x1x512xf32, #tpu.memory_space<vmem>>, vector<1x1x512xf32>,
    %iota3A_35 = tpu.iota {dimensions = array<i32: 1>} : vector<512x16xi32>
    %broadcast_in_dim3A_36 = vector.shape_cast %select_n3A_18 : vector<512xi32> to vector<512x1xi32>
    %eq3A_37 = vector.broadcast %broadcast_in_dim3A_36 : vector<512x1xi32> to vector<512x16xi32>
    %eq3A_38 = arith.cmpi eq, %eq3A_37, %iota3A_35 : vector<512x16xi32>
    %convert_element_type3A = arith.extui %eq3A_38 : vector<512x16xi1> to vector<512x16xi32>
    %slice3A = vector.extract_strided_slice %convert_element_type3A {offsets = [0, 0], sizes = [128, 16], strides = [1, 1]} : vector<512x16xi32> to vector<128x16xi32>
    %reduce_sum3A_39 = arith.constant dense<0> : vector<16xi32>
    %reduce_sum3A_40 = vector.multi_reduction <add>, %slice3A, %reduce_sum3A_39 [0] : vector<128x16xi32> to vector<16xi32>
    %swap3A_41 = arith.constant 0 : index
    %swap3A_42 = arith.constant 0 : index
    %swap3A_43 = arith.constant 0 : index
    %swap3A_44 = vector.load %arg5[%swap3A_41, %swap3A_42, %swap3A_43] : memref<1x4x16xi32, #tpu.memory_space<vmem>>, vector<1x1x16xi32>
    %swap3A_45 = vector.shape_cast %swap3A_44 : vector<1x1x16xi32> to vector<16xi32>
    %swap3A_46 = vector.shape_cast %reduce_sum3A_40 : vector<16xi32> to vector<1x1x16xi32>
    tpu.vector_store %arg5[%swap3A_41, %swap3A_42, %swap3A_43], %swap3A_46 {strides = array<i32>} : memref<1x4x16xi32, #tpu.memory_space<vmem>>, vector<1x1x16xi32>,
    %slice3A_47 = vector.extract_strided_slice %convert_element_type3A {offsets = [128, 0], sizes = [128, 16], strides = [1, 1]} : vector<512x16xi32> to vector<128x16xi32>
    %reduce_sum3A_48 = arith.constant dense<0> : vector<16xi32>
    %reduce_sum3A_49 = vector.multi_reduction <add>, %slice3A_47, %reduce_sum3A_48 [0] : vector<128x16xi32> to vector<16xi32>
    %swap3A_50 = arith.constant 0 : index
    %swap3A_51 = arith.constant 1 : index
    %swap3A_52 = arith.constant 0 : index
    %swap3A_53 = vector.load %arg5[%swap3A_50, %swap3A_51, %swap3A_52] : memref<1x4x16xi32, #tpu.memory_space<vmem>>, vector<1x1x16xi32>
    %swap3A_54 = vector.shape_cast %swap3A_53 : vector<1x1x16xi32> to vector<16xi32>
    %swap3A_55 = vector.shape_cast %reduce_sum3A_49 : vector<16xi32> to vector<1x1x16xi32>
    tpu.vector_store %arg5[%swap3A_50, %swap3A_51, %swap3A_52], %swap3A_55 {strides = array<i32>} : memref<1x4x16xi32, #tpu.memory_space<vmem>>, vector<1x1x16xi32>,
    %slice3A_56 = vector.extract_strided_slice %convert_element_type3A {offsets = [256, 0], sizes = [128, 16], strides = [1, 1]} : vector<512x16xi32> to vector<128x16xi32>
    %reduce_sum3A_57 = arith.constant dense<0> : vector<16xi32>
    %reduce_sum3A_58 = vector.multi_reduction <add>, %slice3A_56, %reduce_sum3A_57 [0] : vector<128x16xi32> to vector<16xi32>
    %swap3A_59 = arith.constant 0 : index
    %swap3A_60 = arith.constant 2 : index
    %swap3A_61 = arith.constant 0 : index
    %swap3A_62 = vector.load %arg5[%swap3A_59, %swap3A_60, %swap3A_61] : memref<1x4x16xi32, #tpu.memory_space<vmem>>, vector<1x1x16xi32>
    %swap3A_63 = vector.shape_cast %swap3A_62 : vector<1x1x16xi32> to vector<16xi32>
    %swap3A_64 = vector.shape_cast %reduce_sum3A_58 : vector<16xi32> to vector<1x1x16xi32>
    tpu.vector_store %arg5[%swap3A_59, %swap3A_60, %swap3A_61], %swap3A_64 {strides = array<i32>} : memref<1x4x16xi32, #tpu.memory_space<vmem>>, vector<1x1x16xi32>,
    %slice3A_65 = vector.extract_strided_slice %convert_element_type3A {offsets = [384, 0], sizes = [128, 16], strides = [1, 1]} : vector<512x16xi32> to vector<128x16xi32>
    %reduce_sum3A_66 = arith.constant dense<0> : vector<16xi32>
    %reduce_sum3A_67 = vector.multi_reduction <add>, %slice3A_65, %reduce_sum3A_66 [0] : vector<128x16xi32> to vector<16xi32>
    %swap3A_68 = arith.constant 0 : index
    %swap3A_69 = arith.constant 3 : index
    %swap3A_70 = arith.constant 0 : index
    %swap3A_71 = vector.load %arg5[%swap3A_68, %swap3A_69, %swap3A_70] : memref<1x4x16xi32, #tpu.memory_space<vmem>>, vector<1x1x16xi32>
    %swap3A_72 = vector.shape_cast %swap3A_71 : vector<1x1x16xi32> to vector<16xi32>
    %swap3A_73 = vector.shape_cast %reduce_sum3A_67 : vector<16xi32> to vector<1x1x16xi32>
    tpu.vector_store %arg5[%swap3A_68, %swap3A_69, %swap3A_70], %swap3A_73 {strides = array<i32>} : memref<1x4x16xi32, #tpu.memory_space<vmem>>, vector<1x1x16xi32>,
    return
  }
  func.func @transform_0(%arg0: i32) -> (i32, i32) {
    %c0_i32 = arith.constant 0 : i32
    %c0_i32_0 = arith.constant 0 : i32
    return %arg0, %c0_i32 : i32, i32
  }
  func.func @transform_1(%arg0: i32) -> (i32, i32) {
    %c0_i32 = arith.constant 0 : i32
    %c0_i32_0 = arith.constant 0 : i32
    %c0_i32_1 = arith.constant 0 : i32
    return %c0_i32, %c0_i32_0 : i32, i32
  }
  func.func @transform_2(%arg0: i32) -> (i32, i32, i32) {
    %c0_i32 = arith.constant 0 : i32
    %c0_i32_0 = arith.constant 0 : i32
    %c0_i32_1 = arith.constant 0 : i32
    return %arg0, %c0_i32, %c0_i32_0 : i32, i32, i32
  }
  func.func @transform_3(%arg0: i32) -> (i32, i32, i32) {
    %c0_i32 = arith.constant 0 : i32
    %c0_i32_0 = arith.constant 0 : i32
    %c0_i32_1 = arith.constant 0 : i32
    return %arg0, %c0_i32, %c0_i32_0 : i32, i32, i32
  }
  func.func @transform_4(%arg0: i32) -> (i32, i32, i32) {
    %c0_i32 = arith.constant 0 : i32
    %c0_i32_0 = arith.constant 0 : i32
    %c0_i32_1 = arith.constant 0 : i32
    return %arg0, %c0_i32, %c0_i32_0 : i32, i32, i32
  }
}

module attributes {stable_mosaic.version = 14 : i64} {
  func.func @_mlp_body(%arg0: i32, %arg1: i32, %arg2: memref<48xi32, #tpu.memory_space<smem>>, %arg3: memref<64xi32, #tpu.memory_space<smem>>, %arg4: memref<128x1024xf32, #tpu.memory_space<vmem>>, %arg5: memref<128x128xf32, #tpu.memory_space<vmem>>, %arg6: memref<7x1024x4096xf32, #tpu.memory_space<hbm>>, %arg7: memref<7x1024x4096xf32, #tpu.memory_space<hbm>>, %arg8: memref<7x4096x1024xf32, #tpu.memory_space<hbm>>, %arg9: memref<1024x1024xf32, #tpu.memory_space<vmem>>, %arg10: memref<1024x1024xf32, #tpu.memory_space<vmem>>, %arg11: memref<1024x1024xf32, #tpu.memory_space<vmem>>, %arg12: memref<128x1024xf32, #tpu.memory_space<vmem>>, %arg13: memref<2x1024x1024xf32, #tpu.memory_space<vmem>>, %arg14: memref<2x1024x1024xf32, #tpu.memory_space<vmem>>, %arg15: memref<2x1024x1024xf32, #tpu.memory_space<vmem>>, %arg16: memref<4864x1024xbf16, #tpu.memory_space<vmem>>, %arg17: memref<2x!tpu.dma_semaphore, #tpu.memory_space<semaphore_mem>>) attributes {dimension_semantics = [#tpu.dimension_semantics<arbitrary>, #tpu.dimension_semantics<arbitrary>], iteration_bounds = array<i64: 4, 38>, scalar_prefetch = 2 : i64, scratch_operands = 5 : i64, tpu.core_type = #tpu.core_type<tc>, window_params = [{transform_indices = @transform_0, window_bounds = array<i64: 128, 1024>}, {transform_indices = @transform_1, window_bounds = array<i64: 128, 128>}, {}, {}, {}, {transform_indices = @transform_5, window_bounds = array<i64: 1024, 1024>}, {transform_indices = @transform_6, window_bounds = array<i64: 1024, 1024>}, {transform_indices = @transform_7, window_bounds = array<i64: 1024, 1024>}, {transform_indices = @transform_8, window_bounds = array<i64: 128, 1024>}]} {
    %get3A = arith.index_cast %arg1 : i32 to index
    %get3A_0 = memref.load %arg2[%get3A] : memref<48xi32, #tpu.memory_space<smem>>
    %get3A_1 = arith.index_cast %arg1 : i32 to index
    %get3A_2 = memref.load %arg3[%get3A_1] : memref<64xi32, #tpu.memory_space<smem>>
    %get3A_3 = arith.constant 63 : index
    %get3A_4 = memref.load %arg3[%get3A_3] : memref<64xi32, #tpu.memory_space<smem>>
    %mul3A = arith.muli %arg0, %get3A_4 : i32
    %add3A = arith.addi %mul3A, %get3A_2 : i32
    %rem3A = arith.constant 2 : i32
    %rem3A_5 = arith.remsi %add3A, %rem3A : i32
    %sub3A = arith.constant 1 : i32
    %sub3A_6 = arith.subi %arg1, %sub3A : i32
    %max3A = arith.constant 0 : i32
    %max3A_7 = arith.maxsi %sub3A_6, %max3A : i32
    %get3A_8 = arith.index_cast %max3A_7 : i32 to index
    %get3A_9 = memref.load %arg3[%get3A_8] : memref<64xi32, #tpu.memory_space<smem>>
    %ge3A = arith.constant 0 : i32
    %ge3A_10 = arith.cmpi sge, %get3A_0, %ge3A : i32
    %eq3A = arith.constant 0 : i32
    %eq3A_11 = arith.cmpi eq, %arg1, %eq3A : i32
    %ne3A = arith.cmpi ne, %get3A_9, %get3A_2 : i32
    %or3A = arith.ori %eq3A_11, %ne3A : i1
    %and3A = arith.andi %ge3A_10, %or3A : i1
    %eq3A_12 = arith.constant 0 : i32
    %eq3A_13 = arith.cmpi eq, %arg0, %eq3A_12 : i32
    %and3A_14 = arith.andi %and3A, %eq3A_13 : i1
    %eq3A_15 = arith.constant 0 : i32
    %eq3A_16 = arith.cmpi eq, %arg1, %eq3A_15 : i32
    %and3A_17 = arith.andi %and3A_14, %eq3A_16 : i1
    %convert_element_type3A = arith.extui %and3A_17 : i1 to i32
    %cond3A = arith.constant 0 : i32
    %cond3A_18 = arith.cmpi ne, %convert_element_type3A, %cond3A : i32
    scf.if %cond3A_18 {
      %get3A_27 = arith.constant 48 : index
      %get3A_28 = memref.load %arg3[%get3A_27] : memref<64xi32, #tpu.memory_space<smem>>
      %dma_start3A = tpu.memref_slice %arg17[%rem3A_5] : memref<2x!tpu.dma_semaphore, #tpu.memory_space<semaphore_mem>> -> memref<1x!tpu.dma_semaphore, #tpu.memory_space<semaphore_mem>>
      %dma_start3A_29 = tpu.memref_squeeze %dma_start3A : memref<1x!tpu.dma_semaphore, #tpu.memory_space<semaphore_mem>> -> memref<!tpu.dma_semaphore, #tpu.memory_space<semaphore_mem>>
      %dma_start3A_30 = arith.constant 0 : i32
      %dma_start3A_31 = arith.constant 0 : i32
      %dma_start3A_32 = tpu.memref_slice %arg13[%rem3A_5, %dma_start3A_30, %dma_start3A_31] : memref<2x1024x1024xf32, #tpu.memory_space<vmem>> -> memref<1x1024x1024xf32, #tpu.memory_space<vmem>>
      %dma_start3A_33 = tpu.memref_squeeze %dma_start3A_32 : memref<1x1024x1024xf32, #tpu.memory_space<vmem>> -> memref<1024x1024xf32, #tpu.memory_space<vmem>>
      %dma_start3A_34 = arith.constant 0 : i32
      %dma_start3A_35 = arith.constant 0 : i32
      %dma_start3A_36 = tpu.memref_slice %arg6[%get3A_28, %dma_start3A_34, %dma_start3A_35] : memref<7x1024x4096xf32, #tpu.memory_space<hbm>> -> memref<1x1024x1024xf32, #tpu.memory_space<hbm>>
      %dma_start3A_37 = tpu.memref_squeeze %dma_start3A_36 : memref<1x1024x1024xf32, #tpu.memory_space<hbm>> -> memref<1024x1024xf32, #tpu.memory_space<hbm>>
      tpu.enqueue_dma source(%dma_start3A_37 : memref<1024x1024xf32, #tpu.memory_space<hbm>>) target(%dma_start3A_33 : memref<1024x1024xf32, #tpu.memory_space<vmem>>) target_semaphore(%dma_start3A_29 : memref<!tpu.dma_semaphore, #tpu.memory_space<semaphore_mem>>)
      %dma_start3A_38 = tpu.memref_slice %arg17[%rem3A_5] : memref<2x!tpu.dma_semaphore, #tpu.memory_space<semaphore_mem>> -> memref<1x!tpu.dma_semaphore, #tpu.memory_space<semaphore_mem>>
      %dma_start3A_39 = tpu.memref_squeeze %dma_start3A_38 : memref<1x!tpu.dma_semaphore, #tpu.memory_space<semaphore_mem>> -> memref<!tpu.dma_semaphore, #tpu.memory_space<semaphore_mem>>
      %dma_start3A_40 = arith.constant 0 : i32
      %dma_start3A_41 = arith.constant 0 : i32
      %dma_start3A_42 = tpu.memref_slice %arg14[%rem3A_5, %dma_start3A_40, %dma_start3A_41] : memref<2x1024x1024xf32, #tpu.memory_space<vmem>> -> memref<1x1024x1024xf32, #tpu.memory_space<vmem>>
      %dma_start3A_43 = tpu.memref_squeeze %dma_start3A_42 : memref<1x1024x1024xf32, #tpu.memory_space<vmem>> -> memref<1024x1024xf32, #tpu.memory_space<vmem>>
      %dma_start3A_44 = arith.constant 0 : i32
      %dma_start3A_45 = arith.constant 0 : i32
      %dma_start3A_46 = tpu.memref_slice %arg7[%get3A_28, %dma_start3A_44, %dma_start3A_45] : memref<7x1024x4096xf32, #tpu.memory_space<hbm>> -> memref<1x1024x1024xf32, #tpu.memory_space<hbm>>
      %dma_start3A_47 = tpu.memref_squeeze %dma_start3A_46 : memref<1x1024x1024xf32, #tpu.memory_space<hbm>> -> memref<1024x1024xf32, #tpu.memory_space<hbm>>
      tpu.enqueue_dma source(%dma_start3A_47 : memref<1024x1024xf32, #tpu.memory_space<hbm>>) target(%dma_start3A_43 : memref<1024x1024xf32, #tpu.memory_space<vmem>>) target_semaphore(%dma_start3A_39 : memref<!tpu.dma_semaphore, #tpu.memory_space<semaphore_mem>>)
      %dma_start3A_48 = tpu.memref_slice %arg17[%rem3A_5] : memref<2x!tpu.dma_semaphore, #tpu.memory_space<semaphore_mem>> -> memref<1x!tpu.dma_semaphore, #tpu.memory_space<semaphore_mem>>
      %dma_start3A_49 = tpu.memref_squeeze %dma_start3A_48 : memref<1x!tpu.dma_semaphore, #tpu.memory_space<semaphore_mem>> -> memref<!tpu.dma_semaphore, #tpu.memory_space<semaphore_mem>>
      %dma_start3A_50 = arith.constant 0 : i32
      %dma_start3A_51 = arith.constant 0 : i32
      %dma_start3A_52 = tpu.memref_slice %arg15[%rem3A_5, %dma_start3A_50, %dma_start3A_51] : memref<2x1024x1024xf32, #tpu.memory_space<vmem>> -> memref<1x1024x1024xf32, #tpu.memory_space<vmem>>
      %dma_start3A_53 = tpu.memref_squeeze %dma_start3A_52 : memref<1x1024x1024xf32, #tpu.memory_space<vmem>> -> memref<1024x1024xf32, #tpu.memory_space<vmem>>
      %dma_start3A_54 = arith.constant 0 : i32
      %dma_start3A_55 = arith.constant 0 : i32
      %dma_start3A_56 = tpu.memref_slice %arg8[%get3A_28, %dma_start3A_54, %dma_start3A_55] : memref<7x4096x1024xf32, #tpu.memory_space<hbm>> -> memref<1x1024x1024xf32, #tpu.memory_space<hbm>>
      %dma_start3A_57 = tpu.memref_squeeze %dma_start3A_56 : memref<1x1024x1024xf32, #tpu.memory_space<hbm>> -> memref<1024x1024xf32, #tpu.memory_space<hbm>>
      tpu.enqueue_dma source(%dma_start3A_57 : memref<1024x1024xf32, #tpu.memory_space<hbm>>) target(%dma_start3A_53 : memref<1024x1024xf32, #tpu.memory_space<vmem>>) target_semaphore(%dma_start3A_49 : memref<!tpu.dma_semaphore, #tpu.memory_space<semaphore_mem>>)
    } else {
    }
    %convert_element_type3A_19 = arith.extui %and3A : i1 to i32
    %cond3A_20 = arith.constant 0 : i32
    %cond3A_21 = arith.cmpi ne, %convert_element_type3A_19, %cond3A_20 : i32
    scf.if %cond3A_21 {
      %dma_wait3A = arith.constant 0 : i32
      %dma_wait3A_27 = tpu.memref_slice %arg17[%rem3A_5] : memref<2x!tpu.dma_semaphore, #tpu.memory_space<semaphore_mem>> -> memref<1x!tpu.dma_semaphore, #tpu.memory_space<semaphore_mem>>
      %dma_wait3A_28 = tpu.memref_squeeze %dma_wait3A_27 : memref<1x!tpu.dma_semaphore, #tpu.memory_space<semaphore_mem>> -> memref<!tpu.dma_semaphore, #tpu.memory_space<semaphore_mem>>
      %dma_wait3A_29 = arith.constant 0 : i32
      %dma_wait3A_30 = arith.constant 0 : i32
      %dma_wait3A_31 = tpu.memref_slice %arg13[%rem3A_5, %dma_wait3A_29, %dma_wait3A_30] : memref<2x1024x1024xf32, #tpu.memory_space<vmem>> -> memref<1x1024x1024xf32, #tpu.memory_space<vmem>>
      %dma_wait3A_32 = tpu.memref_squeeze %dma_wait3A_31 : memref<1x1024x1024xf32, #tpu.memory_space<vmem>> -> memref<1024x1024xf32, #tpu.memory_space<vmem>>
      %dma_wait3A_33 = arith.constant 0 : i32
      %dma_wait3A_34 = arith.constant 0 : i32
      %dma_wait3A_35 = tpu.memref_slice %arg6[%dma_wait3A, %dma_wait3A_33, %dma_wait3A_34] : memref<7x1024x4096xf32, #tpu.memory_space<hbm>> -> memref<1x1024x1024xf32, #tpu.memory_space<hbm>>
      %dma_wait3A_36 = tpu.memref_squeeze %dma_wait3A_35 : memref<1x1024x1024xf32, #tpu.memory_space<hbm>> -> memref<1024x1024xf32, #tpu.memory_space<hbm>>
      tpu.wait_dma2 semaphore(%dma_wait3A_28 : memref<!tpu.dma_semaphore, #tpu.memory_space<semaphore_mem>>) src(%dma_wait3A_36 : memref<1024x1024xf32, #tpu.memory_space<hbm>>) dst(%dma_wait3A_32 : memref<1024x1024xf32, #tpu.memory_space<vmem>>)
      %dma_wait3A_37 = arith.constant 0 : i32
      %dma_wait3A_38 = tpu.memref_slice %arg17[%rem3A_5] : memref<2x!tpu.dma_semaphore, #tpu.memory_space<semaphore_mem>> -> memref<1x!tpu.dma_semaphore, #tpu.memory_space<semaphore_mem>>
      %dma_wait3A_39 = tpu.memref_squeeze %dma_wait3A_38 : memref<1x!tpu.dma_semaphore, #tpu.memory_space<semaphore_mem>> -> memref<!tpu.dma_semaphore, #tpu.memory_space<semaphore_mem>>
      %dma_wait3A_40 = arith.constant 0 : i32
      %dma_wait3A_41 = arith.constant 0 : i32
      %dma_wait3A_42 = tpu.memref_slice %arg14[%rem3A_5, %dma_wait3A_40, %dma_wait3A_41] : memref<2x1024x1024xf32, #tpu.memory_space<vmem>> -> memref<1x1024x1024xf32, #tpu.memory_space<vmem>>
      %dma_wait3A_43 = tpu.memref_squeeze %dma_wait3A_42 : memref<1x1024x1024xf32, #tpu.memory_space<vmem>> -> memref<1024x1024xf32, #tpu.memory_space<vmem>>
      %dma_wait3A_44 = arith.constant 0 : i32
      %dma_wait3A_45 = arith.constant 0 : i32
      %dma_wait3A_46 = tpu.memref_slice %arg7[%dma_wait3A_37, %dma_wait3A_44, %dma_wait3A_45] : memref<7x1024x4096xf32, #tpu.memory_space<hbm>> -> memref<1x1024x1024xf32, #tpu.memory_space<hbm>>
      %dma_wait3A_47 = tpu.memref_squeeze %dma_wait3A_46 : memref<1x1024x1024xf32, #tpu.memory_space<hbm>> -> memref<1024x1024xf32, #tpu.memory_space<hbm>>
      tpu.wait_dma2 semaphore(%dma_wait3A_39 : memref<!tpu.dma_semaphore, #tpu.memory_space<semaphore_mem>>) src(%dma_wait3A_47 : memref<1024x1024xf32, #tpu.memory_space<hbm>>) dst(%dma_wait3A_43 : memref<1024x1024xf32, #tpu.memory_space<vmem>>)
      %dma_wait3A_48 = arith.constant 0 : i32
      %dma_wait3A_49 = tpu.memref_slice %arg17[%rem3A_5] : memref<2x!tpu.dma_semaphore, #tpu.memory_space<semaphore_mem>> -> memref<1x!tpu.dma_semaphore, #tpu.memory_space<semaphore_mem>>
      %dma_wait3A_50 = tpu.memref_squeeze %dma_wait3A_49 : memref<1x!tpu.dma_semaphore, #tpu.memory_space<semaphore_mem>> -> memref<!tpu.dma_semaphore, #tpu.memory_space<semaphore_mem>>
      %dma_wait3A_51 = arith.constant 0 : i32
      %dma_wait3A_52 = arith.constant 0 : i32
      %dma_wait3A_53 = tpu.memref_slice %arg15[%rem3A_5, %dma_wait3A_51, %dma_wait3A_52] : memref<2x1024x1024xf32, #tpu.memory_space<vmem>> -> memref<1x1024x1024xf32, #tpu.memory_space<vmem>>
      %dma_wait3A_54 = tpu.memref_squeeze %dma_wait3A_53 : memref<1x1024x1024xf32, #tpu.memory_space<vmem>> -> memref<1024x1024xf32, #tpu.memory_space<vmem>>
      %dma_wait3A_55 = arith.constant 0 : i32
      %dma_wait3A_56 = arith.constant 0 : i32
      %dma_wait3A_57 = tpu.memref_slice %arg8[%dma_wait3A_48, %dma_wait3A_55, %dma_wait3A_56] : memref<7x4096x1024xf32, #tpu.memory_space<hbm>> -> memref<1x1024x1024xf32, #tpu.memory_space<hbm>>
      %dma_wait3A_58 = tpu.memref_squeeze %dma_wait3A_57 : memref<1x1024x1024xf32, #tpu.memory_space<hbm>> -> memref<1024x1024xf32, #tpu.memory_space<hbm>>
      tpu.wait_dma2 semaphore(%dma_wait3A_50 : memref<!tpu.dma_semaphore, #tpu.memory_space<semaphore_mem>>) src(%dma_wait3A_58 : memref<1024x1024xf32, #tpu.memory_space<hbm>>) dst(%dma_wait3A_54 : memref<1024x1024xf32, #tpu.memory_space<vmem>>)
      %sub3A_59 = arith.constant 1 : i32
      %sub3A_60 = arith.subi %get3A_4, %sub3A_59 : i32
      %eq3A_61 = arith.cmpi eq, %get3A_2, %sub3A_60 : i32
      %eq3A_62 = arith.constant 3 : i32
      %eq3A_63 = arith.cmpi eq, %arg0, %eq3A_62 : i32
      %and3A_64 = arith.andi %eq3A_61, %eq3A_63 : i1
      %not3A = arith.constant true
      %not3A_65 = arith.xori %and3A_64, %not3A : i1
      %add3A_66 = arith.constant 1 : i32
      %add3A_67 = arith.addi %get3A_2, %add3A_66 : i32
      %jit3A = arith.constant 0 : i32
      %select_n3A = arith.select %eq3A_61, %jit3A, %add3A_67 : i32
      %add3A_68 = arith.constant 48 : i32
      %add3A_69 = arith.addi %add3A_68, %select_n3A : i32
      %get3A_70 = arith.index_cast %add3A_69 : i32 to index
      %get3A_71 = memref.load %arg3[%get3A_70] : memref<64xi32, #tpu.memory_space<smem>>
      %add3A_72 = arith.constant 1 : i32
      %add3A_73 = arith.addi %arg0, %add3A_72 : i32
      %select_n3A_74 = arith.select %eq3A_61, %add3A_73, %arg0 : i32
      %convert_element_type3A_75 = arith.extui %not3A_65 : i1 to i32
      %cond3A_76 = arith.constant 0 : i32
      %cond3A_77 = arith.cmpi ne, %convert_element_type3A_75, %cond3A_76 : i32
      scf.if %cond3A_77 {
        %add3A_78 = arith.constant 1 : i32
        %add3A_79 = arith.addi %rem3A_5, %add3A_78 : i32
        %rem3A_80 = arith.constant 2 : i32
        %rem3A_81 = arith.remsi %add3A_79, %rem3A_80 : i32
        %mul3A_82 = arith.constant 1024 : i32
        %mul3A_83 = arith.muli %select_n3A_74, %mul3A_82 : i32
        %dma_start3A = tpu.memref_slice %arg17[%rem3A_81] : memref<2x!tpu.dma_semaphore, #tpu.memory_space<semaphore_mem>> -> memref<1x!tpu.dma_semaphore, #tpu.memory_space<semaphore_mem>>
        %dma_start3A_84 = tpu.memref_squeeze %dma_start3A : memref<1x!tpu.dma_semaphore, #tpu.memory_space<semaphore_mem>> -> memref<!tpu.dma_semaphore, #tpu.memory_space<semaphore_mem>>
        %dma_start3A_85 = arith.constant 0 : i32
        %dma_start3A_86 = arith.constant 0 : i32
        %dma_start3A_87 = tpu.memref_slice %arg13[%rem3A_81, %dma_start3A_85, %dma_start3A_86] : memref<2x1024x1024xf32, #tpu.memory_space<vmem>> -> memref<1x1024x1024xf32, #tpu.memory_space<vmem>>
        %dma_start3A_88 = tpu.memref_squeeze %dma_start3A_87 : memref<1x1024x1024xf32, #tpu.memory_space<vmem>> -> memref<1024x1024xf32, #tpu.memory_space<vmem>>
        %dma_start3A_89 = arith.constant 0 : i32
        %dma_start3A_90 = tpu.memref_slice %arg6[%get3A_71, %dma_start3A_89, %mul3A_83] : memref<7x1024x4096xf32, #tpu.memory_space<hbm>> -> memref<1x1024x1024xf32, #tpu.memory_space<hbm>>
        %dma_start3A_91 = tpu.memref_squeeze %dma_start3A_90 : memref<1x1024x1024xf32, #tpu.memory_space<hbm>> -> memref<1024x1024xf32, #tpu.memory_space<hbm>>
        tpu.enqueue_dma source(%dma_start3A_91 : memref<1024x1024xf32, #tpu.memory_space<hbm>>) target(%dma_start3A_88 : memref<1024x1024xf32, #tpu.memory_space<vmem>>) target_semaphore(%dma_start3A_84 : memref<!tpu.dma_semaphore, #tpu.memory_space<semaphore_mem>>)
        %dma_start3A_92 = tpu.memref_slice %arg17[%rem3A_81] : memref<2x!tpu.dma_semaphore, #tpu.memory_space<semaphore_mem>> -> memref<1x!tpu.dma_semaphore, #tpu.memory_space<semaphore_mem>>
        %dma_start3A_93 = tpu.memref_squeeze %dma_start3A_92 : memref<1x!tpu.dma_semaphore, #tpu.memory_space<semaphore_mem>> -> memref<!tpu.dma_semaphore, #tpu.memory_space<semaphore_mem>>
        %dma_start3A_94 = arith.constant 0 : i32
        %dma_start3A_95 = arith.constant 0 : i32
        %dma_start3A_96 = tpu.memref_slice %arg14[%rem3A_81, %dma_start3A_94, %dma_start3A_95] : memref<2x1024x1024xf32, #tpu.memory_space<vmem>> -> memref<1x1024x1024xf32, #tpu.memory_space<vmem>>
        %dma_start3A_97 = tpu.memref_squeeze %dma_start3A_96 : memref<1x1024x1024xf32, #tpu.memory_space<vmem>> -> memref<1024x1024xf32, #tpu.memory_space<vmem>>
        %dma_start3A_98 = arith.constant 0 : i32
        %dma_start3A_99 = tpu.memref_slice %arg7[%get3A_71, %dma_start3A_98, %mul3A_83] : memref<7x1024x4096xf32, #tpu.memory_space<hbm>> -> memref<1x1024x1024xf32, #tpu.memory_space<hbm>>
        %dma_start3A_100 = tpu.memref_squeeze %dma_start3A_99 : memref<1x1024x1024xf32, #tpu.memory_space<hbm>> -> memref<1024x1024xf32, #tpu.memory_space<hbm>>
        tpu.enqueue_dma source(%dma_start3A_100 : memref<1024x1024xf32, #tpu.memory_space<hbm>>) target(%dma_start3A_97 : memref<1024x1024xf32, #tpu.memory_space<vmem>>) target_semaphore(%dma_start3A_93 : memref<!tpu.dma_semaphore, #tpu.memory_space<semaphore_mem>>)
        %dma_start3A_101 = tpu.memref_slice %arg17[%rem3A_81] : memref<2x!tpu.dma_semaphore, #tpu.memory_space<semaphore_mem>> -> memref<1x!tpu.dma_semaphore, #tpu.memory_space<semaphore_mem>>
        %dma_start3A_102 = tpu.memref_squeeze %dma_start3A_101 : memref<1x!tpu.dma_semaphore, #tpu.memory_space<semaphore_mem>> -> memref<!tpu.dma_semaphore, #tpu.memory_space<semaphore_mem>>
        %dma_start3A_103 = arith.constant 0 : i32
        %dma_start3A_104 = arith.constant 0 : i32
        %dma_start3A_105 = tpu.memref_slice %arg15[%rem3A_81, %dma_start3A_103, %dma_start3A_104] : memref<2x1024x1024xf32, #tpu.memory_space<vmem>> -> memref<1x1024x1024xf32, #tpu.memory_space<vmem>>
        %dma_start3A_106 = tpu.memref_squeeze %dma_start3A_105 : memref<1x1024x1024xf32, #tpu.memory_space<vmem>> -> memref<1024x1024xf32, #tpu.memory_space<vmem>>
        %dma_start3A_107 = arith.constant 0 : i32
        %dma_start3A_108 = tpu.memref_slice %arg8[%get3A_71, %mul3A_83, %dma_start3A_107] : memref<7x4096x1024xf32, #tpu.memory_space<hbm>> -> memref<1x1024x1024xf32, #tpu.memory_space<hbm>>
        %dma_start3A_109 = tpu.memref_squeeze %dma_start3A_108 : memref<1x1024x1024xf32, #tpu.memory_space<hbm>> -> memref<1024x1024xf32, #tpu.memory_space<hbm>>
        tpu.enqueue_dma source(%dma_start3A_109 : memref<1024x1024xf32, #tpu.memory_space<hbm>>) target(%dma_start3A_106 : memref<1024x1024xf32, #tpu.memory_space<vmem>>) target_semaphore(%dma_start3A_102 : memref<!tpu.dma_semaphore, #tpu.memory_space<semaphore_mem>>)
      } else {
      }
    } else {
    }
    %ge3A_22 = arith.constant 0 : i32
    %ge3A_23 = arith.cmpi sge, %get3A_0, %ge3A_22 : i32
    %convert_element_type3A_24 = arith.extui %ge3A_23 : i1 to i32
    %cond3A_25 = arith.constant 0 : i32
    %cond3A_26 = arith.cmpi ne, %convert_element_type3A_24, %cond3A_25 : i32
    scf.if %cond3A_26 {
      %get3A_27 = arith.constant 0 : index
      %get3A_28 = arith.constant 0 : index
      %get3A_29 = vector.load %arg4[%get3A_27, %get3A_28] : memref<128x1024xf32, #tpu.memory_space<vmem>>, vector<128x1024xf32>
      %get3A_30 = arith.index_cast %rem3A_5 : i32 to index
      %get3A_31 = arith.constant 0 : index
      %get3A_32 = arith.constant 0 : index
      %get3A_33 = vector.load %arg13[%get3A_30, %get3A_31, %get3A_32] : memref<2x1024x1024xf32, #tpu.memory_space<vmem>>, vector<1x1024x1024xf32>
      %get3A_34 = vector.shape_cast %get3A_33 : vector<1x1024x1024xf32> to vector<1024x1024xf32>
      %dot_general3A = arith.constant dense<0.000000e+00> : vector<128x1024xf32>
      %dot_general3A_35 = tpu.matmul %get3A_29, %get3A_34, %dot_general3A {dimension_numbers = #tpu.dot_dimension_numbers<[1], [0], [0], [1], [0, 0, 1, 1], [], []>, transpose_lhs_hint = false} : vector<128x1024xf32>, vector<1024x1024xf32>, vector<128x1024xf32> -> vector<128x1024xf32>
      %get3A_36 = arith.index_cast %rem3A_5 : i32 to index
      %get3A_37 = arith.constant 0 : index
      %get3A_38 = arith.constant 0 : index
      %get3A_39 = vector.load %arg14[%get3A_36, %get3A_37, %get3A_38] : memref<2x1024x1024xf32, #tpu.memory_space<vmem>>, vector<1x1024x1024xf32>
      %get3A_40 = vector.shape_cast %get3A_39 : vector<1x1024x1024xf32> to vector<1024x1024xf32>
      %dot_general3A_41 = arith.constant dense<0.000000e+00> : vector<128x1024xf32>
      %dot_general3A_42 = tpu.matmul %get3A_29, %get3A_40, %dot_general3A_41 {dimension_numbers = #tpu.dot_dimension_numbers<[1], [0], [0], [1], [0, 0, 1, 1], [], []>, transpose_lhs_hint = false} : vector<128x1024xf32>, vector<1024x1024xf32>, vector<128x1024xf32> -> vector<128x1024xf32>
      %logistic3A = arith.negf %dot_general3A_42 : vector<128x1024xf32>
      %logistic3A_43 = math.exp %logistic3A : vector<128x1024xf32>
      %logistic3A_44 = arith.constant 1.000000e+00 : f32
      %logistic3A_45 = vector.broadcast %logistic3A_44 : f32 to vector<128x1024xf32>
      %logistic3A_46 = arith.addf %logistic3A_45, %logistic3A_43 : vector<128x1024xf32>
      %logistic3A_47 = arith.divf %logistic3A_45, %logistic3A_46 : vector<128x1024xf32>
      %mul3A_48 = arith.mulf %dot_general3A_42, %logistic3A_47 : vector<128x1024xf32>
      %mul3A_49 = arith.mulf %dot_general3A_35, %mul3A_48 : vector<128x1024xf32>
      %get3A_50 = arith.index_cast %rem3A_5 : i32 to index
      %get3A_51 = arith.constant 0 : index
      %get3A_52 = arith.constant 0 : index
      %get3A_53 = vector.load %arg15[%get3A_50, %get3A_51, %get3A_52] : memref<2x1024x1024xf32, #tpu.memory_space<vmem>>, vector<1x1024x1024xf32>
      %get3A_54 = vector.shape_cast %get3A_53 : vector<1x1024x1024xf32> to vector<1024x1024xf32>
      %dot_general3A_55 = arith.constant dense<0.000000e+00> : vector<128x1024xf32>
      %dot_general3A_56 = tpu.matmul %mul3A_49, %get3A_54, %dot_general3A_55 {dimension_numbers = #tpu.dot_dimension_numbers<[1], [0], [0], [1], [0, 0, 1, 1], [], []>, transpose_lhs_hint = false} : vector<128x1024xf32>, vector<1024x1024xf32>, vector<128x1024xf32> -> vector<128x1024xf32>
      %get3A_57 = arith.constant 0 : index
      %get3A_58 = arith.constant 0 : index
      %get3A_59 = vector.load %arg9[%get3A_57, %get3A_58] : memref<1024x1024xf32, #tpu.memory_space<vmem>>, vector<1024x1024xf32>
      %dot_general3A_60 = arith.constant dense<0.000000e+00> : vector<128x1024xf32>
      %dot_general3A_61 = tpu.matmul %get3A_29, %get3A_59, %dot_general3A_60 {dimension_numbers = #tpu.dot_dimension_numbers<[1], [0], [0], [1], [0, 0, 1, 1], [], []>, transpose_lhs_hint = false} : vector<128x1024xf32>, vector<1024x1024xf32>, vector<128x1024xf32> -> vector<128x1024xf32>
      %get3A_62 = arith.constant 0 : index
      %get3A_63 = arith.constant 0 : index
      %get3A_64 = vector.load %arg10[%get3A_62, %get3A_63] : memref<1024x1024xf32, #tpu.memory_space<vmem>>, vector<1024x1024xf32>
      %dot_general3A_65 = arith.constant dense<0.000000e+00> : vector<128x1024xf32>
      %dot_general3A_66 = tpu.matmul %get3A_29, %get3A_64, %dot_general3A_65 {dimension_numbers = #tpu.dot_dimension_numbers<[1], [0], [0], [1], [0, 0, 1, 1], [], []>, transpose_lhs_hint = false} : vector<128x1024xf32>, vector<1024x1024xf32>, vector<128x1024xf32> -> vector<128x1024xf32>
      %logistic3A_67 = arith.negf %dot_general3A_66 : vector<128x1024xf32>
      %logistic3A_68 = math.exp %logistic3A_67 : vector<128x1024xf32>
      %logistic3A_69 = arith.constant 1.000000e+00 : f32
      %logistic3A_70 = vector.broadcast %logistic3A_69 : f32 to vector<128x1024xf32>
      %logistic3A_71 = arith.addf %logistic3A_70, %logistic3A_68 : vector<128x1024xf32>
      %logistic3A_72 = arith.divf %logistic3A_70, %logistic3A_71 : vector<128x1024xf32>
      %mul3A_73 = arith.mulf %dot_general3A_66, %logistic3A_72 : vector<128x1024xf32>
      %mul3A_74 = arith.mulf %dot_general3A_61, %mul3A_73 : vector<128x1024xf32>
      %get3A_75 = arith.constant 0 : index
      %get3A_76 = arith.constant 0 : index
      %get3A_77 = vector.load %arg11[%get3A_75, %get3A_76] : memref<1024x1024xf32, #tpu.memory_space<vmem>>, vector<1024x1024xf32>
      %dot_general3A_78 = arith.constant dense<0.000000e+00> : vector<128x1024xf32>
      %dot_general3A_79 = tpu.matmul %mul3A_74, %get3A_77, %dot_general3A_78 {dimension_numbers = #tpu.dot_dimension_numbers<[1], [0], [0], [1], [0, 0, 1, 1], [], []>, transpose_lhs_hint = false} : vector<128x1024xf32>, vector<1024x1024xf32>, vector<128x1024xf32> -> vector<128x1024xf32>
      %get3A_80 = arith.constant 0 : index
      %get3A_81 = arith.constant 0 : index
      %get3A_82 = vector.load %arg5[%get3A_80, %get3A_81] : memref<128x128xf32, #tpu.memory_space<vmem>>, vector<128x1xf32>
      %mul3A_83 = vector.broadcast %get3A_82 : vector<128x1xf32> to vector<128x1024xf32>
      %mul3A_84 = arith.mulf %mul3A_83, %dot_general3A_56 : vector<128x1024xf32>
      %add3A_85 = arith.addf %mul3A_84, %dot_general3A_79 : vector<128x1024xf32>
      %mul3A_86 = arith.constant 128 : i32
      %mul3A_87 = arith.muli %arg1, %mul3A_86 : i32
      %eq3A_88 = arith.constant 0 : i32
      %eq3A_89 = arith.cmpi eq, %arg0, %eq3A_88 : i32
      %convert_element_type3A_90 = arith.extui %eq3A_89 : i1 to i32
      %cond3A_91 = arith.constant 0 : i32
      %cond3A_92 = arith.cmpi ne, %convert_element_type3A_90, %cond3A_91 : i32
      scf.if %cond3A_92 {
        %convert_element_type3A_104 = arith.truncf %add3A_85 : vector<128x1024xf32> to vector<128x1024xbf16>
        %swap3A = arith.index_cast %mul3A_87 : i32 to index
        %swap3A_105 = arith.constant 0 : index
        %swap3A_106 = vector.load %arg16[%swap3A, %swap3A_105] : memref<4864x1024xbf16, #tpu.memory_space<vmem>>, vector<128x1024xbf16>
        tpu.vector_store %arg16[%swap3A, %swap3A_105], %convert_element_type3A_104 {strides = array<i32>} : memref<4864x1024xbf16, #tpu.memory_space<vmem>>, vector<128x1024xbf16>,
      } else {
      }
      %gt3A = arith.constant 0 : i32
      %gt3A_93 = arith.cmpi sgt, %arg0, %gt3A : i32
      %lt3A = arith.constant 3 : i32
      %lt3A_94 = arith.cmpi slt, %arg0, %lt3A : i32
      %and3A_95 = arith.andi %gt3A_93, %lt3A_94 : i1
      %convert_element_type3A_96 = arith.extui %and3A_95 : i1 to i32
      %cond3A_97 = arith.constant 0 : i32
      %cond3A_98 = arith.cmpi ne, %convert_element_type3A_96, %cond3A_97 : i32
      scf.if %cond3A_98 {
        %get3A_104 = arith.index_cast %mul3A_87 : i32 to index
        %get3A_105 = arith.constant 0 : index
        %get3A_106 = vector.load %arg16[%get3A_104, %get3A_105] : memref<4864x1024xbf16, #tpu.memory_space<vmem>>, vector<128x1024xbf16>
        %convert_element_type3A_107 = arith.extf %get3A_106 : vector<128x1024xbf16> to vector<128x1024xf32>
        %add3A_108 = arith.addf %convert_element_type3A_107, %add3A_85 : vector<128x1024xf32>
        %convert_element_type3A_109 = arith.truncf %add3A_108 : vector<128x1024xf32> to vector<128x1024xbf16>
        %swap3A = arith.index_cast %mul3A_87 : i32 to index
        %swap3A_110 = arith.constant 0 : index
        %swap3A_111 = vector.load %arg16[%swap3A, %swap3A_110] : memref<4864x1024xbf16, #tpu.memory_space<vmem>>, vector<128x1024xbf16>
        tpu.vector_store %arg16[%swap3A, %swap3A_110], %convert_element_type3A_109 {strides = array<i32>} : memref<4864x1024xbf16, #tpu.memory_space<vmem>>, vector<128x1024xbf16>,
      } else {
      }
      %eq3A_99 = arith.constant 3 : i32
      %eq3A_100 = arith.cmpi eq, %arg0, %eq3A_99 : i32
      %convert_element_type3A_101 = arith.extui %eq3A_100 : i1 to i32
      %cond3A_102 = arith.constant 0 : i32
      %cond3A_103 = arith.cmpi ne, %convert_element_type3A_101, %cond3A_102 : i32
      scf.if %cond3A_103 {
        %get3A_104 = arith.index_cast %mul3A_87 : i32 to index
        %get3A_105 = arith.constant 0 : index
        %get3A_106 = vector.load %arg16[%get3A_104, %get3A_105] : memref<4864x1024xbf16, #tpu.memory_space<vmem>>, vector<128x1024xbf16>
        %convert_element_type3A_107 = arith.extf %get3A_106 : vector<128x1024xbf16> to vector<128x1024xf32>
        %add3A_108 = arith.addf %convert_element_type3A_107, %add3A_85 : vector<128x1024xf32>
        %swap3A = arith.constant 0 : index
        %swap3A_109 = arith.constant 0 : index
        %swap3A_110 = vector.load %arg12[%swap3A, %swap3A_109] : memref<128x1024xf32, #tpu.memory_space<vmem>>, vector<128x1024xf32>
        tpu.vector_store %arg12[%swap3A, %swap3A_109], %add3A_108 {strides = array<i32>} : memref<128x1024xf32, #tpu.memory_space<vmem>>, vector<128x1024xf32>,
      } else {
      }
    } else {
    }
    return
  }
  func.func @transform_0(%arg0: i32, %arg1: i32, %arg2: memref<48xi32, #tpu.memory_space<smem>>, %arg3: memref<64xi32, #tpu.memory_space<smem>>) -> (i32, i32) {
    %c0_i32 = arith.constant 0 : i32
    %c0_i32_0 = arith.constant 0 : i32
    return %arg1, %c0_i32 : i32, i32
  }
  func.func @transform_1(%arg0: i32, %arg1: i32, %arg2: memref<48xi32, #tpu.memory_space<smem>>, %arg3: memref<64xi32, #tpu.memory_space<smem>>) -> (i32, i32) {
    %c0_i32 = arith.constant 0 : i32
    %c0_i32_0 = arith.constant 0 : i32
    return %arg1, %c0_i32 : i32, i32
  }
  func.func @transform_5(%arg0: i32, %arg1: i32, %arg2: memref<48xi32, #tpu.memory_space<smem>>, %arg3: memref<64xi32, #tpu.memory_space<smem>>) -> (i32, i32) {
    %c0_i32 = arith.constant 0 : i32
    %c0_i32_0 = arith.constant 0 : i32
    return %c0_i32, %arg0 : i32, i32
  }
  func.func @transform_6(%arg0: i32, %arg1: i32, %arg2: memref<48xi32, #tpu.memory_space<smem>>, %arg3: memref<64xi32, #tpu.memory_space<smem>>) -> (i32, i32) {
    %c0_i32 = arith.constant 0 : i32
    %c0_i32_0 = arith.constant 0 : i32
    return %c0_i32, %arg0 : i32, i32
  }
  func.func @transform_7(%arg0: i32, %arg1: i32, %arg2: memref<48xi32, #tpu.memory_space<smem>>, %arg3: memref<64xi32, #tpu.memory_space<smem>>) -> (i32, i32) {
    %c0_i32 = arith.constant 0 : i32
    %c0_i32_0 = arith.constant 0 : i32
    return %arg0, %c0_i32 : i32, i32
  }
  func.func @transform_8(%arg0: i32, %arg1: i32, %arg2: memref<48xi32, #tpu.memory_space<smem>>, %arg3: memref<64xi32, #tpu.memory_space<smem>>) -> (i32, i32) {
    %c0_i32 = arith.constant 0 : i32
    %c0_i32_0 = arith.constant 0 : i32
    return %arg1, %c0_i32 : i32, i32
  }
}

</mosaic_0001>

<sc_bundles>
// kernel: kernel.6.cloned.1.call-start
scs
__scs_entry_jumppad:
0x0: {  	(pc) =	sbr.rel $0x88, $3  }
0x1: {  	(tag) =	ssettag $0x0;
	lr =	simm.s32 $0x1  }
0x2: {  	[smem:$0x3F99] =	sst lr;
	_ =	strace $0xD0000000  }
0x3: {  	_ = 	snop  }
0x4: {  	_ = 	snop  }
0x5: {  	_ = 	snop  }
0x6: {  	_ = 	snop  }
0x7: {  	_ = 	snop  }
__scs_overlays_trampoline_lowered:
0x8: {  	[smem:$0x3FA8] =	sst s0  }
0x9: {  	[smem:$0x3FA9] =	sst s1  }
0xa: {  	[smem:$0x3FAA] =	sst s2  }
0xb: {  	[smem:$0x3FAB] =	sst s3  }
0xc: {  	[smem:$0x3FAC] =	sst s4  }
0xd: {  	[smem:$0x3FAD] =	sst s5  }
0xe: {  	[smem:$0x3FAE] =	sst s6  }
0xf: {  	[smem:$0x3FAF] =	sst s7  }
0x10: {  	[smem:$0x3FB0] =	sst s8  }
0x11: {  	[smem:$0x3FB1] =	sst s9;
	s0 =	simm.s32 @!p0 $0x0  }
0x12: {  	s1 =	sld [smem:$0x3F97];
	s0 =	simm.s32 @p0 $0x1  }
0x13: {  	[smem:$0x3FB2] =	sst s0;
	s0 =	simm.s32 @!p1 $0x0  }
0x14: {  	s2 =	sld [smem:$0x3F96];
	s0 =	simm.s32 @p1 $0x1  }
0x15: {  	[smem:$0x3FB3] =	sst s0;
	s0 =	simm.s32 @!p2 $0x0  }
0x16: {  	s3 =	sld [smem:$0x3FDB];
	s0 =	simm.s32 @p2 $0x1  }
0x17: {  	s4 =	simm.s32 $0x1BF5;
	[smem:$0x3FB5] =	sst s0  }
0x18: {  	s0 =	sld [smem:$0x3F98];
	_ =	swait.ge [sflag:s4], $0x0  }
0x19: {  	s7 =	sld [smem:$0x3F99]  }
0x1a: {  	s8 =	sadd.s32 $0xFFFFE003, lr  }
0x1b: {  	s9 =	sadd.s32 $0xFFFFFEF7, lr;
	s5 =	simm.s32 $0xFFFFFFFF;
	p2 =	slt.u32 s8, $0xFFFFF086  }
0x1c: {  	p1 =	slt.u32 s9, $0xF7A;
	s5 =	simm.s32 @!p2 $0x0  }
0x1d: {  	s5 =	simm.s32 @p1 $0x1;
	p0 =	seq.s32 s7, s2  }
0x1e: {  	s7 =	smul.u32 @!p0 $0xF7A, s2;
	p2 =	seq.s32 @!p0 s5, $0x0  }
0x1f: {  	s9 =	smul.u32 $0xF7A, s1;
	s8 =	simm.s32 @!p0 $0x1BF5;
	p2 =	por !p2, p0  }
0x20: {  	[sflag:s8] =	ssyncset.s32 @!p0 $0xFFFFF086;
	s6 =	sadd.s32 @!p0 s3, s7;
	s7 =	simm.s32 @!p0 $0x108  }
0x21: {  	s3 =	sadd.s32 s3, s9;
	s6 =	sadd.s32 @!p0 $0x88, s6;
	s7 =	simm.s32 @p2 $0x1082  }
0x22: {  	[simem:s7], [sflag:s8] =	dma.local @!p0 [hbm:s6], $0xF7A  }
0x23: {  	s9 =	sor.u32 $0xD0000000, s2;
	s6 =	simm.s32 $0x108;
	_ =	swait.ge @!p0 [sflag:s8], $0x0  }
0x24: {  	s3 =	sadd.s32 $0x88, s3;
	s6 =	simm.s32 @!p1 $0x1082;
	[sflag:s4] =	ssyncset.s32 $0xFFFFF086  }
0x25: {  	[simem:s6], [sflag:s4] =	dma.local [hbm:s3], $0xF7A  }
0x26: {  	[smem:$0x3F99] =	sst s1;
	(tag) =	ssettag s2;
	_ =	strace s9  }
0x27: {  	s1 =	sld [smem:$0x3FA9]  }
0x28: {  	s2 =	sld [smem:$0x3FAA]  }
0x29: {  	s4 =	sld [smem:$0x3FAC]  }
0x2a: {  	p0 =	seq.s32 s5, $0x0;
	s5 =	sld [smem:$0x3FAD]  }
0x2b: {  	s6 =	sld [smem:$0x3FAE]  }
0x2c: {  	s7 =	sld [smem:$0x3FAF]  }
0x2d: {  	s3 =	simm.s32 $0x108;
	s8 =	sld [smem:$0x3FB0]  }
0x2e: {  	s3 =	simm.s32 @!p0 $0x1082;
	s9 =	sld [smem:$0x3FB1]  }
0x2f: {  	lr =	sadd.s32 s0, s3;
	s0 =	sld [smem:$0x3FA8]  }
0x30: {  	s3 =	sld [smem:$0x3FAB]  }
0x31: {  	[smem:$0x3FB4] =	sst s10  }
0x32: {  	s10 =	sld [smem:$0x3FB2];
	_ =	sdelay $0x3  }
0x33: {  	p0 =	seq.s32 s10, $0x1;
	s10 =	sld [smem:$0x3FB4];
	_ =	sdelay $0x3  }
0x34: {  	[smem:$0x3FB4] =	sst s10  }
0x35: {  	s10 =	sld [smem:$0x3FB3];
	_ =	sdelay $0x3  }
0x36: {  	p1 =	seq.s32 s10, $0x1;
	s10 =	sld [smem:$0x3FB4];
	_ =	sdelay $0x3  }
0x37: {  	[smem:$0x3FB4] =	sst s10  }
0x38: {  	s10 =	sld [smem:$0x3FB5]  }
0x39: {  	_ = 	snop;
	(pc) =	sbr.ind lr, $3  }
0x3a: {  	_ = 	snop  }
0x3b: {  	_ = 	snop  }
0x3c: {  	p2 =	seq.s32 s10, $0x1;
	s10 =	sld [smem:$0x3FB4]  }
0x3d: {  	_ =	shalt  }
0x3e: {  	_ =	shalt  }
0x3f: {  	_ =	shalt  }
0x40: {  	_ =	shalt  }
0x41: {  	_ =	shalt  }
0x42: {  	_ =	shalt  }
0x43: {  	_ =	shalt  }
0x44: {  	_ =	shalt  }
0x45: {  	_ =	shalt  }
0x46: {  	_ =	shalt  }
0x47: {  	_ =	shalt  }
0x48: {  	_ =	shalt  }
0x49: {  	_ =	shalt  }
0x4a: {  	_ =	shalt  }
0x4b: {  	_ =	shalt  }
0x4c: {  	_ =	shalt  }
0x4d: {  	_ =	shalt  }
0x4e: {  	_ =	shalt  }
0x4f: {  	_ =	shalt  }
0x50: {  	_ =	shalt  }
0x51: {  	_ =	shalt  }
0x52: {  	_ =	shalt  }
0x53: {  	_ =	shalt  }
0x54: {  	_ =	shalt  }
0x55: {  	_ =	shalt  }
0x56: {  	_ =	shalt  }
0x57: {  	_ =	shalt  }
0x58: {  	_ =	shalt  }
0x59: {  	_ =	shalt  }
0x5a: {  	_ =	shalt  }
0x5b: {  	_ =	shalt  }
0x5c: {  	_ =	shalt  }
0x5d: {  	_ =	shalt  }
0x5e: {  	_ =	shalt  }
0x5f: {  	_ =	shalt  }
0x60: {  	_ =	shalt  }
0x61: {  	_ =	shalt  }
0x62: {  	_ =	shalt  }
0x63: {  	_ =	shalt  }
0x64: {  	_ =	shalt  }
0x65: {  	_ =	shalt  }
0x66: {  	_ =	shalt  }
0x67: {  	_ =	shalt  }
0x68: {  	_ =	shalt  }
0x69: {  	_ =	shalt  }
0x6a: {  	_ =	shalt  }
0x6b: {  	_ =	shalt  }
0x6c: {  	_ =	shalt  }
0x6d: {  	_ =	shalt  }
0x6e: {  	_ =	shalt  }
0x6f: {  	_ =	shalt  }
0x70: {  	_ =	shalt  }
0x71: {  	_ =	shalt  }
0x72: {  	_ =	shalt  }
0x73: {  	_ =	shalt  }
0x74: {  	_ =	shalt  }
0x75: {  	_ =	shalt  }
0x76: {  	_ =	shalt  }
0x77: {  	_ =	shalt  }
0x78: {  	_ =	shalt  }
0x79: {  	_ =	shalt  }
0x7a: {  	_ =	shalt  }
0x7b: {  	_ =	shalt  }
0x7c: {  	_ =	shalt  }
0x7d: {  	_ =	shalt  }
0x7e: {  	_ =	shalt  }
0x7f: {  	_ =	shalt  }
0x80: {  	_ =	shalt  }
0x81: {  	_ =	shalt  }
0x82: {  	_ =	shalt  }
0x83: {  	_ =	shalt  }
0x84: {  	_ =	shalt  }
0x85: {  	_ =	shalt  }
0x86: {  	_ =	shalt  }
0x87: {  	_ =	shalt  }
.Lfunc_end0:
.L_simem_size_0:
called_computation_lowered:
.L_overlay_start_0:
0x88: {  	s2 =	sld [smem:$0x3FD9]  }
0x89: {  	s3 =	sld [smem:$0x3FFE];
	_ =	sdelay $0x1  }
0x8a: {  	s1 =	srdreg.scid  }
0x8b: {  	s0 =	sand.u32 $0x1, s1  }
0x8c: {  	s17 =	sshll.u32 s0, $0xA;
	s2 =	sadd.s32 s3, s2  }
0x8d: {  	s2 =	sadd.s32 s2, s17  }
0x8e: {  	[smem:$0x3FC0] =	sst s2  }
0x8f: {  	_ = 	snop  }
0x90: {  	s2 =	sld [smem:$0x3FC9]  }
0x91: {  	s18 =	sld [smem:$0x3FD0];
	(tm) =	ssettm $0x1  }
0x92: {  	s4 =	sld [smem:$0x3FFB];
	_ =	sdelay $0x3  }
0x93: {  	_ =	strace s4  }
0x94: {  	s4 =	sld [smem:$0x3FFC];
	_ =	sdelay $0x3  }
0x95: {  	_ =	strace s4  }
0x96: {  	s4 =	sld [smem:$0x3FFD];
	_ =	sdelay $0x3  }
0x97: {  	_ =	strace s4  }
0x98: {  	_ =	strace $0x8FFFFFFF  }
0x99: {  	s19 =	sld [smem:$0x3FDB];
	_ =	sdelay $0x1  }
0x9a: {  	s5 =	simm.s32 $_scs_section_size  }
0x9b: {  	s6 =	simm.s32 $_size__tile_overlayer_lowered;
	s7 =	simm.s32 $_tile_overlayer_lowered  }
0x9c: {  	s22 =	simm.s32 $0x1BFF;
	s21 =	sshll.u32 s7, $0x1;
	s4 =	sadd.s32 s5, s19  }
0x9d: {  	s8 =	simm.s32 $0x0;
	s20 =	sshll.u32 s6, $0x1;
	s6 =	sadd.s32 s21, s4  }
0x9e: {  	[timem:s8], [sflag:s22] =	dma.local [hbm:s6], s20  }
0x9f: {  	_ =	swait.ge [sflag:s22], s20  }
0xa0: {  	s5 =	ssub.s32 $0x0, s20;
	[sflag:s22] =	ssyncset.done $0x0  }
0xa1: {  	[sflag:s22] =	ssyncadd.s32 s5;
	_ =	sdelay $0x1  }
0xa2: {  	s23 =	simm.s32 $0x1B8B  }
0xa3: {  	_ =	swait.ge [sflag:s23], $0x1  }
0xa4: {  	[sflag:s23] =	ssyncset.done $0x0  }
0xa5: {  	s25 =	simm.s32 $0x1B8E;
	s24 =	sld [smem:$0x3FFE];
	[sflag:s23] =	ssyncadd.s32 $0xFFFFFFFF  }
0xa6: {  	s26 =	simm.s32 $execute0_lowered;
	[smem:$0x3FD2] =	sst s25  }
0xa7: {  	s6 =	sshll.u32 s26, $0x1;
	_ =	strace $0x80000046;
	[dreg:$0x1] =	wrdreg $0xFFFFFFFF  }
0xa8: {  	s28 =	simm.s32 $_size_execute0_lowered;
	s4 =	sadd.s32 s4, s6;
	[dreg:$0x0] =	wrdreg $0x0  }
0xa9: {  	s6 =	sshll.u32 s28, $0x1;
	[dreg:$0x2] =	wrdreg s4  }
0xaa: {  	[dreg:$0x3] =	wrdreg s6  }
0xab: {  	[dreg:$0x4] =	wrdreg $0xC0  }
0xac: {  	_ =	task [dreg:s8], $0x5FFFF  }
0xad: {  	[dreg:$0x1] =	wrdreg $0xFFFFFFFF  }
0xae: {  	[dreg:$0x0] =	wrdreg $0x60  }
0xaf: {  	[dreg:$0x2] =	wrdreg s24  }
0xb0: {  	[dreg:$0x3] =	wrdreg s2  }
0xb1: {  	[dreg:$0x4] =	wrdreg s18  }
0xb2: {  	[dreg:$0x5] =	wrdreg $0x9  }
0xb3: {  	_ =	task.clear_ibuf [dreg:s8], $0x6FFFF;
	_ =	strace $0x90000046  }
0xb4: {  	s29 =	simm.s32 $0x9;
	_ =	strace $0x80000048  }
0xb5: {  	_ =	swait.ge [sflag:s29], $0x1  }
0xb6: {  	[sflag:s29] =	ssyncadd.s32 $0xFFFFFFFF  }
0xb7: {  	_ =	strace $0x90000048  }
0xb8: {  	_ =	sfence  }
0xb9: {  	s30 =	sld [smem:$0x0];
	_ =	sdelay $0x2  }
0xba: {  	s31 =	sshll.u32 s1, $0xD;
	s1 =	sshrl.u32 s1, $0x2  }
0xbb: {  	s3 =	sand.u32 $0x4000, s31;
	s1 =	sadd.s32 s1, s30  }
0xbc: {  	s0 =	sor.u32 s3, s0;
	s1 =	sshll.u32 s1, $0x11  }
0xbd: {  	s0 =	sor.u32 s1, s0  }
0xbe: {  	s0 =	sadd.s32 $0x8F2B, s0  }
0xbf: {  	[sflag:s0] =	ssyncadd.remote.s32 $0x1  }
0xc0: {  	_ =	sfence.sel $0xFFFF  }
0xc1: {  	[dreg:$0x0] =	wrdreg $0xFFFFFFFF;
	(pc) =	sbr.abs _section_cstart, $3  }
0xc2: {  	[dreg:$0x1] =	wrdreg $0xFFFFFFFF  }
0xc3: {  	_ =	task.clear_ibuf [dreg:s8], $0x2FFFF;
	_ =	strace $0x9FFFFFFF  }
0xc4: {  	(tm) =	ssettm $0x7FFFFFFF  }
0xc5: {  	_ =	shalt  }
tec
execute0_lowered:
.L_overlay_start_1:
0x0: {  	(tag) =	ssettag $0x1  }
0x1: {  	s1 =	rddreg [dreg:$0x0]  }
0x2: {  	s3 =	rddreg [dreg:$0x1];
	s2 =	simm.s32 $0x0;
	s0 =	srdreg.scid  }
0x3: {  	s12 =	stileid.u32;
	[smem:$0x7FF] =	sst s2  }
0x4: {  	s4 =	sadd.s32 $0x1800, s1;
	s5 =	sand.u32 $0x1, s0;
	s17 =	sshll.u32 s12, $0x1  }
0x5: {  	s18 =	sadd.s32 $0x1A00, s1;
	s19 =	sadd.s32 $0x1C00, s1;
	s0 =	sor.u32 s5, s17  }
0x6: {  	_ =	strace $0x80000047;
	[dreg:$0x4] =	wrdreg s4;
	s6 =	sshll.u32 s0, $0x4  }
0x7: {  	s4 =	sadd.s32 $0x1E00, s1;
	s5 =	ssub.s32 $0x2, s5;
	s6 =	sadd.s32 s6, s1  }
0x8: {  	s8 =	sshrl.u32 s5, $0x1;
	p0 =	seq.s32 s0, $0x1F;
	s7 =	sadd.s32 $0x1600, s6  }
0x9: {  	s20 =	sadd.s32 $0x1400, s6;
	s6 =	sadd.s32 $0x99E00, s6;
	[dreg:$0x7] =	wrdreg s7  }
0xa: {  	s9 =	ssub.s32 s5, s8;
	s8 =	sadd.s32 $0x2100, s1;
	[dreg:$0x9] =	wrdreg s6  }
0xb: {  	s6 =	sadd.s32 $0x1F00, s1;
	s7 =	sadd.s32 $0x2000, s1;
	s1 =	simm.s32 @!p0 $0x0  }
0xc: {  	s1 =	simm.s32 @p0 $0x1;
	p0 =	sgt.u32 s0, $0x1C  }
0xd: {  	[smem:$0x7E4] =	sst s1;
	s1 =	simm.s32 @!p0 $0x0  }
0xe: {  	s1 =	simm.s32 @p0 $0x1;
	p0 =	sgt.u32 s0, $0x1A  }
0xf: {  	[smem:$0x7E5] =	sst s1;
	s1 =	simm.s32 @!p0 $0x0  }
0x10: {  	s1 =	simm.s32 @p0 $0x1;
	p0 =	sgt.u32 s0, $0x18  }
0x11: {  	[smem:$0x7E6] =	sst s1;
	s1 =	simm.s32 @!p0 $0x0  }
0x12: {  	s1 =	simm.s32 @p0 $0x1;
	p0 =	sgt.u32 s0, $0x16  }
0x13: {  	[smem:$0x7E7] =	sst s1;
	s1 =	simm.s32 @!p0 $0x0  }
0x14: {  	s1 =	simm.s32 @p0 $0x1;
	p0 =	sgt.u32 s0, $0x14  }
0x15: {  	s5 =	simm.s32 @!p0 $0x0  }
0x16: {  	s22 =	simm.s32 $0x200;
	s5 =	simm.s32 @p0 $0x1;
	p0 =	sgt.u32 s0, $0x12  }
0x17: {  	s23 =	simm.s32 $0x280;
	[smem:$0x7E9] =	sst s5;
	s5 =	simm.s32 @!p0 $0x0  }
0x18: {  	s24 =	simm.s32 $0x400;
	s5 =	simm.s32 @p0 $0x1;
	p0 =	sgt.u32 s0, $0x10  }
0x19: {  	s25 =	simm.s32 $0x480;
	[smem:$0x7E8] =	sst s1;
	s1 =	simm.s32 @!p0 $0x0  }
0x1a: {  	s26 =	simm.s32 $0x500;
	s1 =	simm.s32 @p0 $0x1;
	p0 =	sgt.u32 s0, $0xE  }
0x1b: {  	s28 =	simm.s32 $0x1D80;
	[smem:$0x7EB] =	sst s1;
	s1 =	simm.s32 @!p0 $0x0  }
0x1c: {  	s29 =	simm.s32 $0x2580;
	s1 =	simm.s32 @p0 $0x1;
	p0 =	sgt.u32 s0, $0xC  }
0x1d: {  	s30 =	simm.s32 $0x2D80;
	[smem:$0x7EC] =	sst s1;
	s1 =	simm.s32 @!p0 $0x0  }
0x1e: {  	s31 =	simm.s32 $0x3580;
	s1 =	simm.s32 @p0 $0x1;
	p0 =	sgt.u32 s0, $0xA  }
0x1f: {  	s13 =	simm.s32 $0x5D80;
	[smem:$0x7ED] =	sst s1;
	s1 =	simm.s32 @!p0 $0x0  }
0x20: {  	s14 =	simm.s32 $0x6580;
	s1 =	simm.s32 @p0 $0x1;
	p0 =	sgt.u32 s0, $0x8  }
0x21: {  	s15 =	simm.s32 $0x6D80;
	[smem:$0x7EE] =	sst s1;
	s1 =	simm.s32 @!p0 $0x0  }
0x22: {  	[dreg:$0x5] =	wrdreg s18;
	s1 =	simm.s32 @p0 $0x1;
	p0 =	sgt.u32 s0, $0x6  }
0x23: {  	s16 =	simm.s32 $0x7580;
	[smem:$0x7EF] =	sst s1;
	s1 =	simm.s32 @!p0 $0x0  }
0x24: {  	[dreg:$0x6] =	wrdreg s19;
	s1 =	simm.s32 @p0 $0x1;
	p0 =	sgt.u32 s0, $0x4  }
0x25: {  	s11 =	simm.s32 $0xAD80;
	[smem:$0x7F0] =	sst s1;
	s1 =	simm.s32 @!p0 $0x0  }
0x26: {  	[dreg:$0xb] =	wrdreg s22;
	s1 =	simm.s32 @p0 $0x1;
	p0 =	sgt.u32 s0, $0x2  }
0x27: {  	p2 =	sgt.u32 s12, $0x3;
	[smem:$0x7F1] =	sst s1;
	s1 =	simm.s32 @!p0 $0x0  }
0x28: {  	[dreg:$0xc] =	wrdreg s23;
	s1 =	simm.s32 @p0 $0x1;
	p0 =	seq.s32 s0, $0x0  }
0x29: {  	s21 =	sshll.u32 s0, $0xE;
	p1 =	sne.s32 s0, $0x0;
	s0 =	simm.s32 @!p0 $0x0  }
0x2a: {  	[dreg:$0xd] =	wrdreg s24;
	s0 =	simm.s32 @p0 $0x1;
	p0 =	seq.s32 s12, $0xF  }
0x2b: {  	p3 =	sgt.u32 s12, $0x2;
	[smem:$0x7F3] =	sst s0;
	s0 =	simm.s32 @!p0 $0x0  }
0x2c: {  	[dreg:$0xe] =	wrdreg s25;
	s0 =	simm.s32 @p0 $0x1;
	p0 =	sgt.u32 s12, $0xD  }
0x2d: {  	p4 =	sgt.u32 s12, $0x1;
	[smem:$0x7F4] =	sst s0;
	s0 =	simm.s32 @!p0 $0x0  }
0x2e: {  	[dreg:$0xf] =	wrdreg s26;
	s0 =	simm.s32 @p0 $0x1;
	p0 =	sgt.u32 s12, $0xC  }
0x2f: {  	p5 =	seq.s32 s12, $0x0;
	[smem:$0x7F5] =	sst s0;
	s0 =	simm.s32 @!p0 $0x0  }
0x30: {  	s17 =	simm.s32 $0x7D80;
	s0 =	simm.s32 @p0 $0x1;
	p0 =	sgt.u32 s12, $0xB  }
0x31: {  	s18 =	simm.s32 $0x8580;
	[smem:$0x7F6] =	sst s0;
	s0 =	simm.s32 @!p0 $0x0  }
0x32: {  	s19 =	simm.s32 $0x8D80;
	s0 =	simm.s32 @p0 $0x1;
	p0 =	sgt.u32 s12, $0xA  }
0x33: {  	s22 =	simm.s32 $0x9D80;
	[smem:$0x7F7] =	sst s0;
	s0 =	simm.s32 @!p0 $0x0  }
0x34: {  	s23 =	simm.s32 $0xA580;
	s0 =	simm.s32 @p0 $0x1;
	p0 =	sgt.u32 s12, $0x9  }
0x35: {  	s3 =	sadd.s32 s3, s21;
	[smem:$0x7F8] =	sst s0;
	s0 =	simm.s32 @!p0 $0x0  }
0x36: {  	[dreg:$0x10] =	wrdreg s3;
	s0 =	simm.s32 @p0 $0x1;
	p0 =	sgt.u32 s12, $0x8  }
0x37: {  	s21 =	simm.s32 $0x580;
	[smem:$0x7F9] =	sst s0;
	s0 =	simm.s32 @!p0 $0x0  }
0x38: {  	v0 =	vlaneseq.u32;
	[dreg:$0x8] =	wrdreg s20;
	s0 =	simm.s32 @p0 $0x1;
	p0 =	sgt.u32 s12, $0x7  }
0x39: {  	v1 =	vimm.s32 $0x0;
	vm0 =	vmmov $0x7fff;
	v7 =	vimm.s32 $0x0;
	s3 =	sadd.s32 $0x2000, s3;
	[smem:$0x7FA] =	sst s0;
	s0 =	simm.s32 @!p0 $0x0  }
0x3a: {  	vm2 =	vmmov $0xffff;
	vm3 =	vmmov $0x1;
	vm4 =	vcmask $0x704;
	[dreg:$0xa] =	wrdreg s3;
	s0 =	simm.s32 @p0 $0x1;
	p0 =	sgt.u32 s12, $0x6  }
0x3b: {  	vm5 =	vcmask $0xB08;
	vm6 =	vcmask $0xF0C;
	vm7 =	vcmask $0x1310;
	s3 =	smax.u32 s9, $0x1;
	[smem:$0x7FB] =	sst s0;
	s0 =	simm.s32 @!p0 $0x0  }
0x3c: {  	vm8 =	vcmask $0x1714;
	vm9 =	vcmask $0x1B18;
	v2 =	vadd.s32 $0x1, v0;
	[smem:$0x7EA] =	sst s5;
	s0 =	simm.s32 @p0 $0x1;
	p0 =	sgt.u32 s12, $0x5  }
0x3d: {  	v3 =	vadd.s32 $0x11, v0;
	v4 =	vor.u32 $0x10, v0;
	v5 =	vadd.s32 $0x21, v0;
	s20 =	simm.s32 $0x9580;
	[smem:$0x7FC] =	sst s0;
	s0 =	simm.s32 @!p0 $0x0  }
0x3e: {  	v6 =	vor.u32 $0x20, v0;
	v7 =	vsel vm0, $0xFFFFFFFF, v7;
	v8 =	vshrl.u32 v0, $0x3;
	s9 =	simm.s32 $0x40;
	[smem:$0x7F2] =	sst s1;
	s0 =	simm.s32 @p0 $0x1  }
0x3f: {  	v9 =	vor.u32 $0x8, v0;
	[tilespmem:$0x1FFF0] =	vst v7;
	v7 =	vand.u32 $0x7, v0;
	v8 =	vmul.u32 $0x8, v8;
	p0 =	sgt.u32 s12, $0x4;
	s12 =	simm.s32 $0x5580;
	[smem:$0x7FD] =	sst s0  }
.LBB2_1:
0x40: {  	s24 =	rddreg [dreg:$0x4];
	s1 =	simm.s32 $0x2  }
0x41: {  	[tilespmem:s2], [sflag:$0x2] =	stream.linear.gather [hbm4b:s24+s2], $0x200, $0x38;
	[tilespmem:$0x12580] =	vst v63  }
0x42: {  	_ =	swait.ge [sflag:s1], $0x200  }
0x43: {  	s26 =	rddreg [dreg:$0x7];
	[sflag:s1] =	ssyncset.done $0x0  }
0x44: {  	s25 =	rddreg [dreg:$0xb];
	[sflag:s1] =	ssyncadd.s32 $0xFFFFFE00  }
0x45: {  	[tilespmem:s25], [sflag:$0x2] =	stream.linear.gather [hbm4b:s26+s2], $0x80, $0x38;
	[tilespmem:$0x12580] =	vst v63  }
0x46: {  	_ =	swait.ge [sflag:s1], $0x80  }
0x47: {  	s0 =	rddreg [dreg:$0x8];
	[sflag:s1] =	ssyncset.done $0x0  }
0x48: {  	s5 =	rddreg [dreg:$0xc];
	[sflag:s1] =	ssyncadd.s32 $0xFFFFFF80  }
0x49: {  	[tilespmem:s5], [sflag:$0x2] =	stream.linear.gather [hbm4b:s0+s2], $0x80, $0x38;
	[tilespmem:$0x12580] =	vst v63  }
0x4a: {  	_ =	swait.ge [sflag:s1], $0x80  }
0x4b: {  	[sflag:s1] =	ssyncset.done $0x0  }
0x4c: {  	[sflag:s1] =	ssyncadd.s32 $0xFFFFFF80  }
0x4d: {  	v35 =	vld [tilespmem:$0x0]  }
0x4e: {  	v36 =	vld [tilespmem:$0x10]  }
0x4f: {  	v38 =	vld [tilespmem:$0x20]  }
0x50: {  	v39 =	vld [tilespmem:$0x30]  }
0x51: {  	v40 =	vld [tilespmem:$0x40]  }
0x52: {  	v41 =	vld [tilespmem:$0x50]  }
0x53: {  	v42 =	vld [tilespmem:$0x60];
	v10 =	vadd.s32 v36, v35  }
0x54: {  	v34 =	vld [tilespmem:$0x70];
	v10 =	vadd.s32 v38, v10  }
0x55: {  	v33 =	vld [tilespmem:$0x80];
	v10 =	vadd.s32 v39, v10  }
0x56: {  	v32 =	vld [tilespmem:$0x90];
	v10 =	vadd.s32 v40, v10  }
0x57: {  	v31 =	vld [tilespmem:$0xA0];
	v10 =	vadd.s32 v41, v10  }
0x58: {  	v30 =	vld [tilespmem:$0xB0];
	v10 =	vadd.s32 v42, v10  }
0x59: {  	v29 =	vld [tilespmem:$0xC0];
	v10 =	vadd.s32 v34, v10  }
0x5a: {  	v28 =	vld [tilespmem:$0xD0];
	v10 =	vadd.s32 v33, v10  }
0x5b: {  	v27 =	vld [tilespmem:$0xE0];
	v10 =	vadd.s32 v32, v10  }
0x5c: {  	v26 =	vld [tilespmem:$0xF0];
	v10 =	vadd.s32 v31, v10  }
0x5d: {  	v25 =	vld [tilespmem:$0x100];
	v10 =	vadd.s32 v30, v10  }
0x5e: {  	v22 =	vld [tilespmem:$0x110];
	v10 =	vadd.s32 v29, v10  }
0x5f: {  	v23 =	vld [tilespmem:$0x120];
	v10 =	vadd.s32 v28, v10  }
0x60: {  	v21 =	vld [tilespmem:$0x130];
	v10 =	vadd.s32 v27, v10  }
0x61: {  	v20 =	vld [tilespmem:$0x140];
	v10 =	vadd.s32 v26, v10  }
0x62: {  	v19 =	vld [tilespmem:$0x150];
	v10 =	vadd.s32 v25, v10  }
0x63: {  	v14 =	vld [tilespmem:$0x160];
	v10 =	vadd.s32 v22, v10  }
0x64: {  	v15 =	vld [tilespmem:$0x170];
	v10 =	vadd.s32 v23, v10  }
0x65: {  	v16 =	vld [tilespmem:$0x180];
	v10 =	vadd.s32 v21, v10  }
0x66: {  	v17 =	vld [tilespmem:$0x190];
	v10 =	vadd.s32 v20, v10  }
0x67: {  	v18 =	vld [tilespmem:$0x1A0];
	v10 =	vadd.s32 v19, v10  }
0x68: {  	v13 =	vld [tilespmem:$0x1B0];
	v10 =	vadd.s32 v14, v10  }
0x69: {  	v12 =	vld [tilespmem:$0x1C0];
	v10 =	vadd.s32 v15, v10  }
0x6a: {  	v11 =	vld [tilespmem:$0x1D0];
	v24 =	vadd.s32 v16, v10  }
0x6b: {  	v10 =	vld [tilespmem:$0x1E0];
	v24 =	vadd.s32 v17, v24  }
0x6c: {  	v37 =	vld [tilespmem:$0x1F0];
	v24 =	vadd.s32 v18, v24  }
0x6d: {  	v24 =	vadd.s32 v13, v24  }
0x6e: {  	v24 =	vadd.s32 v12, v24  }
0x6f: {  	v24 =	vadd.s32 v11, v24  }
0x70: {  	v24 =	vadd.s32 v10, v24  }
0x71: {  	v24 =	vadd.s32 v37, v24  }
0x72: {  	v24 =	vadd.s32 $0x7F, v24  }
0x73: {  	v43 =	vshra.s32 v24, $0x7  }
0x74: {  	(xrf0) =	vadd.scan.msk.s32 $0xffff, v43;
	_ =	sdelay $0x5  }
0x75: {  	v44, _, _ =	vpop (xrf0)  }
0x76: {  	v24 =	vsub.s32 v44, v43  }
0x77: {  	(v2sf) =	vpush v24, $0x0  }
0x78: {  	(v2sf) =	vpush v43, $0x0  }
0x79: {  	s0 =	sld [smem:$0x7F3];
	(v2sf) =	vpush v24, $0x1  }
0x7a: {  	(v2sf) =	vpush v43, $0x1  }
0x7b: {  	s10 =	sld [smem:$0x7F2];
	(v2sf) =	vpush v24, $0x2  }
0x7c: {  	p6 =	seq.s32 s0, $0x1;
	(v2sf) =	vpush v43, $0x2  }
0x7d: {  	s24 =	sld [smem:$0x7F1];
	v35 =	vpsel p6, $0x0, v35;
	(v2sf) =	vpush v24, $0x3  }
0x7e: {  	v36 =	vpsel p5, $0x0, v36;
	p6 =	seq.s32 s10, $0x1;
	v57 =	vpsel !p4, $0x0, v39;
	(v2sf) =	vpush v43, $0x3  }
0x7f: {  	s26 =	sld [smem:$0x7F0];
	v35 =	vadd.s32 v35, v36;
	v56 =	vpsel !p6, $0x0, v38;
	vm0 =	vgt.s32 v43, $0x0  }
0x80: {  	p6 =	seq.s32 s24, $0x1;
	v35 =	vadd.s32 v56, v35;
	v37 =	vsel vm0, $0x1, v1;
	(v2sf) =	vpush v24, $0x4  }
0x81: {  	v58 =	vpsel !p6, $0x0, v40;
	v35 =	vadd.s32 v57, v35;
	(xrf0) =	vadd.scan.msk.s32 $0xffff, v37;
	(v2sf) =	vpush v43, $0x4  }
0x82: {  	v59 =	vpsel !p3, $0x0, v41;
	p6 =	seq.s32 s26, $0x1;
	v35 =	vadd.s32 v58, v35;
	(v2sf) =	vpush v24, $0x5  }
0x83: {  	v60 =	vpsel !p6, $0x0, v42;
	v36 =	vadd.s32 v59, v35;
	(v2sf) =	vpush v43, $0x5  }
0x84: {  	v36 =	vadd.s32 v60, v36;
	v34 =	vpsel !p2, $0x0, v34  }
0x85: {  	vm13 =	vmxor vm13, vm13;
	v34 =	vadd.s32 v34, v36;
	v44 =	vbroadcast v44, $0x6  }
0x86: {  	v42 =	vbroadcast v24, $0x0;
	v45 =	vbroadcast v24, $0x1;
	s25 =	spop (v2sf);
	(v2sf) =	vpush v24, $0x6  }
0x87: {  	v35, _, _ =	vpop (xrf0);
	v48 =	vbroadcast v24, $0x2;
	v51 =	vbroadcast v24, $0x3;
	s10 =	spop (v2sf);
	(v2sf) =	vpush v43, $0x6  }
0x88: {  	v53 =	vbroadcast v24, $0x4;
	v57 =	vbroadcast v24, $0x5;
	v40 =	vsub.s32 v35, v37;
	s5 =	spop (v2sf)  }
0x89: {  	v59 =	vbroadcast v24, $0x6;
	vm0 =	vlt.s32 v42, v2;
	v46 =	vbroadcast v40, $0x0;
	s24 =	sadd.s32 s10, s25;
	s10 =	spop (v2sf)  }
0x8a: {  	v38 =	vbroadcast v40, $0x1;
	v39 =	vbroadcast v40, $0x2;
	v43 =	vmov s24;
	s5 =	sadd.s32 s10, s5;
	s25 =	spop (v2sf)  }
0x8b: {  	v56 =	vbroadcast v40, $0x4;
	vm1 =	vgt.s32 v43, v0;
	v47 =	vmov s5;
	s26 =	spop (v2sf)  }
0x8c: {  	vm0 =	vmand vm0, vm1;
	vm1 =	vlt.s32 v45, v2;
	vm10 =	vgt.s32 v47, v0;
	s0 =	spop (v2sf)  }
0x8d: {  	v60 =	vbroadcast v40, $0x5;
	v61 =	vnsel vm0, $0x0, v46;
	s5 =	sadd.s32 s26, s25;
	vm0 =	vmand vm1, vm10;
	s10 =	spop (v2sf)  }
0x8e: {  	v50 =	vmov s5;
	v62 =	vsel vm0, $0x1, v1;
	v49 =	vsel vm0, v38, v61;
	s24 =	sadd.s32 s10, s0  }
0x8f: {  	vm0 =	vlt.s32 v48, v2;
	vm1 =	vgt.s32 v50, v0;
	s25 =	spop (v2sf);
	v52 =	vmov s24  }
0x90: {  	vm0 =	vmand vm0, vm1;
	vm1 =	vlt.s32 v51, v2;
	s26 =	spop (v2sf);
	vm10 =	vgt.s32 v52, v0  }
0x91: {  	v41 =	vsel vm0, $0x2, v62;
	v49 =	vsel vm0, v39, v49;
	s5 =	sadd.s32 s26, s25;
	s0 =	spop (v2sf);
	vm0 =	vmand vm1, vm10  }
0x92: {  	v55 =	vmov s5;
	s10 =	spop (v2sf);
	v54 =	vsel vm0, $0x3, v41;
	v41 =	vbroadcast v40, $0x3  }
0x93: {  	vm11 =	vgt.s32 v47, v4;
	vm1 =	vlt.s32 v53, v2;
	vm10 =	vgt.s32 v55, v0;
	s5 =	sadd.s32 s10, s0  }
0x94: {  	v58 =	vmov s5;
	v49 =	vsel vm0, v41, v49;
	vm0 =	vmand vm1, vm10  }
0x95: {  	v40 =	vbroadcast v40, $0x6;
	vm1 =	vgt.s32 v58, v0;
	s25 =	spop (v2sf);
	v54 =	vsel vm0, $0x4, v54  }
0x96: {  	v49 =	vsel vm0, v56, v49;
	vm0 =	vlt.s32 v57, v2;
	(v2sf) =	vpush v37, $0x1;
	s26 =	spop (v2sf)  }
0x97: {  	vm0 =	vmand vm0, vm1;
	vm1 =	vlt.s32 v59, v2;
	(v2sf) =	vpush v37, $0x2;
	s5 =	sadd.s32 s26, s25  }
0x98: {  	v54 =	vsel vm0, $0x5, v54;
	(v2sf) =	vpush v37, $0x3;
	v61 =	vmov s5  }
0x99: {  	v49 =	vsel vm0, v60, v49;
	(v2sf) =	vpush v37, $0x4;
	vm10 =	vgt.s32 v61, v0  }
0x9a: {  	vm0 =	vmand vm1, vm10;
	vm1 =	vgt.s32 v43, v4;
	vm10 =	vlt.s32 v45, v3  }
0x9b: {  	v54 =	vsel vm0, $0x6, v54;
	v49 =	vsel vm0, v40, v49;
	vm0 =	vlt.s32 v42, v3  }
0x9c: {  	(v2sf) =	vpush v37, $0x5;
	vm0 =	vmand vm0, vm1;
	vm1 =	vmand vm10, vm11  }
0x9d: {  	vm10 =	vlt.s32 v42, v5;
	v62 =	vnsel vm0, $0x0, v46;
	v42 =	vsel vm1, $0x1, v1  }
0x9e: {  	vm0 =	vlt.s32 v48, v3;
	v62 =	vsel vm1, v38, v62;
	vm1 =	vgt.s32 v50, v4  }
0x9f: {  	vm12 =	vgt.s32 v58, v4;
	(v2sf) =	vpush v37, $0x6;
	vm0 =	vmand vm0, vm1  }
0xa0: {  	vm11 =	vgt.s32 v52, v4;
	vm1 =	vlt.s32 v51, v3;
	v42 =	vsel vm0, $0x2, v42  }
0xa1: {  	v62 =	vsel vm0, v39, v62;
	vm0 =	vmand vm1, vm11;
	vm1 =	vgt.s32 v55, v4  }
0xa2: {  	vm11 =	vlt.s32 v57, v3;
	v42 =	vsel vm0, $0x3, v42;
	v62 =	vsel vm0, v41, v62  }
0xa3: {  	vm0 =	vlt.s32 v53, v3;
	vm11 =	vmand vm11, vm12;
	vm12 =	vgt.s32 v43, v6  }
0xa4: {  	v43 =	vbroadcast v35, $0xF;
	vm0 =	vmand vm0, vm1;
	vm1 =	vgt.s32 v44, v0  }
0xa5: {  	vm10 =	vmand vm10, vm12;
	vm12 =	vgt.s32 v50, v6;
	v54 =	vnsel vm1, $0xFFFFFFFF, v54  }
0xa6: {  	v42 =	vsel vm0, $0x4, v42;
	v49 =	vsel vm1, v49, v43;
	v62 =	vsel vm0, v56, v62  }
0xa7: {  	vm0 =	vlt.s32 v59, v3;
	vm1 =	vgt.s32 v61, v4;
	v50 =	vnsel vm10, $0x0, v46  }
0xa8: {  	vm10 =	vlt.s32 v51, v5;
	v42 =	vsel vm11, $0x5, v42;
	v62 =	vsel vm11, v60, v62  }
0xa9: {  	vm11 =	vlt.s32 v45, v5;
	vm0 =	vmand vm0, vm1;
	vm1 =	vgt.s32 v47, v6  }
0xaa: {  	v42 =	vsel vm0, $0x6, v42;
	v63 =	vsel vm0, v40, v62;
	vm0 =	vgt.s32 v44, v4  }
0xab: {  	vm1 =	vmand vm11, vm1;
	vm11 =	vgt.s32 v52, v6;
	v42 =	vnsel vm0, $0xFFFFFFFF, v42  }
0xac: {  	v45 =	vsel vm0, v63, v43;
	vm0 =	vlt.s32 v48, v5;
	v37 =	vsel vm1, v38, v50  }
0xad: {  	v62 =	vsel vm1, $0x1, v1;
	vm1 =	vgt.s32 v55, v6;
	vm10 =	vmand vm10, vm11  }
0xae: {  	vm11 =	vlt.s32 v57, v5;
	vm0 =	vmand vm0, vm12;
	vm12 =	vlt.s32 v53, v5  }
0xaf: {  	v46 =	vsel vm0, $0x2, v62;
	v37 =	vsel vm0, v39, v37;
	vm0 =	vgt.s32 v58, v6  }
0xb0: {  	vm1 =	vmand vm12, vm1;
	vm12 =	vgt.s32 v61, v6;
	v46 =	vsel vm10, $0x3, v46  }
0xb1: {  	v37 =	vsel vm10, v41, v37;
	vm10 =	vlt.s32 v59, v5;
	vm0 =	vmand vm11, vm0  }
0xb2: {  	s0 =	spop (v2sf);
	vm11 =	veq.s32 v38, v0;
	v46 =	vsel vm1, $0x4, v46;
	v37 =	vsel vm1, v56, v37  }
0xb3: {  	s10 =	spop (v2sf);
	p6 =	sne.s32 s0, $0x0;
	vm1 =	vmmov vm13;
	v63 =	vsel vm0, $0x5, v46;
	v37 =	vsel vm0, v60, v37  }
0xb4: {  	vm0 =	vmand vm10, vm12;
	vm1 =	vmneg @p6 vm1;
	p6 =	sne.s32 s10, $0x0;
	vm10 =	vmmov vm13  }
0xb5: {  	vm12 =	veq.s32 v39, v0;
	vm10 =	vmneg @p6 vm10;
	vm1 =	vmand vm1, vm11  }
0xb6: {  	s25 =	spop (v2sf);
	vm11 =	vmmov vm13;
	v38 =	vsel vm0, $0x6, v63;
	v37 =	vsel vm0, v40, v37  }
0xb7: {  	p6 =	sne.s32 s25, $0x0;
	vm10 =	vmand vm10, vm12;
	vm12 =	veq.s32 v41, v0;
	v41 =	vsel vm1, $0x1, v1  }
0xb8: {  	s26 =	spop (v2sf);
	vm11 =	vmneg @p6 vm11;
	vm1 =	veq.s32 v56, v0;
	v36 =	vsel vm10, $0x2, v41  }
0xb9: {  	s0 =	spop (v2sf);
	p6 =	sne.s32 s26, $0x0;
	vm10 =	vmand vm11, vm12;
	vm11 =	vmmov vm13;
	vm12 =	veq.s32 v60, v0  }
0xba: {  	v46 =	vld [tilespmem:$0x1FFF0];
	v36 =	vsel vm10, $0x3, v36;
	vm11 =	vmneg @p6 vm11;
	p6 =	sne.s32 s0, $0x0;
	vm10 =	vmmov vm13  }
0xbb: {  	s24 =	sld [smem:$0x7EF];
	[tilespmem:$0x300] =	vst v54;
	s10 =	spop (v2sf);
	vm1 =	vmand vm11, vm1;
	vm10 =	vmneg @p6 vm10;
	vm11 =	veq.s32 v40, v0  }
0xbc: {  	[tilespmem:$0x380] =	vst v49;
	p6 =	sne.s32 s10, $0x0;
	v36 =	vsel vm1, $0x4, v36;
	vm0 =	vmand vm10, vm12;
	vm1 =	vmmov vm13  }
0xbd: {  	[tilespmem:$0x310] =	vst v42;
	vm10 =	vgt.s32 v44, v6;
	vm1 =	vmneg @p6 vm1;
	v36 =	vsel vm0, $0x5, v36  }
0xbe: {  	[tilespmem:$0x390] =	vst v45;
	s25 =	sld [smem:$0x7EE];
	v38 =	vnsel vm10, $0xFFFFFFFF, v38;
	p6 =	seq.s32 s24, $0x1;
	v37 =	vsel vm10, v37, v43;
	vm0 =	vmand vm1, vm11  }
0xbf: {  	s5 =	rddreg [dreg:$0x5];
	v33 =	vpsel !p6, $0x0, v33;
	[tilespmem:$0x320] =	vst v38;
	v36 =	vsel vm0, $0x6, v36;
	vm0 =	vnez.u8 v46  }
0xc0: {  	s26 =	sld [smem:$0x7FD];
	[tilespmem:$0x3A0] =	vst v37;
	v33 =	vadd.s32 v33, v34;
	v34 =	vsel vm0, v36, v35  }
0xc1: {  	s24 =	simm.s32 @!p1 $0x0;
	p6 =	seq.s32 s25, $0x1;
	s25 =	simm.s32 @!p1 $0x300;
	[tilespmem:$0x3B0] =	vst v34  }
0xc2: {  	[hbm4b:s5+s24] =	stream.linear.scatter @!p1 [tilespmem:s25], [sflag:$0x2], $0x80, $0x38;
	[tilespmem:$0x12580] =	vst v63  }
0xc3: {  	s5 =	sld [smem:$0x7ED];
	_ =	sdelay $0x1  }
0xc4: {  	v31 =	vpsel !p6, $0x0, v31;
	p6 =	seq.s32 s26, $0x1  }
0xc5: {  	v30 =	vpsel !p6, $0x0, v30;
	p6 =	seq.s32 s5, $0x1;
	s5 =	simm.s32 @!p1 $0x2  }
0xc6: {  	s10 =	sld [smem:$0x7FC];
	_ =	swait.ge @!p1 [sflag:s5], $0x80  }
0xc7: {  	s25 =	sld [smem:$0x7EC]  }
0xc8: {  	s26 =	sld [smem:$0x7FB]  }
0xc9: {  	v32 =	vpsel !p0, $0x0, v32;
	v29 =	vpsel !p6, $0x0, v29;
	p6 =	seq.s32 s10, $0x1;
	[sflag:s5] =	ssyncset.done @!p1 $0x0  }
0xca: {  	v32 =	vadd.s32 v32, v33;
	v28 =	vpsel !p6, $0x0, v28;
	s10 =	sld [smem:$0x7EB];
	[sflag:s5] =	ssyncadd.s32 @!p1 $0xFFFFFF80;
	p6 =	seq.s32 s25, $0x1  }
0xcb: {  	v31 =	vadd.s32 v31, v32;
	s25 =	rddreg [dreg:$0x6];
	v27 =	vpsel !p6, $0x0, v27;
	p6 =	seq.s32 s26, $0x1;
	s26 =	simm.s32 @!p1 $0x380  }
0xcc: {  	v30 =	vadd.s32 v30, v31;
	[hbm4b:s25+s24] =	stream.linear.scatter @!p1 [tilespmem:s26], [sflag:$0x2], $0x80, $0x38;
	[tilespmem:$0x12580] =	vst v63  }
0xcd: {  	v29 =	vadd.s32 v29, v30;
	s26 =	sld [smem:$0x7FA]  }
0xce: {  	v28 =	vadd.s32 v28, v29;
	v26 =	vpsel !p6, $0x0, v26;
	p6 =	seq.s32 s10, $0x1;
	s10 =	sld [smem:$0x7EA];
	_ =	swait.ge @!p1 [sflag:s5], $0x80  }
0xcf: {  	v27 =	vadd.s32 v27, v28;
	s24 =	sld [smem:$0x7F9]  }
0xd0: {  	v26 =	vadd.s32 v26, v27;
	v25 =	vpsel !p6, $0x0, v25;
	s25 =	sld [smem:$0x7E9];
	p6 =	seq.s32 s26, $0x1  }
0xd1: {  	v25 =	vadd.s32 v25, v26;
	[sflag:s5] =	ssyncset.done @!p1 $0x0;
	s26 =	sld [smem:$0x7F8];
	v22 =	vpsel !p6, $0x0, v22;
	p6 =	seq.s32 s10, $0x1  }
0xd2: {  	[sflag:s5] =	ssyncadd.s32 @!p1 $0xFFFFFF80;
	s5 =	sld [smem:$0x7E8];
	v22 =	vadd.s32 v22, v25;
	v23 =	vpsel !p6, $0x0, v23;
	p6 =	seq.s32 s24, $0x1  }
0xd3: {  	s10 =	sld [smem:$0x7F7];
	v22 =	vadd.s32 v23, v22;
	v21 =	vpsel !p6, $0x0, v21;
	p6 =	seq.s32 s25, $0x1  }
0xd4: {  	s24 =	sld [smem:$0x7E7];
	v21 =	vadd.s32 v21, v22;
	v20 =	vpsel !p6, $0x0, v20;
	p6 =	seq.s32 s26, $0x1  }
0xd5: {  	v47 =	vld [tilespmem:$0x200];
	s25 =	sld [smem:$0x7F6];
	v20 =	vadd.s32 v20, v21;
	v19 =	vpsel !p6, $0x0, v19;
	p6 =	seq.s32 s5, $0x1  }
0xd6: {  	s26 =	sld [smem:$0x7E6];
	v19 =	vadd.s32 v19, v20;
	v14 =	vpsel !p6, $0x0, v14;
	p6 =	seq.s32 s10, $0x1  }
0xd7: {  	s5 =	sld [smem:$0x7F5];
	v14 =	vadd.s32 v14, v19;
	v15 =	vpsel !p6, $0x0, v15;
	p6 =	seq.s32 s24, $0x1  }
0xd8: {  	s10 =	sld [smem:$0x7E5];
	v14 =	vadd.s32 v15, v14;
	v48 =	vpsel !p6, $0x0, v16;
	p6 =	seq.s32 s25, $0x1  }
0xd9: {  	s24 =	sld [smem:$0x7F4];
	v14 =	vadd.s32 v48, v14;
	v49 =	vpsel !p6, $0x0, v17;
	p6 =	seq.s32 s26, $0x1  }
0xda: {  	vm1 =	veq.s32 v47, $0x0;
	s25 =	sld [smem:$0x7E4];
	v14 =	vadd.s32 v49, v14;
	v50 =	vpsel !p6, $0x0, v18;
	p6 =	seq.s32 s5, $0x1  }
0xdb: {  	vm13 =	veq.s32 v47, $0x1;
	v14 =	vadd.s32 v50, v14;
	v13 =	vpsel !p6, $0x0, v13;
	p6 =	seq.s32 s10, $0x1  }
0xdc: {  	v51 =	vsel vm1, $0x1, v1;
	v13 =	vadd.s32 v13, v14;
	v12 =	vpsel !p6, $0x0, v12;
	p6 =	seq.s32 s24, $0x1  }
0xdd: {  	vm12 =	veq.s32 v47, $0x2;
	(xrf0) =	vadd.scan.msk.s32 $0xffff, v51;
	v12 =	vadd.s32 v12, v13;
	v11 =	vpsel !p6, $0x0, v11;
	p6 =	seq.s32 s25, $0x1  }
0xde: {  	v52 =	vsel vm13, $0x1, v1;
	v11 =	vadd.s32 v11, v12;
	v10 =	vpsel !p6, $0x0, v10  }
0xdf: {  	vm0 =	veq.s32 v47, $0x3;
	(xrf0) =	vadd.scan.msk.s32 $0xffff, v52;
	v10 =	vadd.s32 v10, v11;
	v11 =	vshll.u32 v24, $0x7  }
0xe0: {  	vm10 =	veq.s32 v47, $0x4;
	v10 =	vadd.s32 v11, v10;
	v11 =	vsel vm12, $0x1, v1  }
0xe1: {  	vm11 =	veq.s32 v47, $0x5;
	v54 =	vsel vm0, $0x1, v1;
	v53 =	vadd.s32 $0xFFFFFFFF, v10;
	(xrf0) =	vadd.scan.msk.s32 $0xffff, v11  }
0xe2: {  	v56 =	vsel vm10, $0x1, v1;
	v11 =	vbroadcast v53, $0x0;
	v58 =	vbroadcast v53, $0x2  }
0xe3: {  	v60 =	vld [tilespmem:$0x210];
	v59 =	vsel vm11, $0x1, v1;
	(xrf0) =	vadd.scan.msk.s32 $0xffff, v54;
	v62 =	vbroadcast v53, $0x3;
	v23 =	vbroadcast v53, $0x4;
	v10, _, _ =	vpop (xrf0)  }
0xe4: {  	v55 =	vbroadcast v10, $0xF;
	v10 =	vadd.s32 v10, v11;
	v11 =	vbroadcast v53, $0x1  }
0xe5: {  	v27 =	vbroadcast v53, $0x5;
	v29 =	vbroadcast v53, $0x6;
	v57, _, _ =	vpop (xrf0);
	v10 =	vnsel vm1, $0x0, v10  }
0xe6: {  	(xrf0) =	vadd.scan.msk.s32 $0xffff, v56;
	vm1 =	veq.s32 v47, $0x6;
	v14 =	vnsel vm3, $0x0, v55;
	v11 =	vadd.s32 v57, v11  }
0xe7: {  	v63 =	vsel vm1, $0x1, v1;
	v10 =	vsel vm13, v11, v10;
	v11 =	vbroadcast v57, $0xF;
	v61, _, _ =	vpop (xrf0)  }
0xe8: {  	(xrf0) =	vadd.scan.msk.s32 $0xffff, v59;
	v12 =	vadd.s32 v14, v53;
	vm13 =	veq.s32 v60, $0x2;
	v13 =	vadd.s32 v61, v58  }
0xe9: {  	v21 =	vbroadcast v61, $0xF;
	v22, _, _ =	vpop (xrf0);
	v14 =	vbroadcast v12, $0x0;
	v35 =	vsel vm13, $0x1, v1  }
0xea: {  	v11 =	vnsel vm4, $0x0, v11;
	v10 =	vsel vm12, v13, v10;
	v16 =	vadd.s32 v22, v62  }
0xeb: {  	v15 =	vbroadcast v22, $0xF;
	vm12 =	veq.s32 v60, $0x1;
	v13 =	vnsel vm5, $0x0, v21  }
0xec: {  	(xrf0) =	vadd.scan.msk.s32 $0xffff, v63;
	v10 =	vsel vm0, v16, v10;
	v24, _, _ =	vpop (xrf0);
	vm0 =	veq.s32 v60, $0x0;
	v30 =	vsel vm12, $0x1, v1  }
0xed: {  	v11 =	vadd.s32 v11, v12;
	v15 =	vnsel vm6, $0x0, v15;
	v18 =	vadd.s32 v24, v23  }
0xee: {  	v25 =	vsel vm0, $0x1, v1;
	v16 =	vbroadcast v24, $0xF;
	v26, _, _ =	vpop (xrf0);
	v39 =	vbroadcast v11, $0x1  }
0xef: {  	v11 =	vadd.s32 v13, v11;
	(xrf0) =	vadd.scan.msk.s32 $0xffff, v25;
	v28 =	vbroadcast v26, $0xF;
	v10 =	vsel vm10, v18, v10  }
0xf0: {  	v43 =	vld [tilespmem:$0x220];
	v31 =	vadd.s32 v26, v27;
	vm10 =	veq.s32 v60, $0x4;
	v13 =	vbroadcast v11, $0x2  }
0xf1: {  	v11 =	vadd.s32 v15, v11;
	v16 =	vnsel vm7, $0x0, v16;
	v10 =	vsel vm11, v31, v10  }
0xf2: {  	vm11 =	veq.s32 v60, $0x3;
	v42 =	vsel vm10, $0x1, v1;
	v45 =	vbroadcast v11, $0x3;
	v32, _, _ =	vpop (xrf0);
	(xrf0) =	vadd.scan.msk.s32 $0xffff, v30  }
0xf3: {  	v33 =	vnsel vm8, $0x0, v28;
	v37 =	vsel vm11, $0x1, v1;
	v11 =	vadd.s32 v16, v11;
	(xrf0) =	vadd.scan.msk.s32 $0xffff, v35  }
0xf4: {  	v34 =	vadd.s32 v32, v29;
	v20 =	vbroadcast v32, $0xF;
	v51 =	vbroadcast v11, $0x4  }
0xf5: {  	v11 =	vadd.s32 v33, v11;
	v10 =	vsel vm1, v34, v10;
	vm1 =	veq.s32 v43, $0x0;
	v36, _, _ =	vpop (xrf0)  }
0xf6: {  	v54 =	vbroadcast v11, $0x5;
	v40 =	vnsel vm9, $0x0, v20;
	v38 =	vbroadcast v36, $0xF  }
0xf7: {  	v53 =	vsel vm1, $0x1, v1;
	(xrf0) =	vadd.scan.msk.s32 $0xffff, v37;
	v11 =	vadd.s32 v40, v11;
	v14 =	vadd.s32 v36, v14  }
0xf8: {  	v14 =	vnsel vm0, $0x0, v14;
	v41, _, _ =	vpop (xrf0);
	vm0 =	veq.s32 v60, $0x5;
	v19 =	vnsel vm3, $0x0, v38  }
0xf9: {  	v21 =	vadd.s32 v41, v39;
	v20 =	vbroadcast v41, $0xF;
	v44, _, _ =	vpop (xrf0);
	v46 =	vsel vm0, $0x1, v1  }
0xfa: {  	(xrf0) =	vadd.scan.msk.s32 $0xffff, v42;
	v14 =	vsel vm12, v21, v14;
	v13 =	vadd.s32 v44, v13;
	v21 =	vbroadcast v44, $0xF  }
0xfb: {  	vm12 =	veq.s32 v60, $0x6;
	v60 =	vbroadcast v11, $0x6;
	v19 =	vadd.s32 v19, v11  }
0xfc: {  	(xrf0) =	vadd.scan.msk.s32 $0xffff, v46;
	v20 =	vnsel vm4, $0x0, v20;
	v13 =	vsel vm13, v13, v14;
	v17 =	vsel vm12, $0x1, v1  }
0xfd: {  	v62 =	vbroadcast v19, $0x0;
	vm13 =	veq.s32 v43, $0x6;
	v47, _, _ =	vpop (xrf0);
	v21 =	vnsel vm5, $0x0, v21  }
0xfe: {  	v19 =	vadd.s32 v20, v19;
	v36 =	vsel vm13, $0x1, v1;
	v48 =	vadd.s32 v47, v45  }
0xff: {  	(xrf0) =	vadd.scan.msk.s32 $0xffff, v17;
	v49 =	vbroadcast v47, $0xF;
	v27 =	vbroadcast v19, $0x1;
	v19 =	vadd.s32 v21, v19  }
0x100: {  	v13 =	vsel vm11, v48, v13;
	v50, _, _ =	vpop (xrf0);
	vm11 =	veq.s32 v43, $0x1;
	v30 =	vbroadcast v19, $0x2  }
0x101: {  	(xrf0) =	vadd.scan.msk.s32 $0xffff, v53;
	v52 =	vbroadcast v50, $0xF;
	v14 =	vnsel vm6, $0x0, v49;
	v16 =	vadd.s32 v50, v51  }
0x102: {  	v57 =	vsel vm11, $0x1, v1;
	v13 =	vsel vm10, v16, v13;
	v56, _, _ =	vpop (xrf0);
	vm10 =	veq.s32 v43, $0x3  }
0x103: {  	v14 =	vadd.s32 v14, v19;
	v55 =	vnsel vm7, $0x0, v52;
	v17 =	vadd.s32 v56, v54  }
0x104: {  	v58 =	vbroadcast v56, $0xF;
	v25 =	vsel vm10, $0x1, v1;
	v19 =	vbroadcast v14, $0x3  }
0x105: {  	v13 =	vsel vm0, v17, v13;
	v59, _, _ =	vpop (xrf0);
	(xrf0) =	vadd.scan.msk.s32 $0xffff, v57;
	vm0 =	veq.s32 v43, $0x2;
	v14 =	vadd.s32 v55, v14  }
0x106: {  	v61 =	vbroadcast v59, $0xF;
	v11 =	vadd.s32 v59, v60;
	v63 =	vsel vm0, $0x1, v1  }
0x107: {  	v17 =	vnsel vm8, $0x0, v58;
	v37 =	vbroadcast v14, $0x4;
	v11 =	vsel vm12, v11, v13;
	v24, _, _ =	vpop (xrf0);
	(xrf0) =	vadd.scan.msk.s32 $0xffff, v63  }
0x108: {  	vm12 =	veq.s32 v43, $0x4;
	v14 =	vadd.s32 v17, v14;
	v12 =	vnsel vm9, $0x0, v61  }
0x109: {  	v31 =	vld [tilespmem:$0x230];
	v18 =	vadd.s32 v24, v62;
	v13 =	vbroadcast v24, $0xF;
	(xrf0) =	vadd.scan.msk.s32 $0xffff, v25;
	v29 =	vsel vm12, $0x1, v1  }
0x10a: {  	v42 =	vbroadcast v14, $0x5;
	v18 =	vnsel vm1, $0x0, v18;
	vm1 =	veq.s32 v43, $0x5  }
0x10b: {  	v12 =	vadd.s32 v12, v14;
	v13 =	vnsel vm3, $0x0, v13;
	v33 =	vsel vm1, $0x1, v1;
	v26, _, _ =	vpop (xrf0)  }
0x10c: {  	v13 =	vadd.s32 v13, v12;
	v28 =	vbroadcast v26, $0xF;
	v22 =	vadd.s32 v26, v27  }
0x10d: {  	v48 =	vbroadcast v12, $0x6;
	(xrf0) =	vadd.scan.msk.s32 $0xffff, v29;
	v52 =	vbroadcast v13, $0x0;
	v18 =	vsel vm11, v22, v18;
	v32, _, _ =	vpop (xrf0)  }
0x10e: {  	vm11 =	veq.s32 v31, $0x0;
	v20 =	vnsel vm4, $0x0, v28;
	v23 =	vadd.s32 v32, v30  }
0x10f: {  	v22 =	vbroadcast v32, $0xF;
	v35, _, _ =	vpop (xrf0);
	v40 =	vsel vm11, $0x1, v1;
	v18 =	vsel vm0, v23, v18  }
0x110: {  	(xrf0) =	vadd.scan.msk.s32 $0xffff, v33;
	v19 =	vadd.s32 v35, v19;
	v38 =	vbroadcast v35, $0xF;
	v13 =	vadd.s32 v20, v13  }
0x111: {  	(xrf0) =	vadd.scan.msk.s32 $0xffff, v36;
	v28 =	vld [tilespmem:$0x240];
	vm0 =	veq.s32 v31, $0x4;
	v34 =	vnsel vm5, $0x0, v22;
	v18 =	vsel vm10, v19, v18  }
0x112: {  	vm10 =	veq.s32 v31, $0x2;
	v57 =	vbroadcast v13, $0x1;
	v61 =	vsel vm0, $0x1, v1  }
0x113: {  	v39, _, _ =	vpop (xrf0);
	v16 =	vnsel vm6, $0x0, v38;
	v53 =	vsel vm10, $0x1, v1;
	v13 =	vadd.s32 v34, v13  }
0x114: {  	v41 =	vadd.s32 v39, v37;
	v44 =	vbroadcast v39, $0xF;
	v60 =	vbroadcast v13, $0x2  }
0x115: {  	v13 =	vadd.s32 v16, v13;
	v43 =	vsel vm12, v41, v18;
	vm12 =	veq.s32 v31, $0x1  }
0x116: {  	(xrf0) =	vadd.scan.msk.s32 $0xffff, v40;
	v45, _, _ =	vpop (xrf0);
	v30 =	vbroadcast v13, $0x3;
	vm14 =	veq.s32 v28, $0x4;
	vm15 =	veq.s32 v28, $0x5  }
0x117: {  	v46 =	vadd.s32 v45, v42;
	v49 =	vsel vm12, $0x1, v1;
	v19 =	vbroadcast v45, $0xF;
	v50, _, _ =	vpop (xrf0)  }
0x118: {  	v18 =	vnsel vm7, $0x0, v44;
	v47 =	vsel vm1, v46, v43;
	v51 =	vadd.s32 v50, v48  }
0x119: {  	(xrf0) =	vadd.scan.msk.s32 $0xffff, v49;
	v55 =	vbroadcast v50, $0xF;
	vm1 =	veq.s32 v31, $0x5;
	v13 =	vadd.s32 v18, v13  }
0x11a: {  	v48 =	vsel vm14, $0x1, v1;
	v19 =	vnsel vm8, $0x0, v19;
	v12 =	vsel vm13, v51, v47  }
0x11b: {  	(xrf0) =	vadd.scan.msk.s32 $0xffff, v53;
	vm13 =	veq.s32 v31, $0x3;
	v29 =	vsel vm1, $0x1, v1;
	v18 =	vbroadcast v13, $0x4  }
0x11c: {  	v54, _, _ =	vpop (xrf0);
	v56 =	vsel vm13, $0x1, v1;
	v22 =	vnsel vm9, $0x0, v55;
	v13 =	vadd.s32 v19, v13  }
0x11d: {  	v55 =	vsel vm15, $0x1, v1;
	v17 =	vadd.s32 v54, v52;
	v14 =	vbroadcast v54, $0xF;
	(xrf0) =	vadd.scan.msk.s32 $0xffff, v56  }
0x11e: {  	v36 =	vbroadcast v13, $0x5;
	v13 =	vadd.s32 v22, v13;
	v17 =	vnsel vm11, $0x0, v17  }
0x11f: {  	(xrf0) =	vadd.scan.msk.s32 $0xffff, v61;
	v22 =	vbroadcast v13, $0x6;
	vm11 =	veq.s32 v28, $0x2;
	v14 =	vnsel vm3, $0x0, v14;
	v58, _, _ =	vpop (xrf0)  }
0x120: {  	v42 =	vsel vm11, $0x1, v1;
	v14 =	vadd.s32 v14, v13;
	v59 =	vadd.s32 v58, v57  }
0x121: {  	v62 =	vbroadcast v58, $0xF;
	v63, _, _ =	vpop (xrf0);
	v41 =	vbroadcast v14, $0x0;
	v15 =	vsel vm12, v59, v17  }
0x122: {  	(xrf0) =	vadd.scan.msk.s32 $0xffff, v29;
	v23 =	vadd.s32 v63, v60;
	v20 =	vbroadcast v63, $0xF;
	vm12 =	veq.s32 v31, $0x6  }
0x123: {  	v31 =	vnsel vm4, $0x0, v62;
	v15 =	vsel vm10, v23, v15;
	v32, _, _ =	vpop (xrf0);
	v21 =	vsel vm12, $0x1, v1  }
0x124: {  	v56 =	vld [tilespmem:$0x250];
	vm10 =	veq.s32 v28, $0x0;
	v20 =	vnsel vm5, $0x0, v20;
	v33 =	vadd.s32 v32, v30  }
0x125: {  	v17 =	vbroadcast v32, $0xF;
	v34, _, _ =	vpop (xrf0);
	v35 =	vsel vm10, $0x1, v1;
	v14 =	vadd.s32 v31, v14  }
0x126: {  	(xrf0) =	vadd.scan.msk.s32 $0xffff, v21;
	v15 =	vsel vm13, v33, v15;
	v18 =	vadd.s32 v34, v18;
	vm13 =	veq.s32 v28, $0x1  }
0x127: {  	(xrf0) =	vadd.scan.msk.s32 $0xffff, v35;
	v21 =	vbroadcast v34, $0xF;
	v47 =	vbroadcast v14, $0x1;
	v14 =	vadd.s32 v20, v14  }
0x128: {  	v17 =	vnsel vm6, $0x0, v17;
	v15 =	vsel vm0, v18, v15;
	v37, _, _ =	vpop (xrf0);
	v39 =	vsel vm13, $0x1, v1  }
0x129: {  	v20 =	vbroadcast v14, $0x2;
	vm0 =	veq.s32 v56, $0x6;
	v38 =	vadd.s32 v37, v36  }
0x12a: {  	v18 =	vbroadcast v37, $0xF;
	v21 =	vnsel vm7, $0x0, v21;
	v14 =	vadd.s32 v17, v14  }
0x12b: {  	v15 =	vsel vm1, v38, v15;
	v54 =	vbroadcast v14, $0x3;
	v14 =	vadd.s32 v21, v14  }
0x12c: {  	vm1 =	veq.s32 v56, $0x0;
	v18 =	vnsel vm8, $0x0, v18;
	v58 =	vbroadcast v14, $0x4;
	v40, _, _ =	vpop (xrf0);
	(xrf0) =	vadd.scan.msk.s32 $0xffff, v39  }
0x12d: {  	v30 =	vsel vm1, $0x1, v1;
	v14 =	vadd.s32 v18, v14;
	v22 =	vadd.s32 v40, v22;
	v43, _, _ =	vpop (xrf0);
	(xrf0) =	vadd.scan.msk.s32 $0xffff, v42  }
0x12e: {  	v19 =	vbroadcast v40, $0xF;
	v13 =	vsel vm12, v22, v15;
	vm12 =	veq.s32 v28, $0x3  }
0x12f: {  	v44 =	vadd.s32 v43, v41;
	v15 =	vbroadcast v43, $0xF;
	v45 =	vsel vm12, $0x1, v1  }
0x130: {  	v18 =	vbroadcast v14, $0x5;
	v19 =	vnsel vm9, $0x0, v19;
	v22 =	vnsel vm10, $0x0, v44;
	(xrf0) =	vadd.scan.msk.s32 $0xffff, v45  }
0x131: {  	vm10 =	veq.s32 v28, $0x6;
	v15 =	vnsel vm3, $0x0, v15;
	v19 =	vadd.s32 v19, v14  }
0x132: {  	v59 =	vsel vm10, $0x1, v1;
	v32 =	vbroadcast v19, $0x6;
	v15 =	vadd.s32 v15, v19;
	v46, _, _ =	vpop (xrf0)  }
0x133: {  	(xrf0) =	vadd.scan.msk.s32 $0xffff, v48;
	v39 =	vbroadcast v15, $0x0;
	v49 =	vbroadcast v46, $0xF;
	v50 =	vadd.s32 v46, v47;
	v52, _, _ =	vpop (xrf0)  }
0x134: {  	v16 =	vsel vm13, v50, v22;
	v53 =	vadd.s32 v52, v20;
	v23 =	vbroadcast v52, $0xF  }
0x135: {  	(xrf0) =	vadd.scan.msk.s32 $0xffff, v55;
	vm13 =	veq.s32 v56, $0x2;
	v51 =	vnsel vm4, $0x0, v49;
	v16 =	vsel vm11, v53, v16  }
0x136: {  	v37 =	vsel vm13, $0x1, v1;
	vm11 =	veq.s32 v56, $0x4;
	v57, _, _ =	vpop (xrf0);
	v63 =	vnsel vm5, $0x0, v23  }
0x137: {  	v15 =	vadd.s32 v51, v15;
	v43 =	vsel vm11, $0x1, v1;
	v60 =	vadd.s32 v57, v54  }
0x138: {  	(xrf0) =	vadd.scan.msk.s32 $0xffff, v59;
	v61 =	vbroadcast v57, $0xF;
	v42 =	vbroadcast v15, $0x1;
	v15 =	vadd.s32 v63, v15  }
0x139: {  	v54 =	vsel vm0, $0x1, v1;
	v62, _, _ =	vpop (xrf0);
	v16 =	vsel vm12, v60, v16;
	vm12 =	veq.s32 v56, $0x1  }
0x13a: {  	(xrf0) =	vadd.scan.msk.s32 $0xffff, v30;
	v21 =	vbroadcast v15, $0x2;
	v28 =	vadd.s32 v62, v58;
	v33 =	vsel vm12, $0x1, v1  }
0x13b: {  	v20 =	vnsel vm6, $0x0, v61;
	v29 =	vbroadcast v62, $0xF;
	v31, _, _ =	vpop (xrf0);
	v16 =	vsel vm14, v28, v16;
	(xrf0) =	vadd.scan.msk.s32 $0xffff, v33  }
0x13c: {  	v18 =	vadd.s32 v31, v18;
	v23 =	vbroadcast v31, $0xF;
	vm14 =	veq.s32 v56, $0x3  }
0x13d: {  	v15 =	vadd.s32 v20, v15;
	v17 =	vnsel vm7, $0x0, v29;
	v35 =	vsel vm15, v18, v16  }
0x13e: {  	v49 =	vld [tilespmem:$0x260];
	v40 =	vsel vm14, $0x1, v1;
	v20 =	vbroadcast v15, $0x3;
	v34, _, _ =	vpop (xrf0);
	v23 =	vnsel vm8, $0x0, v23  }
0x13f: {  	(xrf0) =	vadd.scan.msk.s32 $0xffff, v37;
	v15 =	vadd.s32 v17, v15;
	v36 =	vadd.s32 v34, v32;
	v38 =	vbroadcast v34, $0xF  }
0x140: {  	v41, _, _ =	vpop (xrf0);
	(xrf0) =	vadd.scan.msk.s32 $0xffff, v40;
	v51 =	vbroadcast v15, $0x4;
	v15 =	vadd.s32 v23, v15;
	v14 =	vsel vm10, v36, v35  }
0x141: {  	v18 =	vadd.s32 v41, v39;
	v22 =	vbroadcast v41, $0xF;
	vm10 =	veq.s32 v56, $0x5;
	v44, _, _ =	vpop (xrf0);
	(xrf0) =	vadd.scan.msk.s32 $0xffff, v43  }
0x142: {  	v23 =	vbroadcast v15, $0x5;
	v16 =	vnsel vm9, $0x0, v38;
	v18 =	vnsel vm1, $0x0, v18  }
0x143: {  	v48 =	vsel vm10, $0x1, v1;
	vm1 =	veq.s32 v49, $0x2;
	v22 =	vnsel vm3, $0x0, v22  }
0x144: {  	v15 =	vadd.s32 v16, v15;
	v62 =	vsel vm1, $0x1, v1;
	v45 =	vadd.s32 v44, v42  }
0x145: {  	v41 =	vld [tilespmem:$0x270];
	v46 =	vbroadcast v44, $0xF;
	v61 =	vbroadcast v15, $0x6;
	v15 =	vadd.s32 v22, v15;
	v47, _, _ =	vpop (xrf0);
	(xrf0) =	vadd.scan.msk.s32 $0xffff, v48  }
0x146: {  	v18 =	vsel vm12, v45, v18;
	vm12 =	veq.s32 v49, $0x0;
	v21 =	vadd.s32 v47, v21;
	v50, _, _ =	vpop (xrf0)  }
0x147: {  	v22 =	vbroadcast v15, $0x0;
	v18 =	vsel vm13, v21, v18;
	v20 =	vadd.s32 v50, v20;
	v53, _, _ =	vpop (xrf0)  }
0x148: {  	v57 =	vsel vm12, $0x1, v1;
	v18 =	vsel vm14, v20, v18;
	(xrf0) =	vadd.scan.msk.s32 $0xffff, v54;
	v55 =	vadd.s32 v53, v51  }
0x149: {  	v52 =	vbroadcast v47, $0xF;
	(xrf0) =	vadd.scan.msk.s32 $0xffff, v57;
	v18 =	vsel vm11, v55, v18;
	vm11 =	veq.s32 v49, $0x1  }
0x14a: {  	v19 =	vnsel vm4, $0x0, v46;
	vm15 =	veq.s32 v41, $0x1;
	v59 =	vsel vm11, $0x1, v1  }
0x14b: {  	v21 =	vbroadcast v50, $0xF;
	v15 =	vadd.s32 v19, v15;
	vm13 =	veq.s32 v41, $0x0;
	v58, _, _ =	vpop (xrf0);
	(xrf0) =	vadd.scan.msk.s32 $0xffff, v59  }
0x14c: {  	v50 =	vsel vm15, $0x1, v1;
	v17 =	vnsel vm5, $0x0, v52;
	vm14 =	veq.s32 v49, $0x3  }
0x14d: {  	v36 =	vbroadcast v15, $0x1;
	v47 =	vsel vm13, $0x1, v1;
	v21 =	vnsel vm6, $0x0, v21  }
0x14e: {  	v34 =	vsel vm14, $0x1, v1;
	v15 =	vadd.s32 v17, v15;
	v56 =	vbroadcast v53, $0xF;
	v63, _, _ =	vpop (xrf0);
	(xrf0) =	vadd.scan.msk.s32 $0xffff, v62  }
0x14f: {  	v39 =	vbroadcast v15, $0x2;
	v15 =	vadd.s32 v21, v15;
	v23 =	vadd.s32 v58, v23;
	v35, _, _ =	vpop (xrf0);
	(xrf0) =	vadd.scan.msk.s32 $0xffff, v34  }
0x150: {  	v21 =	vbroadcast v15, $0x3;
	v31 =	vsel vm10, v23, v18;
	v33 =	vadd.s32 v63, v61  }
0x151: {  	v60 =	vbroadcast v58, $0xF;
	v16 =	vsel vm0, v33, v31;
	v37 =	vadd.s32 v35, v22;
	v38, _, _ =	vpop (xrf0)  }
0x152: {  	vm0 =	veq.s32 v49, $0x4;
	v17 =	vnsel vm12, $0x0, v37;
	v24 =	vadd.s32 v38, v36  }
0x153: {  	v40 =	vsel vm0, $0x1, v1;
	v17 =	vsel vm11, v24, v17;
	vm11 =	veq.s32 v49, $0x5  }
0x154: {  	v20 =	vnsel vm7, $0x0, v56;
	vm10 =	veq.s32 v49, $0x6;
	v42, _, _ =	vpop (xrf0);
	(xrf0) =	vadd.scan.msk.s32 $0xffff, v40;
	v43 =	vsel vm11, $0x1, v1  }
0x155: {  	v15 =	vadd.s32 v20, v15;
	v32 =	vnsel vm8, $0x0, v60;
	v25 =	vbroadcast v63, $0xF;
	v44, _, _ =	vpop (xrf0);
	(xrf0) =	vadd.scan.msk.s32 $0xffff, v43  }
0x156: {  	v45 =	vsel vm10, $0x1, v1;
	v46 =	vbroadcast v15, $0x4;
	v15 =	vadd.s32 v32, v15  }
0x157: {  	v23 =	vbroadcast v35, $0xF;
	v25 =	vnsel vm9, $0x0, v25;
	vm12 =	veq.s32 v41, $0x2  }
0x158: {  	v52 =	vadd.s32 v25, v15;
	v53 =	vsel vm12, $0x1, v1;
	v51 =	vbroadcast v38, $0xF;
	(xrf0) =	vadd.scan.msk.s32 $0xffff, v45  }
0x159: {  	v15 =	vbroadcast v15, $0x5;
	v49 =	vnsel vm3, $0x0, v23;
	v22 =	vadd.s32 v42, v39;
	(xrf0) =	vadd.scan.msk.s32 $0xffff, v47  }
0x15a: {  	v54 =	vbroadcast v42, $0xF;
	v20 =	vadd.s32 v49, v52;
	v18 =	vnsel vm4, $0x0, v51;
	v48, _, _ =	vpop (xrf0);
	(xrf0) =	vadd.scan.msk.s32 $0xffff, v50  }
0x15b: {  	v17 =	vsel vm1, v22, v17;
	v21 =	vadd.s32 v44, v21;
	v24 =	vbroadcast v44, $0xF;
	v55, _, _ =	vpop (xrf0);
	(xrf0) =	vadd.scan.msk.s32 $0xffff, v53  }
0x15c: {  	[tilespmem:$0x400] =	vst v10;
	v57 =	vbroadcast v20, $0x0;
	v18 =	vadd.s32 v18, v20;
	v17 =	vsel vm14, v21, v17  }
0x15d: {  	[tilespmem:$0x480] =	vst v10;
	v23 =	vnsel vm5, $0x0, v54;
	v20 =	vbroadcast v18, $0x1;
	vm14 =	veq.s32 v41, $0x3  }
0x15e: {  	[tilespmem:$0x410] =	vst v11;
	v18 =	vadd.s32 v23, v18;
	v62 =	vsel vm14, $0x1, v1;
	v22 =	vadd.s32 v48, v46;
	v56, _, _ =	vpop (xrf0)  }
0x15f: {  	[tilespmem:$0x490] =	vst v11;
	v61 =	vbroadcast v18, $0x2;
	v17 =	vsel vm0, v22, v17;
	v10 =	vadd.s32 v55, v15;
	v58, _, _ =	vpop (xrf0)  }
0x160: {  	[tilespmem:$0x420] =	vst v12;
	v10 =	vsel vm11, v10, v17;
	vm11 =	veq.s32 v41, $0x5;
	v59 =	vadd.s32 v58, v57;
	v60, _, _ =	vpop (xrf0)  }
0x161: {  	[tilespmem:$0x4A0] =	vst v12;
	v15 =	vnsel vm13, $0x0, v59;
	vm13 =	veq.s32 v41, $0x4;
	v11 =	vadd.s32 v60, v20;
	v63, _, _ =	vpop (xrf0)  }
0x162: {  	v26 =	vsel vm13, $0x1, v1;
	v11 =	vsel vm15, v11, v15;
	(xrf0) =	vadd.scan.msk.s32 $0xffff, v62;
	v15 =	vadd.s32 v63, v61  }
0x163: {  	v27 =	vsel vm11, $0x1, v1;
	(xrf0) =	vadd.scan.msk.s32 $0xffff, v26;
	v11 =	vsel vm12, v15, v11;
	vm12 =	veq.s32 v41, $0x6  }
0x164: {  	v24 =	vnsel vm6, $0x0, v24;
	v28 =	vbroadcast v48, $0xF;
	(xrf0) =	vadd.scan.msk.s32 $0xffff, v27;
	v30 =	vsel vm12, $0x1, v1  }
0x165: {  	v36 =	vbroadcast v52, $0x6;
	v18 =	vadd.s32 v24, v18;
	v29 =	vbroadcast v55, $0xF;
	(xrf0) =	vadd.scan.msk.s32 $0xffff, v30  }
0x166: {  	[tilespmem:$0x430] =	vst v13;
	v34 =	vbroadcast v18, $0x3;
	v32 =	vnsel vm7, $0x0, v28;
	v31 =	vbroadcast v56, $0xF  }
0x167: {  	[tilespmem:$0x4B0] =	vst v13;
	v13 =	vadd.s32 v56, v36;
	v33 =	vnsel vm8, $0x0, v29;
	v15 =	vadd.s32 v32, v18  }
0x168: {  	[tilespmem:$0x440] =	vst v14;
	v12 =	vnsel vm9, $0x0, v31;
	v38 =	vbroadcast v15, $0x4;
	v15 =	vadd.s32 v33, v15;
	v35, _, _ =	vpop (xrf0)  }
0x169: {  	[tilespmem:$0x500] =	vst v14;
	v40 =	vbroadcast v15, $0x5;
	v12 =	vadd.s32 v12, v15;
	v37 =	vadd.s32 v35, v34;
	v39, _, _ =	vpop (xrf0)  }
0x16a: {  	[tilespmem:$0x450] =	vst v16;
	v12 =	vbroadcast v12, $0x6;
	v11 =	vsel vm14, v37, v11;
	v41, _, _ =	vpop (xrf0);
	v17 =	vadd.s32 v39, v38  }
0x16b: {  	[tilespmem:$0x510] =	vst v16;
	v10 =	vsel vm10, v13, v10;
	v11 =	vsel vm13, v17, v11;
	v42 =	vadd.s32 v41, v40;
	v43, _, _ =	vpop (xrf0)  }
0x16c: {  	[tilespmem:$0x460] =	vst v10;
	v11 =	vsel vm11, v42, v11;
	v12 =	vadd.s32 v43, v12  }
0x16d: {  	[tilespmem:$0x520] =	vst v10;
	v10 =	vsel vm12, v12, v11  }
0x16e: {  	s0 =	rddreg [dreg:$0xd];
	[tilespmem:$0x470] =	vst v10  }
0x16f: {  	s26 =	rddreg [dreg:$0x9];
	[tilespmem:$0x530] =	vst v10  }
0x170: {  	[hbm4b:s26+s2] =	stream.linear.scatter [tilespmem:s0], [sflag:$0x2], $0x80, $0x38;
	[tilespmem:$0x12580] =	vst v63  }
0x171: {  	_ =	swait.ge [sflag:s1], $0x80  }
0x172: {  	[sflag:s1] =	ssyncset.done $0x0  }
0x173: {  	[sflag:s1] =	ssyncadd.s32 $0xFFFFFF80  }
0x174: {  	v10 =	vld [tilespmem:$0x280];
	_ =	sdelay $0x4  }
0x175: {  	v11 =	vbroadcast v10, $0x0  }
0x176: {  	v44 =	vbroadcast v10, $0x1  }
0x177: {  	[tilespmem:$0x10580] =	vst v11;
	v11 =	vbroadcast v10, $0x2  }
0x178: {  	v45 =	vbroadcast v10, $0x3;
	[tilespmem:$0x10600] =	vst v44  }
0x179: {  	[tilespmem:$0x10680] =	vst v11;
	v11 =	vbroadcast v10, $0x4  }
0x17a: {  	v46 =	vbroadcast v10, $0x5;
	[tilespmem:$0x10700] =	vst v45  }
0x17b: {  	[tilespmem:$0x10780] =	vst v11;
	v11 =	vbroadcast v10, $0x6  }
0x17c: {  	v47 =	vbroadcast v10, $0x7;
	[tilespmem:$0x10800] =	vst v46  }
0x17d: {  	[tilespmem:$0x10880] =	vst v11;
	v11 =	vbroadcast v10, $0x8  }
0x17e: {  	v48 =	vbroadcast v10, $0x9;
	[tilespmem:$0x10900] =	vst v47  }
0x17f: {  	[tilespmem:$0x10980] =	vst v11;
	v11 =	vbroadcast v10, $0xA  }
0x180: {  	v50 =	vld [tilespmem:$0x290];
	v49 =	vbroadcast v10, $0xB;
	[tilespmem:$0x10A00] =	vst v48  }
0x181: {  	[tilespmem:$0x10A80] =	vst v11;
	v11 =	vbroadcast v10, $0xC  }
0x182: {  	v51 =	vbroadcast v10, $0xD;
	[tilespmem:$0x10B00] =	vst v49  }
0x183: {  	[tilespmem:$0x10B80] =	vst v11;
	v11 =	vbroadcast v10, $0xE  }
0x184: {  	[tilespmem:$0x10C00] =	vst v51;
	v10 =	vbroadcast v10, $0xF  }
0x185: {  	[tilespmem:$0x10C80] =	vst v11;
	v11 =	vbroadcast v50, $0x0  }
0x186: {  	[tilespmem:$0x10D00] =	vst v10;
	v10 =	vbroadcast v50, $0x1  }
0x187: {  	[tilespmem:$0x10D80] =	vst v11;
	v11 =	vbroadcast v50, $0x2  }
0x188: {  	[tilespmem:$0x10E00] =	vst v10;
	v10 =	vbroadcast v50, $0x3  }
0x189: {  	[tilespmem:$0x10E80] =	vst v11;
	v11 =	vbroadcast v50, $0x4  }
0x18a: {  	[tilespmem:$0x10F00] =	vst v10;
	v10 =	vbroadcast v50, $0x5  }
0x18b: {  	[tilespmem:$0x10F80] =	vst v11;
	v11 =	vbroadcast v50, $0x6  }
0x18c: {  	[tilespmem:$0x11000] =	vst v10;
	v10 =	vbroadcast v50, $0x7  }
0x18d: {  	[tilespmem:$0x11080] =	vst v11;
	v11 =	vbroadcast v50, $0x8  }
0x18e: {  	[tilespmem:$0x11100] =	vst v10;
	v10 =	vbroadcast v50, $0x9  }
0x18f: {  	[tilespmem:$0x11180] =	vst v11;
	v11 =	vbroadcast v50, $0xA  }
0x190: {  	v52 =	vld [tilespmem:$0x2A0];
	[tilespmem:$0x11200] =	vst v10;
	v10 =	vbroadcast v50, $0xB  }
0x191: {  	[tilespmem:$0x11280] =	vst v11;
	v11 =	vbroadcast v50, $0xC  }
0x192: {  	[tilespmem:$0x11300] =	vst v10;
	v10 =	vbroadcast v50, $0xD  }
0x193: {  	[tilespmem:$0x11380] =	vst v11;
	v11 =	vbroadcast v50, $0xE  }
0x194: {  	[tilespmem:$0x11400] =	vst v10;
	v10 =	vbroadcast v50, $0xF  }
0x195: {  	[tilespmem:$0x11480] =	vst v11;
	v11 =	vbroadcast v52, $0x0  }
0x196: {  	[tilespmem:$0x11500] =	vst v10;
	v10 =	vbroadcast v52, $0x1  }
0x197: {  	[tilespmem:$0x11580] =	vst v11;
	v11 =	vbroadcast v52, $0x2  }
0x198: {  	[tilespmem:$0x11600] =	vst v10;
	v10 =	vbroadcast v52, $0x3  }
0x199: {  	[tilespmem:$0x11680] =	vst v11;
	v11 =	vbroadcast v52, $0x4  }
0x19a: {  	[tilespmem:$0x11700] =	vst v10;
	v10 =	vbroadcast v52, $0x5  }
0x19b: {  	[tilespmem:$0x11780] =	vst v11;
	v11 =	vbroadcast v52, $0x6  }
0x19c: {  	[tilespmem:$0x11800] =	vst v10;
	v10 =	vbroadcast v52, $0x7  }
0x19d: {  	[tilespmem:$0x11880] =	vst v11;
	v11 =	vbroadcast v52, $0x8  }
0x19e: {  	[tilespmem:$0x11900] =	vst v10;
	v10 =	vbroadcast v52, $0x9  }
0x19f: {  	[tilespmem:$0x11980] =	vst v11;
	v11 =	vbroadcast v52, $0xA  }
0x1a0: {  	v53 =	vld [tilespmem:$0x2B0];
	[tilespmem:$0x11A00] =	vst v10;
	v10 =	vbroadcast v52, $0xB  }
0x1a1: {  	[tilespmem:$0x11A80] =	vst v11;
	v11 =	vbroadcast v52, $0xC  }
0x1a2: {  	[tilespmem:$0x11B00] =	vst v10;
	v10 =	vbroadcast v52, $0xD  }
0x1a3: {  	[tilespmem:$0x11B80] =	vst v11;
	v11 =	vbroadcast v52, $0xE  }
0x1a4: {  	[tilespmem:$0x11C00] =	vst v10;
	v10 =	vbroadcast v52, $0xF  }
0x1a5: {  	[tilespmem:$0x11C80] =	vst v11;
	v11 =	vbroadcast v53, $0x0  }
0x1a6: {  	[tilespmem:$0x11D00] =	vst v10;
	v10 =	vbroadcast v53, $0x1  }
0x1a7: {  	[tilespmem:$0x11D80] =	vst v11;
	v11 =	vbroadcast v53, $0x2  }
0x1a8: {  	[tilespmem:$0x11E00] =	vst v10;
	v10 =	vbroadcast v53, $0x3  }
0x1a9: {  	[tilespmem:$0x11E80] =	vst v11;
	v11 =	vbroadcast v53, $0x4  }
0x1aa: {  	[tilespmem:$0x11F00] =	vst v10;
	v10 =	vbroadcast v53, $0x5  }
0x1ab: {  	[tilespmem:$0x11F80] =	vst v11;
	v11 =	vbroadcast v53, $0x6  }
0x1ac: {  	[tilespmem:$0x12000] =	vst v10;
	v10 =	vbroadcast v53, $0x7  }
0x1ad: {  	[tilespmem:$0x12080] =	vst v11;
	v11 =	vbroadcast v53, $0x8  }
0x1ae: {  	[tilespmem:$0x12100] =	vst v10;
	v10 =	vbroadcast v53, $0x9  }
0x1af: {  	[tilespmem:$0x12180] =	vst v11;
	v11 =	vbroadcast v53, $0xA  }
0x1b0: {  	[tilespmem:$0x12200] =	vst v10;
	v10 =	vbroadcast v53, $0xB  }
0x1b1: {  	[tilespmem:$0x12280] =	vst v11;
	v11 =	vbroadcast v53, $0xC  }
0x1b2: {  	[tilespmem:$0x12300] =	vst v10;
	v10 =	vbroadcast v53, $0xD  }
0x1b3: {  	[tilespmem:$0x12380] =	vst v11;
	v11 =	vbroadcast v53, $0xE  }
0x1b4: {  	[tilespmem:$0x12400] =	vst v10;
	v10 =	vbroadcast v53, $0xF  }
0x1b5: {  	[tilespmem:$0x12480] =	vst v11  }
0x1b6: {  	s10 =	rddreg [dreg:$0x10];
	[tilespmem:$0x12500] =	vst v10  }
0x1b7: {  	[tilespmem:s21], [sflag:$0x2] =	stream.linear.gather [hbm4b:s10+s2], $0x10000, $0x38;
	[tilespmem:$0x12580] =	vst v63  }
0x1b8: {  	_ =	swait.ge [sflag:s1], $0x10000  }
0x1b9: {  	[sflag:s1] =	ssyncset.done $0x0  }
0x1ba: {  	[sflag:s1] =	ssyncadd.s32 $0xFFFF0000  }
0x1bb: {  	v10 =	vld [tilespmem:$0x480];
	_ =	sdelay $0x4  }
0x1bc: {  	v11 =	vshll.u32 v10, $0x3  }
0x1bd: {  	v10 =	vand.u32 $0x7, v10;
	v11 =	vand.u32 $0xFFFFFFC0, v11  }
0x1be: {  	v10 =	vor.u32 v10, v11  }
0x1bf: {  	v11 =	vperm.xlane v10, v7;
	_ =	sdelay $0x1  }
0x1c0: {  	v11 =	vadd.s32 v8, v11;
	_ =	sdelay $0x4  }
0x1c1: {  	[hbm4b:s4+s2] =	stream.indirect_vreg.scatter [tilespmem:s21], [sflag:$0x1], $0x80, v11, vm2, $0xb8;
	[tilespmem:$0x12580] =	vst v63  }
0x1c2: {  	s25 =	simm.s32 $0xD80;
	v10 =	vperm.xlane v10, v9  }
0x1c3: {  	[hbm4b:s6+s2] =	stream.indirect_vreg.scatter [tilespmem:s25], [sflag:$0x1], $0x80, v11, vm2, $0xb8;
	[tilespmem:$0x12580] =	vst v63  }
0x1c4: {  	s26 =	simm.s32 $0x1580;
	v10 =	vadd.s32 v8, v10  }
0x1c5: {  	[hbm4b:s7+s2] =	stream.indirect_vreg.scatter [tilespmem:s26], [sflag:$0x1], $0x80, v11, vm2, $0xb8;
	[tilespmem:$0x12580] =	vst v63  }
0x1c6: {  	_ = 	snop  }
0x1c7: {  	[hbm4b:s8+s2] =	stream.indirect_vreg.scatter [tilespmem:s28], [sflag:$0x1], $0x80, v11, vm2, $0xb8;
	[tilespmem:$0x12580] =	vst v63  }
0x1c8: {  	_ = 	snop  }
0x1c9: {  	[hbm4b:s4+s2] =	stream.indirect_vreg.scatter [tilespmem:s29], [sflag:$0x1], $0x80, v10, vm2, $0xb8;
	[tilespmem:$0x12580] =	vst v63  }
0x1ca: {  	_ = 	snop  }
0x1cb: {  	[hbm4b:s6+s2] =	stream.indirect_vreg.scatter [tilespmem:s30], [sflag:$0x1], $0x80, v10, vm2, $0xb8;
	[tilespmem:$0x12580] =	vst v63  }
0x1cc: {  	_ = 	snop  }
0x1cd: {  	[hbm4b:s7+s2] =	stream.indirect_vreg.scatter [tilespmem:s31], [sflag:$0x1], $0x80, v10, vm2, $0xb8;
	[tilespmem:$0x12580] =	vst v63  }
0x1ce: {  	s24 =	simm.s32 $0x3D80  }
0x1cf: {  	[hbm4b:s8+s2] =	stream.indirect_vreg.scatter [tilespmem:s24], [sflag:$0x1], $0x80, v10, vm2, $0xb8;
	[tilespmem:$0x12580] =	vst v63  }
0x1d0: {  	v10 =	vld [tilespmem:$0x490];
	_ =	sdelay $0x4  }
0x1d1: {  	v11 =	vshll.u32 v10, $0x3  }
0x1d2: {  	v10 =	vand.u32 $0x7, v10;
	v11 =	vand.u32 $0xFFFFFFC0, v11  }
0x1d3: {  	v10 =	vor.u32 v10, v11  }
0x1d4: {  	v11 =	vperm.xlane v10, v7;
	_ =	sdelay $0x1  }
0x1d5: {  	v11 =	vadd.s32 v8, v11;
	_ =	sdelay $0x3  }
0x1d6: {  	s5 =	simm.s32 $0x4580  }
0x1d7: {  	[hbm4b:s4+s2] =	stream.indirect_vreg.scatter [tilespmem:s5], [sflag:$0x1], $0x80, v11, vm2, $0xb8;
	[tilespmem:$0x12580] =	vst v63  }
0x1d8: {  	s10 =	simm.s32 $0x4D80;
	v10 =	vperm.xlane v10, v9  }
0x1d9: {  	[hbm4b:s6+s2] =	stream.indirect_vreg.scatter [tilespmem:s10], [sflag:$0x1], $0x80, v11, vm2, $0xb8;
	[tilespmem:$0x12580] =	vst v63  }
0x1da: {  	v10 =	vadd.s32 v8, v10  }
0x1db: {  	[hbm4b:s7+s2] =	stream.indirect_vreg.scatter [tilespmem:s12], [sflag:$0x1], $0x80, v11, vm2, $0xb8;
	[tilespmem:$0x12580] =	vst v63  }
0x1dc: {  	_ = 	snop  }
0x1dd: {  	[hbm4b:s8+s2] =	stream.indirect_vreg.scatter [tilespmem:s13], [sflag:$0x1], $0x80, v11, vm2, $0xb8;
	[tilespmem:$0x12580] =	vst v63  }
0x1de: {  	_ = 	snop  }
0x1df: {  	[hbm4b:s4+s2] =	stream.indirect_vreg.scatter [tilespmem:s14], [sflag:$0x1], $0x80, v10, vm2, $0xb8;
	[tilespmem:$0x12580] =	vst v63  }
0x1e0: {  	_ = 	snop  }
0x1e1: {  	[hbm4b:s6+s2] =	stream.indirect_vreg.scatter [tilespmem:s15], [sflag:$0x1], $0x80, v10, vm2, $0xb8;
	[tilespmem:$0x12580] =	vst v63  }
0x1e2: {  	_ = 	snop  }
0x1e3: {  	[hbm4b:s7+s2] =	stream.indirect_vreg.scatter [tilespmem:s16], [sflag:$0x1], $0x80, v10, vm2, $0xb8;
	[tilespmem:$0x12580] =	vst v63  }
0x1e4: {  	_ = 	snop  }
0x1e5: {  	[hbm4b:s8+s2] =	stream.indirect_vreg.scatter [tilespmem:s17], [sflag:$0x1], $0x80, v10, vm2, $0xb8;
	[tilespmem:$0x12580] =	vst v63  }
0x1e6: {  	v10 =	vld [tilespmem:$0x4A0];
	_ =	sdelay $0x4  }
0x1e7: {  	v11 =	vshll.u32 v10, $0x3  }
0x1e8: {  	v10 =	vand.u32 $0x7, v10;
	v11 =	vand.u32 $0xFFFFFFC0, v11  }
0x1e9: {  	v10 =	vor.u32 v10, v11  }
0x1ea: {  	v11 =	vperm.xlane v10, v7;
	_ =	sdelay $0x1  }
0x1eb: {  	v11 =	vadd.s32 v8, v11;
	_ =	sdelay $0x4  }
0x1ec: {  	[hbm4b:s4+s2] =	stream.indirect_vreg.scatter [tilespmem:s18], [sflag:$0x1], $0x80, v11, vm2, $0xb8;
	[tilespmem:$0x12580] =	vst v63  }
0x1ed: {  	v10 =	vperm.xlane v10, v9  }
0x1ee: {  	[hbm4b:s6+s2] =	stream.indirect_vreg.scatter [tilespmem:s19], [sflag:$0x1], $0x80, v11, vm2, $0xb8;
	[tilespmem:$0x12580] =	vst v63  }
0x1ef: {  	v10 =	vadd.s32 v8, v10  }
0x1f0: {  	[hbm4b:s7+s2] =	stream.indirect_vreg.scatter [tilespmem:s20], [sflag:$0x1], $0x80, v11, vm2, $0xb8;
	[tilespmem:$0x12580] =	vst v63  }
0x1f1: {  	_ = 	snop  }
0x1f2: {  	[hbm4b:s8+s2] =	stream.indirect_vreg.scatter [tilespmem:s22], [sflag:$0x1], $0x80, v11, vm2, $0xb8;
	[tilespmem:$0x12580] =	vst v63  }
0x1f3: {  	_ = 	snop  }
0x1f4: {  	[hbm4b:s4+s2] =	stream.indirect_vreg.scatter [tilespmem:s23], [sflag:$0x1], $0x80, v10, vm2, $0xb8;
	[tilespmem:$0x12580] =	vst v63  }
0x1f5: {  	_ = 	snop  }
0x1f6: {  	[hbm4b:s6+s2] =	stream.indirect_vreg.scatter [tilespmem:s11], [sflag:$0x1], $0x80, v10, vm2, $0xb8;
	[tilespmem:$0x12580] =	vst v63  }
0x1f7: {  	s24 =	simm.s32 $0xB580  }
0x1f8: {  	[hbm4b:s7+s2] =	stream.indirect_vreg.scatter [tilespmem:s24], [sflag:$0x1], $0x80, v10, vm2, $0xb8;
	[tilespmem:$0x12580] =	vst v63  }
0x1f9: {  	s5 =	simm.s32 $0xBD80  }
0x1fa: {  	[hbm4b:s8+s2] =	stream.indirect_vreg.scatter [tilespmem:s5], [sflag:$0x1], $0x80, v10, vm2, $0xb8;
	[tilespmem:$0x12580] =	vst v63  }
0x1fb: {  	v10 =	vld [tilespmem:$0x4B0];
	_ =	sdelay $0x4  }
0x1fc: {  	v11 =	vshll.u32 v10, $0x3  }
0x1fd: {  	v10 =	vand.u32 $0x7, v10;
	v11 =	vand.u32 $0xFFFFFFC0, v11  }
0x1fe: {  	v10 =	vor.u32 v10, v11  }
0x1ff: {  	v11 =	vperm.xlane v10, v7;
	_ =	sdelay $0x1  }
0x200: {  	v11 =	vadd.s32 v8, v11;
	_ =	sdelay $0x3  }
0x201: {  	s10 =	simm.s32 $0xC580  }
0x202: {  	[hbm4b:s4+s2] =	stream.indirect_vreg.scatter [tilespmem:s10], [sflag:$0x1], $0x80, v11, vm2, $0xb8;
	[tilespmem:$0x12580] =	vst v63  }
0x203: {  	s24 =	simm.s32 $0xCD80;
	v10 =	vperm.xlane v10, v9  }
0x204: {  	[hbm4b:s6+s2] =	stream.indirect_vreg.scatter [tilespmem:s24], [sflag:$0x1], $0x80, v11, vm2, $0xb8;
	[tilespmem:$0x12580] =	vst v63  }
0x205: {  	s5 =	simm.s32 $0xD580;
	v10 =	vadd.s32 v8, v10  }
0x206: {  	[hbm4b:s7+s2] =	stream.indirect_vreg.scatter [tilespmem:s5], [sflag:$0x1], $0x80, v11, vm2, $0xb8;
	[tilespmem:$0x12580] =	vst v63  }
0x207: {  	s10 =	simm.s32 $0xDD80  }
0x208: {  	[hbm4b:s8+s2] =	stream.indirect_vreg.scatter [tilespmem:s10], [sflag:$0x1], $0x80, v11, vm2, $0xb8;
	[tilespmem:$0x12580] =	vst v63  }
0x209: {  	s24 =	simm.s32 $0xE580  }
0x20a: {  	[hbm4b:s4+s2] =	stream.indirect_vreg.scatter [tilespmem:s24], [sflag:$0x1], $0x80, v10, vm2, $0xb8;
	[tilespmem:$0x12580] =	vst v63  }
0x20b: {  	s5 =	simm.s32 $0xED80  }
0x20c: {  	[hbm4b:s6+s2] =	stream.indirect_vreg.scatter [tilespmem:s5], [sflag:$0x1], $0x80, v10, vm2, $0xb8;
	[tilespmem:$0x12580] =	vst v63  }
0x20d: {  	s10 =	simm.s32 $0xF580  }
0x20e: {  	[hbm4b:s7+s2] =	stream.indirect_vreg.scatter [tilespmem:s10], [sflag:$0x1], $0x80, v10, vm2, $0xb8;
	[tilespmem:$0x12580] =	vst v63  }
0x20f: {  	s0 =	simm.s32 $0x1;
	s24 =	simm.s32 $0xFD80  }
0x210: {  	[hbm4b:s8+s2] =	stream.indirect_vreg.scatter [tilespmem:s24], [sflag:$0x1], $0x80, v10, vm2, $0xb8;
	[tilespmem:$0x12580] =	vst v63  }
0x211: {  	_ =	swait.ge [sflag:s0], $0x10000  }
0x212: {  	[sflag:s0] =	ssyncset.done $0x0  }
0x213: {  	s5 =	rddreg [dreg:$0xe];
	[sflag:s0] =	ssyncadd.s32 $0xFFFF0000  }
0x214: {  	s10 =	simm.s32 $0x10580;
	s24 =	rddreg [dreg:$0x2]  }
0x215: {  	[hbm4b:s24+s9] =	stream.indirect.scatter [tilespmem:s10], [sflag:$0x1], $0x80, s5, s9, $0xb8;
	[tilespmem:$0x12580] =	vst v63  }
0x216: {  	_ =	swait.ge [sflag:s0], $0x2000  }
0x217: {  	[sflag:s0] =	ssyncset.done $0x0  }
0x218: {  	[sflag:s0] =	ssyncadd.s32 $0xFFFFE000  }
0x219: {  	v10 =	vld [tilespmem:$0x2C0];
	_ =	sdelay $0x4  }
0x21a: {  	v11 =	vbroadcast v10, $0x0  }
0x21b: {  	v54 =	vbroadcast v10, $0x1  }
0x21c: {  	[tilespmem:$0x10580] =	vst v11;
	v11 =	vbroadcast v10, $0x2  }
0x21d: {  	v55 =	vbroadcast v10, $0x3;
	[tilespmem:$0x10600] =	vst v54  }
0x21e: {  	[tilespmem:$0x10680] =	vst v11;
	v11 =	vbroadcast v10, $0x4  }
0x21f: {  	v56 =	vbroadcast v10, $0x5;
	[tilespmem:$0x10700] =	vst v55  }
0x220: {  	[tilespmem:$0x10780] =	vst v11;
	v11 =	vbroadcast v10, $0x6  }
0x221: {  	v57 =	vbroadcast v10, $0x7;
	[tilespmem:$0x10800] =	vst v56  }
0x222: {  	[tilespmem:$0x10880] =	vst v11;
	v11 =	vbroadcast v10, $0x8  }
0x223: {  	v58 =	vbroadcast v10, $0x9;
	[tilespmem:$0x10900] =	vst v57  }
0x224: {  	[tilespmem:$0x10980] =	vst v11;
	v11 =	vbroadcast v10, $0xA  }
0x225: {  	v60 =	vld [tilespmem:$0x2D0];
	v59 =	vbroadcast v10, $0xB;
	[tilespmem:$0x10A00] =	vst v58  }
0x226: {  	[tilespmem:$0x10A80] =	vst v11;
	v11 =	vbroadcast v10, $0xC  }
0x227: {  	v61 =	vbroadcast v10, $0xD;
	[tilespmem:$0x10B00] =	vst v59  }
0x228: {  	[tilespmem:$0x10B80] =	vst v11;
	v11 =	vbroadcast v10, $0xE  }
0x229: {  	[tilespmem:$0x10C00] =	vst v61;
	v10 =	vbroadcast v10, $0xF  }
0x22a: {  	[tilespmem:$0x10C80] =	vst v11;
	v11 =	vbroadcast v60, $0x0  }
0x22b: {  	[tilespmem:$0x10D00] =	vst v10;
	v10 =	vbroadcast v60, $0x1  }
0x22c: {  	[tilespmem:$0x10D80] =	vst v11;
	v11 =	vbroadcast v60, $0x2  }
0x22d: {  	[tilespmem:$0x10E00] =	vst v10;
	v10 =	vbroadcast v60, $0x3  }
0x22e: {  	[tilespmem:$0x10E80] =	vst v11;
	v11 =	vbroadcast v60, $0x4  }
0x22f: {  	[tilespmem:$0x10F00] =	vst v10;
	v10 =	vbroadcast v60, $0x5  }
0x230: {  	[tilespmem:$0x10F80] =	vst v11;
	v11 =	vbroadcast v60, $0x6  }
0x231: {  	[tilespmem:$0x11000] =	vst v10;
	v10 =	vbroadcast v60, $0x7  }
0x232: {  	[tilespmem:$0x11080] =	vst v11;
	v11 =	vbroadcast v60, $0x8  }
0x233: {  	[tilespmem:$0x11100] =	vst v10;
	v10 =	vbroadcast v60, $0x9  }
0x234: {  	[tilespmem:$0x11180] =	vst v11;
	v11 =	vbroadcast v60, $0xA  }
0x235: {  	v62 =	vld [tilespmem:$0x2E0];
	[tilespmem:$0x11200] =	vst v10;
	v10 =	vbroadcast v60, $0xB  }
0x236: {  	[tilespmem:$0x11280] =	vst v11;
	v11 =	vbroadcast v60, $0xC  }
0x237: {  	[tilespmem:$0x11300] =	vst v10;
	v10 =	vbroadcast v60, $0xD  }
0x238: {  	[tilespmem:$0x11380] =	vst v11;
	v11 =	vbroadcast v60, $0xE  }
0x239: {  	[tilespmem:$0x11400] =	vst v10;
	v10 =	vbroadcast v60, $0xF  }
0x23a: {  	[tilespmem:$0x11480] =	vst v11;
	v11 =	vbroadcast v62, $0x0  }
0x23b: {  	[tilespmem:$0x11500] =	vst v10;
	v10 =	vbroadcast v62, $0x1  }
0x23c: {  	[tilespmem:$0x11580] =	vst v11;
	v11 =	vbroadcast v62, $0x2  }
0x23d: {  	[tilespmem:$0x11600] =	vst v10;
	v10 =	vbroadcast v62, $0x3  }
0x23e: {  	[tilespmem:$0x11680] =	vst v11;
	v11 =	vbroadcast v62, $0x4  }
0x23f: {  	[tilespmem:$0x11700] =	vst v10;
	v10 =	vbroadcast v62, $0x5  }
0x240: {  	[tilespmem:$0x11780] =	vst v11;
	v11 =	vbroadcast v62, $0x6  }
0x241: {  	[tilespmem:$0x11800] =	vst v10;
	v10 =	vbroadcast v62, $0x7  }
0x242: {  	[tilespmem:$0x11880] =	vst v11;
	v11 =	vbroadcast v62, $0x8  }
0x243: {  	[tilespmem:$0x11900] =	vst v10;
	v10 =	vbroadcast v62, $0x9  }
0x244: {  	[tilespmem:$0x11980] =	vst v11;
	v11 =	vbroadcast v62, $0xA  }
0x245: {  	v63 =	vld [tilespmem:$0x2F0];
	[tilespmem:$0x11A00] =	vst v10;
	v10 =	vbroadcast v62, $0xB  }
0x246: {  	[tilespmem:$0x11A80] =	vst v11;
	v11 =	vbroadcast v62, $0xC  }
0x247: {  	[tilespmem:$0x11B00] =	vst v10;
	v10 =	vbroadcast v62, $0xD  }
0x248: {  	[tilespmem:$0x11B80] =	vst v11;
	v11 =	vbroadcast v62, $0xE  }
0x249: {  	[tilespmem:$0x11C00] =	vst v10;
	v10 =	vbroadcast v62, $0xF  }
0x24a: {  	[tilespmem:$0x11C80] =	vst v11;
	v11 =	vbroadcast v63, $0x0  }
0x24b: {  	[tilespmem:$0x11D00] =	vst v10;
	v10 =	vbroadcast v63, $0x1  }
0x24c: {  	[tilespmem:$0x11D80] =	vst v11;
	v11 =	vbroadcast v63, $0x2  }
0x24d: {  	[tilespmem:$0x11E00] =	vst v10;
	v10 =	vbroadcast v63, $0x3  }
0x24e: {  	[tilespmem:$0x11E80] =	vst v11;
	v11 =	vbroadcast v63, $0x4  }
0x24f: {  	[tilespmem:$0x11F00] =	vst v10;
	v10 =	vbroadcast v63, $0x5  }
0x250: {  	[tilespmem:$0x11F80] =	vst v11;
	v11 =	vbroadcast v63, $0x6  }
0x251: {  	[tilespmem:$0x12000] =	vst v10;
	v10 =	vbroadcast v63, $0x7  }
0x252: {  	[tilespmem:$0x12080] =	vst v11;
	v11 =	vbroadcast v63, $0x8  }
0x253: {  	[tilespmem:$0x12100] =	vst v10;
	v10 =	vbroadcast v63, $0x9  }
0x254: {  	[tilespmem:$0x12180] =	vst v11;
	v11 =	vbroadcast v63, $0xA  }
0x255: {  	[tilespmem:$0x12200] =	vst v10;
	v10 =	vbroadcast v63, $0xB  }
0x256: {  	[tilespmem:$0x12280] =	vst v11;
	v11 =	vbroadcast v63, $0xC  }
0x257: {  	[tilespmem:$0x12300] =	vst v10;
	v10 =	vbroadcast v63, $0xD  }
0x258: {  	[tilespmem:$0x12380] =	vst v11;
	v11 =	vbroadcast v63, $0xE  }
0x259: {  	[tilespmem:$0x12400] =	vst v10;
	v10 =	vbroadcast v63, $0xF  }
0x25a: {  	[tilespmem:$0x12480] =	vst v11  }
0x25b: {  	s5 =	rddreg [dreg:$0xa];
	[tilespmem:$0x12500] =	vst v10  }
0x25c: {  	[tilespmem:s21], [sflag:$0x2] =	stream.linear.gather [hbm4b:s5+s2], $0x10000, $0x38;
	[tilespmem:$0x12580] =	vst v63  }
0x25d: {  	_ =	swait.ge [sflag:s1], $0x10000  }
0x25e: {  	[sflag:s1] =	ssyncset.done $0x0  }
0x25f: {  	[sflag:s1] =	ssyncadd.s32 $0xFFFF0000  }
0x260: {  	v10 =	vld [tilespmem:$0x500];
	_ =	sdelay $0x4  }
0x261: {  	v11 =	vshll.u32 v10, $0x3  }
0x262: {  	v10 =	vand.u32 $0x7, v10;
	v11 =	vand.u32 $0xFFFFFFC0, v11  }
0x263: {  	v10 =	vor.u32 v10, v11  }
0x264: {  	v11 =	vperm.xlane v10, v7;
	_ =	sdelay $0x1  }
0x265: {  	v11 =	vadd.s32 v8, v11;
	_ =	sdelay $0x4  }
0x266: {  	[hbm4b:s4+s2] =	stream.indirect_vreg.scatter [tilespmem:s21], [sflag:$0x1], $0x80, v11, vm2, $0xb8;
	[tilespmem:$0x12580] =	vst v63  }
0x267: {  	v10 =	vperm.xlane v10, v9  }
0x268: {  	[hbm4b:s6+s2] =	stream.indirect_vreg.scatter [tilespmem:s25], [sflag:$0x1], $0x80, v11, vm2, $0xb8;
	[tilespmem:$0x12580] =	vst v63  }
0x269: {  	v10 =	vadd.s32 v8, v10  }
0x26a: {  	[hbm4b:s7+s2] =	stream.indirect_vreg.scatter [tilespmem:s26], [sflag:$0x1], $0x80, v11, vm2, $0xb8;
	[tilespmem:$0x12580] =	vst v63  }
0x26b: {  	_ = 	snop  }
0x26c: {  	[hbm4b:s8+s2] =	stream.indirect_vreg.scatter [tilespmem:s28], [sflag:$0x1], $0x80, v11, vm2, $0xb8;
	[tilespmem:$0x12580] =	vst v63  }
0x26d: {  	_ = 	snop  }
0x26e: {  	[hbm4b:s4+s2] =	stream.indirect_vreg.scatter [tilespmem:s29], [sflag:$0x1], $0x80, v10, vm2, $0xb8;
	[tilespmem:$0x12580] =	vst v63  }
0x26f: {  	_ = 	snop  }
0x270: {  	[hbm4b:s6+s2] =	stream.indirect_vreg.scatter [tilespmem:s30], [sflag:$0x1], $0x80, v10, vm2, $0xb8;
	[tilespmem:$0x12580] =	vst v63  }
0x271: {  	_ = 	snop  }
0x272: {  	[hbm4b:s7+s2] =	stream.indirect_vreg.scatter [tilespmem:s31], [sflag:$0x1], $0x80, v10, vm2, $0xb8;
	[tilespmem:$0x12580] =	vst v63  }
0x273: {  	s25 =	simm.s32 $0x3D80  }
0x274: {  	[hbm4b:s8+s2] =	stream.indirect_vreg.scatter [tilespmem:s25], [sflag:$0x1], $0x80, v10, vm2, $0xb8;
	[tilespmem:$0x12580] =	vst v63  }
0x275: {  	v10 =	vld [tilespmem:$0x510];
	_ =	sdelay $0x4  }
0x276: {  	v11 =	vshll.u32 v10, $0x3  }
0x277: {  	v10 =	vand.u32 $0x7, v10;
	v11 =	vand.u32 $0xFFFFFFC0, v11  }
0x278: {  	v10 =	vor.u32 v10, v11  }
0x279: {  	v11 =	vperm.xlane v10, v7;
	_ =	sdelay $0x1  }
0x27a: {  	v11 =	vadd.s32 v8, v11;
	_ =	sdelay $0x3  }
0x27b: {  	s26 =	simm.s32 $0x4580  }
0x27c: {  	[hbm4b:s4+s2] =	stream.indirect_vreg.scatter [tilespmem:s26], [sflag:$0x1], $0x80, v11, vm2, $0xb8;
	[tilespmem:$0x12580] =	vst v63  }
0x27d: {  	s5 =	simm.s32 $0x4D80;
	v10 =	vperm.xlane v10, v9  }
0x27e: {  	[hbm4b:s6+s2] =	stream.indirect_vreg.scatter [tilespmem:s5], [sflag:$0x1], $0x80, v11, vm2, $0xb8;
	[tilespmem:$0x12580] =	vst v63  }
0x27f: {  	v10 =	vadd.s32 v8, v10  }
0x280: {  	[hbm4b:s7+s2] =	stream.indirect_vreg.scatter [tilespmem:s12], [sflag:$0x1], $0x80, v11, vm2, $0xb8;
	[tilespmem:$0x12580] =	vst v63  }
0x281: {  	_ = 	snop  }
0x282: {  	[hbm4b:s8+s2] =	stream.indirect_vreg.scatter [tilespmem:s13], [sflag:$0x1], $0x80, v11, vm2, $0xb8;
	[tilespmem:$0x12580] =	vst v63  }
0x283: {  	_ = 	snop  }
0x284: {  	[hbm4b:s4+s2] =	stream.indirect_vreg.scatter [tilespmem:s14], [sflag:$0x1], $0x80, v10, vm2, $0xb8;
	[tilespmem:$0x12580] =	vst v63  }
0x285: {  	_ = 	snop  }
0x286: {  	[hbm4b:s6+s2] =	stream.indirect_vreg.scatter [tilespmem:s15], [sflag:$0x1], $0x80, v10, vm2, $0xb8;
	[tilespmem:$0x12580] =	vst v63  }
0x287: {  	_ = 	snop  }
0x288: {  	[hbm4b:s7+s2] =	stream.indirect_vreg.scatter [tilespmem:s16], [sflag:$0x1], $0x80, v10, vm2, $0xb8;
	[tilespmem:$0x12580] =	vst v63  }
0x289: {  	_ = 	snop  }
0x28a: {  	[hbm4b:s8+s2] =	stream.indirect_vreg.scatter [tilespmem:s17], [sflag:$0x1], $0x80, v10, vm2, $0xb8;
	[tilespmem:$0x12580] =	vst v63  }
0x28b: {  	v10 =	vld [tilespmem:$0x520];
	_ =	sdelay $0x4  }
0x28c: {  	v11 =	vshll.u32 v10, $0x3  }
0x28d: {  	v10 =	vand.u32 $0x7, v10;
	v11 =	vand.u32 $0xFFFFFFC0, v11  }
0x28e: {  	v10 =	vor.u32 v10, v11  }
0x28f: {  	v11 =	vperm.xlane v10, v7;
	_ =	sdelay $0x1  }
0x290: {  	v11 =	vadd.s32 v8, v11;
	_ =	sdelay $0x4  }
0x291: {  	[hbm4b:s4+s2] =	stream.indirect_vreg.scatter [tilespmem:s18], [sflag:$0x1], $0x80, v11, vm2, $0xb8;
	[tilespmem:$0x12580] =	vst v63  }
0x292: {  	v10 =	vperm.xlane v10, v9  }
0x293: {  	[hbm4b:s6+s2] =	stream.indirect_vreg.scatter [tilespmem:s19], [sflag:$0x1], $0x80, v11, vm2, $0xb8;
	[tilespmem:$0x12580] =	vst v63  }
0x294: {  	v10 =	vadd.s32 v8, v10  }
0x295: {  	[hbm4b:s7+s2] =	stream.indirect_vreg.scatter [tilespmem:s20], [sflag:$0x1], $0x80, v11, vm2, $0xb8;
	[tilespmem:$0x12580] =	vst v63  }
0x296: {  	_ = 	snop  }
0x297: {  	[hbm4b:s8+s2] =	stream.indirect_vreg.scatter [tilespmem:s22], [sflag:$0x1], $0x80, v11, vm2, $0xb8;
	[tilespmem:$0x12580] =	vst v63  }
0x298: {  	_ = 	snop  }
0x299: {  	[hbm4b:s4+s2] =	stream.indirect_vreg.scatter [tilespmem:s23], [sflag:$0x1], $0x80, v10, vm2, $0xb8;
	[tilespmem:$0x12580] =	vst v63  }
0x29a: {  	_ = 	snop  }
0x29b: {  	[hbm4b:s6+s2] =	stream.indirect_vreg.scatter [tilespmem:s11], [sflag:$0x1], $0x80, v10, vm2, $0xb8;
	[tilespmem:$0x12580] =	vst v63  }
0x29c: {  	s25 =	simm.s32 $0xB580  }
0x29d: {  	[hbm4b:s7+s2] =	stream.indirect_vreg.scatter [tilespmem:s25], [sflag:$0x1], $0x80, v10, vm2, $0xb8;
	[tilespmem:$0x12580] =	vst v63  }
0x29e: {  	s26 =	simm.s32 $0xBD80  }
0x29f: {  	[hbm4b:s8+s2] =	stream.indirect_vreg.scatter [tilespmem:s26], [sflag:$0x1], $0x80, v10, vm2, $0xb8;
	[tilespmem:$0x12580] =	vst v63  }
0x2a0: {  	v10 =	vld [tilespmem:$0x530];
	_ =	sdelay $0x4  }
0x2a1: {  	v11 =	vshll.u32 v10, $0x3  }
0x2a2: {  	v10 =	vand.u32 $0x7, v10;
	v11 =	vand.u32 $0xFFFFFFC0, v11  }
0x2a3: {  	v10 =	vor.u32 v10, v11  }
0x2a4: {  	v11 =	vperm.xlane v10, v7;
	_ =	sdelay $0x1  }
0x2a5: {  	v11 =	vadd.s32 v8, v11;
	_ =	sdelay $0x3  }
0x2a6: {  	s5 =	simm.s32 $0xC580  }
0x2a7: {  	[hbm4b:s4+s2] =	stream.indirect_vreg.scatter [tilespmem:s5], [sflag:$0x1], $0x80, v11, vm2, $0xb8;
	[tilespmem:$0x12580] =	vst v63  }
0x2a8: {  	s25 =	simm.s32 $0xCD80;
	v10 =	vperm.xlane v10, v9  }
0x2a9: {  	[hbm4b:s6+s2] =	stream.indirect_vreg.scatter [tilespmem:s25], [sflag:$0x1], $0x80, v11, vm2, $0xb8;
	[tilespmem:$0x12580] =	vst v63  }
0x2aa: {  	s26 =	simm.s32 $0xD580;
	v10 =	vadd.s32 v8, v10  }
0x2ab: {  	[hbm4b:s7+s2] =	stream.indirect_vreg.scatter [tilespmem:s26], [sflag:$0x1], $0x80, v11, vm2, $0xb8;
	[tilespmem:$0x12580] =	vst v63  }
0x2ac: {  	s5 =	simm.s32 $0xDD80  }
0x2ad: {  	[hbm4b:s8+s2] =	stream.indirect_vreg.scatter [tilespmem:s5], [sflag:$0x1], $0x80, v11, vm2, $0xb8;
	[tilespmem:$0x12580] =	vst v63  }
0x2ae: {  	s25 =	simm.s32 $0xE580  }
0x2af: {  	[hbm4b:s4+s2] =	stream.indirect_vreg.scatter [tilespmem:s25], [sflag:$0x1], $0x80, v10, vm2, $0xb8;
	[tilespmem:$0x12580] =	vst v63  }
0x2b0: {  	s26 =	simm.s32 $0xED80  }
0x2b1: {  	[hbm4b:s6+s2] =	stream.indirect_vreg.scatter [tilespmem:s26], [sflag:$0x1], $0x80, v10, vm2, $0xb8;
	[tilespmem:$0x12580] =	vst v63  }
0x2b2: {  	s5 =	simm.s32 $0xF580  }
0x2b3: {  	[hbm4b:s7+s2] =	stream.indirect_vreg.scatter [tilespmem:s5], [sflag:$0x1], $0x80, v10, vm2, $0xb8;
	[tilespmem:$0x12580] =	vst v63  }
0x2b4: {  	s25 =	simm.s32 $0xFD80  }
0x2b5: {  	[hbm4b:s8+s2] =	stream.indirect_vreg.scatter [tilespmem:s25], [sflag:$0x1], $0x80, v10, vm2, $0xb8;
	[tilespmem:$0x12580] =	vst v63  }
0x2b6: {  	s3 =	sadd.s32 $0xFFFFFFFF, s3;
	_ =	swait.ge [sflag:s0], $0x10000  }
0x2b7: {  	p6 =	sne.s32 s3, $0x0;
	s10 =	simm.s32 $0x10580;
	[sflag:s0] =	ssyncset.done $0x0  }
.Ltmp0:
0x2b8: {  	s26 =	rddreg [dreg:$0xf];
	[sflag:s0] =	ssyncadd.s32 $0xFFFF0000;
	(pc) =	sbr.rel @p6 .LBB2_1-.Ltmp0, $4  }
0x2b9: {  	[hbm4b:s24+s9] =	stream.indirect.scatter [tilespmem:s10], [sflag:$0x1], $0x80, s26, s9, $0xb8;
	[tilespmem:$0x12580] =	vst v63  }
0x2ba: {  	_ =	swait.ge [sflag:s0], $0x2000  }
0x2bb: {  	[sflag:s0] =	ssyncset.done $0x0  }
0x2bc: {  	[sflag:s0] =	ssyncadd.s32 $0xFFFFE000  }
0x2bd: {  	_ =	sfence.sel $0x180000  }
0x2be: {  	[bflag:$0x0] =	sbarrier.arrive $0xFFFF  }
0x2bf: {  	_ =	strace $0x90000047  }
0x2c0: {  	s0 =	stileid.u32;
	[bflag:$0x2] =	sbarrier.arrive $0xFFFF  }
0x2c1: {  	p0 =	sne.s32 s0, $0x0;
	s0 =	rddreg [dreg:$0x3]  }
0x2c2: {  	s0 =	sadd.s32 @!p0 $0x100000, s0  }
0x2c3: {  	[sflag:s0] =	ssyncadd.tile.s32 @!p0 $0x1;
	_ =	shalt  }
.Lfunc_end2:
_tile_overlayer_lowered:
.L_overlay_start_2:
0x2c4: {  	(tag) =	ssettag $0x2  }
0x2c5: {  	s0 =	rddreg [dreg:$0x0];
	s2 =	stileid.u32  }
0x2c6: {  	s1 =	rddreg [dreg:$0x1];
	p0 =	sne.s32 s2, $0x0  }
0x2c7: {  	s3 =	rddreg [dreg:$0x2];
	[bflag:$0x3] =	sbarrier.arrive $0xFFFF;
	s2 =	simm.s32 @!p0 $0x1C02  }
0x2c8: {  	[timem:s3], [sflag:s2] =	dma.local @!p0 [hbm:s0], s1  }
0x2c9: {  	s0 =	simm.s32 @!p0 $0x2  }
0x2ca: {  	_ =	swait.ge @!p0 [sflag:s0], s1  }
0x2cb: {  	s1 =	ssub.s32 @!p0 $0x0, s1;
	[sflag:s0] =	ssyncset.done @!p0 $0x0  }
0x2cc: {  	[sflag:s0] =	ssyncadd.s32 @!p0 s1  }
0x2cd: {  	[bflag:$0x3] =	sbarrier.arrive $0xFFFF  }
0x2ce: {  	_ =	shalt  }

// kernel: kernel.9.cloned.1.call-start
scs
__scs_entry_jumppad:
0x0: {  	(pc) =	sbr.rel $0x88, $3  }
0x1: {  	(tag) =	ssettag $0x0;
	lr =	simm.s32 $0x1  }
0x2: {  	[smem:$0x3F99] =	sst lr;
	_ =	strace $0xD0000000  }
0x3: {  	_ = 	snop  }
0x4: {  	_ = 	snop  }
0x5: {  	_ = 	snop  }
0x6: {  	_ = 	snop  }
0x7: {  	_ = 	snop  }
__scs_overlays_trampoline_lowered:
0x8: {  	[smem:$0x3FA8] =	sst s0  }
0x9: {  	[smem:$0x3FA9] =	sst s1  }
0xa: {  	[smem:$0x3FAA] =	sst s2  }
0xb: {  	[smem:$0x3FAB] =	sst s3  }
0xc: {  	[smem:$0x3FAC] =	sst s4  }
0xd: {  	[smem:$0x3FAD] =	sst s5  }
0xe: {  	[smem:$0x3FAE] =	sst s6  }
0xf: {  	[smem:$0x3FAF] =	sst s7  }
0x10: {  	[smem:$0x3FB0] =	sst s8  }
0x11: {  	[smem:$0x3FB1] =	sst s9;
	s0 =	simm.s32 @!p0 $0x0  }
0x12: {  	s1 =	sld [smem:$0x3F97];
	s0 =	simm.s32 @p0 $0x1  }
0x13: {  	[smem:$0x3FB2] =	sst s0;
	s0 =	simm.s32 @!p1 $0x0  }
0x14: {  	s2 =	sld [smem:$0x3F96];
	s0 =	simm.s32 @p1 $0x1  }
0x15: {  	[smem:$0x3FB3] =	sst s0;
	s0 =	simm.s32 @!p2 $0x0  }
0x16: {  	s3 =	sld [smem:$0x3FDB];
	s0 =	simm.s32 @p2 $0x1  }
0x17: {  	s4 =	simm.s32 $0x1BF5;
	[smem:$0x3FB5] =	sst s0  }
0x18: {  	s0 =	sld [smem:$0x3F98];
	_ =	swait.ge [sflag:s4], $0x0  }
0x19: {  	s7 =	sld [smem:$0x3F99]  }
0x1a: {  	s8 =	sadd.s32 $0xFFFFE003, lr  }
0x1b: {  	s9 =	sadd.s32 $0xFFFFFEF7, lr;
	s5 =	simm.s32 $0xFFFFFFFF;
	p2 =	slt.u32 s8, $0xFFFFF086  }
0x1c: {  	p1 =	slt.u32 s9, $0xF7A;
	s5 =	simm.s32 @!p2 $0x0  }
0x1d: {  	s5 =	simm.s32 @p1 $0x1;
	p0 =	seq.s32 s7, s2  }
0x1e: {  	s7 =	smul.u32 @!p0 $0xF7A, s2;
	p2 =	seq.s32 @!p0 s5, $0x0  }
0x1f: {  	s9 =	smul.u32 $0xF7A, s1;
	s8 =	simm.s32 @!p0 $0x1BF5;
	p2 =	por !p2, p0  }
0x20: {  	[sflag:s8] =	ssyncset.s32 @!p0 $0xFFFFF086;
	s6 =	sadd.s32 @!p0 s3, s7;
	s7 =	simm.s32 @!p0 $0x108  }
0x21: {  	s3 =	sadd.s32 s3, s9;
	s6 =	sadd.s32 @!p0 $0x88, s6;
	s7 =	simm.s32 @p2 $0x1082  }
0x22: {  	[simem:s7], [sflag:s8] =	dma.local @!p0 [hbm:s6], $0xF7A  }
0x23: {  	s9 =	sor.u32 $0xD0000000, s2;
	s6 =	simm.s32 $0x108;
	_ =	swait.ge @!p0 [sflag:s8], $0x0  }
0x24: {  	s3 =	sadd.s32 $0x88, s3;
	s6 =	simm.s32 @!p1 $0x1082;
	[sflag:s4] =	ssyncset.s32 $0xFFFFF086  }
0x25: {  	[simem:s6], [sflag:s4] =	dma.local [hbm:s3], $0xF7A  }
0x26: {  	[smem:$0x3F99] =	sst s1;
	(tag) =	ssettag s2;
	_ =	strace s9  }
0x27: {  	s1 =	sld [smem:$0x3FA9]  }
0x28: {  	s2 =	sld [smem:$0x3FAA]  }
0x29: {  	s4 =	sld [smem:$0x3FAC]  }
0x2a: {  	p0 =	seq.s32 s5, $0x0;
	s5 =	sld [smem:$0x3FAD]  }
0x2b: {  	s6 =	sld [smem:$0x3FAE]  }
0x2c: {  	s7 =	sld [smem:$0x3FAF]  }
0x2d: {  	s3 =	simm.s32 $0x108;
	s8 =	sld [smem:$0x3FB0]  }
0x2e: {  	s3 =	simm.s32 @!p0 $0x1082;
	s9 =	sld [smem:$0x3FB1]  }
0x2f: {  	lr =	sadd.s32 s0, s3;
	s0 =	sld [smem:$0x3FA8]  }
0x30: {  	s3 =	sld [smem:$0x3FAB]  }
0x31: {  	[smem:$0x3FB4] =	sst s10  }
0x32: {  	s10 =	sld [smem:$0x3FB2];
	_ =	sdelay $0x3  }
0x33: {  	p0 =	seq.s32 s10, $0x1;
	s10 =	sld [smem:$0x3FB4];
	_ =	sdelay $0x3  }
0x34: {  	[smem:$0x3FB4] =	sst s10  }
0x35: {  	s10 =	sld [smem:$0x3FB3];
	_ =	sdelay $0x3  }
0x36: {  	p1 =	seq.s32 s10, $0x1;
	s10 =	sld [smem:$0x3FB4];
	_ =	sdelay $0x3  }
0x37: {  	[smem:$0x3FB4] =	sst s10  }
0x38: {  	s10 =	sld [smem:$0x3FB5]  }
0x39: {  	_ = 	snop;
	(pc) =	sbr.ind lr, $3  }
0x3a: {  	_ = 	snop  }
0x3b: {  	_ = 	snop  }
0x3c: {  	p2 =	seq.s32 s10, $0x1;
	s10 =	sld [smem:$0x3FB4]  }
0x3d: {  	_ =	shalt  }
0x3e: {  	_ =	shalt  }
0x3f: {  	_ =	shalt  }
0x40: {  	_ =	shalt  }
0x41: {  	_ =	shalt  }
0x42: {  	_ =	shalt  }
0x43: {  	_ =	shalt  }
0x44: {  	_ =	shalt  }
0x45: {  	_ =	shalt  }
0x46: {  	_ =	shalt  }
0x47: {  	_ =	shalt  }
0x48: {  	_ =	shalt  }
0x49: {  	_ =	shalt  }
0x4a: {  	_ =	shalt  }
0x4b: {  	_ =	shalt  }
0x4c: {  	_ =	shalt  }
0x4d: {  	_ =	shalt  }
0x4e: {  	_ =	shalt  }
0x4f: {  	_ =	shalt  }
0x50: {  	_ =	shalt  }
0x51: {  	_ =	shalt  }
0x52: {  	_ =	shalt  }
0x53: {  	_ =	shalt  }
0x54: {  	_ =	shalt  }
0x55: {  	_ =	shalt  }
0x56: {  	_ =	shalt  }
0x57: {  	_ =	shalt  }
0x58: {  	_ =	shalt  }
0x59: {  	_ =	shalt  }
0x5a: {  	_ =	shalt  }
0x5b: {  	_ =	shalt  }
0x5c: {  	_ =	shalt  }
0x5d: {  	_ =	shalt  }
0x5e: {  	_ =	shalt  }
0x5f: {  	_ =	shalt  }
0x60: {  	_ =	shalt  }
0x61: {  	_ =	shalt  }
0x62: {  	_ =	shalt  }
0x63: {  	_ =	shalt  }
0x64: {  	_ =	shalt  }
0x65: {  	_ =	shalt  }
0x66: {  	_ =	shalt  }
0x67: {  	_ =	shalt  }
0x68: {  	_ =	shalt  }
0x69: {  	_ =	shalt  }
0x6a: {  	_ =	shalt  }
0x6b: {  	_ =	shalt  }
0x6c: {  	_ =	shalt  }
0x6d: {  	_ =	shalt  }
0x6e: {  	_ =	shalt  }
0x6f: {  	_ =	shalt  }
0x70: {  	_ =	shalt  }
0x71: {  	_ =	shalt  }
0x72: {  	_ =	shalt  }
0x73: {  	_ =	shalt  }
0x74: {  	_ =	shalt  }
0x75: {  	_ =	shalt  }
0x76: {  	_ =	shalt  }
0x77: {  	_ =	shalt  }
0x78: {  	_ =	shalt  }
0x79: {  	_ =	shalt  }
0x7a: {  	_ =	shalt  }
0x7b: {  	_ =	shalt  }
0x7c: {  	_ =	shalt  }
0x7d: {  	_ =	shalt  }
0x7e: {  	_ =	shalt  }
0x7f: {  	_ =	shalt  }
0x80: {  	_ =	shalt  }
0x81: {  	_ =	shalt  }
0x82: {  	_ =	shalt  }
0x83: {  	_ =	shalt  }
0x84: {  	_ =	shalt  }
0x85: {  	_ =	shalt  }
0x86: {  	_ =	shalt  }
0x87: {  	_ =	shalt  }
.Lfunc_end0:
.L_simem_size_0:
called_computation.1_lowered:
.L_overlay_start_0:
0x88: {  	s2 =	sld [smem:$0x3FD9]  }
0x89: {  	s3 =	sld [smem:$0x3FFE];
	_ =	sdelay $0x1  }
0x8a: {  	s1 =	srdreg.scid  }
0x8b: {  	s0 =	sand.u32 $0x1, s1  }
0x8c: {  	s17 =	sshll.u32 s0, $0xA;
	s2 =	sadd.s32 s3, s2  }
0x8d: {  	s2 =	sadd.s32 s2, s17  }
0x8e: {  	[smem:$0x3FC0] =	sst s2  }
0x8f: {  	_ = 	snop  }
0x90: {  	s2 =	sld [smem:$0x3FD0];
	(tm) =	ssettm $0x1  }
0x91: {  	s18 =	sld [smem:$0x3FFB];
	_ =	sdelay $0x3  }
0x92: {  	_ =	strace s18  }
0x93: {  	s3 =	sld [smem:$0x3FFC];
	_ =	sdelay $0x3  }
0x94: {  	_ =	strace s3  }
0x95: {  	s3 =	sld [smem:$0x3FFD];
	_ =	sdelay $0x3  }
0x96: {  	_ =	strace s3  }
0x97: {  	_ =	strace $0x8FFFFFFF  }
0x98: {  	s19 =	sld [smem:$0x3FDB];
	_ =	sdelay $0x1  }
0x99: {  	s4 =	simm.s32 $_scs_section_size  }
0x9a: {  	s5 =	simm.s32 $_size__tile_overlayer_lowered;
	s6 =	simm.s32 $_tile_overlayer_lowered  }
0x9b: {  	s22 =	simm.s32 $0x1BFF;
	s21 =	sshll.u32 s6, $0x1;
	s3 =	sadd.s32 s4, s19  }
0x9c: {  	s7 =	simm.s32 $0x0;
	s20 =	sshll.u32 s5, $0x1;
	s5 =	sadd.s32 s21, s3  }
0x9d: {  	[timem:s7], [sflag:s22] =	dma.local [hbm:s5], s20  }
0x9e: {  	_ =	swait.ge [sflag:s22], s20  }
0x9f: {  	s4 =	ssub.s32 $0x0, s20;
	[sflag:s22] =	ssyncset.done $0x0  }
0xa0: {  	[sflag:s22] =	ssyncadd.s32 s4;
	_ =	sdelay $0x1  }
0xa1: {  	s23 =	simm.s32 $0x1B8B  }
0xa2: {  	_ =	swait.ge [sflag:s23], $0x1  }
0xa3: {  	[sflag:s23] =	ssyncset.done $0x0  }
0xa4: {  	s25 =	simm.s32 $0x1B8E;
	s24 =	sld [smem:$0x3FFE];
	[sflag:s23] =	ssyncadd.s32 $0xFFFFFFFF  }
0xa5: {  	s26 =	simm.s32 $execute0_lowered;
	[smem:$0x3FD2] =	sst s25  }
0xa6: {  	s5 =	sshll.u32 s26, $0x1;
	_ =	strace $0x80000049;
	[dreg:$0x1] =	wrdreg $0xFFFFFFFF  }
0xa7: {  	s28 =	simm.s32 $_size_execute0_lowered;
	s3 =	sadd.s32 s3, s5;
	[dreg:$0x0] =	wrdreg $0x0  }
0xa8: {  	s5 =	sshll.u32 s28, $0x1;
	[dreg:$0x2] =	wrdreg s3  }
0xa9: {  	[dreg:$0x3] =	wrdreg s5  }
0xaa: {  	[dreg:$0x4] =	wrdreg $0xC0  }
0xab: {  	_ =	task [dreg:s7], $0x5FFFF  }
0xac: {  	[dreg:$0x1] =	wrdreg $0xFFFFFFFF  }
0xad: {  	[dreg:$0x0] =	wrdreg $0x60  }
0xae: {  	[dreg:$0x2] =	wrdreg s24  }
0xaf: {  	[dreg:$0x3] =	wrdreg s2  }
0xb0: {  	[dreg:$0x4] =	wrdreg $0x9  }
0xb1: {  	_ =	task.clear_ibuf [dreg:s7], $0x5FFFF;
	_ =	strace $0x90000049  }
0xb2: {  	s29 =	simm.s32 $0x9;
	_ =	strace $0x8000004B  }
0xb3: {  	_ =	swait.ge [sflag:s29], $0x1  }
0xb4: {  	[sflag:s29] =	ssyncadd.s32 $0xFFFFFFFF  }
0xb5: {  	_ =	strace $0x9000004B  }
0xb6: {  	_ =	sfence  }
0xb7: {  	s30 =	sld [smem:$0x0];
	_ =	sdelay $0x2  }
0xb8: {  	s31 =	sshll.u32 s1, $0xD;
	s1 =	sshrl.u32 s1, $0x2  }
0xb9: {  	s3 =	sand.u32 $0x4000, s31;
	s1 =	sadd.s32 s1, s30  }
0xba: {  	s0 =	sor.u32 s3, s0;
	s1 =	sshll.u32 s1, $0x11  }
0xbb: {  	s0 =	sor.u32 s1, s0  }
0xbc: {  	s0 =	sadd.s32 $0x8F2B, s0  }
0xbd: {  	[sflag:s0] =	ssyncadd.remote.s32 $0x1  }
0xbe: {  	_ =	sfence.sel $0xFFFF  }
0xbf: {  	[dreg:$0x0] =	wrdreg $0xFFFFFFFF;
	(pc) =	sbr.abs _section_cstart, $3  }
0xc0: {  	[dreg:$0x1] =	wrdreg $0xFFFFFFFF  }
0xc1: {  	_ =	task.clear_ibuf [dreg:s7], $0x2FFFF;
	_ =	strace $0x9FFFFFFF  }
0xc2: {  	(tm) =	ssettm $0x7FFFFFFF  }
0xc3: {  	_ =	shalt  }
tec
execute0_lowered:
.L_overlay_start_1:
0x0: {  	(tag) =	ssettag $0x1  }
0x1: {  	s0 =	rddreg [dreg:$0x0]  }
0x2: {  	s1 =	rddreg [dreg:$0x1];
	s2 =	srdreg.scid  }
0x3: {  	s4 =	stileid.u32;
	s9 =	simm.s32 $0x2;
	s19 =	simm.s32 $0x1  }
0x4: {  	s21 =	simm.s32 $0x900;
	s22 =	simm.s32 $0x1100;
	s23 =	simm.s32 $0x1900  }
0x5: {  	s24 =	simm.s32 $0x2100;
	s28 =	simm.s32 $0x3900;
	s29 =	simm.s32 $0x4100  }
0x6: {  	s30 =	simm.s32 $0x4900;
	s31 =	simm.s32 $0x5100;
	s11 =	simm.s32 $0x6900  }
0x7: {  	s12 =	simm.s32 $0x7100;
	s13 =	simm.s32 $0x7900;
	s14 =	simm.s32 $0x8900  }
0x8: {  	s15 =	simm.s32 $0x9100;
	s16 =	simm.s32 $0x9900;
	s17 =	simm.s32 $0xA100  }
0x9: {  	s18 =	simm.s32 $0xA900;
	s10 =	simm.s32 $0xB100;
	s3 =	sand.u32 $0x1, s2  }
0xa: {  	s2 =	simm.s32 $0x0;
	s4 =	sshll.u32 s4, $0x8;
	s5 =	sshll.u32 s3, $0x7  }
0xb: {  	[smem:$0x7FF] =	sst s2;
	s6 =	ssub.s32 $0x2, s3;
	s3 =	sadd.s32 $0x9A000, s0  }
0xc: {  	s4 =	sor.u32 s5, s4;
	_ =	strace $0x8000004A;
	s7 =	sshrl.u32 s6, $0x1  }
0xd: {  	s5 =	sshrl.u32 s4, $0x3;
	s8 =	ssub.s32 s6, s7;
	s25 =	sshll.u32 s4, $0x7  }
0xe: {  	s4 =	sadd.s32 $0x9A100, s0;
	s6 =	sadd.s32 $0x9A200, s0;
	s7 =	sadd.s32 $0x9A300, s0  }
0xf: {  	s5 =	sadd.s32 s5, s0;
	s1 =	sadd.s32 s1, s25;
	s8 =	smax.u32 s8, $0x1  }
0x10: {  	v2 =	vlaneseq.u32;
	s0 =	simm.s32 $0x100;
	s5 =	sadd.s32 $0x99E00, s5;
	[dreg:$0x5] =	wrdreg s1  }
0x11: {  	vm0 =	vmmov $0xffff;
	v1 =	vshrl.u32 v2, $0x3;
	s25 =	simm.s32 $0x2900;
	s26 =	sadd.s32 $0x2000, s1;
	[dreg:$0x3] =	wrdreg s5  }
0x12: {  	v0 =	vand.u32 $0x7, v2;
	v2 =	vor.u32 $0x8, v2;
	v1 =	vmul.u32 $0x8, v1;
	[dreg:$0x4] =	wrdreg s26;
	s26 =	simm.s32 $0x3100;
	s5 =	simm.s32 $0x8100  }
.LBB2_1:
0x13: {  	s20 =	rddreg [dreg:$0x3]  }
0x14: {  	[tilespmem:s2], [sflag:$0x2] =	stream.linear.gather [hbm4b:s20+s2], $0x80, $0x38;
	[tilespmem:$0x10100] =	vst v63  }
0x15: {  	_ =	swait.ge [sflag:s9], $0x80  }
0x16: {  	[sflag:s9] =	ssyncset.done $0x0  }
0x17: {  	[sflag:s9] =	ssyncadd.s32 $0xFFFFFF80  }
0x18: {  	v3 =	vld [tilespmem:$0x0];
	_ =	sdelay $0x4  }
0x19: {  	v4 =	vshll.u32 v3, $0x3  }
0x1a: {  	v5 =	vand.u32 $0x7, v3;
	v4 =	vand.u32 $0xFFFFFFC0, v4  }
0x1b: {  	v6 =	vld [tilespmem:$0x10];
	v4 =	vor.u32 v5, v4  }
0x1c: {  	v51 =	vld [tilespmem:$0x20];
	v7 =	vperm.xlane v4, v0  }
0x1d: {  	v8 =	vld [tilespmem:$0x30]  }
0x1e: {  	v7 =	vadd.s32 v1, v7  }
0x1f: {  	[tilespmem:$0x80] =	vst v3  }
0x20: {  	[tilespmem:$0x90] =	vst v6  }
0x21: {  	[tilespmem:$0xA0] =	vst v51  }
0x22: {  	[tilespmem:$0xB0] =	vst v8  }
0x23: {  	[tilespmem:s0], [sflag:$0x1] =	stream.indirect_vreg.gather [hbm4b:s3+s2], $0x80, v7, vm0, $0xb8;
	[tilespmem:$0x10100] =	vst v63  }
0x24: {  	v3 =	vperm.xlane v4, v2  }
0x25: {  	[tilespmem:s21], [sflag:$0x1] =	stream.indirect_vreg.gather [hbm4b:s4+s2], $0x80, v7, vm0, $0xb8;
	[tilespmem:$0x10100] =	vst v63  }
0x26: {  	v3 =	vadd.s32 v1, v3  }
0x27: {  	[tilespmem:s22], [sflag:$0x1] =	stream.indirect_vreg.gather [hbm4b:s6+s2], $0x80, v7, vm0, $0xb8;
	[tilespmem:$0x10100] =	vst v63  }
0x28: {  	_ = 	snop  }
0x29: {  	[tilespmem:s23], [sflag:$0x1] =	stream.indirect_vreg.gather [hbm4b:s7+s2], $0x80, v7, vm0, $0xb8;
	[tilespmem:$0x10100] =	vst v63  }
0x2a: {  	_ = 	snop  }
0x2b: {  	[tilespmem:s24], [sflag:$0x1] =	stream.indirect_vreg.gather [hbm4b:s3+s2], $0x80, v3, vm0, $0xb8;
	[tilespmem:$0x10100] =	vst v63  }
0x2c: {  	_ = 	snop  }
0x2d: {  	[tilespmem:s25], [sflag:$0x1] =	stream.indirect_vreg.gather [hbm4b:s4+s2], $0x80, v3, vm0, $0xb8;
	[tilespmem:$0x10100] =	vst v63  }
0x2e: {  	_ = 	snop  }
0x2f: {  	[tilespmem:s26], [sflag:$0x1] =	stream.indirect_vreg.gather [hbm4b:s6+s2], $0x80, v3, vm0, $0xb8;
	[tilespmem:$0x10100] =	vst v63  }
0x30: {  	_ = 	snop  }
0x31: {  	[tilespmem:s28], [sflag:$0x1] =	stream.indirect_vreg.gather [hbm4b:s7+s2], $0x80, v3, vm0, $0xb8;
	[tilespmem:$0x10100] =	vst v63  }
0x32: {  	v3 =	vld [tilespmem:$0x90];
	_ =	sdelay $0x4  }
0x33: {  	v52 =	vshll.u32 v3, $0x3  }
0x34: {  	v3 =	vand.u32 $0x7, v3;
	v4 =	vand.u32 $0xFFFFFFC0, v52  }
0x35: {  	v3 =	vor.u32 v3, v4  }
0x36: {  	v4 =	vperm.xlane v3, v0;
	_ =	sdelay $0x1  }
0x37: {  	v4 =	vadd.s32 v1, v4;
	_ =	sdelay $0x4  }
0x38: {  	[tilespmem:s29], [sflag:$0x1] =	stream.indirect_vreg.gather [hbm4b:s3+s2], $0x80, v4, vm0, $0xb8;
	[tilespmem:$0x10100] =	vst v63  }
0x39: {  	v3 =	vperm.xlane v3, v2  }
0x3a: {  	[tilespmem:s30], [sflag:$0x1] =	stream.indirect_vreg.gather [hbm4b:s4+s2], $0x80, v4, vm0, $0xb8;
	[tilespmem:$0x10100] =	vst v63  }
0x3b: {  	v3 =	vadd.s32 v1, v3  }
0x3c: {  	[tilespmem:s31], [sflag:$0x1] =	stream.indirect_vreg.gather [hbm4b:s6+s2], $0x80, v4, vm0, $0xb8;
	[tilespmem:$0x10100] =	vst v63  }
0x3d: {  	s1 =	simm.s32 $0x5900  }
0x3e: {  	[tilespmem:s1], [sflag:$0x1] =	stream.indirect_vreg.gather [hbm4b:s7+s2], $0x80, v4, vm0, $0xb8;
	[tilespmem:$0x10100] =	vst v63  }
0x3f: {  	s1 =	simm.s32 $0x6100  }
0x40: {  	[tilespmem:s1], [sflag:$0x1] =	stream.indirect_vreg.gather [hbm4b:s3+s2], $0x80, v3, vm0, $0xb8;
	[tilespmem:$0x10100] =	vst v63  }
0x41: {  	_ = 	snop  }
0x42: {  	[tilespmem:s11], [sflag:$0x1] =	stream.indirect_vreg.gather [hbm4b:s4+s2], $0x80, v3, vm0, $0xb8;
	[tilespmem:$0x10100] =	vst v63  }
0x43: {  	_ = 	snop  }
0x44: {  	[tilespmem:s12], [sflag:$0x1] =	stream.indirect_vreg.gather [hbm4b:s6+s2], $0x80, v3, vm0, $0xb8;
	[tilespmem:$0x10100] =	vst v63  }
0x45: {  	_ = 	snop  }
0x46: {  	[tilespmem:s13], [sflag:$0x1] =	stream.indirect_vreg.gather [hbm4b:s7+s2], $0x80, v3, vm0, $0xb8;
	[tilespmem:$0x10100] =	vst v63  }
0x47: {  	v3 =	vld [tilespmem:$0xA0];
	_ =	sdelay $0x4  }
0x48: {  	v53 =	vshll.u32 v3, $0x3  }
0x49: {  	v3 =	vand.u32 $0x7, v3;
	v4 =	vand.u32 $0xFFFFFFC0, v53  }
0x4a: {  	v3 =	vor.u32 v3, v4  }
0x4b: {  	v4 =	vperm.xlane v3, v0;
	_ =	sdelay $0x1  }
0x4c: {  	v4 =	vadd.s32 v1, v4;
	_ =	sdelay $0x4  }
0x4d: {  	[tilespmem:s5], [sflag:$0x1] =	stream.indirect_vreg.gather [hbm4b:s3+s2], $0x80, v4, vm0, $0xb8;
	[tilespmem:$0x10100] =	vst v63  }
0x4e: {  	v3 =	vperm.xlane v3, v2  }
0x4f: {  	[tilespmem:s14], [sflag:$0x1] =	stream.indirect_vreg.gather [hbm4b:s4+s2], $0x80, v4, vm0, $0xb8;
	[tilespmem:$0x10100] =	vst v63  }
0x50: {  	v3 =	vadd.s32 v1, v3  }
0x51: {  	[tilespmem:s15], [sflag:$0x1] =	stream.indirect_vreg.gather [hbm4b:s6+s2], $0x80, v4, vm0, $0xb8;
	[tilespmem:$0x10100] =	vst v63  }
0x52: {  	_ = 	snop  }
0x53: {  	[tilespmem:s16], [sflag:$0x1] =	stream.indirect_vreg.gather [hbm4b:s7+s2], $0x80, v4, vm0, $0xb8;
	[tilespmem:$0x10100] =	vst v63  }
0x54: {  	_ = 	snop  }
0x55: {  	[tilespmem:s17], [sflag:$0x1] =	stream.indirect_vreg.gather [hbm4b:s3+s2], $0x80, v3, vm0, $0xb8;
	[tilespmem:$0x10100] =	vst v63  }
0x56: {  	_ = 	snop  }
0x57: {  	[tilespmem:s18], [sflag:$0x1] =	stream.indirect_vreg.gather [hbm4b:s4+s2], $0x80, v3, vm0, $0xb8;
	[tilespmem:$0x10100] =	vst v63  }
0x58: {  	_ = 	snop  }
0x59: {  	[tilespmem:s10], [sflag:$0x1] =	stream.indirect_vreg.gather [hbm4b:s6+s2], $0x80, v3, vm0, $0xb8;
	[tilespmem:$0x10100] =	vst v63  }
0x5a: {  	s20 =	simm.s32 $0xB900  }
0x5b: {  	[tilespmem:s20], [sflag:$0x1] =	stream.indirect_vreg.gather [hbm4b:s7+s2], $0x80, v3, vm0, $0xb8;
	[tilespmem:$0x10100] =	vst v63  }
0x5c: {  	v3 =	vld [tilespmem:$0xB0];
	_ =	sdelay $0x4  }
0x5d: {  	v54 =	vshll.u32 v3, $0x3  }
0x5e: {  	v3 =	vand.u32 $0x7, v3;
	v4 =	vand.u32 $0xFFFFFFC0, v54  }
0x5f: {  	v3 =	vor.u32 v3, v4  }
0x60: {  	v4 =	vperm.xlane v3, v0;
	_ =	sdelay $0x1  }
0x61: {  	v4 =	vadd.s32 v1, v4;
	_ =	sdelay $0x3  }
0x62: {  	s20 =	simm.s32 $0xC100  }
0x63: {  	[tilespmem:s20], [sflag:$0x1] =	stream.indirect_vreg.gather [hbm4b:s3+s2], $0x80, v4, vm0, $0xb8;
	[tilespmem:$0x10100] =	vst v63  }
0x64: {  	v3 =	vperm.xlane v3, v2;
	s20 =	simm.s32 $0xC900  }
0x65: {  	[tilespmem:s20], [sflag:$0x1] =	stream.indirect_vreg.gather [hbm4b:s4+s2], $0x80, v4, vm0, $0xb8;
	[tilespmem:$0x10100] =	vst v63  }
0x66: {  	v3 =	vadd.s32 v1, v3;
	s20 =	simm.s32 $0xD100  }
0x67: {  	[tilespmem:s20], [sflag:$0x1] =	stream.indirect_vreg.gather [hbm4b:s6+s2], $0x80, v4, vm0, $0xb8;
	[tilespmem:$0x10100] =	vst v63  }
0x68: {  	s20 =	simm.s32 $0xD900  }
0x69: {  	[tilespmem:s20], [sflag:$0x1] =	stream.indirect_vreg.gather [hbm4b:s7+s2], $0x80, v4, vm0, $0xb8;
	[tilespmem:$0x10100] =	vst v63  }
0x6a: {  	s20 =	simm.s32 $0xE100  }
0x6b: {  	[tilespmem:s20], [sflag:$0x1] =	stream.indirect_vreg.gather [hbm4b:s3+s2], $0x80, v3, vm0, $0xb8;
	[tilespmem:$0x10100] =	vst v63  }
0x6c: {  	s20 =	simm.s32 $0xE900  }
0x6d: {  	[tilespmem:s20], [sflag:$0x1] =	stream.indirect_vreg.gather [hbm4b:s4+s2], $0x80, v3, vm0, $0xb8;
	[tilespmem:$0x10100] =	vst v63  }
0x6e: {  	s20 =	simm.s32 $0xF100  }
0x6f: {  	[tilespmem:s20], [sflag:$0x1] =	stream.indirect_vreg.gather [hbm4b:s6+s2], $0x80, v3, vm0, $0xb8;
	[tilespmem:$0x10100] =	vst v63  }
0x70: {  	s20 =	simm.s32 $0xF900  }
0x71: {  	[tilespmem:s20], [sflag:$0x1] =	stream.indirect_vreg.gather [hbm4b:s7+s2], $0x80, v3, vm0, $0xb8;
	[tilespmem:$0x10100] =	vst v63  }
0x72: {  	_ =	swait.ge [sflag:s19], $0x10000  }
0x73: {  	[sflag:s19] =	ssyncset.done $0x0  }
0x74: {  	s20 =	rddreg [dreg:$0x5];
	[sflag:s19] =	ssyncadd.s32 $0xFFFF0000  }
0x75: {  	[hbm4b:s20+s2] =	stream.linear.scatter [tilespmem:s0], [sflag:$0x2], $0x10000, $0x38;
	[tilespmem:$0x10100] =	vst v63  }
0x76: {  	_ =	swait.ge [sflag:s9], $0x10000  }
0x77: {  	[sflag:s9] =	ssyncset.done $0x0  }
0x78: {  	[sflag:s9] =	ssyncadd.s32 $0xFFFF0000  }
0x79: {  	v3 =	vld [tilespmem:$0x40];
	_ =	sdelay $0x4  }
0x7a: {  	v55 =	vshll.u32 v3, $0x3  }
0x7b: {  	v56 =	vand.u32 $0x7, v3;
	v4 =	vand.u32 $0xFFFFFFC0, v55  }
0x7c: {  	v57 =	vld [tilespmem:$0x50];
	v4 =	vor.u32 v56, v4  }
0x7d: {  	v58 =	vld [tilespmem:$0x60];
	v59 =	vperm.xlane v4, v0  }
0x7e: {  	v60 =	vld [tilespmem:$0x70]  }
0x7f: {  	v7 =	vadd.s32 v1, v59  }
0x80: {  	[tilespmem:$0x80] =	vst v3  }
0x81: {  	[tilespmem:$0x90] =	vst v57  }
0x82: {  	[tilespmem:$0xA0] =	vst v58  }
0x83: {  	[tilespmem:$0xB0] =	vst v60  }
0x84: {  	[tilespmem:s0], [sflag:$0x1] =	stream.indirect_vreg.gather [hbm4b:s3+s2], $0x80, v7, vm0, $0xb8;
	[tilespmem:$0x10100] =	vst v63  }
0x85: {  	v3 =	vperm.xlane v4, v2  }
0x86: {  	[tilespmem:s21], [sflag:$0x1] =	stream.indirect_vreg.gather [hbm4b:s4+s2], $0x80, v7, vm0, $0xb8;
	[tilespmem:$0x10100] =	vst v63  }
0x87: {  	v3 =	vadd.s32 v1, v3  }
0x88: {  	[tilespmem:s22], [sflag:$0x1] =	stream.indirect_vreg.gather [hbm4b:s6+s2], $0x80, v7, vm0, $0xb8;
	[tilespmem:$0x10100] =	vst v63  }
0x89: {  	_ = 	snop  }
0x8a: {  	[tilespmem:s23], [sflag:$0x1] =	stream.indirect_vreg.gather [hbm4b:s7+s2], $0x80, v7, vm0, $0xb8;
	[tilespmem:$0x10100] =	vst v63  }
0x8b: {  	_ = 	snop  }
0x8c: {  	[tilespmem:s24], [sflag:$0x1] =	stream.indirect_vreg.gather [hbm4b:s3+s2], $0x80, v3, vm0, $0xb8;
	[tilespmem:$0x10100] =	vst v63  }
0x8d: {  	_ = 	snop  }
0x8e: {  	[tilespmem:s25], [sflag:$0x1] =	stream.indirect_vreg.gather [hbm4b:s4+s2], $0x80, v3, vm0, $0xb8;
	[tilespmem:$0x10100] =	vst v63  }
0x8f: {  	_ = 	snop  }
0x90: {  	[tilespmem:s26], [sflag:$0x1] =	stream.indirect_vreg.gather [hbm4b:s6+s2], $0x80, v3, vm0, $0xb8;
	[tilespmem:$0x10100] =	vst v63  }
0x91: {  	_ = 	snop  }
0x92: {  	[tilespmem:s28], [sflag:$0x1] =	stream.indirect_vreg.gather [hbm4b:s7+s2], $0x80, v3, vm0, $0xb8;
	[tilespmem:$0x10100] =	vst v63  }
0x93: {  	v3 =	vld [tilespmem:$0x90];
	_ =	sdelay $0x4  }
0x94: {  	v61 =	vshll.u32 v3, $0x3  }
0x95: {  	v3 =	vand.u32 $0x7, v3;
	v4 =	vand.u32 $0xFFFFFFC0, v61  }
0x96: {  	v3 =	vor.u32 v3, v4  }
0x97: {  	v4 =	vperm.xlane v3, v0;
	_ =	sdelay $0x1  }
0x98: {  	v4 =	vadd.s32 v1, v4;
	_ =	sdelay $0x4  }
0x99: {  	[tilespmem:s29], [sflag:$0x1] =	stream.indirect_vreg.gather [hbm4b:s3+s2], $0x80, v4, vm0, $0xb8;
	[tilespmem:$0x10100] =	vst v63  }
0x9a: {  	v3 =	vperm.xlane v3, v2  }
0x9b: {  	[tilespmem:s30], [sflag:$0x1] =	stream.indirect_vreg.gather [hbm4b:s4+s2], $0x80, v4, vm0, $0xb8;
	[tilespmem:$0x10100] =	vst v63  }
0x9c: {  	v3 =	vadd.s32 v1, v3  }
0x9d: {  	[tilespmem:s31], [sflag:$0x1] =	stream.indirect_vreg.gather [hbm4b:s6+s2], $0x80, v4, vm0, $0xb8;
	[tilespmem:$0x10100] =	vst v63  }
0x9e: {  	s20 =	simm.s32 $0x5900  }
0x9f: {  	[tilespmem:s20], [sflag:$0x1] =	stream.indirect_vreg.gather [hbm4b:s7+s2], $0x80, v4, vm0, $0xb8;
	[tilespmem:$0x10100] =	vst v63  }
0xa0: {  	_ = 	snop  }
0xa1: {  	[tilespmem:s1], [sflag:$0x1] =	stream.indirect_vreg.gather [hbm4b:s3+s2], $0x80, v3, vm0, $0xb8;
	[tilespmem:$0x10100] =	vst v63  }
0xa2: {  	_ = 	snop  }
0xa3: {  	[tilespmem:s11], [sflag:$0x1] =	stream.indirect_vreg.gather [hbm4b:s4+s2], $0x80, v3, vm0, $0xb8;
	[tilespmem:$0x10100] =	vst v63  }
0xa4: {  	_ = 	snop  }
0xa5: {  	[tilespmem:s12], [sflag:$0x1] =	stream.indirect_vreg.gather [hbm4b:s6+s2], $0x80, v3, vm0, $0xb8;
	[tilespmem:$0x10100] =	vst v63  }
0xa6: {  	_ = 	snop  }
0xa7: {  	[tilespmem:s13], [sflag:$0x1] =	stream.indirect_vreg.gather [hbm4b:s7+s2], $0x80, v3, vm0, $0xb8;
	[tilespmem:$0x10100] =	vst v63  }
0xa8: {  	v3 =	vld [tilespmem:$0xA0];
	_ =	sdelay $0x4  }
0xa9: {  	v62 =	vshll.u32 v3, $0x3  }
0xaa: {  	v3 =	vand.u32 $0x7, v3;
	v4 =	vand.u32 $0xFFFFFFC0, v62  }
0xab: {  	v3 =	vor.u32 v3, v4  }
0xac: {  	v4 =	vperm.xlane v3, v0;
	_ =	sdelay $0x1  }
0xad: {  	v4 =	vadd.s32 v1, v4;
	_ =	sdelay $0x4  }
0xae: {  	[tilespmem:s5], [sflag:$0x1] =	stream.indirect_vreg.gather [hbm4b:s3+s2], $0x80, v4, vm0, $0xb8;
	[tilespmem:$0x10100] =	vst v63  }
0xaf: {  	v3 =	vperm.xlane v3, v2  }
0xb0: {  	[tilespmem:s14], [sflag:$0x1] =	stream.indirect_vreg.gather [hbm4b:s4+s2], $0x80, v4, vm0, $0xb8;
	[tilespmem:$0x10100] =	vst v63  }
0xb1: {  	v3 =	vadd.s32 v1, v3  }
0xb2: {  	[tilespmem:s15], [sflag:$0x1] =	stream.indirect_vreg.gather [hbm4b:s6+s2], $0x80, v4, vm0, $0xb8;
	[tilespmem:$0x10100] =	vst v63  }
0xb3: {  	_ = 	snop  }
0xb4: {  	[tilespmem:s16], [sflag:$0x1] =	stream.indirect_vreg.gather [hbm4b:s7+s2], $0x80, v4, vm0, $0xb8;
	[tilespmem:$0x10100] =	vst v63  }
0xb5: {  	_ = 	snop  }
0xb6: {  	[tilespmem:s17], [sflag:$0x1] =	stream.indirect_vreg.gather [hbm4b:s3+s2], $0x80, v3, vm0, $0xb8;
	[tilespmem:$0x10100] =	vst v63  }
0xb7: {  	_ = 	snop  }
0xb8: {  	[tilespmem:s18], [sflag:$0x1] =	stream.indirect_vreg.gather [hbm4b:s4+s2], $0x80, v3, vm0, $0xb8;
	[tilespmem:$0x10100] =	vst v63  }
0xb9: {  	_ = 	snop  }
0xba: {  	[tilespmem:s10], [sflag:$0x1] =	stream.indirect_vreg.gather [hbm4b:s6+s2], $0x80, v3, vm0, $0xb8;
	[tilespmem:$0x10100] =	vst v63  }
0xbb: {  	s20 =	simm.s32 $0xB900  }
0xbc: {  	[tilespmem:s20], [sflag:$0x1] =	stream.indirect_vreg.gather [hbm4b:s7+s2], $0x80, v3, vm0, $0xb8;
	[tilespmem:$0x10100] =	vst v63  }
0xbd: {  	v3 =	vld [tilespmem:$0xB0];
	_ =	sdelay $0x4  }
0xbe: {  	v63 =	vshll.u32 v3, $0x3  }
0xbf: {  	v3 =	vand.u32 $0x7, v3;
	v4 =	vand.u32 $0xFFFFFFC0, v63  }
0xc0: {  	v3 =	vor.u32 v3, v4  }
0xc1: {  	v4 =	vperm.xlane v3, v0;
	_ =	sdelay $0x1  }
0xc2: {  	v4 =	vadd.s32 v1, v4;
	_ =	sdelay $0x3  }
0xc3: {  	s20 =	simm.s32 $0xC100  }
0xc4: {  	[tilespmem:s20], [sflag:$0x1] =	stream.indirect_vreg.gather [hbm4b:s3+s2], $0x80, v4, vm0, $0xb8;
	[tilespmem:$0x10100] =	vst v63  }
0xc5: {  	v3 =	vperm.xlane v3, v2;
	s20 =	simm.s32 $0xC900  }
0xc6: {  	[tilespmem:s20], [sflag:$0x1] =	stream.indirect_vreg.gather [hbm4b:s4+s2], $0x80, v4, vm0, $0xb8;
	[tilespmem:$0x10100] =	vst v63  }
0xc7: {  	v3 =	vadd.s32 v1, v3;
	s20 =	simm.s32 $0xD100  }
0xc8: {  	[tilespmem:s20], [sflag:$0x1] =	stream.indirect_vreg.gather [hbm4b:s6+s2], $0x80, v4, vm0, $0xb8;
	[tilespmem:$0x10100] =	vst v63  }
0xc9: {  	s20 =	simm.s32 $0xD900  }
0xca: {  	[tilespmem:s20], [sflag:$0x1] =	stream.indirect_vreg.gather [hbm4b:s7+s2], $0x80, v4, vm0, $0xb8;
	[tilespmem:$0x10100] =	vst v63  }
0xcb: {  	s20 =	simm.s32 $0xE100  }
0xcc: {  	[tilespmem:s20], [sflag:$0x1] =	stream.indirect_vreg.gather [hbm4b:s3+s2], $0x80, v3, vm0, $0xb8;
	[tilespmem:$0x10100] =	vst v63  }
0xcd: {  	s20 =	simm.s32 $0xE900  }
0xce: {  	[tilespmem:s20], [sflag:$0x1] =	stream.indirect_vreg.gather [hbm4b:s4+s2], $0x80, v3, vm0, $0xb8;
	[tilespmem:$0x10100] =	vst v63  }
0xcf: {  	s20 =	simm.s32 $0xF100  }
0xd0: {  	[tilespmem:s20], [sflag:$0x1] =	stream.indirect_vreg.gather [hbm4b:s6+s2], $0x80, v3, vm0, $0xb8;
	[tilespmem:$0x10100] =	vst v63  }
0xd1: {  	s20 =	simm.s32 $0xF900  }
0xd2: {  	[tilespmem:s20], [sflag:$0x1] =	stream.indirect_vreg.gather [hbm4b:s7+s2], $0x80, v3, vm0, $0xb8;
	[tilespmem:$0x10100] =	vst v63  }
0xd3: {  	_ =	swait.ge [sflag:s19], $0x10000  }
0xd4: {  	p0 =	sne.s32 s8, $0x1;
	[sflag:s19] =	ssyncset.done $0x0  }
.Ltmp0:
0xd5: {  	s1 =	rddreg [dreg:$0x4];
	[sflag:s19] =	ssyncadd.s32 $0xFFFF0000;
	(pc) =	sbr.rel @p0 .LBB2_1-.Ltmp0, $4  }
0xd6: {  	[hbm4b:s1+s2] =	stream.linear.scatter [tilespmem:s0], [sflag:$0x2], $0x10000, $0x38;
	[tilespmem:$0x10100] =	vst v63  }
0xd7: {  	_ =	swait.ge [sflag:s9], $0x10000  }
0xd8: {  	[sflag:s9] =	ssyncset.done $0x0  }
0xd9: {  	s8 =	sadd.s32 $0xFFFFFFFF, s8;
	[sflag:s9] =	ssyncadd.s32 $0xFFFF0000  }
0xda: {  	_ =	sfence.sel $0x180000  }
0xdb: {  	[bflag:$0x0] =	sbarrier.arrive $0xFFFF  }
0xdc: {  	_ =	strace $0x9000004A  }
0xdd: {  	s0 =	stileid.u32;
	[bflag:$0x2] =	sbarrier.arrive $0xFFFF  }
0xde: {  	p0 =	sne.s32 s0, $0x0;
	s0 =	rddreg [dreg:$0x2]  }
0xdf: {  	s0 =	sadd.s32 @!p0 $0x100000, s0  }
0xe0: {  	[sflag:s0] =	ssyncadd.tile.s32 @!p0 $0x1;
	_ =	shalt  }
.Lfunc_end2:
_tile_overlayer_lowered:
.L_overlay_start_2:
0xe1: {  	(tag) =	ssettag $0x2  }
0xe2: {  	s0 =	rddreg [dreg:$0x0];
	s2 =	stileid.u32  }
0xe3: {  	s1 =	rddreg [dreg:$0x1];
	p0 =	sne.s32 s2, $0x0  }
0xe4: {  	s3 =	rddreg [dreg:$0x2];
	[bflag:$0x3] =	sbarrier.arrive $0xFFFF;
	s2 =	simm.s32 @!p0 $0x1C02  }
0xe5: {  	[timem:s3], [sflag:s2] =	dma.local @!p0 [hbm:s0], s1  }
0xe6: {  	s0 =	simm.s32 @!p0 $0x2  }
0xe7: {  	_ =	swait.ge @!p0 [sflag:s0], s1  }
0xe8: {  	s1 =	ssub.s32 @!p0 $0x0, s1;
	[sflag:s0] =	ssyncset.done @!p0 $0x0  }
0xe9: {  	[sflag:s0] =	ssyncadd.s32 @!p0 s1  }
0xea: {  	[bflag:$0x3] =	sbarrier.arrive $0xFFFF  }
0xeb: {  	_ =	shalt  }

</sc_bundles>
